<compile_context>
chip_gen: v7x
topology: tpu7x:2x2x1
jax: 0.10.2.dev20260603
libtpu: 0.0.44.dev20260713+nightly
codegen_flags: <defaults>
</compile_context>

<pallas_src>
import functools

import jax
import jax.numpy as jnp
from jax import lax
from jax.experimental import pallas as pl
from jax.experimental.pallas import tpu as pltpu
from jax.experimental.pallas import tpu_sc as plsc

N_LAYERS = 8
N_KV_HEADS = 8
HEAD_DIM = 128
MAX_ENTRIES = 1024
HIDDEN = 2048
SEQ = 2048

_NC = 2
_CHUNK = 64
_NSLOT = 5


def _gate_topk_body(sc_ref, sr_ref, out_ref):
    s_col = sc_ref[...]
    s_row = sr_ref[...]
    irow = lax.broadcasted_iota(jnp.int32, (SEQ, SEQ), 0)
    jlane = lax.broadcasted_iota(jnp.int32, (SEQ, SEQ), 1)
    gt = s_row > s_col
    tie = (s_row == s_col) & (jlane < irow)
    cnt = jnp.where(gt | tie, jnp.ones((SEQ, SEQ), jnp.float32),
                    jnp.zeros((SEQ, SEQ), jnp.float32))
    rank_col = jnp.sum(cnt, axis=1, keepdims=True).astype(jnp.int32)
    i_sub = lax.broadcasted_iota(jnp.int32, (SEQ, HEAD_DIM), 0)
    o_lane = lax.broadcasted_iota(jnp.int32, (SEQ, HEAD_DIM), 1)
    zero = jnp.zeros((SEQ, HEAD_DIM), jnp.int32)
    for a in range(MAX_ENTRIES // HEAD_DIM):
        sel = jnp.where(rank_col == a * HEAD_DIM + o_lane, i_sub, zero)
        out_ref[a:a + 1, :] = jnp.sum(sel, axis=0, keepdims=True)


def _gate_topk(scores):
    return pl.pallas_call(
        _gate_topk_body,
        out_shape=jax.ShapeDtypeStruct((MAX_ENTRIES // HEAD_DIM, HEAD_DIM),
                                       jnp.int32),
    )(scores.reshape(SEQ, 1), scores.reshape(1, SEQ))


def _sc_gather_body(tidx_hbm, ktab_hbm, vtab_hbm, kout_hbm, vout_hbm,
                    tidx_v, idx_v, *rest):
    wid = lax.axis_index("s") * _NC + lax.axis_index("c")
    p0 = wid * 2

    pltpu.sync_copy(tidx_hbm, tidx_v)

    def build(v, carry):
        t = tidx_v[pl.ds(v * 16, 16)]
        idx_v[0, pl.ds(v * 16, 16)] = p0 * SEQ + t
        idx_v[1, pl.ds(v * 16, 16)] = (p0 + 1) * SEQ + t
        return carry

    lax.fori_loop(0, MAX_ENTRIES // 16, build, 0)

    B = _NSLOT
    kbufs = rest[0:B]
    vbufs = rest[B:2 * B]
    gksems = rest[2 * B:3 * B]
    gvsems = rest[3 * B:4 * B]
    wksems = rest[4 * B:5 * B]
    wvsems = rest[5 * B:6 * B]

    gh = {}
    wh = {}
    n_rchunk = MAX_ENTRIES // _CHUNK

    def gather(c):
        s = c % B
        q = c // n_rchunk
        isl = idx_v.at[q, pl.ds((c % n_rchunk) * _CHUNK, _CHUNK)]
        gh[c] = (pltpu.async_copy(ktab_hbm.at[isl], kbufs[s], gksems[s]),
                 pltpu.async_copy(vtab_hbm.at[isl], vbufs[s], gvsems[s]))

    def write(c):
        s = c % B
        q = c // n_rchunk
        p = p0 + q
        layer = p // N_KV_HEADS
        h = p % N_KV_HEADS
        dst = (layer, pl.ds((c % n_rchunk) * _CHUNK, _CHUNK), h)
        wh[c] = (pltpu.async_copy(kbufs[s], kout_hbm.at[dst], wksems[s]),
                 pltpu.async_copy(vbufs[s], vout_hbm.at[dst], wvsems[s]))

    nchunk = 2 * n_rchunk
    for c in range(B - 2):
        gather(c)
    for c in range(nchunk):
        for cp in gh.pop(c):
            cp.wait()
        write(c)
        n = c + B - 2
        if n < nchunk:
            if c >= 2:
                for cp in wh.pop(c - 2):
                    cp.wait()
            gather(n)
    for c in sorted(wh):
        for cp in wh.pop(c):
            cp.wait()


@functools.lru_cache(maxsize=1)
def _make_sc_gather():
    return functools.partial(
        pl.kernel,
        mesh=plsc.VectorSubcoreMesh(core_axis_name="c", subcore_axis_name="s"),
        compiler_params=pltpu.CompilerParams(needs_layout_passes=False),
        out_type=[
            jax.ShapeDtypeStruct((N_LAYERS, MAX_ENTRIES, N_KV_HEADS, HEAD_DIM),
                                 jnp.float32),
            jax.ShapeDtypeStruct((N_LAYERS, MAX_ENTRIES, N_KV_HEADS, HEAD_DIM),
                                 jnp.float32),
        ],
        scratch_types=[
            pltpu.VMEM((MAX_ENTRIES,), jnp.int32),
            pltpu.VMEM((2, MAX_ENTRIES), jnp.int32),
        ] + [pltpu.VMEM((_CHUNK, HEAD_DIM), jnp.float32)] * (2 * _NSLOT)
          + [pltpu.SemaphoreType.DMA] * (4 * _NSLOT),
    )(_sc_gather_body)


@jax.jit
def kernel(hidden_states, kv_keys, kv_values, keys_buf, values_buf,
           gate_w, gate_b):
    del keys_buf, values_buf
    logits = jnp.einsum('bsh,oh->bso', hidden_states, gate_w) + gate_b
    gate_scores = jax.nn.sigmoid(logits)[0, :, 0]
    tidx = _gate_topk(gate_scores).reshape(MAX_ENTRIES)
    ktab = kv_keys.reshape(N_LAYERS * N_KV_HEADS * SEQ, HEAD_DIM)
    vtab = kv_values.reshape(N_LAYERS * N_KV_HEADS * SEQ, HEAD_DIM)
    new_k, new_v = _make_sc_gather()(tidx, ktab, vtab)
    return new_k, new_v

# --- scband reference (transcript-rebuilt; emitter-appended) ---
"""Pipeline reference for scband-kvmemory-bank-57045755625715 (READ-ONLY COPY).

The authoritative reference and input builder live on the scoring server;
editing this copy changes nothing except your own understanding.
"""

import jax, jax.numpy as jnp
import numpy as np

N_LAYERS = 8
N_KV_HEADS = 8
HEAD_DIM = 128
MAX_ENTRIES = 1024
HIDDEN = 2048
SEQ = 2048


def setup_inputs(seed: int = 0) -> dict:
    key = jax.random.key(seed)
    ks = jax.random.split(key, 6)
    hidden_states = jax.random.normal(ks[0], (1, SEQ, HIDDEN), dtype=jnp.float32)
    kv_keys = jax.random.normal(ks[1], (N_LAYERS, N_KV_HEADS, SEQ, HEAD_DIM), dtype=jnp.float32)
    kv_values = jax.random.normal(ks[2], (N_LAYERS, N_KV_HEADS, SEQ, HEAD_DIM), dtype=jnp.float32)
    keys_buf = jnp.zeros((N_LAYERS, MAX_ENTRIES, N_KV_HEADS, HEAD_DIM), dtype=jnp.float32)
    values_buf = jnp.zeros((N_LAYERS, MAX_ENTRIES, N_KV_HEADS, HEAD_DIM), dtype=jnp.float32)
    # gate params: original inits weight to zeros and bias to gate_bias; use small random
    # weight so top-k selection is non-degenerate, bias = -2.0 as in module init.
    gate_w = jax.random.normal(ks[3], (1, HIDDEN), dtype=jnp.float32) * 0.02
    gate_b = jnp.full((1,), -2.0, dtype=jnp.float32)
    return {
        "hidden_states": hidden_states,
        "kv_keys": kv_keys,
        "kv_values": kv_values,
        "keys_buf": keys_buf,
        "values_buf": values_buf,
        "gate_w": gate_w,
        "gate_b": gate_b,
    }


def reference(hidden_states, kv_keys, kv_values, keys_buf, values_buf, gate_w, gate_b):
    # gate scores: sigmoid(Linear(hidden_states)) -> (seq_len,)
    logits = jnp.einsum('bsh,oh->bso', hidden_states, gate_w) + gate_b
    gate_scores = jax.nn.sigmoid(logits)[0, :, 0]
    seq_len = gate_scores.shape[0]
    # n_stored = 0, write_ptr = 0 (fresh bank)
    n_select = min(seq_len, MAX_ENTRIES)
    _, top_indices = jax.lax.top_k(gate_scores, n_select)
    # gather selected KV entries per layer: (L, H, S, D) -> (L, H, n_sel, D) -> (L, n_sel, H, D)
    sel_k = jnp.transpose(jnp.take(kv_keys, top_indices, axis=2), (0, 2, 1, 3))
    sel_v = jnp.transpose(jnp.take(kv_values, top_indices, axis=2), (0, 2, 1, 3))
    # torch code writes .detach()ed values into buffers
    sel_k = jax.lax.stop_gradient(sel_k)
    sel_v = jax.lax.stop_gradient(sel_v)
    # scatter-overwrite into memory buffers at [write_ptr : write_ptr + n_select]
    new_keys_buf = keys_buf.at[:, 0:n_select].set(sel_k)
    new_values_buf = values_buf.at[:, 0:n_select].set(sel_v)
    return new_keys_buf, new_values_buf

if __name__ == "__main__":
    import jax
    _d = setup_inputs()
    print(jax.jit(kernel)(*tuple(_d.values())))

</pallas_src>

<mosaic_0001>
#map = affine_map<(d0, d1) -> (0)>
#map1 = affine_map<(d0, d1) -> (0, 0)>
#map2 = affine_map<(d0, d1) -> (0, 0, 0, 0)>
module attributes {stable_mosaic.version = 14 : i64} {
  func.func @_sc_gather_body(%arg0: i32, %arg1: i32, %arg2: memref<1024xi32, #tpu.memory_space<hbm>>, %arg3: memref<131072x128xf32, #tpu.memory_space<hbm>>, %arg4: memref<131072x128xf32, #tpu.memory_space<hbm>>, %arg5: memref<8x1024x8x128xf32, #tpu.memory_space<hbm>>, %arg6: memref<8x1024x8x128xf32, #tpu.memory_space<hbm>>, %arg7: memref<1024xi32, #tpu.memory_space<vmem>>, %arg8: memref<2x1024xi32, #tpu.memory_space<vmem>>, %arg9: memref<64x128xf32, #tpu.memory_space<vmem>>, %arg10: memref<64x128xf32, #tpu.memory_space<vmem>>, %arg11: memref<64x128xf32, #tpu.memory_space<vmem>>, %arg12: memref<64x128xf32, #tpu.memory_space<vmem>>, %arg13: memref<64x128xf32, #tpu.memory_space<vmem>>, %arg14: memref<64x128xf32, #tpu.memory_space<vmem>>, %arg15: memref<64x128xf32, #tpu.memory_space<vmem>>, %arg16: memref<64x128xf32, #tpu.memory_space<vmem>>, %arg17: memref<64x128xf32, #tpu.memory_space<vmem>>, %arg18: memref<64x128xf32, #tpu.memory_space<vmem>>, %arg19: memref<!tpu.dma_semaphore, #tpu.memory_space<semaphore_mem>>, %arg20: memref<!tpu.dma_semaphore, #tpu.memory_space<semaphore_mem>>, %arg21: memref<!tpu.dma_semaphore, #tpu.memory_space<semaphore_mem>>, %arg22: memref<!tpu.dma_semaphore, #tpu.memory_space<semaphore_mem>>, %arg23: memref<!tpu.dma_semaphore, #tpu.memory_space<semaphore_mem>>, %arg24: memref<!tpu.dma_semaphore, #tpu.memory_space<semaphore_mem>>, %arg25: memref<!tpu.dma_semaphore, #tpu.memory_space<semaphore_mem>>, %arg26: memref<!tpu.dma_semaphore, #tpu.memory_space<semaphore_mem>>, %arg27: memref<!tpu.dma_semaphore, #tpu.memory_space<semaphore_mem>>, %arg28: memref<!tpu.dma_semaphore, #tpu.memory_space<semaphore_mem>>, %arg29: memref<!tpu.dma_semaphore, #tpu.memory_space<semaphore_mem>>, %arg30: memref<!tpu.dma_semaphore, #tpu.memory_space<semaphore_mem>>, %arg31: memref<!tpu.dma_semaphore, #tpu.memory_space<semaphore_mem>>, %arg32: memref<!tpu.dma_semaphore, #tpu.memory_space<semaphore_mem>>, %arg33: memref<!tpu.dma_semaphore, #tpu.memory_space<semaphore_mem>>, %arg34: memref<!tpu.dma_semaphore, #tpu.memory_space<semaphore_mem>>, %arg35: memref<!tpu.dma_semaphore, #tpu.memory_space<semaphore_mem>>, %arg36: memref<!tpu.dma_semaphore, #tpu.memory_space<semaphore_mem>>, %arg37: memref<!tpu.dma_semaphore, #tpu.memory_space<semaphore_mem>>, %arg38: memref<!tpu.dma_semaphore, #tpu.memory_space<semaphore_mem>>) attributes {dimension_semantics = [#tpu.dimension_semantics<core_parallel>, #tpu.dimension_semantics<subcore_parallel>], iteration_bounds = array<i64: 2, 16>, scalar_prefetch = 0 : i64, scratch_operands = 32 : i64, tpu.core_type = #tpu.core_type<sc_vector_subcore>, window_params = [{transform_indices = #map}, {transform_indices = #map1}, {transform_indices = #map1}, {transform_indices = #map2}, {transform_indices = #map2}]} {
    %mul3A = arith.constant 2 : i32
    %mul3A_0 = arith.muli %arg1, %mul3A : i32
    %add3A = arith.addi %mul3A_0, %arg0 : i32
    %mul3A_1 = arith.constant 2 : i32
    %mul3A_2 = arith.muli %add3A, %mul3A_1 : i32
    "tpu.region"() ({
      %run_scoped3A = tpu.sem_alloc : memref<!tpu.dma_semaphore, #tpu.memory_space<semaphore_mem>>
      tpu.enqueue_dma source(%arg2 : memref<1024xi32, #tpu.memory_space<hbm>>) target(%arg7 : memref<1024xi32, #tpu.memory_space<vmem>>) target_semaphore(%run_scoped3A : memref<!tpu.dma_semaphore, #tpu.memory_space<semaphore_mem>>)
      tpu.wait_dma2 semaphore(%run_scoped3A : memref<!tpu.dma_semaphore, #tpu.memory_space<semaphore_mem>>) src(%arg2 : memref<1024xi32, #tpu.memory_space<hbm>>) dst(%arg7 : memref<1024xi32, #tpu.memory_space<vmem>>)
      tpu.yield
    }) : () -> ()
    %scan3A = arith.constant 0 : i32
    %scan3A_3 = arith.constant 0 : i32
    %scan3A_4 = arith.constant 64 : i32
    %scan3A_5 = arith.addi %scan3A_3, %scan3A_4 : i32
    %scan3A_6 = arith.constant 1 : i32
    scf.for %scan3A_3260 = %scan3A_3 to %scan3A_5 step %scan3A_6  : i32 {
      %mul3A_3261 = arith.constant 16 : i32
      %mul3A_3262 = arith.muli %scan3A_3260, %mul3A_3261 : i32
      %get3A = arith.index_cast %mul3A_3262 : i32 to index
      %get3A_3263 = tpu.vector_load %arg7[%get3A] {strides = array<i32>} : memref<1024xi32, #tpu.memory_space<vmem>>, vector<16xi32>,
      %mul3A_3264 = arith.constant 2048 : i32
      %mul3A_3265 = arith.muli %mul3A_2, %mul3A_3264 : i32
      %add3A_3266 = vector.broadcast %mul3A_3265 : i32 to vector<16xi32>
      %add3A_3267 = arith.addi %add3A_3266, %get3A_3263 : vector<16xi32>
      %mul3A_3268 = arith.constant 16 : i32
      %mul3A_3269 = arith.muli %scan3A_3260, %mul3A_3268 : i32
      %swap3A = arith.constant 0 : i32
      %swap3A_3270 = arith.index_cast %swap3A : i32 to index
      %swap3A_3271 = arith.index_cast %mul3A_3269 : i32 to index
      %swap3A_3272 = tpu.vector_load %arg8[%swap3A_3270, %swap3A_3271] {strides = array<i32>} : memref<2x1024xi32, #tpu.memory_space<vmem>>, vector<16xi32>,
      tpu.vector_store %arg8[%swap3A_3270, %swap3A_3271], %add3A_3267 {strides = array<i32>} : memref<2x1024xi32, #tpu.memory_space<vmem>>, vector<16xi32>,
      %add3A_3273 = arith.constant 1 : i32
      %add3A_3274 = arith.addi %mul3A_2, %add3A_3273 : i32
      %mul3A_3275 = arith.constant 2048 : i32
      %mul3A_3276 = arith.muli %add3A_3274, %mul3A_3275 : i32
      %add3A_3277 = vector.broadcast %mul3A_3276 : i32 to vector<16xi32>
      %add3A_3278 = arith.addi %add3A_3277, %get3A_3263 : vector<16xi32>
      %mul3A_3279 = arith.constant 16 : i32
      %mul3A_3280 = arith.muli %scan3A_3260, %mul3A_3279 : i32
      %swap3A_3281 = arith.constant 1 : i32
      %swap3A_3282 = arith.index_cast %swap3A_3281 : i32 to index
      %swap3A_3283 = arith.index_cast %mul3A_3280 : i32 to index
      %swap3A_3284 = tpu.vector_load %arg8[%swap3A_3282, %swap3A_3283] {strides = array<i32>} : memref<2x1024xi32, #tpu.memory_space<vmem>>, vector<16xi32>,
      tpu.vector_store %arg8[%swap3A_3282, %swap3A_3283], %add3A_3278 {strides = array<i32>} : memref<2x1024xi32, #tpu.memory_space<vmem>>, vector<16xi32>,
    }
    %scan3A_7 = arith.constant 64 : i32
    %dma_start3A = arith.constant 0 : i32
    %dma_start3A_8 = arith.constant 0 : i32
    %dma_start3A_9 = tpu.memref_slice %arg8[%dma_start3A, %dma_start3A_8] : memref<2x1024xi32, #tpu.memory_space<vmem>> -> memref<1x64xi32, #tpu.memory_space<vmem>>
    %dma_start3A_10 = tpu.memref_squeeze %dma_start3A_9 : memref<1x64xi32, #tpu.memory_space<vmem>> -> memref<64xi32, #tpu.memory_space<vmem>>
    %dma_start3A_11 = arith.constant 0 : i32
    %dma_start3A_12 = arith.constant 0 : i32
    %dma_start3A_13 = tpu.memref_slice %arg3[%dma_start3A_11, %dma_start3A_12] : memref<131072x128xf32, #tpu.memory_space<hbm>> -> memref<131072x128xf32, #tpu.memory_space<hbm>>
    tpu.enqueue_indirect_dma source(%dma_start3A_13 : memref<131072x128xf32, #tpu.memory_space<hbm>>) target(%arg9 : memref<64x128xf32, #tpu.memory_space<vmem>>) offsets(%dma_start3A_10 : memref<64xi32, #tpu.memory_space<vmem>>) semaphore(%arg19 : memref<!tpu.dma_semaphore, #tpu.memory_space<semaphore_mem>>)
    %dma_start3A_14 = arith.constant 0 : i32
    %dma_start3A_15 = arith.constant 0 : i32
    %dma_start3A_16 = tpu.memref_slice %arg8[%dma_start3A_14, %dma_start3A_15] : memref<2x1024xi32, #tpu.memory_space<vmem>> -> memref<1x64xi32, #tpu.memory_space<vmem>>
    %dma_start3A_17 = tpu.memref_squeeze %dma_start3A_16 : memref<1x64xi32, #tpu.memory_space<vmem>> -> memref<64xi32, #tpu.memory_space<vmem>>
    %dma_start3A_18 = arith.constant 0 : i32
    %dma_start3A_19 = arith.constant 0 : i32
    %dma_start3A_20 = tpu.memref_slice %arg4[%dma_start3A_18, %dma_start3A_19] : memref<131072x128xf32, #tpu.memory_space<hbm>> -> memref<131072x128xf32, #tpu.memory_space<hbm>>
    tpu.enqueue_indirect_dma source(%dma_start3A_20 : memref<131072x128xf32, #tpu.memory_space<hbm>>) target(%arg14 : memref<64x128xf32, #tpu.memory_space<vmem>>) offsets(%dma_start3A_17 : memref<64xi32, #tpu.memory_space<vmem>>) semaphore(%arg24 : memref<!tpu.dma_semaphore, #tpu.memory_space<semaphore_mem>>)
    %dma_start3A_21 = arith.constant 0 : i32
    %dma_start3A_22 = arith.constant 64 : i32
    %dma_start3A_23 = tpu.memref_slice %arg8[%dma_start3A_21, %dma_start3A_22] : memref<2x1024xi32, #tpu.memory_space<vmem>> -> memref<1x64xi32, #tpu.memory_space<vmem>>
    %dma_start3A_24 = tpu.memref_squeeze %dma_start3A_23 : memref<1x64xi32, #tpu.memory_space<vmem>> -> memref<64xi32, #tpu.memory_space<vmem>>
    %dma_start3A_25 = arith.constant 0 : i32
    %dma_start3A_26 = arith.constant 0 : i32
    %dma_start3A_27 = tpu.memref_slice %arg3[%dma_start3A_25, %dma_start3A_26] : memref<131072x128xf32, #tpu.memory_space<hbm>> -> memref<131072x128xf32, #tpu.memory_space<hbm>>
    tpu.enqueue_indirect_dma source(%dma_start3A_27 : memref<131072x128xf32, #tpu.memory_space<hbm>>) target(%arg10 : memref<64x128xf32, #tpu.memory_space<vmem>>) offsets(%dma_start3A_24 : memref<64xi32, #tpu.memory_space<vmem>>) semaphore(%arg20 : memref<!tpu.dma_semaphore, #tpu.memory_space<semaphore_mem>>)
    %dma_start3A_28 = arith.constant 0 : i32
    %dma_start3A_29 = arith.constant 64 : i32
    %dma_start3A_30 = tpu.memref_slice %arg8[%dma_start3A_28, %dma_start3A_29] : memref<2x1024xi32, #tpu.memory_space<vmem>> -> memref<1x64xi32, #tpu.memory_space<vmem>>
    %dma_start3A_31 = tpu.memref_squeeze %dma_start3A_30 : memref<1x64xi32, #tpu.memory_space<vmem>> -> memref<64xi32, #tpu.memory_space<vmem>>
    %dma_start3A_32 = arith.constant 0 : i32
    %dma_start3A_33 = arith.constant 0 : i32
    %dma_start3A_34 = tpu.memref_slice %arg4[%dma_start3A_32, %dma_start3A_33] : memref<131072x128xf32, #tpu.memory_space<hbm>> -> memref<131072x128xf32, #tpu.memory_space<hbm>>
    tpu.enqueue_indirect_dma source(%dma_start3A_34 : memref<131072x128xf32, #tpu.memory_space<hbm>>) target(%arg15 : memref<64x128xf32, #tpu.memory_space<vmem>>) offsets(%dma_start3A_31 : memref<64xi32, #tpu.memory_space<vmem>>) semaphore(%arg25 : memref<!tpu.dma_semaphore, #tpu.memory_space<semaphore_mem>>)
    %dma_start3A_35 = arith.constant 0 : i32
    %dma_start3A_36 = arith.constant 128 : i32
    %dma_start3A_37 = tpu.memref_slice %arg8[%dma_start3A_35, %dma_start3A_36] : memref<2x1024xi32, #tpu.memory_space<vmem>> -> memref<1x64xi32, #tpu.memory_space<vmem>>
    %dma_start3A_38 = tpu.memref_squeeze %dma_start3A_37 : memref<1x64xi32, #tpu.memory_space<vmem>> -> memref<64xi32, #tpu.memory_space<vmem>>
    %dma_start3A_39 = arith.constant 0 : i32
    %dma_start3A_40 = arith.constant 0 : i32
    %dma_start3A_41 = tpu.memref_slice %arg3[%dma_start3A_39, %dma_start3A_40] : memref<131072x128xf32, #tpu.memory_space<hbm>> -> memref<131072x128xf32, #tpu.memory_space<hbm>>
    tpu.enqueue_indirect_dma source(%dma_start3A_41 : memref<131072x128xf32, #tpu.memory_space<hbm>>) target(%arg11 : memref<64x128xf32, #tpu.memory_space<vmem>>) offsets(%dma_start3A_38 : memref<64xi32, #tpu.memory_space<vmem>>) semaphore(%arg21 : memref<!tpu.dma_semaphore, #tpu.memory_space<semaphore_mem>>)
    %dma_start3A_42 = arith.constant 0 : i32
    %dma_start3A_43 = arith.constant 128 : i32
    %dma_start3A_44 = tpu.memref_slice %arg8[%dma_start3A_42, %dma_start3A_43] : memref<2x1024xi32, #tpu.memory_space<vmem>> -> memref<1x64xi32, #tpu.memory_space<vmem>>
    %dma_start3A_45 = tpu.memref_squeeze %dma_start3A_44 : memref<1x64xi32, #tpu.memory_space<vmem>> -> memref<64xi32, #tpu.memory_space<vmem>>
    %dma_start3A_46 = arith.constant 0 : i32
    %dma_start3A_47 = arith.constant 0 : i32
    %dma_start3A_48 = tpu.memref_slice %arg4[%dma_start3A_46, %dma_start3A_47] : memref<131072x128xf32, #tpu.memory_space<hbm>> -> memref<131072x128xf32, #tpu.memory_space<hbm>>
    tpu.enqueue_indirect_dma source(%dma_start3A_48 : memref<131072x128xf32, #tpu.memory_space<hbm>>) target(%arg16 : memref<64x128xf32, #tpu.memory_space<vmem>>) offsets(%dma_start3A_45 : memref<64xi32, #tpu.memory_space<vmem>>) semaphore(%arg26 : memref<!tpu.dma_semaphore, #tpu.memory_space<semaphore_mem>>)
    %dma_wait3A = arith.constant 0 : i32
    %dma_wait3A_49 = arith.constant 0 : i32
    %dma_wait3A_50 = tpu.memref_slice %arg8[%dma_wait3A, %dma_wait3A_49] : memref<2x1024xi32, #tpu.memory_space<vmem>> -> memref<1x64xi32, #tpu.memory_space<vmem>>
    %dma_wait3A_51 = tpu.memref_squeeze %dma_wait3A_50 : memref<1x64xi32, #tpu.memory_space<vmem>> -> memref<64xi32, #tpu.memory_space<vmem>>
    %dma_wait3A_52 = arith.constant 0 : i32
    %dma_wait3A_53 = arith.constant 0 : i32
    %dma_wait3A_54 = tpu.memref_slice %arg3[%dma_wait3A_52, %dma_wait3A_53] : memref<131072x128xf32, #tpu.memory_space<hbm>> -> memref<131072x128xf32, #tpu.memory_space<hbm>>
    tpu.wait_indirect_dma semaphore(%arg19 : memref<!tpu.dma_semaphore, #tpu.memory_space<semaphore_mem>>) src(%dma_wait3A_54 : memref<131072x128xf32, #tpu.memory_space<hbm>>) dst(%arg9 : memref<64x128xf32, #tpu.memory_space<vmem>>)
    %dma_wait3A_55 = arith.constant 0 : i32
    %dma_wait3A_56 = arith.constant 0 : i32
    %dma_wait3A_57 = tpu.memref_slice %arg8[%dma_wait3A_55, %dma_wait3A_56] : memref<2x1024xi32, #tpu.memory_space<vmem>> -> memref<1x64xi32, #tpu.memory_space<vmem>>
    %dma_wait3A_58 = tpu.memref_squeeze %dma_wait3A_57 : memref<1x64xi32, #tpu.memory_space<vmem>> -> memref<64xi32, #tpu.memory_space<vmem>>
    %dma_wait3A_59 = arith.constant 0 : i32
    %dma_wait3A_60 = arith.constant 0 : i32
    %dma_wait3A_61 = tpu.memref_slice %arg4[%dma_wait3A_59, %dma_wait3A_60] : memref<131072x128xf32, #tpu.memory_space<hbm>> -> memref<131072x128xf32, #tpu.memory_space<hbm>>
    tpu.wait_indirect_dma semaphore(%arg24 : memref<!tpu.dma_semaphore, #tpu.memory_space<semaphore_mem>>) src(%dma_wait3A_61 : memref<131072x128xf32, #tpu.memory_space<hbm>>) dst(%arg14 : memref<64x128xf32, #tpu.memory_space<vmem>>)
    %add3A_62 = arith.constant 0 : i32
    %add3A_63 = arith.addi %mul3A_2, %add3A_62 : i32
    %jit3A = arith.constant 8 : i32
    %div3A = arith.divsi %add3A_63, %jit3A : i32
    %sign3A = arith.constant 0 : i32
    %sign3A_64 = arith.cmpi sgt, %add3A_63, %sign3A : i32
    %sign3A_65 = arith.extui %sign3A_64 : i1 to i32
    %sign3A_66 = arith.constant 0 : i32
    %sign3A_67 = arith.cmpi slt, %add3A_63, %sign3A_66 : i32
    %sign3A_68 = arith.extui %sign3A_67 : i1 to i32
    %sign3A_69 = arith.subi %sign3A_65, %sign3A_68 : i32
    %sign3A_70 = arith.constant 0 : i32
    %sign3A_71 = arith.cmpi sgt, %jit3A, %sign3A_70 : i32
    %sign3A_72 = arith.extui %sign3A_71 : i1 to i32
    %sign3A_73 = arith.constant 0 : i32
    %sign3A_74 = arith.cmpi slt, %jit3A, %sign3A_73 : i32
    %sign3A_75 = arith.extui %sign3A_74 : i1 to i32
    %sign3A_76 = arith.subi %sign3A_72, %sign3A_75 : i32
    %ne3A = arith.cmpi ne, %sign3A_69, %sign3A_76 : i32
    %rem3A = arith.remsi %add3A_63, %jit3A : i32
    %ne3A_77 = arith.constant 0 : i32
    %ne3A_78 = arith.cmpi ne, %rem3A, %ne3A_77 : i32
    %and3A = arith.andi %ne3A, %ne3A_78 : i1
    %sub3A = arith.constant 1 : i32
    %sub3A_79 = arith.subi %div3A, %sub3A : i32
    %select_n3A = arith.select %and3A, %sub3A_79, %div3A : i32
    %jit3A_80 = arith.constant 8 : i32
    %eq3A = arith.constant 0 : i32
    %eq3A_81 = arith.cmpi eq, %jit3A_80, %eq3A : i32
    %jit3A_82 = arith.constant 1 : i32
    %select_n3A_83 = arith.select %eq3A_81, %jit3A_82, %jit3A_80 : i32
    %rem3A_84 = arith.remsi %add3A_63, %select_n3A_83 : i32
    %ne3A_85 = arith.constant 0 : i32
    %ne3A_86 = arith.cmpi ne, %rem3A_84, %ne3A_85 : i32
    %lt3A = arith.constant 0 : i32
    %lt3A_87 = arith.cmpi slt, %rem3A_84, %lt3A : i32
    %lt3A_88 = arith.constant 0 : i32
    %lt3A_89 = arith.cmpi slt, %select_n3A_83, %lt3A_88 : i32
    %ne3A_90 = arith.xori %lt3A_87, %lt3A_89 : i1
    %and3A_91 = arith.andi %ne3A_90, %ne3A_86 : i1
    %add3A_92 = arith.addi %rem3A_84, %select_n3A_83 : i32
    %select_n3A_93 = arith.select %and3A_91, %add3A_92, %rem3A_84 : i32
    %dma_start3A_94 = arith.constant 0 : i32
    %dma_start3A_95 = arith.constant 0 : i32
    %dma_start3A_96 = tpu.memref_slice %arg5[%select_n3A, %dma_start3A_94, %select_n3A_93, %dma_start3A_95] : memref<8x1024x8x128xf32, #tpu.memory_space<hbm>> -> memref<1x64x1x128xf32, #tpu.memory_space<hbm>>
    %dma_start3A_97 = tpu.memref_squeeze %dma_start3A_96 : memref<1x64x1x128xf32, #tpu.memory_space<hbm>> -> memref<64x128xf32, #tpu.memory_space<hbm>>
    %dma_start3A_98 = arith.constant 0 : i32
    %dma_start3A_99 = arith.constant 0 : i32
    %dma_start3A_100 = tpu.memref_slice %arg5[%select_n3A, %dma_start3A_98, %select_n3A_93, %dma_start3A_99] : memref<8x1024x8x128xf32, #tpu.memory_space<hbm>> -> memref<1x64x1x128xf32, #tpu.memory_space<hbm>>
    %dma_start3A_101 = tpu.memref_squeeze %dma_start3A_100 : memref<1x64x1x128xf32, #tpu.memory_space<hbm>> -> memref<64x128xf32, #tpu.memory_space<hbm>>
    tpu.enqueue_dma source(%arg9 : memref<64x128xf32, #tpu.memory_space<vmem>>) target(%dma_start3A_101 : memref<64x128xf32, #tpu.memory_space<hbm>>) target_semaphore(%arg29 : memref<!tpu.dma_semaphore, #tpu.memory_space<semaphore_mem>>)
    %dma_start3A_102 = arith.constant 0 : i32
    %dma_start3A_103 = arith.constant 0 : i32
    %dma_start3A_104 = tpu.memref_slice %arg6[%select_n3A, %dma_start3A_102, %select_n3A_93, %dma_start3A_103] : memref<8x1024x8x128xf32, #tpu.memory_space<hbm>> -> memref<1x64x1x128xf32, #tpu.memory_space<hbm>>
    %dma_start3A_105 = tpu.memref_squeeze %dma_start3A_104 : memref<1x64x1x128xf32, #tpu.memory_space<hbm>> -> memref<64x128xf32, #tpu.memory_space<hbm>>
    %dma_start3A_106 = arith.constant 0 : i32
    %dma_start3A_107 = arith.constant 0 : i32
    %dma_start3A_108 = tpu.memref_slice %arg6[%select_n3A, %dma_start3A_106, %select_n3A_93, %dma_start3A_107] : memref<8x1024x8x128xf32, #tpu.memory_space<hbm>> -> memref<1x64x1x128xf32, #tpu.memory_space<hbm>>
    %dma_start3A_109 = tpu.memref_squeeze %dma_start3A_108 : memref<1x64x1x128xf32, #tpu.memory_space<hbm>> -> memref<64x128xf32, #tpu.memory_space<hbm>>
    tpu.enqueue_dma source(%arg14 : memref<64x128xf32, #tpu.memory_space<vmem>>) target(%dma_start3A_109 : memref<64x128xf32, #tpu.memory_space<hbm>>) target_semaphore(%arg34 : memref<!tpu.dma_semaphore, #tpu.memory_space<semaphore_mem>>)
    %dma_start3A_110 = arith.constant 0 : i32
    %dma_start3A_111 = arith.constant 192 : i32
    %dma_start3A_112 = tpu.memref_slice %arg8[%dma_start3A_110, %dma_start3A_111] : memref<2x1024xi32, #tpu.memory_space<vmem>> -> memref<1x64xi32, #tpu.memory_space<vmem>>
    %dma_start3A_113 = tpu.memref_squeeze %dma_start3A_112 : memref<1x64xi32, #tpu.memory_space<vmem>> -> memref<64xi32, #tpu.memory_space<vmem>>
    %dma_start3A_114 = arith.constant 0 : i32
    %dma_start3A_115 = arith.constant 0 : i32
    %dma_start3A_116 = tpu.memref_slice %arg3[%dma_start3A_114, %dma_start3A_115] : memref<131072x128xf32, #tpu.memory_space<hbm>> -> memref<131072x128xf32, #tpu.memory_space<hbm>>
    tpu.enqueue_indirect_dma source(%dma_start3A_116 : memref<131072x128xf32, #tpu.memory_space<hbm>>) target(%arg12 : memref<64x128xf32, #tpu.memory_space<vmem>>) offsets(%dma_start3A_113 : memref<64xi32, #tpu.memory_space<vmem>>) semaphore(%arg22 : memref<!tpu.dma_semaphore, #tpu.memory_space<semaphore_mem>>)
    %dma_start3A_117 = arith.constant 0 : i32
    %dma_start3A_118 = arith.constant 192 : i32
    %dma_start3A_119 = tpu.memref_slice %arg8[%dma_start3A_117, %dma_start3A_118] : memref<2x1024xi32, #tpu.memory_space<vmem>> -> memref<1x64xi32, #tpu.memory_space<vmem>>
    %dma_start3A_120 = tpu.memref_squeeze %dma_start3A_119 : memref<1x64xi32, #tpu.memory_space<vmem>> -> memref<64xi32, #tpu.memory_space<vmem>>
    %dma_start3A_121 = arith.constant 0 : i32
    %dma_start3A_122 = arith.constant 0 : i32
    %dma_start3A_123 = tpu.memref_slice %arg4[%dma_start3A_121, %dma_start3A_122] : memref<131072x128xf32, #tpu.memory_space<hbm>> -> memref<131072x128xf32, #tpu.memory_space<hbm>>
    tpu.enqueue_indirect_dma source(%dma_start3A_123 : memref<131072x128xf32, #tpu.memory_space<hbm>>) target(%arg17 : memref<64x128xf32, #tpu.memory_space<vmem>>) offsets(%dma_start3A_120 : memref<64xi32, #tpu.memory_space<vmem>>) semaphore(%arg27 : memref<!tpu.dma_semaphore, #tpu.memory_space<semaphore_mem>>)
    %dma_wait3A_124 = arith.constant 0 : i32
    %dma_wait3A_125 = arith.constant 64 : i32
    %dma_wait3A_126 = tpu.memref_slice %arg8[%dma_wait3A_124, %dma_wait3A_125] : memref<2x1024xi32, #tpu.memory_space<vmem>> -> memref<1x64xi32, #tpu.memory_space<vmem>>
    %dma_wait3A_127 = tpu.memref_squeeze %dma_wait3A_126 : memref<1x64xi32, #tpu.memory_space<vmem>> -> memref<64xi32, #tpu.memory_space<vmem>>
    %dma_wait3A_128 = arith.constant 0 : i32
    %dma_wait3A_129 = arith.constant 0 : i32
    %dma_wait3A_130 = tpu.memref_slice %arg3[%dma_wait3A_128, %dma_wait3A_129] : memref<131072x128xf32, #tpu.memory_space<hbm>> -> memref<131072x128xf32, #tpu.memory_space<hbm>>
    tpu.wait_indirect_dma semaphore(%arg20 : memref<!tpu.dma_semaphore, #tpu.memory_space<semaphore_mem>>) src(%dma_wait3A_130 : memref<131072x128xf32, #tpu.memory_space<hbm>>) dst(%arg10 : memref<64x128xf32, #tpu.memory_space<vmem>>)
    %dma_wait3A_131 = arith.constant 0 : i32
    %dma_wait3A_132 = arith.constant 64 : i32
    %dma_wait3A_133 = tpu.memref_slice %arg8[%dma_wait3A_131, %dma_wait3A_132] : memref<2x1024xi32, #tpu.memory_space<vmem>> -> memref<1x64xi32, #tpu.memory_space<vmem>>
    %dma_wait3A_134 = tpu.memref_squeeze %dma_wait3A_133 : memref<1x64xi32, #tpu.memory_space<vmem>> -> memref<64xi32, #tpu.memory_space<vmem>>
    %dma_wait3A_135 = arith.constant 0 : i32
    %dma_wait3A_136 = arith.constant 0 : i32
    %dma_wait3A_137 = tpu.memref_slice %arg4[%dma_wait3A_135, %dma_wait3A_136] : memref<131072x128xf32, #tpu.memory_space<hbm>> -> memref<131072x128xf32, #tpu.memory_space<hbm>>
    tpu.wait_indirect_dma semaphore(%arg25 : memref<!tpu.dma_semaphore, #tpu.memory_space<semaphore_mem>>) src(%dma_wait3A_137 : memref<131072x128xf32, #tpu.memory_space<hbm>>) dst(%arg15 : memref<64x128xf32, #tpu.memory_space<vmem>>)
    %add3A_138 = arith.constant 0 : i32
    %add3A_139 = arith.addi %mul3A_2, %add3A_138 : i32
    %jit3A_140 = arith.constant 8 : i32
    %div3A_141 = arith.divsi %add3A_139, %jit3A_140 : i32
    %sign3A_142 = arith.constant 0 : i32
    %sign3A_143 = arith.cmpi sgt, %add3A_139, %sign3A_142 : i32
    %sign3A_144 = arith.extui %sign3A_143 : i1 to i32
    %sign3A_145 = arith.constant 0 : i32
    %sign3A_146 = arith.cmpi slt, %add3A_139, %sign3A_145 : i32
    %sign3A_147 = arith.extui %sign3A_146 : i1 to i32
    %sign3A_148 = arith.subi %sign3A_144, %sign3A_147 : i32
    %sign3A_149 = arith.constant 0 : i32
    %sign3A_150 = arith.cmpi sgt, %jit3A_140, %sign3A_149 : i32
    %sign3A_151 = arith.extui %sign3A_150 : i1 to i32
    %sign3A_152 = arith.constant 0 : i32
    %sign3A_153 = arith.cmpi slt, %jit3A_140, %sign3A_152 : i32
    %sign3A_154 = arith.extui %sign3A_153 : i1 to i32
    %sign3A_155 = arith.subi %sign3A_151, %sign3A_154 : i32
    %ne3A_156 = arith.cmpi ne, %sign3A_148, %sign3A_155 : i32
    %rem3A_157 = arith.remsi %add3A_139, %jit3A_140 : i32
    %ne3A_158 = arith.constant 0 : i32
    %ne3A_159 = arith.cmpi ne, %rem3A_157, %ne3A_158 : i32
    %and3A_160 = arith.andi %ne3A_156, %ne3A_159 : i1
    %sub3A_161 = arith.constant 1 : i32
    %sub3A_162 = arith.subi %div3A_141, %sub3A_161 : i32
    %select_n3A_163 = arith.select %and3A_160, %sub3A_162, %div3A_141 : i32
    %jit3A_164 = arith.constant 8 : i32
    %eq3A_165 = arith.constant 0 : i32
    %eq3A_166 = arith.cmpi eq, %jit3A_164, %eq3A_165 : i32
    %jit3A_167 = arith.constant 1 : i32
    %select_n3A_168 = arith.select %eq3A_166, %jit3A_167, %jit3A_164 : i32
    %rem3A_169 = arith.remsi %add3A_139, %select_n3A_168 : i32
    %ne3A_170 = arith.constant 0 : i32
    %ne3A_171 = arith.cmpi ne, %rem3A_169, %ne3A_170 : i32
    %lt3A_172 = arith.constant 0 : i32
    %lt3A_173 = arith.cmpi slt, %rem3A_169, %lt3A_172 : i32
    %lt3A_174 = arith.constant 0 : i32
    %lt3A_175 = arith.cmpi slt, %select_n3A_168, %lt3A_174 : i32
    %ne3A_176 = arith.xori %lt3A_173, %lt3A_175 : i1
    %and3A_177 = arith.andi %ne3A_176, %ne3A_171 : i1
    %add3A_178 = arith.addi %rem3A_169, %select_n3A_168 : i32
    %select_n3A_179 = arith.select %and3A_177, %add3A_178, %rem3A_169 : i32
    %dma_start3A_180 = arith.constant 64 : i32
    %dma_start3A_181 = arith.constant 0 : i32
    %dma_start3A_182 = tpu.memref_slice %arg5[%select_n3A_163, %dma_start3A_180, %select_n3A_179, %dma_start3A_181] : memref<8x1024x8x128xf32, #tpu.memory_space<hbm>> -> memref<1x64x1x128xf32, #tpu.memory_space<hbm>>
    %dma_start3A_183 = tpu.memref_squeeze %dma_start3A_182 : memref<1x64x1x128xf32, #tpu.memory_space<hbm>> -> memref<64x128xf32, #tpu.memory_space<hbm>>
    %dma_start3A_184 = arith.constant 64 : i32
    %dma_start3A_185 = arith.constant 0 : i32
    %dma_start3A_186 = tpu.memref_slice %arg5[%select_n3A_163, %dma_start3A_184, %select_n3A_179, %dma_start3A_185] : memref<8x1024x8x128xf32, #tpu.memory_space<hbm>> -> memref<1x64x1x128xf32, #tpu.memory_space<hbm>>
    %dma_start3A_187 = tpu.memref_squeeze %dma_start3A_186 : memref<1x64x1x128xf32, #tpu.memory_space<hbm>> -> memref<64x128xf32, #tpu.memory_space<hbm>>
    tpu.enqueue_dma source(%arg10 : memref<64x128xf32, #tpu.memory_space<vmem>>) target(%dma_start3A_187 : memref<64x128xf32, #tpu.memory_space<hbm>>) target_semaphore(%arg30 : memref<!tpu.dma_semaphore, #tpu.memory_space<semaphore_mem>>)
    %dma_start3A_188 = arith.constant 64 : i32
    %dma_start3A_189 = arith.constant 0 : i32
    %dma_start3A_190 = tpu.memref_slice %arg6[%select_n3A_163, %dma_start3A_188, %select_n3A_179, %dma_start3A_189] : memref<8x1024x8x128xf32, #tpu.memory_space<hbm>> -> memref<1x64x1x128xf32, #tpu.memory_space<hbm>>
    %dma_start3A_191 = tpu.memref_squeeze %dma_start3A_190 : memref<1x64x1x128xf32, #tpu.memory_space<hbm>> -> memref<64x128xf32, #tpu.memory_space<hbm>>
    %dma_start3A_192 = arith.constant 64 : i32
    %dma_start3A_193 = arith.constant 0 : i32
    %dma_start3A_194 = tpu.memref_slice %arg6[%select_n3A_163, %dma_start3A_192, %select_n3A_179, %dma_start3A_193] : memref<8x1024x8x128xf32, #tpu.memory_space<hbm>> -> memref<1x64x1x128xf32, #tpu.memory_space<hbm>>
    %dma_start3A_195 = tpu.memref_squeeze %dma_start3A_194 : memref<1x64x1x128xf32, #tpu.memory_space<hbm>> -> memref<64x128xf32, #tpu.memory_space<hbm>>
    tpu.enqueue_dma source(%arg15 : memref<64x128xf32, #tpu.memory_space<vmem>>) target(%dma_start3A_195 : memref<64x128xf32, #tpu.memory_space<hbm>>) target_semaphore(%arg35 : memref<!tpu.dma_semaphore, #tpu.memory_space<semaphore_mem>>)
    %dma_start3A_196 = arith.constant 0 : i32
    %dma_start3A_197 = arith.constant 256 : i32
    %dma_start3A_198 = tpu.memref_slice %arg8[%dma_start3A_196, %dma_start3A_197] : memref<2x1024xi32, #tpu.memory_space<vmem>> -> memref<1x64xi32, #tpu.memory_space<vmem>>
    %dma_start3A_199 = tpu.memref_squeeze %dma_start3A_198 : memref<1x64xi32, #tpu.memory_space<vmem>> -> memref<64xi32, #tpu.memory_space<vmem>>
    %dma_start3A_200 = arith.constant 0 : i32
    %dma_start3A_201 = arith.constant 0 : i32
    %dma_start3A_202 = tpu.memref_slice %arg3[%dma_start3A_200, %dma_start3A_201] : memref<131072x128xf32, #tpu.memory_space<hbm>> -> memref<131072x128xf32, #tpu.memory_space<hbm>>
    tpu.enqueue_indirect_dma source(%dma_start3A_202 : memref<131072x128xf32, #tpu.memory_space<hbm>>) target(%arg13 : memref<64x128xf32, #tpu.memory_space<vmem>>) offsets(%dma_start3A_199 : memref<64xi32, #tpu.memory_space<vmem>>) semaphore(%arg23 : memref<!tpu.dma_semaphore, #tpu.memory_space<semaphore_mem>>)
    %dma_start3A_203 = arith.constant 0 : i32
    %dma_start3A_204 = arith.constant 256 : i32
    %dma_start3A_205 = tpu.memref_slice %arg8[%dma_start3A_203, %dma_start3A_204] : memref<2x1024xi32, #tpu.memory_space<vmem>> -> memref<1x64xi32, #tpu.memory_space<vmem>>
    %dma_start3A_206 = tpu.memref_squeeze %dma_start3A_205 : memref<1x64xi32, #tpu.memory_space<vmem>> -> memref<64xi32, #tpu.memory_space<vmem>>
    %dma_start3A_207 = arith.constant 0 : i32
    %dma_start3A_208 = arith.constant 0 : i32
    %dma_start3A_209 = tpu.memref_slice %arg4[%dma_start3A_207, %dma_start3A_208] : memref<131072x128xf32, #tpu.memory_space<hbm>> -> memref<131072x128xf32, #tpu.memory_space<hbm>>
    tpu.enqueue_indirect_dma source(%dma_start3A_209 : memref<131072x128xf32, #tpu.memory_space<hbm>>) target(%arg18 : memref<64x128xf32, #tpu.memory_space<vmem>>) offsets(%dma_start3A_206 : memref<64xi32, #tpu.memory_space<vmem>>) semaphore(%arg28 : memref<!tpu.dma_semaphore, #tpu.memory_space<semaphore_mem>>)
    %dma_wait3A_210 = arith.constant 0 : i32
    %dma_wait3A_211 = arith.constant 128 : i32
    %dma_wait3A_212 = tpu.memref_slice %arg8[%dma_wait3A_210, %dma_wait3A_211] : memref<2x1024xi32, #tpu.memory_space<vmem>> -> memref<1x64xi32, #tpu.memory_space<vmem>>
    %dma_wait3A_213 = tpu.memref_squeeze %dma_wait3A_212 : memref<1x64xi32, #tpu.memory_space<vmem>> -> memref<64xi32, #tpu.memory_space<vmem>>
    %dma_wait3A_214 = arith.constant 0 : i32
    %dma_wait3A_215 = arith.constant 0 : i32
    %dma_wait3A_216 = tpu.memref_slice %arg3[%dma_wait3A_214, %dma_wait3A_215] : memref<131072x128xf32, #tpu.memory_space<hbm>> -> memref<131072x128xf32, #tpu.memory_space<hbm>>
    tpu.wait_indirect_dma semaphore(%arg21 : memref<!tpu.dma_semaphore, #tpu.memory_space<semaphore_mem>>) src(%dma_wait3A_216 : memref<131072x128xf32, #tpu.memory_space<hbm>>) dst(%arg11 : memref<64x128xf32, #tpu.memory_space<vmem>>)
    %dma_wait3A_217 = arith.constant 0 : i32
    %dma_wait3A_218 = arith.constant 128 : i32
    %dma_wait3A_219 = tpu.memref_slice %arg8[%dma_wait3A_217, %dma_wait3A_218] : memref<2x1024xi32, #tpu.memory_space<vmem>> -> memref<1x64xi32, #tpu.memory_space<vmem>>
    %dma_wait3A_220 = tpu.memref_squeeze %dma_wait3A_219 : memref<1x64xi32, #tpu.memory_space<vmem>> -> memref<64xi32, #tpu.memory_space<vmem>>
    %dma_wait3A_221 = arith.constant 0 : i32
    %dma_wait3A_222 = arith.constant 0 : i32
    %dma_wait3A_223 = tpu.memref_slice %arg4[%dma_wait3A_221, %dma_wait3A_222] : memref<131072x128xf32, #tpu.memory_space<hbm>> -> memref<131072x128xf32, #tpu.memory_space<hbm>>
    tpu.wait_indirect_dma semaphore(%arg26 : memref<!tpu.dma_semaphore, #tpu.memory_space<semaphore_mem>>) src(%dma_wait3A_223 : memref<131072x128xf32, #tpu.memory_space<hbm>>) dst(%arg16 : memref<64x128xf32, #tpu.memory_space<vmem>>)
    %add3A_224 = arith.constant 0 : i32
    %add3A_225 = arith.addi %mul3A_2, %add3A_224 : i32
    %jit3A_226 = arith.constant 8 : i32
    %div3A_227 = arith.divsi %add3A_225, %jit3A_226 : i32
    %sign3A_228 = arith.constant 0 : i32
    %sign3A_229 = arith.cmpi sgt, %add3A_225, %sign3A_228 : i32
    %sign3A_230 = arith.extui %sign3A_229 : i1 to i32
    %sign3A_231 = arith.constant 0 : i32
    %sign3A_232 = arith.cmpi slt, %add3A_225, %sign3A_231 : i32
    %sign3A_233 = arith.extui %sign3A_232 : i1 to i32
    %sign3A_234 = arith.subi %sign3A_230, %sign3A_233 : i32
    %sign3A_235 = arith.constant 0 : i32
    %sign3A_236 = arith.cmpi sgt, %jit3A_226, %sign3A_235 : i32
    %sign3A_237 = arith.extui %sign3A_236 : i1 to i32
    %sign3A_238 = arith.constant 0 : i32
    %sign3A_239 = arith.cmpi slt, %jit3A_226, %sign3A_238 : i32
    %sign3A_240 = arith.extui %sign3A_239 : i1 to i32
    %sign3A_241 = arith.subi %sign3A_237, %sign3A_240 : i32
    %ne3A_242 = arith.cmpi ne, %sign3A_234, %sign3A_241 : i32
    %rem3A_243 = arith.remsi %add3A_225, %jit3A_226 : i32
    %ne3A_244 = arith.constant 0 : i32
    %ne3A_245 = arith.cmpi ne, %rem3A_243, %ne3A_244 : i32
    %and3A_246 = arith.andi %ne3A_242, %ne3A_245 : i1
    %sub3A_247 = arith.constant 1 : i32
    %sub3A_248 = arith.subi %div3A_227, %sub3A_247 : i32
    %select_n3A_249 = arith.select %and3A_246, %sub3A_248, %div3A_227 : i32
    %jit3A_250 = arith.constant 8 : i32
    %eq3A_251 = arith.constant 0 : i32
    %eq3A_252 = arith.cmpi eq, %jit3A_250, %eq3A_251 : i32
    %jit3A_253 = arith.constant 1 : i32
    %select_n3A_254 = arith.select %eq3A_252, %jit3A_253, %jit3A_250 : i32
    %rem3A_255 = arith.remsi %add3A_225, %select_n3A_254 : i32
    %ne3A_256 = arith.constant 0 : i32
    %ne3A_257 = arith.cmpi ne, %rem3A_255, %ne3A_256 : i32
    %lt3A_258 = arith.constant 0 : i32
    %lt3A_259 = arith.cmpi slt, %rem3A_255, %lt3A_258 : i32
    %lt3A_260 = arith.constant 0 : i32
    %lt3A_261 = arith.cmpi slt, %select_n3A_254, %lt3A_260 : i32
    %ne3A_262 = arith.xori %lt3A_259, %lt3A_261 : i1
    %and3A_263 = arith.andi %ne3A_262, %ne3A_257 : i1
    %add3A_264 = arith.addi %rem3A_255, %select_n3A_254 : i32
    %select_n3A_265 = arith.select %and3A_263, %add3A_264, %rem3A_255 : i32
    %dma_start3A_266 = arith.constant 128 : i32
    %dma_start3A_267 = arith.constant 0 : i32
    %dma_start3A_268 = tpu.memref_slice %arg5[%select_n3A_249, %dma_start3A_266, %select_n3A_265, %dma_start3A_267] : memref<8x1024x8x128xf32, #tpu.memory_space<hbm>> -> memref<1x64x1x128xf32, #tpu.memory_space<hbm>>
    %dma_start3A_269 = tpu.memref_squeeze %dma_start3A_268 : memref<1x64x1x128xf32, #tpu.memory_space<hbm>> -> memref<64x128xf32, #tpu.memory_space<hbm>>
    %dma_start3A_270 = arith.constant 128 : i32
    %dma_start3A_271 = arith.constant 0 : i32
    %dma_start3A_272 = tpu.memref_slice %arg5[%select_n3A_249, %dma_start3A_270, %select_n3A_265, %dma_start3A_271] : memref<8x1024x8x128xf32, #tpu.memory_space<hbm>> -> memref<1x64x1x128xf32, #tpu.memory_space<hbm>>
    %dma_start3A_273 = tpu.memref_squeeze %dma_start3A_272 : memref<1x64x1x128xf32, #tpu.memory_space<hbm>> -> memref<64x128xf32, #tpu.memory_space<hbm>>
    tpu.enqueue_dma source(%arg11 : memref<64x128xf32, #tpu.memory_space<vmem>>) target(%dma_start3A_273 : memref<64x128xf32, #tpu.memory_space<hbm>>) target_semaphore(%arg31 : memref<!tpu.dma_semaphore, #tpu.memory_space<semaphore_mem>>)
    %dma_start3A_274 = arith.constant 128 : i32
    %dma_start3A_275 = arith.constant 0 : i32
    %dma_start3A_276 = tpu.memref_slice %arg6[%select_n3A_249, %dma_start3A_274, %select_n3A_265, %dma_start3A_275] : memref<8x1024x8x128xf32, #tpu.memory_space<hbm>> -> memref<1x64x1x128xf32, #tpu.memory_space<hbm>>
    %dma_start3A_277 = tpu.memref_squeeze %dma_start3A_276 : memref<1x64x1x128xf32, #tpu.memory_space<hbm>> -> memref<64x128xf32, #tpu.memory_space<hbm>>
    %dma_start3A_278 = arith.constant 128 : i32
    %dma_start3A_279 = arith.constant 0 : i32
    %dma_start3A_280 = tpu.memref_slice %arg6[%select_n3A_249, %dma_start3A_278, %select_n3A_265, %dma_start3A_279] : memref<8x1024x8x128xf32, #tpu.memory_space<hbm>> -> memref<1x64x1x128xf32, #tpu.memory_space<hbm>>
    %dma_start3A_281 = tpu.memref_squeeze %dma_start3A_280 : memref<1x64x1x128xf32, #tpu.memory_space<hbm>> -> memref<64x128xf32, #tpu.memory_space<hbm>>
    tpu.enqueue_dma source(%arg16 : memref<64x128xf32, #tpu.memory_space<vmem>>) target(%dma_start3A_281 : memref<64x128xf32, #tpu.memory_space<hbm>>) target_semaphore(%arg36 : memref<!tpu.dma_semaphore, #tpu.memory_space<semaphore_mem>>)
    %dma_wait3A_282 = arith.constant 0 : i32
    %dma_wait3A_283 = arith.constant 0 : i32
    %dma_wait3A_284 = tpu.memref_slice %arg5[%select_n3A, %dma_wait3A_282, %select_n3A_93, %dma_wait3A_283] : memref<8x1024x8x128xf32, #tpu.memory_space<hbm>> -> memref<1x64x1x128xf32, #tpu.memory_space<hbm>>
    %dma_wait3A_285 = tpu.memref_squeeze %dma_wait3A_284 : memref<1x64x1x128xf32, #tpu.memory_space<hbm>> -> memref<64x128xf32, #tpu.memory_space<hbm>>
    %dma_wait3A_286 = arith.constant 0 : i32
    %dma_wait3A_287 = arith.constant 0 : i32
    %dma_wait3A_288 = tpu.memref_slice %arg5[%select_n3A, %dma_wait3A_286, %select_n3A_93, %dma_wait3A_287] : memref<8x1024x8x128xf32, #tpu.memory_space<hbm>> -> memref<1x64x1x128xf32, #tpu.memory_space<hbm>>
    %dma_wait3A_289 = tpu.memref_squeeze %dma_wait3A_288 : memref<1x64x1x128xf32, #tpu.memory_space<hbm>> -> memref<64x128xf32, #tpu.memory_space<hbm>>
    tpu.wait_dma2 semaphore(%arg29 : memref<!tpu.dma_semaphore, #tpu.memory_space<semaphore_mem>>) src(%arg9 : memref<64x128xf32, #tpu.memory_space<vmem>>) dst(%dma_wait3A_289 : memref<64x128xf32, #tpu.memory_space<hbm>>)
    %dma_wait3A_290 = arith.constant 0 : i32
    %dma_wait3A_291 = arith.constant 0 : i32
    %dma_wait3A_292 = tpu.memref_slice %arg6[%select_n3A, %dma_wait3A_290, %select_n3A_93, %dma_wait3A_291] : memref<8x1024x8x128xf32, #tpu.memory_space<hbm>> -> memref<1x64x1x128xf32, #tpu.memory_space<hbm>>
    %dma_wait3A_293 = tpu.memref_squeeze %dma_wait3A_292 : memref<1x64x1x128xf32, #tpu.memory_space<hbm>> -> memref<64x128xf32, #tpu.memory_space<hbm>>
    %dma_wait3A_294 = arith.constant 0 : i32
    %dma_wait3A_295 = arith.constant 0 : i32
    %dma_wait3A_296 = tpu.memref_slice %arg6[%select_n3A, %dma_wait3A_294, %select_n3A_93, %dma_wait3A_295] : memref<8x1024x8x128xf32, #tpu.memory_space<hbm>> -> memref<1x64x1x128xf32, #tpu.memory_space<hbm>>
    %dma_wait3A_297 = tpu.memref_squeeze %dma_wait3A_296 : memref<1x64x1x128xf32, #tpu.memory_space<hbm>> -> memref<64x128xf32, #tpu.memory_space<hbm>>
    tpu.wait_dma2 semaphore(%arg34 : memref<!tpu.dma_semaphore, #tpu.memory_space<semaphore_mem>>) src(%arg14 : memref<64x128xf32, #tpu.memory_space<vmem>>) dst(%dma_wait3A_297 : memref<64x128xf32, #tpu.memory_space<hbm>>)
    %dma_start3A_298 = arith.constant 0 : i32
    %dma_start3A_299 = arith.constant 320 : i32
    %dma_start3A_300 = tpu.memref_slice %arg8[%dma_start3A_298, %dma_start3A_299] : memref<2x1024xi32, #tpu.memory_space<vmem>> -> memref<1x64xi32, #tpu.memory_space<vmem>>
    %dma_start3A_301 = tpu.memref_squeeze %dma_start3A_300 : memref<1x64xi32, #tpu.memory_space<vmem>> -> memref<64xi32, #tpu.memory_space<vmem>>
    %dma_start3A_302 = arith.constant 0 : i32
    %dma_start3A_303 = arith.constant 0 : i32
    %dma_start3A_304 = tpu.memref_slice %arg3[%dma_start3A_302, %dma_start3A_303] : memref<131072x128xf32, #tpu.memory_space<hbm>> -> memref<131072x128xf32, #tpu.memory_space<hbm>>
    tpu.enqueue_indirect_dma source(%dma_start3A_304 : memref<131072x128xf32, #tpu.memory_space<hbm>>) target(%arg9 : memref<64x128xf32, #tpu.memory_space<vmem>>) offsets(%dma_start3A_301 : memref<64xi32, #tpu.memory_space<vmem>>) semaphore(%arg19 : memref<!tpu.dma_semaphore, #tpu.memory_space<semaphore_mem>>)
    %dma_start3A_305 = arith.constant 0 : i32
    %dma_start3A_306 = arith.constant 320 : i32
    %dma_start3A_307 = tpu.memref_slice %arg8[%dma_start3A_305, %dma_start3A_306] : memref<2x1024xi32, #tpu.memory_space<vmem>> -> memref<1x64xi32, #tpu.memory_space<vmem>>
    %dma_start3A_308 = tpu.memref_squeeze %dma_start3A_307 : memref<1x64xi32, #tpu.memory_space<vmem>> -> memref<64xi32, #tpu.memory_space<vmem>>
    %dma_start3A_309 = arith.constant 0 : i32
    %dma_start3A_310 = arith.constant 0 : i32
    %dma_start3A_311 = tpu.memref_slice %arg4[%dma_start3A_309, %dma_start3A_310] : memref<131072x128xf32, #tpu.memory_space<hbm>> -> memref<131072x128xf32, #tpu.memory_space<hbm>>
    tpu.enqueue_indirect_dma source(%dma_start3A_311 : memref<131072x128xf32, #tpu.memory_space<hbm>>) target(%arg14 : memref<64x128xf32, #tpu.memory_space<vmem>>) offsets(%dma_start3A_308 : memref<64xi32, #tpu.memory_space<vmem>>) semaphore(%arg24 : memref<!tpu.dma_semaphore, #tpu.memory_space<semaphore_mem>>)
    %dma_wait3A_312 = arith.constant 0 : i32
    %dma_wait3A_313 = arith.constant 192 : i32
    %dma_wait3A_314 = tpu.memref_slice %arg8[%dma_wait3A_312, %dma_wait3A_313] : memref<2x1024xi32, #tpu.memory_space<vmem>> -> memref<1x64xi32, #tpu.memory_space<vmem>>
    %dma_wait3A_315 = tpu.memref_squeeze %dma_wait3A_314 : memref<1x64xi32, #tpu.memory_space<vmem>> -> memref<64xi32, #tpu.memory_space<vmem>>
    %dma_wait3A_316 = arith.constant 0 : i32
    %dma_wait3A_317 = arith.constant 0 : i32
    %dma_wait3A_318 = tpu.memref_slice %arg3[%dma_wait3A_316, %dma_wait3A_317] : memref<131072x128xf32, #tpu.memory_space<hbm>> -> memref<131072x128xf32, #tpu.memory_space<hbm>>
    tpu.wait_indirect_dma semaphore(%arg22 : memref<!tpu.dma_semaphore, #tpu.memory_space<semaphore_mem>>) src(%dma_wait3A_318 : memref<131072x128xf32, #tpu.memory_space<hbm>>) dst(%arg12 : memref<64x128xf32, #tpu.memory_space<vmem>>)
    %dma_wait3A_319 = arith.constant 0 : i32
    %dma_wait3A_320 = arith.constant 192 : i32
    %dma_wait3A_321 = tpu.memref_slice %arg8[%dma_wait3A_319, %dma_wait3A_320] : memref<2x1024xi32, #tpu.memory_space<vmem>> -> memref<1x64xi32, #tpu.memory_space<vmem>>
    %dma_wait3A_322 = tpu.memref_squeeze %dma_wait3A_321 : memref<1x64xi32, #tpu.memory_space<vmem>> -> memref<64xi32, #tpu.memory_space<vmem>>
    %dma_wait3A_323 = arith.constant 0 : i32
    %dma_wait3A_324 = arith.constant 0 : i32
    %dma_wait3A_325 = tpu.memref_slice %arg4[%dma_wait3A_323, %dma_wait3A_324] : memref<131072x128xf32, #tpu.memory_space<hbm>> -> memref<131072x128xf32, #tpu.memory_space<hbm>>
    tpu.wait_indirect_dma semaphore(%arg27 : memref<!tpu.dma_semaphore, #tpu.memory_space<semaphore_mem>>) src(%dma_wait3A_325 : memref<131072x128xf32, #tpu.memory_space<hbm>>) dst(%arg17 : memref<64x128xf32, #tpu.memory_space<vmem>>)
    %add3A_326 = arith.constant 0 : i32
    %add3A_327 = arith.addi %mul3A_2, %add3A_326 : i32
    %jit3A_328 = arith.constant 8 : i32
    %div3A_329 = arith.divsi %add3A_327, %jit3A_328 : i32
    %sign3A_330 = arith.constant 0 : i32
    %sign3A_331 = arith.cmpi sgt, %add3A_327, %sign3A_330 : i32
    %sign3A_332 = arith.extui %sign3A_331 : i1 to i32
    %sign3A_333 = arith.constant 0 : i32
    %sign3A_334 = arith.cmpi slt, %add3A_327, %sign3A_333 : i32
    %sign3A_335 = arith.extui %sign3A_334 : i1 to i32
    %sign3A_336 = arith.subi %sign3A_332, %sign3A_335 : i32
    %sign3A_337 = arith.constant 0 : i32
    %sign3A_338 = arith.cmpi sgt, %jit3A_328, %sign3A_337 : i32
    %sign3A_339 = arith.extui %sign3A_338 : i1 to i32
    %sign3A_340 = arith.constant 0 : i32
    %sign3A_341 = arith.cmpi slt, %jit3A_328, %sign3A_340 : i32
    %sign3A_342 = arith.extui %sign3A_341 : i1 to i32
    %sign3A_343 = arith.subi %sign3A_339, %sign3A_342 : i32
    %ne3A_344 = arith.cmpi ne, %sign3A_336, %sign3A_343 : i32
    %rem3A_345 = arith.remsi %add3A_327, %jit3A_328 : i32
    %ne3A_346 = arith.constant 0 : i32
    %ne3A_347 = arith.cmpi ne, %rem3A_345, %ne3A_346 : i32
    %and3A_348 = arith.andi %ne3A_344, %ne3A_347 : i1
    %sub3A_349 = arith.constant 1 : i32
    %sub3A_350 = arith.subi %div3A_329, %sub3A_349 : i32
    %select_n3A_351 = arith.select %and3A_348, %sub3A_350, %div3A_329 : i32
    %jit3A_352 = arith.constant 8 : i32
    %eq3A_353 = arith.constant 0 : i32
    %eq3A_354 = arith.cmpi eq, %jit3A_352, %eq3A_353 : i32
    %jit3A_355 = arith.constant 1 : i32
    %select_n3A_356 = arith.select %eq3A_354, %jit3A_355, %jit3A_352 : i32
    %rem3A_357 = arith.remsi %add3A_327, %select_n3A_356 : i32
    %ne3A_358 = arith.constant 0 : i32
    %ne3A_359 = arith.cmpi ne, %rem3A_357, %ne3A_358 : i32
    %lt3A_360 = arith.constant 0 : i32
    %lt3A_361 = arith.cmpi slt, %rem3A_357, %lt3A_360 : i32
    %lt3A_362 = arith.constant 0 : i32
    %lt3A_363 = arith.cmpi slt, %select_n3A_356, %lt3A_362 : i32
    %ne3A_364 = arith.xori %lt3A_361, %lt3A_363 : i1
    %and3A_365 = arith.andi %ne3A_364, %ne3A_359 : i1
    %add3A_366 = arith.addi %rem3A_357, %select_n3A_356 : i32
    %select_n3A_367 = arith.select %and3A_365, %add3A_366, %rem3A_357 : i32
    %dma_start3A_368 = arith.constant 192 : i32
    %dma_start3A_369 = arith.constant 0 : i32
    %dma_start3A_370 = tpu.memref_slice %arg5[%select_n3A_351, %dma_start3A_368, %select_n3A_367, %dma_start3A_369] : memref<8x1024x8x128xf32, #tpu.memory_space<hbm>> -> memref<1x64x1x128xf32, #tpu.memory_space<hbm>>
    %dma_start3A_371 = tpu.memref_squeeze %dma_start3A_370 : memref<1x64x1x128xf32, #tpu.memory_space<hbm>> -> memref<64x128xf32, #tpu.memory_space<hbm>>
    %dma_start3A_372 = arith.constant 192 : i32
    %dma_start3A_373 = arith.constant 0 : i32
    %dma_start3A_374 = tpu.memref_slice %arg5[%select_n3A_351, %dma_start3A_372, %select_n3A_367, %dma_start3A_373] : memref<8x1024x8x128xf32, #tpu.memory_space<hbm>> -> memref<1x64x1x128xf32, #tpu.memory_space<hbm>>
    %dma_start3A_375 = tpu.memref_squeeze %dma_start3A_374 : memref<1x64x1x128xf32, #tpu.memory_space<hbm>> -> memref<64x128xf32, #tpu.memory_space<hbm>>
    tpu.enqueue_dma source(%arg12 : memref<64x128xf32, #tpu.memory_space<vmem>>) target(%dma_start3A_375 : memref<64x128xf32, #tpu.memory_space<hbm>>) target_semaphore(%arg32 : memref<!tpu.dma_semaphore, #tpu.memory_space<semaphore_mem>>)
    %dma_start3A_376 = arith.constant 192 : i32
    %dma_start3A_377 = arith.constant 0 : i32
    %dma_start3A_378 = tpu.memref_slice %arg6[%select_n3A_351, %dma_start3A_376, %select_n3A_367, %dma_start3A_377] : memref<8x1024x8x128xf32, #tpu.memory_space<hbm>> -> memref<1x64x1x128xf32, #tpu.memory_space<hbm>>
    %dma_start3A_379 = tpu.memref_squeeze %dma_start3A_378 : memref<1x64x1x128xf32, #tpu.memory_space<hbm>> -> memref<64x128xf32, #tpu.memory_space<hbm>>
    %dma_start3A_380 = arith.constant 192 : i32
    %dma_start3A_381 = arith.constant 0 : i32
    %dma_start3A_382 = tpu.memref_slice %arg6[%select_n3A_351, %dma_start3A_380, %select_n3A_367, %dma_start3A_381] : memref<8x1024x8x128xf32, #tpu.memory_space<hbm>> -> memref<1x64x1x128xf32, #tpu.memory_space<hbm>>
    %dma_start3A_383 = tpu.memref_squeeze %dma_start3A_382 : memref<1x64x1x128xf32, #tpu.memory_space<hbm>> -> memref<64x128xf32, #tpu.memory_space<hbm>>
    tpu.enqueue_dma source(%arg17 : memref<64x128xf32, #tpu.memory_space<vmem>>) target(%dma_start3A_383 : memref<64x128xf32, #tpu.memory_space<hbm>>) target_semaphore(%arg37 : memref<!tpu.dma_semaphore, #tpu.memory_space<semaphore_mem>>)
    %dma_wait3A_384 = arith.constant 64 : i32
    %dma_wait3A_385 = arith.constant 0 : i32
    %dma_wait3A_386 = tpu.memref_slice %arg5[%select_n3A_163, %dma_wait3A_384, %select_n3A_179, %dma_wait3A_385] : memref<8x1024x8x128xf32, #tpu.memory_space<hbm>> -> memref<1x64x1x128xf32, #tpu.memory_space<hbm>>
    %dma_wait3A_387 = tpu.memref_squeeze %dma_wait3A_386 : memref<1x64x1x128xf32, #tpu.memory_space<hbm>> -> memref<64x128xf32, #tpu.memory_space<hbm>>
    %dma_wait3A_388 = arith.constant 64 : i32
    %dma_wait3A_389 = arith.constant 0 : i32
    %dma_wait3A_390 = tpu.memref_slice %arg5[%select_n3A_163, %dma_wait3A_388, %select_n3A_179, %dma_wait3A_389] : memref<8x1024x8x128xf32, #tpu.memory_space<hbm>> -> memref<1x64x1x128xf32, #tpu.memory_space<hbm>>
    %dma_wait3A_391 = tpu.memref_squeeze %dma_wait3A_390 : memref<1x64x1x128xf32, #tpu.memory_space<hbm>> -> memref<64x128xf32, #tpu.memory_space<hbm>>
    tpu.wait_dma2 semaphore(%arg30 : memref<!tpu.dma_semaphore, #tpu.memory_space<semaphore_mem>>) src(%arg10 : memref<64x128xf32, #tpu.memory_space<vmem>>) dst(%dma_wait3A_391 : memref<64x128xf32, #tpu.memory_space<hbm>>)
    %dma_wait3A_392 = arith.constant 64 : i32
    %dma_wait3A_393 = arith.constant 0 : i32
    %dma_wait3A_394 = tpu.memref_slice %arg6[%select_n3A_163, %dma_wait3A_392, %select_n3A_179, %dma_wait3A_393] : memref<8x1024x8x128xf32, #tpu.memory_space<hbm>> -> memref<1x64x1x128xf32, #tpu.memory_space<hbm>>
    %dma_wait3A_395 = tpu.memref_squeeze %dma_wait3A_394 : memref<1x64x1x128xf32, #tpu.memory_space<hbm>> -> memref<64x128xf32, #tpu.memory_space<hbm>>
    %dma_wait3A_396 = arith.constant 64 : i32
    %dma_wait3A_397 = arith.constant 0 : i32
    %dma_wait3A_398 = tpu.memref_slice %arg6[%select_n3A_163, %dma_wait3A_396, %select_n3A_179, %dma_wait3A_397] : memref<8x1024x8x128xf32, #tpu.memory_space<hbm>> -> memref<1x64x1x128xf32, #tpu.memory_space<hbm>>
    %dma_wait3A_399 = tpu.memref_squeeze %dma_wait3A_398 : memref<1x64x1x128xf32, #tpu.memory_space<hbm>> -> memref<64x128xf32, #tpu.memory_space<hbm>>
    tpu.wait_dma2 semaphore(%arg35 : memref<!tpu.dma_semaphore, #tpu.memory_space<semaphore_mem>>) src(%arg15 : memref<64x128xf32, #tpu.memory_space<vmem>>) dst(%dma_wait3A_399 : memref<64x128xf32, #tpu.memory_space<hbm>>)
    %dma_start3A_400 = arith.constant 0 : i32
    %dma_start3A_401 = arith.constant 384 : i32
    %dma_start3A_402 = tpu.memref_slice %arg8[%dma_start3A_400, %dma_start3A_401] : memref<2x1024xi32, #tpu.memory_space<vmem>> -> memref<1x64xi32, #tpu.memory_space<vmem>>
    %dma_start3A_403 = tpu.memref_squeeze %dma_start3A_402 : memref<1x64xi32, #tpu.memory_space<vmem>> -> memref<64xi32, #tpu.memory_space<vmem>>
    %dma_start3A_404 = arith.constant 0 : i32
    %dma_start3A_405 = arith.constant 0 : i32
    %dma_start3A_406 = tpu.memref_slice %arg3[%dma_start3A_404, %dma_start3A_405] : memref<131072x128xf32, #tpu.memory_space<hbm>> -> memref<131072x128xf32, #tpu.memory_space<hbm>>
    tpu.enqueue_indirect_dma source(%dma_start3A_406 : memref<131072x128xf32, #tpu.memory_space<hbm>>) target(%arg10 : memref<64x128xf32, #tpu.memory_space<vmem>>) offsets(%dma_start3A_403 : memref<64xi32, #tpu.memory_space<vmem>>) semaphore(%arg20 : memref<!tpu.dma_semaphore, #tpu.memory_space<semaphore_mem>>)
    %dma_start3A_407 = arith.constant 0 : i32
    %dma_start3A_408 = arith.constant 384 : i32
    %dma_start3A_409 = tpu.memref_slice %arg8[%dma_start3A_407, %dma_start3A_408] : memref<2x1024xi32, #tpu.memory_space<vmem>> -> memref<1x64xi32, #tpu.memory_space<vmem>>
    %dma_start3A_410 = tpu.memref_squeeze %dma_start3A_409 : memref<1x64xi32, #tpu.memory_space<vmem>> -> memref<64xi32, #tpu.memory_space<vmem>>
    %dma_start3A_411 = arith.constant 0 : i32
    %dma_start3A_412 = arith.constant 0 : i32
    %dma_start3A_413 = tpu.memref_slice %arg4[%dma_start3A_411, %dma_start3A_412] : memref<131072x128xf32, #tpu.memory_space<hbm>> -> memref<131072x128xf32, #tpu.memory_space<hbm>>
    tpu.enqueue_indirect_dma source(%dma_start3A_413 : memref<131072x128xf32, #tpu.memory_space<hbm>>) target(%arg15 : memref<64x128xf32, #tpu.memory_space<vmem>>) offsets(%dma_start3A_410 : memref<64xi32, #tpu.memory_space<vmem>>) semaphore(%arg25 : memref<!tpu.dma_semaphore, #tpu.memory_space<semaphore_mem>>)
    %dma_wait3A_414 = arith.constant 0 : i32
    %dma_wait3A_415 = arith.constant 256 : i32
    %dma_wait3A_416 = tpu.memref_slice %arg8[%dma_wait3A_414, %dma_wait3A_415] : memref<2x1024xi32, #tpu.memory_space<vmem>> -> memref<1x64xi32, #tpu.memory_space<vmem>>
    %dma_wait3A_417 = tpu.memref_squeeze %dma_wait3A_416 : memref<1x64xi32, #tpu.memory_space<vmem>> -> memref<64xi32, #tpu.memory_space<vmem>>
    %dma_wait3A_418 = arith.constant 0 : i32
    %dma_wait3A_419 = arith.constant 0 : i32
    %dma_wait3A_420 = tpu.memref_slice %arg3[%dma_wait3A_418, %dma_wait3A_419] : memref<131072x128xf32, #tpu.memory_space<hbm>> -> memref<131072x128xf32, #tpu.memory_space<hbm>>
    tpu.wait_indirect_dma semaphore(%arg23 : memref<!tpu.dma_semaphore, #tpu.memory_space<semaphore_mem>>) src(%dma_wait3A_420 : memref<131072x128xf32, #tpu.memory_space<hbm>>) dst(%arg13 : memref<64x128xf32, #tpu.memory_space<vmem>>)
    %dma_wait3A_421 = arith.constant 0 : i32
    %dma_wait3A_422 = arith.constant 256 : i32
    %dma_wait3A_423 = tpu.memref_slice %arg8[%dma_wait3A_421, %dma_wait3A_422] : memref<2x1024xi32, #tpu.memory_space<vmem>> -> memref<1x64xi32, #tpu.memory_space<vmem>>
    %dma_wait3A_424 = tpu.memref_squeeze %dma_wait3A_423 : memref<1x64xi32, #tpu.memory_space<vmem>> -> memref<64xi32, #tpu.memory_space<vmem>>
    %dma_wait3A_425 = arith.constant 0 : i32
    %dma_wait3A_426 = arith.constant 0 : i32
    %dma_wait3A_427 = tpu.memref_slice %arg4[%dma_wait3A_425, %dma_wait3A_426] : memref<131072x128xf32, #tpu.memory_space<hbm>> -> memref<131072x128xf32, #tpu.memory_space<hbm>>
    tpu.wait_indirect_dma semaphore(%arg28 : memref<!tpu.dma_semaphore, #tpu.memory_space<semaphore_mem>>) src(%dma_wait3A_427 : memref<131072x128xf32, #tpu.memory_space<hbm>>) dst(%arg18 : memref<64x128xf32, #tpu.memory_space<vmem>>)
    %add3A_428 = arith.constant 0 : i32
    %add3A_429 = arith.addi %mul3A_2, %add3A_428 : i32
    %jit3A_430 = arith.constant 8 : i32
    %div3A_431 = arith.divsi %add3A_429, %jit3A_430 : i32
    %sign3A_432 = arith.constant 0 : i32
    %sign3A_433 = arith.cmpi sgt, %add3A_429, %sign3A_432 : i32
    %sign3A_434 = arith.extui %sign3A_433 : i1 to i32
    %sign3A_435 = arith.constant 0 : i32
    %sign3A_436 = arith.cmpi slt, %add3A_429, %sign3A_435 : i32
    %sign3A_437 = arith.extui %sign3A_436 : i1 to i32
    %sign3A_438 = arith.subi %sign3A_434, %sign3A_437 : i32
    %sign3A_439 = arith.constant 0 : i32
    %sign3A_440 = arith.cmpi sgt, %jit3A_430, %sign3A_439 : i32
    %sign3A_441 = arith.extui %sign3A_440 : i1 to i32
    %sign3A_442 = arith.constant 0 : i32
    %sign3A_443 = arith.cmpi slt, %jit3A_430, %sign3A_442 : i32
    %sign3A_444 = arith.extui %sign3A_443 : i1 to i32
    %sign3A_445 = arith.subi %sign3A_441, %sign3A_444 : i32
    %ne3A_446 = arith.cmpi ne, %sign3A_438, %sign3A_445 : i32
    %rem3A_447 = arith.remsi %add3A_429, %jit3A_430 : i32
    %ne3A_448 = arith.constant 0 : i32
    %ne3A_449 = arith.cmpi ne, %rem3A_447, %ne3A_448 : i32
    %and3A_450 = arith.andi %ne3A_446, %ne3A_449 : i1
    %sub3A_451 = arith.constant 1 : i32
    %sub3A_452 = arith.subi %div3A_431, %sub3A_451 : i32
    %select_n3A_453 = arith.select %and3A_450, %sub3A_452, %div3A_431 : i32
    %jit3A_454 = arith.constant 8 : i32
    %eq3A_455 = arith.constant 0 : i32
    %eq3A_456 = arith.cmpi eq, %jit3A_454, %eq3A_455 : i32
    %jit3A_457 = arith.constant 1 : i32
    %select_n3A_458 = arith.select %eq3A_456, %jit3A_457, %jit3A_454 : i32
    %rem3A_459 = arith.remsi %add3A_429, %select_n3A_458 : i32
    %ne3A_460 = arith.constant 0 : i32
    %ne3A_461 = arith.cmpi ne, %rem3A_459, %ne3A_460 : i32
    %lt3A_462 = arith.constant 0 : i32
    %lt3A_463 = arith.cmpi slt, %rem3A_459, %lt3A_462 : i32
    %lt3A_464 = arith.constant 0 : i32
    %lt3A_465 = arith.cmpi slt, %select_n3A_458, %lt3A_464 : i32
    %ne3A_466 = arith.xori %lt3A_463, %lt3A_465 : i1
    %and3A_467 = arith.andi %ne3A_466, %ne3A_461 : i1
    %add3A_468 = arith.addi %rem3A_459, %select_n3A_458 : i32
    %select_n3A_469 = arith.select %and3A_467, %add3A_468, %rem3A_459 : i32
    %dma_start3A_470 = arith.constant 256 : i32
    %dma_start3A_471 = arith.constant 0 : i32
    %dma_start3A_472 = tpu.memref_slice %arg5[%select_n3A_453, %dma_start3A_470, %select_n3A_469, %dma_start3A_471] : memref<8x1024x8x128xf32, #tpu.memory_space<hbm>> -> memref<1x64x1x128xf32, #tpu.memory_space<hbm>>
    %dma_start3A_473 = tpu.memref_squeeze %dma_start3A_472 : memref<1x64x1x128xf32, #tpu.memory_space<hbm>> -> memref<64x128xf32, #tpu.memory_space<hbm>>
    %dma_start3A_474 = arith.constant 256 : i32
    %dma_start3A_475 = arith.constant 0 : i32
    %dma_start3A_476 = tpu.memref_slice %arg5[%select_n3A_453, %dma_start3A_474, %select_n3A_469, %dma_start3A_475] : memref<8x1024x8x128xf32, #tpu.memory_space<hbm>> -> memref<1x64x1x128xf32, #tpu.memory_space<hbm>>
    %dma_start3A_477 = tpu.memref_squeeze %dma_start3A_476 : memref<1x64x1x128xf32, #tpu.memory_space<hbm>> -> memref<64x128xf32, #tpu.memory_space<hbm>>
    tpu.enqueue_dma source(%arg13 : memref<64x128xf32, #tpu.memory_space<vmem>>) target(%dma_start3A_477 : memref<64x128xf32, #tpu.memory_space<hbm>>) target_semaphore(%arg33 : memref<!tpu.dma_semaphore, #tpu.memory_space<semaphore_mem>>)
    %dma_start3A_478 = arith.constant 256 : i32
    %dma_start3A_479 = arith.constant 0 : i32
    %dma_start3A_480 = tpu.memref_slice %arg6[%select_n3A_453, %dma_start3A_478, %select_n3A_469, %dma_start3A_479] : memref<8x1024x8x128xf32, #tpu.memory_space<hbm>> -> memref<1x64x1x128xf32, #tpu.memory_space<hbm>>
    %dma_start3A_481 = tpu.memref_squeeze %dma_start3A_480 : memref<1x64x1x128xf32, #tpu.memory_space<hbm>> -> memref<64x128xf32, #tpu.memory_space<hbm>>
    %dma_start3A_482 = arith.constant 256 : i32
    %dma_start3A_483 = arith.constant 0 : i32
    %dma_start3A_484 = tpu.memref_slice %arg6[%select_n3A_453, %dma_start3A_482, %select_n3A_469, %dma_start3A_483] : memref<8x1024x8x128xf32, #tpu.memory_space<hbm>> -> memref<1x64x1x128xf32, #tpu.memory_space<hbm>>
    %dma_start3A_485 = tpu.memref_squeeze %dma_start3A_484 : memref<1x64x1x128xf32, #tpu.memory_space<hbm>> -> memref<64x128xf32, #tpu.memory_space<hbm>>
    tpu.enqueue_dma source(%arg18 : memref<64x128xf32, #tpu.memory_space<vmem>>) target(%dma_start3A_485 : memref<64x128xf32, #tpu.memory_space<hbm>>) target_semaphore(%arg38 : memref<!tpu.dma_semaphore, #tpu.memory_space<semaphore_mem>>)
    %dma_wait3A_486 = arith.constant 128 : i32
    %dma_wait3A_487 = arith.constant 0 : i32
    %dma_wait3A_488 = tpu.memref_slice %arg5[%select_n3A_249, %dma_wait3A_486, %select_n3A_265, %dma_wait3A_487] : memref<8x1024x8x128xf32, #tpu.memory_space<hbm>> -> memref<1x64x1x128xf32, #tpu.memory_space<hbm>>
    %dma_wait3A_489 = tpu.memref_squeeze %dma_wait3A_488 : memref<1x64x1x128xf32, #tpu.memory_space<hbm>> -> memref<64x128xf32, #tpu.memory_space<hbm>>
    %dma_wait3A_490 = arith.constant 128 : i32
    %dma_wait3A_491 = arith.constant 0 : i32
    %dma_wait3A_492 = tpu.memref_slice %arg5[%select_n3A_249, %dma_wait3A_490, %select_n3A_265, %dma_wait3A_491] : memref<8x1024x8x128xf32, #tpu.memory_space<hbm>> -> memref<1x64x1x128xf32, #tpu.memory_space<hbm>>
    %dma_wait3A_493 = tpu.memref_squeeze %dma_wait3A_492 : memref<1x64x1x128xf32, #tpu.memory_space<hbm>> -> memref<64x128xf32, #tpu.memory_space<hbm>>
    tpu.wait_dma2 semaphore(%arg31 : memref<!tpu.dma_semaphore, #tpu.memory_space<semaphore_mem>>) src(%arg11 : memref<64x128xf32, #tpu.memory_space<vmem>>) dst(%dma_wait3A_493 : memref<64x128xf32, #tpu.memory_space<hbm>>)
    %dma_wait3A_494 = arith.constant 128 : i32
    %dma_wait3A_495 = arith.constant 0 : i32
    %dma_wait3A_496 = tpu.memref_slice %arg6[%select_n3A_249, %dma_wait3A_494, %select_n3A_265, %dma_wait3A_495] : memref<8x1024x8x128xf32, #tpu.memory_space<hbm>> -> memref<1x64x1x128xf32, #tpu.memory_space<hbm>>
    %dma_wait3A_497 = tpu.memref_squeeze %dma_wait3A_496 : memref<1x64x1x128xf32, #tpu.memory_space<hbm>> -> memref<64x128xf32, #tpu.memory_space<hbm>>
    %dma_wait3A_498 = arith.constant 128 : i32
    %dma_wait3A_499 = arith.constant 0 : i32
    %dma_wait3A_500 = tpu.memref_slice %arg6[%select_n3A_249, %dma_wait3A_498, %select_n3A_265, %dma_wait3A_499] : memref<8x1024x8x128xf32, #tpu.memory_space<hbm>> -> memref<1x64x1x128xf32, #tpu.memory_space<hbm>>
    %dma_wait3A_501 = tpu.memref_squeeze %dma_wait3A_500 : memref<1x64x1x128xf32, #tpu.memory_space<hbm>> -> memref<64x128xf32, #tpu.memory_space<hbm>>
    tpu.wait_dma2 semaphore(%arg36 : memref<!tpu.dma_semaphore, #tpu.memory_space<semaphore_mem>>) src(%arg16 : memref<64x128xf32, #tpu.memory_space<vmem>>) dst(%dma_wait3A_501 : memref<64x128xf32, #tpu.memory_space<hbm>>)
    %dma_start3A_502 = arith.constant 0 : i32
    %dma_start3A_503 = arith.constant 448 : i32
    %dma_start3A_504 = tpu.memref_slice %arg8[%dma_start3A_502, %dma_start3A_503] : memref<2x1024xi32, #tpu.memory_space<vmem>> -> memref<1x64xi32, #tpu.memory_space<vmem>>
    %dma_start3A_505 = tpu.memref_squeeze %dma_start3A_504 : memref<1x64xi32, #tpu.memory_space<vmem>> -> memref<64xi32, #tpu.memory_space<vmem>>
    %dma_start3A_506 = arith.constant 0 : i32
    %dma_start3A_507 = arith.constant 0 : i32
    %dma_start3A_508 = tpu.memref_slice %arg3[%dma_start3A_506, %dma_start3A_507] : memref<131072x128xf32, #tpu.memory_space<hbm>> -> memref<131072x128xf32, #tpu.memory_space<hbm>>
    tpu.enqueue_indirect_dma source(%dma_start3A_508 : memref<131072x128xf32, #tpu.memory_space<hbm>>) target(%arg11 : memref<64x128xf32, #tpu.memory_space<vmem>>) offsets(%dma_start3A_505 : memref<64xi32, #tpu.memory_space<vmem>>) semaphore(%arg21 : memref<!tpu.dma_semaphore, #tpu.memory_space<semaphore_mem>>)
    %dma_start3A_509 = arith.constant 0 : i32
    %dma_start3A_510 = arith.constant 448 : i32
    %dma_start3A_511 = tpu.memref_slice %arg8[%dma_start3A_509, %dma_start3A_510] : memref<2x1024xi32, #tpu.memory_space<vmem>> -> memref<1x64xi32, #tpu.memory_space<vmem>>
    %dma_start3A_512 = tpu.memref_squeeze %dma_start3A_511 : memref<1x64xi32, #tpu.memory_space<vmem>> -> memref<64xi32, #tpu.memory_space<vmem>>
    %dma_start3A_513 = arith.constant 0 : i32
    %dma_start3A_514 = arith.constant 0 : i32
    %dma_start3A_515 = tpu.memref_slice %arg4[%dma_start3A_513, %dma_start3A_514] : memref<131072x128xf32, #tpu.memory_space<hbm>> -> memref<131072x128xf32, #tpu.memory_space<hbm>>
    tpu.enqueue_indirect_dma source(%dma_start3A_515 : memref<131072x128xf32, #tpu.memory_space<hbm>>) target(%arg16 : memref<64x128xf32, #tpu.memory_space<vmem>>) offsets(%dma_start3A_512 : memref<64xi32, #tpu.memory_space<vmem>>) semaphore(%arg26 : memref<!tpu.dma_semaphore, #tpu.memory_space<semaphore_mem>>)
    %dma_wait3A_516 = arith.constant 0 : i32
    %dma_wait3A_517 = arith.constant 320 : i32
    %dma_wait3A_518 = tpu.memref_slice %arg8[%dma_wait3A_516, %dma_wait3A_517] : memref<2x1024xi32, #tpu.memory_space<vmem>> -> memref<1x64xi32, #tpu.memory_space<vmem>>
    %dma_wait3A_519 = tpu.memref_squeeze %dma_wait3A_518 : memref<1x64xi32, #tpu.memory_space<vmem>> -> memref<64xi32, #tpu.memory_space<vmem>>
    %dma_wait3A_520 = arith.constant 0 : i32
    %dma_wait3A_521 = arith.constant 0 : i32
    %dma_wait3A_522 = tpu.memref_slice %arg3[%dma_wait3A_520, %dma_wait3A_521] : memref<131072x128xf32, #tpu.memory_space<hbm>> -> memref<131072x128xf32, #tpu.memory_space<hbm>>
    tpu.wait_indirect_dma semaphore(%arg19 : memref<!tpu.dma_semaphore, #tpu.memory_space<semaphore_mem>>) src(%dma_wait3A_522 : memref<131072x128xf32, #tpu.memory_space<hbm>>) dst(%arg9 : memref<64x128xf32, #tpu.memory_space<vmem>>)
    %dma_wait3A_523 = arith.constant 0 : i32
    %dma_wait3A_524 = arith.constant 320 : i32
    %dma_wait3A_525 = tpu.memref_slice %arg8[%dma_wait3A_523, %dma_wait3A_524] : memref<2x1024xi32, #tpu.memory_space<vmem>> -> memref<1x64xi32, #tpu.memory_space<vmem>>
    %dma_wait3A_526 = tpu.memref_squeeze %dma_wait3A_525 : memref<1x64xi32, #tpu.memory_space<vmem>> -> memref<64xi32, #tpu.memory_space<vmem>>
    %dma_wait3A_527 = arith.constant 0 : i32
    %dma_wait3A_528 = arith.constant 0 : i32
    %dma_wait3A_529 = tpu.memref_slice %arg4[%dma_wait3A_527, %dma_wait3A_528] : memref<131072x128xf32, #tpu.memory_space<hbm>> -> memref<131072x128xf32, #tpu.memory_space<hbm>>
    tpu.wait_indirect_dma semaphore(%arg24 : memref<!tpu.dma_semaphore, #tpu.memory_space<semaphore_mem>>) src(%dma_wait3A_529 : memref<131072x128xf32, #tpu.memory_space<hbm>>) dst(%arg14 : memref<64x128xf32, #tpu.memory_space<vmem>>)
    %add3A_530 = arith.constant 0 : i32
    %add3A_531 = arith.addi %mul3A_2, %add3A_530 : i32
    %jit3A_532 = arith.constant 8 : i32
    %div3A_533 = arith.divsi %add3A_531, %jit3A_532 : i32
    %sign3A_534 = arith.constant 0 : i32
    %sign3A_535 = arith.cmpi sgt, %add3A_531, %sign3A_534 : i32
    %sign3A_536 = arith.extui %sign3A_535 : i1 to i32
    %sign3A_537 = arith.constant 0 : i32
    %sign3A_538 = arith.cmpi slt, %add3A_531, %sign3A_537 : i32
    %sign3A_539 = arith.extui %sign3A_538 : i1 to i32
    %sign3A_540 = arith.subi %sign3A_536, %sign3A_539 : i32
    %sign3A_541 = arith.constant 0 : i32
    %sign3A_542 = arith.cmpi sgt, %jit3A_532, %sign3A_541 : i32
    %sign3A_543 = arith.extui %sign3A_542 : i1 to i32
    %sign3A_544 = arith.constant 0 : i32
    %sign3A_545 = arith.cmpi slt, %jit3A_532, %sign3A_544 : i32
    %sign3A_546 = arith.extui %sign3A_545 : i1 to i32
    %sign3A_547 = arith.subi %sign3A_543, %sign3A_546 : i32
    %ne3A_548 = arith.cmpi ne, %sign3A_540, %sign3A_547 : i32
    %rem3A_549 = arith.remsi %add3A_531, %jit3A_532 : i32
    %ne3A_550 = arith.constant 0 : i32
    %ne3A_551 = arith.cmpi ne, %rem3A_549, %ne3A_550 : i32
    %and3A_552 = arith.andi %ne3A_548, %ne3A_551 : i1
    %sub3A_553 = arith.constant 1 : i32
    %sub3A_554 = arith.subi %div3A_533, %sub3A_553 : i32
    %select_n3A_555 = arith.select %and3A_552, %sub3A_554, %div3A_533 : i32
    %jit3A_556 = arith.constant 8 : i32
    %eq3A_557 = arith.constant 0 : i32
    %eq3A_558 = arith.cmpi eq, %jit3A_556, %eq3A_557 : i32
    %jit3A_559 = arith.constant 1 : i32
    %select_n3A_560 = arith.select %eq3A_558, %jit3A_559, %jit3A_556 : i32
    %rem3A_561 = arith.remsi %add3A_531, %select_n3A_560 : i32
    %ne3A_562 = arith.constant 0 : i32
    %ne3A_563 = arith.cmpi ne, %rem3A_561, %ne3A_562 : i32
    %lt3A_564 = arith.constant 0 : i32
    %lt3A_565 = arith.cmpi slt, %rem3A_561, %lt3A_564 : i32
    %lt3A_566 = arith.constant 0 : i32
    %lt3A_567 = arith.cmpi slt, %select_n3A_560, %lt3A_566 : i32
    %ne3A_568 = arith.xori %lt3A_565, %lt3A_567 : i1
    %and3A_569 = arith.andi %ne3A_568, %ne3A_563 : i1
    %add3A_570 = arith.addi %rem3A_561, %select_n3A_560 : i32
    %select_n3A_571 = arith.select %and3A_569, %add3A_570, %rem3A_561 : i32
    %dma_start3A_572 = arith.constant 320 : i32
    %dma_start3A_573 = arith.constant 0 : i32
    %dma_start3A_574 = tpu.memref_slice %arg5[%select_n3A_555, %dma_start3A_572, %select_n3A_571, %dma_start3A_573] : memref<8x1024x8x128xf32, #tpu.memory_space<hbm>> -> memref<1x64x1x128xf32, #tpu.memory_space<hbm>>
    %dma_start3A_575 = tpu.memref_squeeze %dma_start3A_574 : memref<1x64x1x128xf32, #tpu.memory_space<hbm>> -> memref<64x128xf32, #tpu.memory_space<hbm>>
    %dma_start3A_576 = arith.constant 320 : i32
    %dma_start3A_577 = arith.constant 0 : i32
    %dma_start3A_578 = tpu.memref_slice %arg5[%select_n3A_555, %dma_start3A_576, %select_n3A_571, %dma_start3A_577] : memref<8x1024x8x128xf32, #tpu.memory_space<hbm>> -> memref<1x64x1x128xf32, #tpu.memory_space<hbm>>
    %dma_start3A_579 = tpu.memref_squeeze %dma_start3A_578 : memref<1x64x1x128xf32, #tpu.memory_space<hbm>> -> memref<64x128xf32, #tpu.memory_space<hbm>>
    tpu.enqueue_dma source(%arg9 : memref<64x128xf32, #tpu.memory_space<vmem>>) target(%dma_start3A_579 : memref<64x128xf32, #tpu.memory_space<hbm>>) target_semaphore(%arg29 : memref<!tpu.dma_semaphore, #tpu.memory_space<semaphore_mem>>)
    %dma_start3A_580 = arith.constant 320 : i32
    %dma_start3A_581 = arith.constant 0 : i32
    %dma_start3A_582 = tpu.memref_slice %arg6[%select_n3A_555, %dma_start3A_580, %select_n3A_571, %dma_start3A_581] : memref<8x1024x8x128xf32, #tpu.memory_space<hbm>> -> memref<1x64x1x128xf32, #tpu.memory_space<hbm>>
    %dma_start3A_583 = tpu.memref_squeeze %dma_start3A_582 : memref<1x64x1x128xf32, #tpu.memory_space<hbm>> -> memref<64x128xf32, #tpu.memory_space<hbm>>
    %dma_start3A_584 = arith.constant 320 : i32
    %dma_start3A_585 = arith.constant 0 : i32
    %dma_start3A_586 = tpu.memref_slice %arg6[%select_n3A_555, %dma_start3A_584, %select_n3A_571, %dma_start3A_585] : memref<8x1024x8x128xf32, #tpu.memory_space<hbm>> -> memref<1x64x1x128xf32, #tpu.memory_space<hbm>>
    %dma_start3A_587 = tpu.memref_squeeze %dma_start3A_586 : memref<1x64x1x128xf32, #tpu.memory_space<hbm>> -> memref<64x128xf32, #tpu.memory_space<hbm>>
    tpu.enqueue_dma source(%arg14 : memref<64x128xf32, #tpu.memory_space<vmem>>) target(%dma_start3A_587 : memref<64x128xf32, #tpu.memory_space<hbm>>) target_semaphore(%arg34 : memref<!tpu.dma_semaphore, #tpu.memory_space<semaphore_mem>>)
    %dma_wait3A_588 = arith.constant 192 : i32
    %dma_wait3A_589 = arith.constant 0 : i32
    %dma_wait3A_590 = tpu.memref_slice %arg5[%select_n3A_351, %dma_wait3A_588, %select_n3A_367, %dma_wait3A_589] : memref<8x1024x8x128xf32, #tpu.memory_space<hbm>> -> memref<1x64x1x128xf32, #tpu.memory_space<hbm>>
    %dma_wait3A_591 = tpu.memref_squeeze %dma_wait3A_590 : memref<1x64x1x128xf32, #tpu.memory_space<hbm>> -> memref<64x128xf32, #tpu.memory_space<hbm>>
    %dma_wait3A_592 = arith.constant 192 : i32
    %dma_wait3A_593 = arith.constant 0 : i32
    %dma_wait3A_594 = tpu.memref_slice %arg5[%select_n3A_351, %dma_wait3A_592, %select_n3A_367, %dma_wait3A_593] : memref<8x1024x8x128xf32, #tpu.memory_space<hbm>> -> memref<1x64x1x128xf32, #tpu.memory_space<hbm>>
    %dma_wait3A_595 = tpu.memref_squeeze %dma_wait3A_594 : memref<1x64x1x128xf32, #tpu.memory_space<hbm>> -> memref<64x128xf32, #tpu.memory_space<hbm>>
    tpu.wait_dma2 semaphore(%arg32 : memref<!tpu.dma_semaphore, #tpu.memory_space<semaphore_mem>>) src(%arg12 : memref<64x128xf32, #tpu.memory_space<vmem>>) dst(%dma_wait3A_595 : memref<64x128xf32, #tpu.memory_space<hbm>>)
    %dma_wait3A_596 = arith.constant 192 : i32
    %dma_wait3A_597 = arith.constant 0 : i32
    %dma_wait3A_598 = tpu.memref_slice %arg6[%select_n3A_351, %dma_wait3A_596, %select_n3A_367, %dma_wait3A_597] : memref<8x1024x8x128xf32, #tpu.memory_space<hbm>> -> memref<1x64x1x128xf32, #tpu.memory_space<hbm>>
    %dma_wait3A_599 = tpu.memref_squeeze %dma_wait3A_598 : memref<1x64x1x128xf32, #tpu.memory_space<hbm>> -> memref<64x128xf32, #tpu.memory_space<hbm>>
    %dma_wait3A_600 = arith.constant 192 : i32
    %dma_wait3A_601 = arith.constant 0 : i32
    %dma_wait3A_602 = tpu.memref_slice %arg6[%select_n3A_351, %dma_wait3A_600, %select_n3A_367, %dma_wait3A_601] : memref<8x1024x8x128xf32, #tpu.memory_space<hbm>> -> memref<1x64x1x128xf32, #tpu.memory_space<hbm>>
    %dma_wait3A_603 = tpu.memref_squeeze %dma_wait3A_602 : memref<1x64x1x128xf32, #tpu.memory_space<hbm>> -> memref<64x128xf32, #tpu.memory_space<hbm>>
    tpu.wait_dma2 semaphore(%arg37 : memref<!tpu.dma_semaphore, #tpu.memory_space<semaphore_mem>>) src(%arg17 : memref<64x128xf32, #tpu.memory_space<vmem>>) dst(%dma_wait3A_603 : memref<64x128xf32, #tpu.memory_space<hbm>>)
    %dma_start3A_604 = arith.constant 0 : i32
    %dma_start3A_605 = arith.constant 512 : i32
    %dma_start3A_606 = tpu.memref_slice %arg8[%dma_start3A_604, %dma_start3A_605] : memref<2x1024xi32, #tpu.memory_space<vmem>> -> memref<1x64xi32, #tpu.memory_space<vmem>>
    %dma_start3A_607 = tpu.memref_squeeze %dma_start3A_606 : memref<1x64xi32, #tpu.memory_space<vmem>> -> memref<64xi32, #tpu.memory_space<vmem>>
    %dma_start3A_608 = arith.constant 0 : i32
    %dma_start3A_609 = arith.constant 0 : i32
    %dma_start3A_610 = tpu.memref_slice %arg3[%dma_start3A_608, %dma_start3A_609] : memref<131072x128xf32, #tpu.memory_space<hbm>> -> memref<131072x128xf32, #tpu.memory_space<hbm>>
    tpu.enqueue_indirect_dma source(%dma_start3A_610 : memref<131072x128xf32, #tpu.memory_space<hbm>>) target(%arg12 : memref<64x128xf32, #tpu.memory_space<vmem>>) offsets(%dma_start3A_607 : memref<64xi32, #tpu.memory_space<vmem>>) semaphore(%arg22 : memref<!tpu.dma_semaphore, #tpu.memory_space<semaphore_mem>>)
    %dma_start3A_611 = arith.constant 0 : i32
    %dma_start3A_612 = arith.constant 512 : i32
    %dma_start3A_613 = tpu.memref_slice %arg8[%dma_start3A_611, %dma_start3A_612] : memref<2x1024xi32, #tpu.memory_space<vmem>> -> memref<1x64xi32, #tpu.memory_space<vmem>>
    %dma_start3A_614 = tpu.memref_squeeze %dma_start3A_613 : memref<1x64xi32, #tpu.memory_space<vmem>> -> memref<64xi32, #tpu.memory_space<vmem>>
    %dma_start3A_615 = arith.constant 0 : i32
    %dma_start3A_616 = arith.constant 0 : i32
    %dma_start3A_617 = tpu.memref_slice %arg4[%dma_start3A_615, %dma_start3A_616] : memref<131072x128xf32, #tpu.memory_space<hbm>> -> memref<131072x128xf32, #tpu.memory_space<hbm>>
    tpu.enqueue_indirect_dma source(%dma_start3A_617 : memref<131072x128xf32, #tpu.memory_space<hbm>>) target(%arg17 : memref<64x128xf32, #tpu.memory_space<vmem>>) offsets(%dma_start3A_614 : memref<64xi32, #tpu.memory_space<vmem>>) semaphore(%arg27 : memref<!tpu.dma_semaphore, #tpu.memory_space<semaphore_mem>>)
    %dma_wait3A_618 = arith.constant 0 : i32
    %dma_wait3A_619 = arith.constant 384 : i32
    %dma_wait3A_620 = tpu.memref_slice %arg8[%dma_wait3A_618, %dma_wait3A_619] : memref<2x1024xi32, #tpu.memory_space<vmem>> -> memref<1x64xi32, #tpu.memory_space<vmem>>
    %dma_wait3A_621 = tpu.memref_squeeze %dma_wait3A_620 : memref<1x64xi32, #tpu.memory_space<vmem>> -> memref<64xi32, #tpu.memory_space<vmem>>
    %dma_wait3A_622 = arith.constant 0 : i32
    %dma_wait3A_623 = arith.constant 0 : i32
    %dma_wait3A_624 = tpu.memref_slice %arg3[%dma_wait3A_622, %dma_wait3A_623] : memref<131072x128xf32, #tpu.memory_space<hbm>> -> memref<131072x128xf32, #tpu.memory_space<hbm>>
    tpu.wait_indirect_dma semaphore(%arg20 : memref<!tpu.dma_semaphore, #tpu.memory_space<semaphore_mem>>) src(%dma_wait3A_624 : memref<131072x128xf32, #tpu.memory_space<hbm>>) dst(%arg10 : memref<64x128xf32, #tpu.memory_space<vmem>>)
    %dma_wait3A_625 = arith.constant 0 : i32
    %dma_wait3A_626 = arith.constant 384 : i32
    %dma_wait3A_627 = tpu.memref_slice %arg8[%dma_wait3A_625, %dma_wait3A_626] : memref<2x1024xi32, #tpu.memory_space<vmem>> -> memref<1x64xi32, #tpu.memory_space<vmem>>
    %dma_wait3A_628 = tpu.memref_squeeze %dma_wait3A_627 : memref<1x64xi32, #tpu.memory_space<vmem>> -> memref<64xi32, #tpu.memory_space<vmem>>
    %dma_wait3A_629 = arith.constant 0 : i32
    %dma_wait3A_630 = arith.constant 0 : i32
    %dma_wait3A_631 = tpu.memref_slice %arg4[%dma_wait3A_629, %dma_wait3A_630] : memref<131072x128xf32, #tpu.memory_space<hbm>> -> memref<131072x128xf32, #tpu.memory_space<hbm>>
    tpu.wait_indirect_dma semaphore(%arg25 : memref<!tpu.dma_semaphore, #tpu.memory_space<semaphore_mem>>) src(%dma_wait3A_631 : memref<131072x128xf32, #tpu.memory_space<hbm>>) dst(%arg15 : memref<64x128xf32, #tpu.memory_space<vmem>>)
    %add3A_632 = arith.constant 0 : i32
    %add3A_633 = arith.addi %mul3A_2, %add3A_632 : i32
    %jit3A_634 = arith.constant 8 : i32
    %div3A_635 = arith.divsi %add3A_633, %jit3A_634 : i32
    %sign3A_636 = arith.constant 0 : i32
    %sign3A_637 = arith.cmpi sgt, %add3A_633, %sign3A_636 : i32
    %sign3A_638 = arith.extui %sign3A_637 : i1 to i32
    %sign3A_639 = arith.constant 0 : i32
    %sign3A_640 = arith.cmpi slt, %add3A_633, %sign3A_639 : i32
    %sign3A_641 = arith.extui %sign3A_640 : i1 to i32
    %sign3A_642 = arith.subi %sign3A_638, %sign3A_641 : i32
    %sign3A_643 = arith.constant 0 : i32
    %sign3A_644 = arith.cmpi sgt, %jit3A_634, %sign3A_643 : i32
    %sign3A_645 = arith.extui %sign3A_644 : i1 to i32
    %sign3A_646 = arith.constant 0 : i32
    %sign3A_647 = arith.cmpi slt, %jit3A_634, %sign3A_646 : i32
    %sign3A_648 = arith.extui %sign3A_647 : i1 to i32
    %sign3A_649 = arith.subi %sign3A_645, %sign3A_648 : i32
    %ne3A_650 = arith.cmpi ne, %sign3A_642, %sign3A_649 : i32
    %rem3A_651 = arith.remsi %add3A_633, %jit3A_634 : i32
    %ne3A_652 = arith.constant 0 : i32
    %ne3A_653 = arith.cmpi ne, %rem3A_651, %ne3A_652 : i32
    %and3A_654 = arith.andi %ne3A_650, %ne3A_653 : i1
    %sub3A_655 = arith.constant 1 : i32
    %sub3A_656 = arith.subi %div3A_635, %sub3A_655 : i32
    %select_n3A_657 = arith.select %and3A_654, %sub3A_656, %div3A_635 : i32
    %jit3A_658 = arith.constant 8 : i32
    %eq3A_659 = arith.constant 0 : i32
    %eq3A_660 = arith.cmpi eq, %jit3A_658, %eq3A_659 : i32
    %jit3A_661 = arith.constant 1 : i32
    %select_n3A_662 = arith.select %eq3A_660, %jit3A_661, %jit3A_658 : i32
    %rem3A_663 = arith.remsi %add3A_633, %select_n3A_662 : i32
    %ne3A_664 = arith.constant 0 : i32
    %ne3A_665 = arith.cmpi ne, %rem3A_663, %ne3A_664 : i32
    %lt3A_666 = arith.constant 0 : i32
    %lt3A_667 = arith.cmpi slt, %rem3A_663, %lt3A_666 : i32
    %lt3A_668 = arith.constant 0 : i32
    %lt3A_669 = arith.cmpi slt, %select_n3A_662, %lt3A_668 : i32
    %ne3A_670 = arith.xori %lt3A_667, %lt3A_669 : i1
    %and3A_671 = arith.andi %ne3A_670, %ne3A_665 : i1
    %add3A_672 = arith.addi %rem3A_663, %select_n3A_662 : i32
    %select_n3A_673 = arith.select %and3A_671, %add3A_672, %rem3A_663 : i32
    %dma_start3A_674 = arith.constant 384 : i32
    %dma_start3A_675 = arith.constant 0 : i32
    %dma_start3A_676 = tpu.memref_slice %arg5[%select_n3A_657, %dma_start3A_674, %select_n3A_673, %dma_start3A_675] : memref<8x1024x8x128xf32, #tpu.memory_space<hbm>> -> memref<1x64x1x128xf32, #tpu.memory_space<hbm>>
    %dma_start3A_677 = tpu.memref_squeeze %dma_start3A_676 : memref<1x64x1x128xf32, #tpu.memory_space<hbm>> -> memref<64x128xf32, #tpu.memory_space<hbm>>
    %dma_start3A_678 = arith.constant 384 : i32
    %dma_start3A_679 = arith.constant 0 : i32
    %dma_start3A_680 = tpu.memref_slice %arg5[%select_n3A_657, %dma_start3A_678, %select_n3A_673, %dma_start3A_679] : memref<8x1024x8x128xf32, #tpu.memory_space<hbm>> -> memref<1x64x1x128xf32, #tpu.memory_space<hbm>>
    %dma_start3A_681 = tpu.memref_squeeze %dma_start3A_680 : memref<1x64x1x128xf32, #tpu.memory_space<hbm>> -> memref<64x128xf32, #tpu.memory_space<hbm>>
    tpu.enqueue_dma source(%arg10 : memref<64x128xf32, #tpu.memory_space<vmem>>) target(%dma_start3A_681 : memref<64x128xf32, #tpu.memory_space<hbm>>) target_semaphore(%arg30 : memref<!tpu.dma_semaphore, #tpu.memory_space<semaphore_mem>>)
    %dma_start3A_682 = arith.constant 384 : i32
    %dma_start3A_683 = arith.constant 0 : i32
    %dma_start3A_684 = tpu.memref_slice %arg6[%select_n3A_657, %dma_start3A_682, %select_n3A_673, %dma_start3A_683] : memref<8x1024x8x128xf32, #tpu.memory_space<hbm>> -> memref<1x64x1x128xf32, #tpu.memory_space<hbm>>
    %dma_start3A_685 = tpu.memref_squeeze %dma_start3A_684 : memref<1x64x1x128xf32, #tpu.memory_space<hbm>> -> memref<64x128xf32, #tpu.memory_space<hbm>>
    %dma_start3A_686 = arith.constant 384 : i32
    %dma_start3A_687 = arith.constant 0 : i32
    %dma_start3A_688 = tpu.memref_slice %arg6[%select_n3A_657, %dma_start3A_686, %select_n3A_673, %dma_start3A_687] : memref<8x1024x8x128xf32, #tpu.memory_space<hbm>> -> memref<1x64x1x128xf32, #tpu.memory_space<hbm>>
    %dma_start3A_689 = tpu.memref_squeeze %dma_start3A_688 : memref<1x64x1x128xf32, #tpu.memory_space<hbm>> -> memref<64x128xf32, #tpu.memory_space<hbm>>
    tpu.enqueue_dma source(%arg15 : memref<64x128xf32, #tpu.memory_space<vmem>>) target(%dma_start3A_689 : memref<64x128xf32, #tpu.memory_space<hbm>>) target_semaphore(%arg35 : memref<!tpu.dma_semaphore, #tpu.memory_space<semaphore_mem>>)
    %dma_wait3A_690 = arith.constant 256 : i32
    %dma_wait3A_691 = arith.constant 0 : i32
    %dma_wait3A_692 = tpu.memref_slice %arg5[%select_n3A_453, %dma_wait3A_690, %select_n3A_469, %dma_wait3A_691] : memref<8x1024x8x128xf32, #tpu.memory_space<hbm>> -> memref<1x64x1x128xf32, #tpu.memory_space<hbm>>
    %dma_wait3A_693 = tpu.memref_squeeze %dma_wait3A_692 : memref<1x64x1x128xf32, #tpu.memory_space<hbm>> -> memref<64x128xf32, #tpu.memory_space<hbm>>
    %dma_wait3A_694 = arith.constant 256 : i32
    %dma_wait3A_695 = arith.constant 0 : i32
    %dma_wait3A_696 = tpu.memref_slice %arg5[%select_n3A_453, %dma_wait3A_694, %select_n3A_469, %dma_wait3A_695] : memref<8x1024x8x128xf32, #tpu.memory_space<hbm>> -> memref<1x64x1x128xf32, #tpu.memory_space<hbm>>
    %dma_wait3A_697 = tpu.memref_squeeze %dma_wait3A_696 : memref<1x64x1x128xf32, #tpu.memory_space<hbm>> -> memref<64x128xf32, #tpu.memory_space<hbm>>
    tpu.wait_dma2 semaphore(%arg33 : memref<!tpu.dma_semaphore, #tpu.memory_space<semaphore_mem>>) src(%arg13 : memref<64x128xf32, #tpu.memory_space<vmem>>) dst(%dma_wait3A_697 : memref<64x128xf32, #tpu.memory_space<hbm>>)
    %dma_wait3A_698 = arith.constant 256 : i32
    %dma_wait3A_699 = arith.constant 0 : i32
    %dma_wait3A_700 = tpu.memref_slice %arg6[%select_n3A_453, %dma_wait3A_698, %select_n3A_469, %dma_wait3A_699] : memref<8x1024x8x128xf32, #tpu.memory_space<hbm>> -> memref<1x64x1x128xf32, #tpu.memory_space<hbm>>
    %dma_wait3A_701 = tpu.memref_squeeze %dma_wait3A_700 : memref<1x64x1x128xf32, #tpu.memory_space<hbm>> -> memref<64x128xf32, #tpu.memory_space<hbm>>
    %dma_wait3A_702 = arith.constant 256 : i32
    %dma_wait3A_703 = arith.constant 0 : i32
    %dma_wait3A_704 = tpu.memref_slice %arg6[%select_n3A_453, %dma_wait3A_702, %select_n3A_469, %dma_wait3A_703] : memref<8x1024x8x128xf32, #tpu.memory_space<hbm>> -> memref<1x64x1x128xf32, #tpu.memory_space<hbm>>
    %dma_wait3A_705 = tpu.memref_squeeze %dma_wait3A_704 : memref<1x64x1x128xf32, #tpu.memory_space<hbm>> -> memref<64x128xf32, #tpu.memory_space<hbm>>
    tpu.wait_dma2 semaphore(%arg38 : memref<!tpu.dma_semaphore, #tpu.memory_space<semaphore_mem>>) src(%arg18 : memref<64x128xf32, #tpu.memory_space<vmem>>) dst(%dma_wait3A_705 : memref<64x128xf32, #tpu.memory_space<hbm>>)
    %dma_start3A_706 = arith.constant 0 : i32
    %dma_start3A_707 = arith.constant 576 : i32
    %dma_start3A_708 = tpu.memref_slice %arg8[%dma_start3A_706, %dma_start3A_707] : memref<2x1024xi32, #tpu.memory_space<vmem>> -> memref<1x64xi32, #tpu.memory_space<vmem>>
    %dma_start3A_709 = tpu.memref_squeeze %dma_start3A_708 : memref<1x64xi32, #tpu.memory_space<vmem>> -> memref<64xi32, #tpu.memory_space<vmem>>
    %dma_start3A_710 = arith.constant 0 : i32
    %dma_start3A_711 = arith.constant 0 : i32
    %dma_start3A_712 = tpu.memref_slice %arg3[%dma_start3A_710, %dma_start3A_711] : memref<131072x128xf32, #tpu.memory_space<hbm>> -> memref<131072x128xf32, #tpu.memory_space<hbm>>
    tpu.enqueue_indirect_dma source(%dma_start3A_712 : memref<131072x128xf32, #tpu.memory_space<hbm>>) target(%arg13 : memref<64x128xf32, #tpu.memory_space<vmem>>) offsets(%dma_start3A_709 : memref<64xi32, #tpu.memory_space<vmem>>) semaphore(%arg23 : memref<!tpu.dma_semaphore, #tpu.memory_space<semaphore_mem>>)
    %dma_start3A_713 = arith.constant 0 : i32
    %dma_start3A_714 = arith.constant 576 : i32
    %dma_start3A_715 = tpu.memref_slice %arg8[%dma_start3A_713, %dma_start3A_714] : memref<2x1024xi32, #tpu.memory_space<vmem>> -> memref<1x64xi32, #tpu.memory_space<vmem>>
    %dma_start3A_716 = tpu.memref_squeeze %dma_start3A_715 : memref<1x64xi32, #tpu.memory_space<vmem>> -> memref<64xi32, #tpu.memory_space<vmem>>
    %dma_start3A_717 = arith.constant 0 : i32
    %dma_start3A_718 = arith.constant 0 : i32
    %dma_start3A_719 = tpu.memref_slice %arg4[%dma_start3A_717, %dma_start3A_718] : memref<131072x128xf32, #tpu.memory_space<hbm>> -> memref<131072x128xf32, #tpu.memory_space<hbm>>
    tpu.enqueue_indirect_dma source(%dma_start3A_719 : memref<131072x128xf32, #tpu.memory_space<hbm>>) target(%arg18 : memref<64x128xf32, #tpu.memory_space<vmem>>) offsets(%dma_start3A_716 : memref<64xi32, #tpu.memory_space<vmem>>) semaphore(%arg28 : memref<!tpu.dma_semaphore, #tpu.memory_space<semaphore_mem>>)
    %dma_wait3A_720 = arith.constant 0 : i32
    %dma_wait3A_721 = arith.constant 448 : i32
    %dma_wait3A_722 = tpu.memref_slice %arg8[%dma_wait3A_720, %dma_wait3A_721] : memref<2x1024xi32, #tpu.memory_space<vmem>> -> memref<1x64xi32, #tpu.memory_space<vmem>>
    %dma_wait3A_723 = tpu.memref_squeeze %dma_wait3A_722 : memref<1x64xi32, #tpu.memory_space<vmem>> -> memref<64xi32, #tpu.memory_space<vmem>>
    %dma_wait3A_724 = arith.constant 0 : i32
    %dma_wait3A_725 = arith.constant 0 : i32
    %dma_wait3A_726 = tpu.memref_slice %arg3[%dma_wait3A_724, %dma_wait3A_725] : memref<131072x128xf32, #tpu.memory_space<hbm>> -> memref<131072x128xf32, #tpu.memory_space<hbm>>
    tpu.wait_indirect_dma semaphore(%arg21 : memref<!tpu.dma_semaphore, #tpu.memory_space<semaphore_mem>>) src(%dma_wait3A_726 : memref<131072x128xf32, #tpu.memory_space<hbm>>) dst(%arg11 : memref<64x128xf32, #tpu.memory_space<vmem>>)
    %dma_wait3A_727 = arith.constant 0 : i32
    %dma_wait3A_728 = arith.constant 448 : i32
    %dma_wait3A_729 = tpu.memref_slice %arg8[%dma_wait3A_727, %dma_wait3A_728] : memref<2x1024xi32, #tpu.memory_space<vmem>> -> memref<1x64xi32, #tpu.memory_space<vmem>>
    %dma_wait3A_730 = tpu.memref_squeeze %dma_wait3A_729 : memref<1x64xi32, #tpu.memory_space<vmem>> -> memref<64xi32, #tpu.memory_space<vmem>>
    %dma_wait3A_731 = arith.constant 0 : i32
    %dma_wait3A_732 = arith.constant 0 : i32
    %dma_wait3A_733 = tpu.memref_slice %arg4[%dma_wait3A_731, %dma_wait3A_732] : memref<131072x128xf32, #tpu.memory_space<hbm>> -> memref<131072x128xf32, #tpu.memory_space<hbm>>
    tpu.wait_indirect_dma semaphore(%arg26 : memref<!tpu.dma_semaphore, #tpu.memory_space<semaphore_mem>>) src(%dma_wait3A_733 : memref<131072x128xf32, #tpu.memory_space<hbm>>) dst(%arg16 : memref<64x128xf32, #tpu.memory_space<vmem>>)
    %add3A_734 = arith.constant 0 : i32
    %add3A_735 = arith.addi %mul3A_2, %add3A_734 : i32
    %jit3A_736 = arith.constant 8 : i32
    %div3A_737 = arith.divsi %add3A_735, %jit3A_736 : i32
    %sign3A_738 = arith.constant 0 : i32
    %sign3A_739 = arith.cmpi sgt, %add3A_735, %sign3A_738 : i32
    %sign3A_740 = arith.extui %sign3A_739 : i1 to i32
    %sign3A_741 = arith.constant 0 : i32
    %sign3A_742 = arith.cmpi slt, %add3A_735, %sign3A_741 : i32
    %sign3A_743 = arith.extui %sign3A_742 : i1 to i32
    %sign3A_744 = arith.subi %sign3A_740, %sign3A_743 : i32
    %sign3A_745 = arith.constant 0 : i32
    %sign3A_746 = arith.cmpi sgt, %jit3A_736, %sign3A_745 : i32
    %sign3A_747 = arith.extui %sign3A_746 : i1 to i32
    %sign3A_748 = arith.constant 0 : i32
    %sign3A_749 = arith.cmpi slt, %jit3A_736, %sign3A_748 : i32
    %sign3A_750 = arith.extui %sign3A_749 : i1 to i32
    %sign3A_751 = arith.subi %sign3A_747, %sign3A_750 : i32
    %ne3A_752 = arith.cmpi ne, %sign3A_744, %sign3A_751 : i32
    %rem3A_753 = arith.remsi %add3A_735, %jit3A_736 : i32
    %ne3A_754 = arith.constant 0 : i32
    %ne3A_755 = arith.cmpi ne, %rem3A_753, %ne3A_754 : i32
    %and3A_756 = arith.andi %ne3A_752, %ne3A_755 : i1
    %sub3A_757 = arith.constant 1 : i32
    %sub3A_758 = arith.subi %div3A_737, %sub3A_757 : i32
    %select_n3A_759 = arith.select %and3A_756, %sub3A_758, %div3A_737 : i32
    %jit3A_760 = arith.constant 8 : i32
    %eq3A_761 = arith.constant 0 : i32
    %eq3A_762 = arith.cmpi eq, %jit3A_760, %eq3A_761 : i32
    %jit3A_763 = arith.constant 1 : i32
    %select_n3A_764 = arith.select %eq3A_762, %jit3A_763, %jit3A_760 : i32
    %rem3A_765 = arith.remsi %add3A_735, %select_n3A_764 : i32
    %ne3A_766 = arith.constant 0 : i32
    %ne3A_767 = arith.cmpi ne, %rem3A_765, %ne3A_766 : i32
    %lt3A_768 = arith.constant 0 : i32
    %lt3A_769 = arith.cmpi slt, %rem3A_765, %lt3A_768 : i32
    %lt3A_770 = arith.constant 0 : i32
    %lt3A_771 = arith.cmpi slt, %select_n3A_764, %lt3A_770 : i32
    %ne3A_772 = arith.xori %lt3A_769, %lt3A_771 : i1
    %and3A_773 = arith.andi %ne3A_772, %ne3A_767 : i1
    %add3A_774 = arith.addi %rem3A_765, %select_n3A_764 : i32
    %select_n3A_775 = arith.select %and3A_773, %add3A_774, %rem3A_765 : i32
    %dma_start3A_776 = arith.constant 448 : i32
    %dma_start3A_777 = arith.constant 0 : i32
    %dma_start3A_778 = tpu.memref_slice %arg5[%select_n3A_759, %dma_start3A_776, %select_n3A_775, %dma_start3A_777] : memref<8x1024x8x128xf32, #tpu.memory_space<hbm>> -> memref<1x64x1x128xf32, #tpu.memory_space<hbm>>
    %dma_start3A_779 = tpu.memref_squeeze %dma_start3A_778 : memref<1x64x1x128xf32, #tpu.memory_space<hbm>> -> memref<64x128xf32, #tpu.memory_space<hbm>>
    %dma_start3A_780 = arith.constant 448 : i32
    %dma_start3A_781 = arith.constant 0 : i32
    %dma_start3A_782 = tpu.memref_slice %arg5[%select_n3A_759, %dma_start3A_780, %select_n3A_775, %dma_start3A_781] : memref<8x1024x8x128xf32, #tpu.memory_space<hbm>> -> memref<1x64x1x128xf32, #tpu.memory_space<hbm>>
    %dma_start3A_783 = tpu.memref_squeeze %dma_start3A_782 : memref<1x64x1x128xf32, #tpu.memory_space<hbm>> -> memref<64x128xf32, #tpu.memory_space<hbm>>
    tpu.enqueue_dma source(%arg11 : memref<64x128xf32, #tpu.memory_space<vmem>>) target(%dma_start3A_783 : memref<64x128xf32, #tpu.memory_space<hbm>>) target_semaphore(%arg31 : memref<!tpu.dma_semaphore, #tpu.memory_space<semaphore_mem>>)
    %dma_start3A_784 = arith.constant 448 : i32
    %dma_start3A_785 = arith.constant 0 : i32
    %dma_start3A_786 = tpu.memref_slice %arg6[%select_n3A_759, %dma_start3A_784, %select_n3A_775, %dma_start3A_785] : memref<8x1024x8x128xf32, #tpu.memory_space<hbm>> -> memref<1x64x1x128xf32, #tpu.memory_space<hbm>>
    %dma_start3A_787 = tpu.memref_squeeze %dma_start3A_786 : memref<1x64x1x128xf32, #tpu.memory_space<hbm>> -> memref<64x128xf32, #tpu.memory_space<hbm>>
    %dma_start3A_788 = arith.constant 448 : i32
    %dma_start3A_789 = arith.constant 0 : i32
    %dma_start3A_790 = tpu.memref_slice %arg6[%select_n3A_759, %dma_start3A_788, %select_n3A_775, %dma_start3A_789] : memref<8x1024x8x128xf32, #tpu.memory_space<hbm>> -> memref<1x64x1x128xf32, #tpu.memory_space<hbm>>
    %dma_start3A_791 = tpu.memref_squeeze %dma_start3A_790 : memref<1x64x1x128xf32, #tpu.memory_space<hbm>> -> memref<64x128xf32, #tpu.memory_space<hbm>>
    tpu.enqueue_dma source(%arg16 : memref<64x128xf32, #tpu.memory_space<vmem>>) target(%dma_start3A_791 : memref<64x128xf32, #tpu.memory_space<hbm>>) target_semaphore(%arg36 : memref<!tpu.dma_semaphore, #tpu.memory_space<semaphore_mem>>)
    %dma_wait3A_792 = arith.constant 320 : i32
    %dma_wait3A_793 = arith.constant 0 : i32
    %dma_wait3A_794 = tpu.memref_slice %arg5[%select_n3A_555, %dma_wait3A_792, %select_n3A_571, %dma_wait3A_793] : memref<8x1024x8x128xf32, #tpu.memory_space<hbm>> -> memref<1x64x1x128xf32, #tpu.memory_space<hbm>>
    %dma_wait3A_795 = tpu.memref_squeeze %dma_wait3A_794 : memref<1x64x1x128xf32, #tpu.memory_space<hbm>> -> memref<64x128xf32, #tpu.memory_space<hbm>>
    %dma_wait3A_796 = arith.constant 320 : i32
    %dma_wait3A_797 = arith.constant 0 : i32
    %dma_wait3A_798 = tpu.memref_slice %arg5[%select_n3A_555, %dma_wait3A_796, %select_n3A_571, %dma_wait3A_797] : memref<8x1024x8x128xf32, #tpu.memory_space<hbm>> -> memref<1x64x1x128xf32, #tpu.memory_space<hbm>>
    %dma_wait3A_799 = tpu.memref_squeeze %dma_wait3A_798 : memref<1x64x1x128xf32, #tpu.memory_space<hbm>> -> memref<64x128xf32, #tpu.memory_space<hbm>>
    tpu.wait_dma2 semaphore(%arg29 : memref<!tpu.dma_semaphore, #tpu.memory_space<semaphore_mem>>) src(%arg9 : memref<64x128xf32, #tpu.memory_space<vmem>>) dst(%dma_wait3A_799 : memref<64x128xf32, #tpu.memory_space<hbm>>)
    %dma_wait3A_800 = arith.constant 320 : i32
    %dma_wait3A_801 = arith.constant 0 : i32
    %dma_wait3A_802 = tpu.memref_slice %arg6[%select_n3A_555, %dma_wait3A_800, %select_n3A_571, %dma_wait3A_801] : memref<8x1024x8x128xf32, #tpu.memory_space<hbm>> -> memref<1x64x1x128xf32, #tpu.memory_space<hbm>>
    %dma_wait3A_803 = tpu.memref_squeeze %dma_wait3A_802 : memref<1x64x1x128xf32, #tpu.memory_space<hbm>> -> memref<64x128xf32, #tpu.memory_space<hbm>>
    %dma_wait3A_804 = arith.constant 320 : i32
    %dma_wait3A_805 = arith.constant 0 : i32
    %dma_wait3A_806 = tpu.memref_slice %arg6[%select_n3A_555, %dma_wait3A_804, %select_n3A_571, %dma_wait3A_805] : memref<8x1024x8x128xf32, #tpu.memory_space<hbm>> -> memref<1x64x1x128xf32, #tpu.memory_space<hbm>>
    %dma_wait3A_807 = tpu.memref_squeeze %dma_wait3A_806 : memref<1x64x1x128xf32, #tpu.memory_space<hbm>> -> memref<64x128xf32, #tpu.memory_space<hbm>>
    tpu.wait_dma2 semaphore(%arg34 : memref<!tpu.dma_semaphore, #tpu.memory_space<semaphore_mem>>) src(%arg14 : memref<64x128xf32, #tpu.memory_space<vmem>>) dst(%dma_wait3A_807 : memref<64x128xf32, #tpu.memory_space<hbm>>)
    %dma_start3A_808 = arith.constant 0 : i32
    %dma_start3A_809 = arith.constant 640 : i32
    %dma_start3A_810 = tpu.memref_slice %arg8[%dma_start3A_808, %dma_start3A_809] : memref<2x1024xi32, #tpu.memory_space<vmem>> -> memref<1x64xi32, #tpu.memory_space<vmem>>
    %dma_start3A_811 = tpu.memref_squeeze %dma_start3A_810 : memref<1x64xi32, #tpu.memory_space<vmem>> -> memref<64xi32, #tpu.memory_space<vmem>>
    %dma_start3A_812 = arith.constant 0 : i32
    %dma_start3A_813 = arith.constant 0 : i32
    %dma_start3A_814 = tpu.memref_slice %arg3[%dma_start3A_812, %dma_start3A_813] : memref<131072x128xf32, #tpu.memory_space<hbm>> -> memref<131072x128xf32, #tpu.memory_space<hbm>>
    tpu.enqueue_indirect_dma source(%dma_start3A_814 : memref<131072x128xf32, #tpu.memory_space<hbm>>) target(%arg9 : memref<64x128xf32, #tpu.memory_space<vmem>>) offsets(%dma_start3A_811 : memref<64xi32, #tpu.memory_space<vmem>>) semaphore(%arg19 : memref<!tpu.dma_semaphore, #tpu.memory_space<semaphore_mem>>)
    %dma_start3A_815 = arith.constant 0 : i32
    %dma_start3A_816 = arith.constant 640 : i32
    %dma_start3A_817 = tpu.memref_slice %arg8[%dma_start3A_815, %dma_start3A_816] : memref<2x1024xi32, #tpu.memory_space<vmem>> -> memref<1x64xi32, #tpu.memory_space<vmem>>
    %dma_start3A_818 = tpu.memref_squeeze %dma_start3A_817 : memref<1x64xi32, #tpu.memory_space<vmem>> -> memref<64xi32, #tpu.memory_space<vmem>>
    %dma_start3A_819 = arith.constant 0 : i32
    %dma_start3A_820 = arith.constant 0 : i32
    %dma_start3A_821 = tpu.memref_slice %arg4[%dma_start3A_819, %dma_start3A_820] : memref<131072x128xf32, #tpu.memory_space<hbm>> -> memref<131072x128xf32, #tpu.memory_space<hbm>>
    tpu.enqueue_indirect_dma source(%dma_start3A_821 : memref<131072x128xf32, #tpu.memory_space<hbm>>) target(%arg14 : memref<64x128xf32, #tpu.memory_space<vmem>>) offsets(%dma_start3A_818 : memref<64xi32, #tpu.memory_space<vmem>>) semaphore(%arg24 : memref<!tpu.dma_semaphore, #tpu.memory_space<semaphore_mem>>)
    %dma_wait3A_822 = arith.constant 0 : i32
    %dma_wait3A_823 = arith.constant 512 : i32
    %dma_wait3A_824 = tpu.memref_slice %arg8[%dma_wait3A_822, %dma_wait3A_823] : memref<2x1024xi32, #tpu.memory_space<vmem>> -> memref<1x64xi32, #tpu.memory_space<vmem>>
    %dma_wait3A_825 = tpu.memref_squeeze %dma_wait3A_824 : memref<1x64xi32, #tpu.memory_space<vmem>> -> memref<64xi32, #tpu.memory_space<vmem>>
    %dma_wait3A_826 = arith.constant 0 : i32
    %dma_wait3A_827 = arith.constant 0 : i32
    %dma_wait3A_828 = tpu.memref_slice %arg3[%dma_wait3A_826, %dma_wait3A_827] : memref<131072x128xf32, #tpu.memory_space<hbm>> -> memref<131072x128xf32, #tpu.memory_space<hbm>>
    tpu.wait_indirect_dma semaphore(%arg22 : memref<!tpu.dma_semaphore, #tpu.memory_space<semaphore_mem>>) src(%dma_wait3A_828 : memref<131072x128xf32, #tpu.memory_space<hbm>>) dst(%arg12 : memref<64x128xf32, #tpu.memory_space<vmem>>)
    %dma_wait3A_829 = arith.constant 0 : i32
    %dma_wait3A_830 = arith.constant 512 : i32
    %dma_wait3A_831 = tpu.memref_slice %arg8[%dma_wait3A_829, %dma_wait3A_830] : memref<2x1024xi32, #tpu.memory_space<vmem>> -> memref<1x64xi32, #tpu.memory_space<vmem>>
    %dma_wait3A_832 = tpu.memref_squeeze %dma_wait3A_831 : memref<1x64xi32, #tpu.memory_space<vmem>> -> memref<64xi32, #tpu.memory_space<vmem>>
    %dma_wait3A_833 = arith.constant 0 : i32
    %dma_wait3A_834 = arith.constant 0 : i32
    %dma_wait3A_835 = tpu.memref_slice %arg4[%dma_wait3A_833, %dma_wait3A_834] : memref<131072x128xf32, #tpu.memory_space<hbm>> -> memref<131072x128xf32, #tpu.memory_space<hbm>>
    tpu.wait_indirect_dma semaphore(%arg27 : memref<!tpu.dma_semaphore, #tpu.memory_space<semaphore_mem>>) src(%dma_wait3A_835 : memref<131072x128xf32, #tpu.memory_space<hbm>>) dst(%arg17 : memref<64x128xf32, #tpu.memory_space<vmem>>)
    %add3A_836 = arith.constant 0 : i32
    %add3A_837 = arith.addi %mul3A_2, %add3A_836 : i32
    %jit3A_838 = arith.constant 8 : i32
    %div3A_839 = arith.divsi %add3A_837, %jit3A_838 : i32
    %sign3A_840 = arith.constant 0 : i32
    %sign3A_841 = arith.cmpi sgt, %add3A_837, %sign3A_840 : i32
    %sign3A_842 = arith.extui %sign3A_841 : i1 to i32
    %sign3A_843 = arith.constant 0 : i32
    %sign3A_844 = arith.cmpi slt, %add3A_837, %sign3A_843 : i32
    %sign3A_845 = arith.extui %sign3A_844 : i1 to i32
    %sign3A_846 = arith.subi %sign3A_842, %sign3A_845 : i32
    %sign3A_847 = arith.constant 0 : i32
    %sign3A_848 = arith.cmpi sgt, %jit3A_838, %sign3A_847 : i32
    %sign3A_849 = arith.extui %sign3A_848 : i1 to i32
    %sign3A_850 = arith.constant 0 : i32
    %sign3A_851 = arith.cmpi slt, %jit3A_838, %sign3A_850 : i32
    %sign3A_852 = arith.extui %sign3A_851 : i1 to i32
    %sign3A_853 = arith.subi %sign3A_849, %sign3A_852 : i32
    %ne3A_854 = arith.cmpi ne, %sign3A_846, %sign3A_853 : i32
    %rem3A_855 = arith.remsi %add3A_837, %jit3A_838 : i32
    %ne3A_856 = arith.constant 0 : i32
    %ne3A_857 = arith.cmpi ne, %rem3A_855, %ne3A_856 : i32
    %and3A_858 = arith.andi %ne3A_854, %ne3A_857 : i1
    %sub3A_859 = arith.constant 1 : i32
    %sub3A_860 = arith.subi %div3A_839, %sub3A_859 : i32
    %select_n3A_861 = arith.select %and3A_858, %sub3A_860, %div3A_839 : i32
    %jit3A_862 = arith.constant 8 : i32
    %eq3A_863 = arith.constant 0 : i32
    %eq3A_864 = arith.cmpi eq, %jit3A_862, %eq3A_863 : i32
    %jit3A_865 = arith.constant 1 : i32
    %select_n3A_866 = arith.select %eq3A_864, %jit3A_865, %jit3A_862 : i32
    %rem3A_867 = arith.remsi %add3A_837, %select_n3A_866 : i32
    %ne3A_868 = arith.constant 0 : i32
    %ne3A_869 = arith.cmpi ne, %rem3A_867, %ne3A_868 : i32
    %lt3A_870 = arith.constant 0 : i32
    %lt3A_871 = arith.cmpi slt, %rem3A_867, %lt3A_870 : i32
    %lt3A_872 = arith.constant 0 : i32
    %lt3A_873 = arith.cmpi slt, %select_n3A_866, %lt3A_872 : i32
    %ne3A_874 = arith.xori %lt3A_871, %lt3A_873 : i1
    %and3A_875 = arith.andi %ne3A_874, %ne3A_869 : i1
    %add3A_876 = arith.addi %rem3A_867, %select_n3A_866 : i32
    %select_n3A_877 = arith.select %and3A_875, %add3A_876, %rem3A_867 : i32
    %dma_start3A_878 = arith.constant 512 : i32
    %dma_start3A_879 = arith.constant 0 : i32
    %dma_start3A_880 = tpu.memref_slice %arg5[%select_n3A_861, %dma_start3A_878, %select_n3A_877, %dma_start3A_879] : memref<8x1024x8x128xf32, #tpu.memory_space<hbm>> -> memref<1x64x1x128xf32, #tpu.memory_space<hbm>>
    %dma_start3A_881 = tpu.memref_squeeze %dma_start3A_880 : memref<1x64x1x128xf32, #tpu.memory_space<hbm>> -> memref<64x128xf32, #tpu.memory_space<hbm>>
    %dma_start3A_882 = arith.constant 512 : i32
    %dma_start3A_883 = arith.constant 0 : i32
    %dma_start3A_884 = tpu.memref_slice %arg5[%select_n3A_861, %dma_start3A_882, %select_n3A_877, %dma_start3A_883] : memref<8x1024x8x128xf32, #tpu.memory_space<hbm>> -> memref<1x64x1x128xf32, #tpu.memory_space<hbm>>
    %dma_start3A_885 = tpu.memref_squeeze %dma_start3A_884 : memref<1x64x1x128xf32, #tpu.memory_space<hbm>> -> memref<64x128xf32, #tpu.memory_space<hbm>>
    tpu.enqueue_dma source(%arg12 : memref<64x128xf32, #tpu.memory_space<vmem>>) target(%dma_start3A_885 : memref<64x128xf32, #tpu.memory_space<hbm>>) target_semaphore(%arg32 : memref<!tpu.dma_semaphore, #tpu.memory_space<semaphore_mem>>)
    %dma_start3A_886 = arith.constant 512 : i32
    %dma_start3A_887 = arith.constant 0 : i32
    %dma_start3A_888 = tpu.memref_slice %arg6[%select_n3A_861, %dma_start3A_886, %select_n3A_877, %dma_start3A_887] : memref<8x1024x8x128xf32, #tpu.memory_space<hbm>> -> memref<1x64x1x128xf32, #tpu.memory_space<hbm>>
    %dma_start3A_889 = tpu.memref_squeeze %dma_start3A_888 : memref<1x64x1x128xf32, #tpu.memory_space<hbm>> -> memref<64x128xf32, #tpu.memory_space<hbm>>
    %dma_start3A_890 = arith.constant 512 : i32
    %dma_start3A_891 = arith.constant 0 : i32
    %dma_start3A_892 = tpu.memref_slice %arg6[%select_n3A_861, %dma_start3A_890, %select_n3A_877, %dma_start3A_891] : memref<8x1024x8x128xf32, #tpu.memory_space<hbm>> -> memref<1x64x1x128xf32, #tpu.memory_space<hbm>>
    %dma_start3A_893 = tpu.memref_squeeze %dma_start3A_892 : memref<1x64x1x128xf32, #tpu.memory_space<hbm>> -> memref<64x128xf32, #tpu.memory_space<hbm>>
    tpu.enqueue_dma source(%arg17 : memref<64x128xf32, #tpu.memory_space<vmem>>) target(%dma_start3A_893 : memref<64x128xf32, #tpu.memory_space<hbm>>) target_semaphore(%arg37 : memref<!tpu.dma_semaphore, #tpu.memory_space<semaphore_mem>>)
    %dma_wait3A_894 = arith.constant 384 : i32
    %dma_wait3A_895 = arith.constant 0 : i32
    %dma_wait3A_896 = tpu.memref_slice %arg5[%select_n3A_657, %dma_wait3A_894, %select_n3A_673, %dma_wait3A_895] : memref<8x1024x8x128xf32, #tpu.memory_space<hbm>> -> memref<1x64x1x128xf32, #tpu.memory_space<hbm>>
    %dma_wait3A_897 = tpu.memref_squeeze %dma_wait3A_896 : memref<1x64x1x128xf32, #tpu.memory_space<hbm>> -> memref<64x128xf32, #tpu.memory_space<hbm>>
    %dma_wait3A_898 = arith.constant 384 : i32
    %dma_wait3A_899 = arith.constant 0 : i32
    %dma_wait3A_900 = tpu.memref_slice %arg5[%select_n3A_657, %dma_wait3A_898, %select_n3A_673, %dma_wait3A_899] : memref<8x1024x8x128xf32, #tpu.memory_space<hbm>> -> memref<1x64x1x128xf32, #tpu.memory_space<hbm>>
    %dma_wait3A_901 = tpu.memref_squeeze %dma_wait3A_900 : memref<1x64x1x128xf32, #tpu.memory_space<hbm>> -> memref<64x128xf32, #tpu.memory_space<hbm>>
    tpu.wait_dma2 semaphore(%arg30 : memref<!tpu.dma_semaphore, #tpu.memory_space<semaphore_mem>>) src(%arg10 : memref<64x128xf32, #tpu.memory_space<vmem>>) dst(%dma_wait3A_901 : memref<64x128xf32, #tpu.memory_space<hbm>>)
    %dma_wait3A_902 = arith.constant 384 : i32
    %dma_wait3A_903 = arith.constant 0 : i32
    %dma_wait3A_904 = tpu.memref_slice %arg6[%select_n3A_657, %dma_wait3A_902, %select_n3A_673, %dma_wait3A_903] : memref<8x1024x8x128xf32, #tpu.memory_space<hbm>> -> memref<1x64x1x128xf32, #tpu.memory_space<hbm>>
    %dma_wait3A_905 = tpu.memref_squeeze %dma_wait3A_904 : memref<1x64x1x128xf32, #tpu.memory_space<hbm>> -> memref<64x128xf32, #tpu.memory_space<hbm>>
    %dma_wait3A_906 = arith.constant 384 : i32
    %dma_wait3A_907 = arith.constant 0 : i32
    %dma_wait3A_908 = tpu.memref_slice %arg6[%select_n3A_657, %dma_wait3A_906, %select_n3A_673, %dma_wait3A_907] : memref<8x1024x8x128xf32, #tpu.memory_space<hbm>> -> memref<1x64x1x128xf32, #tpu.memory_space<hbm>>
    %dma_wait3A_909 = tpu.memref_squeeze %dma_wait3A_908 : memref<1x64x1x128xf32, #tpu.memory_space<hbm>> -> memref<64x128xf32, #tpu.memory_space<hbm>>
    tpu.wait_dma2 semaphore(%arg35 : memref<!tpu.dma_semaphore, #tpu.memory_space<semaphore_mem>>) src(%arg15 : memref<64x128xf32, #tpu.memory_space<vmem>>) dst(%dma_wait3A_909 : memref<64x128xf32, #tpu.memory_space<hbm>>)
    %dma_start3A_910 = arith.constant 0 : i32
    %dma_start3A_911 = arith.constant 704 : i32
    %dma_start3A_912 = tpu.memref_slice %arg8[%dma_start3A_910, %dma_start3A_911] : memref<2x1024xi32, #tpu.memory_space<vmem>> -> memref<1x64xi32, #tpu.memory_space<vmem>>
    %dma_start3A_913 = tpu.memref_squeeze %dma_start3A_912 : memref<1x64xi32, #tpu.memory_space<vmem>> -> memref<64xi32, #tpu.memory_space<vmem>>
    %dma_start3A_914 = arith.constant 0 : i32
    %dma_start3A_915 = arith.constant 0 : i32
    %dma_start3A_916 = tpu.memref_slice %arg3[%dma_start3A_914, %dma_start3A_915] : memref<131072x128xf32, #tpu.memory_space<hbm>> -> memref<131072x128xf32, #tpu.memory_space<hbm>>
    tpu.enqueue_indirect_dma source(%dma_start3A_916 : memref<131072x128xf32, #tpu.memory_space<hbm>>) target(%arg10 : memref<64x128xf32, #tpu.memory_space<vmem>>) offsets(%dma_start3A_913 : memref<64xi32, #tpu.memory_space<vmem>>) semaphore(%arg20 : memref<!tpu.dma_semaphore, #tpu.memory_space<semaphore_mem>>)
    %dma_start3A_917 = arith.constant 0 : i32
    %dma_start3A_918 = arith.constant 704 : i32
    %dma_start3A_919 = tpu.memref_slice %arg8[%dma_start3A_917, %dma_start3A_918] : memref<2x1024xi32, #tpu.memory_space<vmem>> -> memref<1x64xi32, #tpu.memory_space<vmem>>
    %dma_start3A_920 = tpu.memref_squeeze %dma_start3A_919 : memref<1x64xi32, #tpu.memory_space<vmem>> -> memref<64xi32, #tpu.memory_space<vmem>>
    %dma_start3A_921 = arith.constant 0 : i32
    %dma_start3A_922 = arith.constant 0 : i32
    %dma_start3A_923 = tpu.memref_slice %arg4[%dma_start3A_921, %dma_start3A_922] : memref<131072x128xf32, #tpu.memory_space<hbm>> -> memref<131072x128xf32, #tpu.memory_space<hbm>>
    tpu.enqueue_indirect_dma source(%dma_start3A_923 : memref<131072x128xf32, #tpu.memory_space<hbm>>) target(%arg15 : memref<64x128xf32, #tpu.memory_space<vmem>>) offsets(%dma_start3A_920 : memref<64xi32, #tpu.memory_space<vmem>>) semaphore(%arg25 : memref<!tpu.dma_semaphore, #tpu.memory_space<semaphore_mem>>)
    %dma_wait3A_924 = arith.constant 0 : i32
    %dma_wait3A_925 = arith.constant 576 : i32
    %dma_wait3A_926 = tpu.memref_slice %arg8[%dma_wait3A_924, %dma_wait3A_925] : memref<2x1024xi32, #tpu.memory_space<vmem>> -> memref<1x64xi32, #tpu.memory_space<vmem>>
    %dma_wait3A_927 = tpu.memref_squeeze %dma_wait3A_926 : memref<1x64xi32, #tpu.memory_space<vmem>> -> memref<64xi32, #tpu.memory_space<vmem>>
    %dma_wait3A_928 = arith.constant 0 : i32
    %dma_wait3A_929 = arith.constant 0 : i32
    %dma_wait3A_930 = tpu.memref_slice %arg3[%dma_wait3A_928, %dma_wait3A_929] : memref<131072x128xf32, #tpu.memory_space<hbm>> -> memref<131072x128xf32, #tpu.memory_space<hbm>>
    tpu.wait_indirect_dma semaphore(%arg23 : memref<!tpu.dma_semaphore, #tpu.memory_space<semaphore_mem>>) src(%dma_wait3A_930 : memref<131072x128xf32, #tpu.memory_space<hbm>>) dst(%arg13 : memref<64x128xf32, #tpu.memory_space<vmem>>)
    %dma_wait3A_931 = arith.constant 0 : i32
    %dma_wait3A_932 = arith.constant 576 : i32
    %dma_wait3A_933 = tpu.memref_slice %arg8[%dma_wait3A_931, %dma_wait3A_932] : memref<2x1024xi32, #tpu.memory_space<vmem>> -> memref<1x64xi32, #tpu.memory_space<vmem>>
    %dma_wait3A_934 = tpu.memref_squeeze %dma_wait3A_933 : memref<1x64xi32, #tpu.memory_space<vmem>> -> memref<64xi32, #tpu.memory_space<vmem>>
    %dma_wait3A_935 = arith.constant 0 : i32
    %dma_wait3A_936 = arith.constant 0 : i32
    %dma_wait3A_937 = tpu.memref_slice %arg4[%dma_wait3A_935, %dma_wait3A_936] : memref<131072x128xf32, #tpu.memory_space<hbm>> -> memref<131072x128xf32, #tpu.memory_space<hbm>>
    tpu.wait_indirect_dma semaphore(%arg28 : memref<!tpu.dma_semaphore, #tpu.memory_space<semaphore_mem>>) src(%dma_wait3A_937 : memref<131072x128xf32, #tpu.memory_space<hbm>>) dst(%arg18 : memref<64x128xf32, #tpu.memory_space<vmem>>)
    %add3A_938 = arith.constant 0 : i32
    %add3A_939 = arith.addi %mul3A_2, %add3A_938 : i32
    %jit3A_940 = arith.constant 8 : i32
    %div3A_941 = arith.divsi %add3A_939, %jit3A_940 : i32
    %sign3A_942 = arith.constant 0 : i32
    %sign3A_943 = arith.cmpi sgt, %add3A_939, %sign3A_942 : i32
    %sign3A_944 = arith.extui %sign3A_943 : i1 to i32
    %sign3A_945 = arith.constant 0 : i32
    %sign3A_946 = arith.cmpi slt, %add3A_939, %sign3A_945 : i32
    %sign3A_947 = arith.extui %sign3A_946 : i1 to i32
    %sign3A_948 = arith.subi %sign3A_944, %sign3A_947 : i32
    %sign3A_949 = arith.constant 0 : i32
    %sign3A_950 = arith.cmpi sgt, %jit3A_940, %sign3A_949 : i32
    %sign3A_951 = arith.extui %sign3A_950 : i1 to i32
    %sign3A_952 = arith.constant 0 : i32
    %sign3A_953 = arith.cmpi slt, %jit3A_940, %sign3A_952 : i32
    %sign3A_954 = arith.extui %sign3A_953 : i1 to i32
    %sign3A_955 = arith.subi %sign3A_951, %sign3A_954 : i32
    %ne3A_956 = arith.cmpi ne, %sign3A_948, %sign3A_955 : i32
    %rem3A_957 = arith.remsi %add3A_939, %jit3A_940 : i32
    %ne3A_958 = arith.constant 0 : i32
    %ne3A_959 = arith.cmpi ne, %rem3A_957, %ne3A_958 : i32
    %and3A_960 = arith.andi %ne3A_956, %ne3A_959 : i1
    %sub3A_961 = arith.constant 1 : i32
    %sub3A_962 = arith.subi %div3A_941, %sub3A_961 : i32
    %select_n3A_963 = arith.select %and3A_960, %sub3A_962, %div3A_941 : i32
    %jit3A_964 = arith.constant 8 : i32
    %eq3A_965 = arith.constant 0 : i32
    %eq3A_966 = arith.cmpi eq, %jit3A_964, %eq3A_965 : i32
    %jit3A_967 = arith.constant 1 : i32
    %select_n3A_968 = arith.select %eq3A_966, %jit3A_967, %jit3A_964 : i32
    %rem3A_969 = arith.remsi %add3A_939, %select_n3A_968 : i32
    %ne3A_970 = arith.constant 0 : i32
    %ne3A_971 = arith.cmpi ne, %rem3A_969, %ne3A_970 : i32
    %lt3A_972 = arith.constant 0 : i32
    %lt3A_973 = arith.cmpi slt, %rem3A_969, %lt3A_972 : i32
    %lt3A_974 = arith.constant 0 : i32
    %lt3A_975 = arith.cmpi slt, %select_n3A_968, %lt3A_974 : i32
    %ne3A_976 = arith.xori %lt3A_973, %lt3A_975 : i1
    %and3A_977 = arith.andi %ne3A_976, %ne3A_971 : i1
    %add3A_978 = arith.addi %rem3A_969, %select_n3A_968 : i32
    %select_n3A_979 = arith.select %and3A_977, %add3A_978, %rem3A_969 : i32
    %dma_start3A_980 = arith.constant 576 : i32
    %dma_start3A_981 = arith.constant 0 : i32
    %dma_start3A_982 = tpu.memref_slice %arg5[%select_n3A_963, %dma_start3A_980, %select_n3A_979, %dma_start3A_981] : memref<8x1024x8x128xf32, #tpu.memory_space<hbm>> -> memref<1x64x1x128xf32, #tpu.memory_space<hbm>>
    %dma_start3A_983 = tpu.memref_squeeze %dma_start3A_982 : memref<1x64x1x128xf32, #tpu.memory_space<hbm>> -> memref<64x128xf32, #tpu.memory_space<hbm>>
    %dma_start3A_984 = arith.constant 576 : i32
    %dma_start3A_985 = arith.constant 0 : i32
    %dma_start3A_986 = tpu.memref_slice %arg5[%select_n3A_963, %dma_start3A_984, %select_n3A_979, %dma_start3A_985] : memref<8x1024x8x128xf32, #tpu.memory_space<hbm>> -> memref<1x64x1x128xf32, #tpu.memory_space<hbm>>
    %dma_start3A_987 = tpu.memref_squeeze %dma_start3A_986 : memref<1x64x1x128xf32, #tpu.memory_space<hbm>> -> memref<64x128xf32, #tpu.memory_space<hbm>>
    tpu.enqueue_dma source(%arg13 : memref<64x128xf32, #tpu.memory_space<vmem>>) target(%dma_start3A_987 : memref<64x128xf32, #tpu.memory_space<hbm>>) target_semaphore(%arg33 : memref<!tpu.dma_semaphore, #tpu.memory_space<semaphore_mem>>)
    %dma_start3A_988 = arith.constant 576 : i32
    %dma_start3A_989 = arith.constant 0 : i32
    %dma_start3A_990 = tpu.memref_slice %arg6[%select_n3A_963, %dma_start3A_988, %select_n3A_979, %dma_start3A_989] : memref<8x1024x8x128xf32, #tpu.memory_space<hbm>> -> memref<1x64x1x128xf32, #tpu.memory_space<hbm>>
    %dma_start3A_991 = tpu.memref_squeeze %dma_start3A_990 : memref<1x64x1x128xf32, #tpu.memory_space<hbm>> -> memref<64x128xf32, #tpu.memory_space<hbm>>
    %dma_start3A_992 = arith.constant 576 : i32
    %dma_start3A_993 = arith.constant 0 : i32
    %dma_start3A_994 = tpu.memref_slice %arg6[%select_n3A_963, %dma_start3A_992, %select_n3A_979, %dma_start3A_993] : memref<8x1024x8x128xf32, #tpu.memory_space<hbm>> -> memref<1x64x1x128xf32, #tpu.memory_space<hbm>>
    %dma_start3A_995 = tpu.memref_squeeze %dma_start3A_994 : memref<1x64x1x128xf32, #tpu.memory_space<hbm>> -> memref<64x128xf32, #tpu.memory_space<hbm>>
    tpu.enqueue_dma source(%arg18 : memref<64x128xf32, #tpu.memory_space<vmem>>) target(%dma_start3A_995 : memref<64x128xf32, #tpu.memory_space<hbm>>) target_semaphore(%arg38 : memref<!tpu.dma_semaphore, #tpu.memory_space<semaphore_mem>>)
    %dma_wait3A_996 = arith.constant 448 : i32
    %dma_wait3A_997 = arith.constant 0 : i32
    %dma_wait3A_998 = tpu.memref_slice %arg5[%select_n3A_759, %dma_wait3A_996, %select_n3A_775, %dma_wait3A_997] : memref<8x1024x8x128xf32, #tpu.memory_space<hbm>> -> memref<1x64x1x128xf32, #tpu.memory_space<hbm>>
    %dma_wait3A_999 = tpu.memref_squeeze %dma_wait3A_998 : memref<1x64x1x128xf32, #tpu.memory_space<hbm>> -> memref<64x128xf32, #tpu.memory_space<hbm>>
    %dma_wait3A_1000 = arith.constant 448 : i32
    %dma_wait3A_1001 = arith.constant 0 : i32
    %dma_wait3A_1002 = tpu.memref_slice %arg5[%select_n3A_759, %dma_wait3A_1000, %select_n3A_775, %dma_wait3A_1001] : memref<8x1024x8x128xf32, #tpu.memory_space<hbm>> -> memref<1x64x1x128xf32, #tpu.memory_space<hbm>>
    %dma_wait3A_1003 = tpu.memref_squeeze %dma_wait3A_1002 : memref<1x64x1x128xf32, #tpu.memory_space<hbm>> -> memref<64x128xf32, #tpu.memory_space<hbm>>
    tpu.wait_dma2 semaphore(%arg31 : memref<!tpu.dma_semaphore, #tpu.memory_space<semaphore_mem>>) src(%arg11 : memref<64x128xf32, #tpu.memory_space<vmem>>) dst(%dma_wait3A_1003 : memref<64x128xf32, #tpu.memory_space<hbm>>)
    %dma_wait3A_1004 = arith.constant 448 : i32
    %dma_wait3A_1005 = arith.constant 0 : i32
    %dma_wait3A_1006 = tpu.memref_slice %arg6[%select_n3A_759, %dma_wait3A_1004, %select_n3A_775, %dma_wait3A_1005] : memref<8x1024x8x128xf32, #tpu.memory_space<hbm>> -> memref<1x64x1x128xf32, #tpu.memory_space<hbm>>
    %dma_wait3A_1007 = tpu.memref_squeeze %dma_wait3A_1006 : memref<1x64x1x128xf32, #tpu.memory_space<hbm>> -> memref<64x128xf32, #tpu.memory_space<hbm>>
    %dma_wait3A_1008 = arith.constant 448 : i32
    %dma_wait3A_1009 = arith.constant 0 : i32
    %dma_wait3A_1010 = tpu.memref_slice %arg6[%select_n3A_759, %dma_wait3A_1008, %select_n3A_775, %dma_wait3A_1009] : memref<8x1024x8x128xf32, #tpu.memory_space<hbm>> -> memref<1x64x1x128xf32, #tpu.memory_space<hbm>>
    %dma_wait3A_1011 = tpu.memref_squeeze %dma_wait3A_1010 : memref<1x64x1x128xf32, #tpu.memory_space<hbm>> -> memref<64x128xf32, #tpu.memory_space<hbm>>
    tpu.wait_dma2 semaphore(%arg36 : memref<!tpu.dma_semaphore, #tpu.memory_space<semaphore_mem>>) src(%arg16 : memref<64x128xf32, #tpu.memory_space<vmem>>) dst(%dma_wait3A_1011 : memref<64x128xf32, #tpu.memory_space<hbm>>)
    %dma_start3A_1012 = arith.constant 0 : i32
    %dma_start3A_1013 = arith.constant 768 : i32
    %dma_start3A_1014 = tpu.memref_slice %arg8[%dma_start3A_1012, %dma_start3A_1013] : memref<2x1024xi32, #tpu.memory_space<vmem>> -> memref<1x64xi32, #tpu.memory_space<vmem>>
    %dma_start3A_1015 = tpu.memref_squeeze %dma_start3A_1014 : memref<1x64xi32, #tpu.memory_space<vmem>> -> memref<64xi32, #tpu.memory_space<vmem>>
    %dma_start3A_1016 = arith.constant 0 : i32
    %dma_start3A_1017 = arith.constant 0 : i32
    %dma_start3A_1018 = tpu.memref_slice %arg3[%dma_start3A_1016, %dma_start3A_1017] : memref<131072x128xf32, #tpu.memory_space<hbm>> -> memref<131072x128xf32, #tpu.memory_space<hbm>>
    tpu.enqueue_indirect_dma source(%dma_start3A_1018 : memref<131072x128xf32, #tpu.memory_space<hbm>>) target(%arg11 : memref<64x128xf32, #tpu.memory_space<vmem>>) offsets(%dma_start3A_1015 : memref<64xi32, #tpu.memory_space<vmem>>) semaphore(%arg21 : memref<!tpu.dma_semaphore, #tpu.memory_space<semaphore_mem>>)
    %dma_start3A_1019 = arith.constant 0 : i32
    %dma_start3A_1020 = arith.constant 768 : i32
    %dma_start3A_1021 = tpu.memref_slice %arg8[%dma_start3A_1019, %dma_start3A_1020] : memref<2x1024xi32, #tpu.memory_space<vmem>> -> memref<1x64xi32, #tpu.memory_space<vmem>>
    %dma_start3A_1022 = tpu.memref_squeeze %dma_start3A_1021 : memref<1x64xi32, #tpu.memory_space<vmem>> -> memref<64xi32, #tpu.memory_space<vmem>>
    %dma_start3A_1023 = arith.constant 0 : i32
    %dma_start3A_1024 = arith.constant 0 : i32
    %dma_start3A_1025 = tpu.memref_slice %arg4[%dma_start3A_1023, %dma_start3A_1024] : memref<131072x128xf32, #tpu.memory_space<hbm>> -> memref<131072x128xf32, #tpu.memory_space<hbm>>
    tpu.enqueue_indirect_dma source(%dma_start3A_1025 : memref<131072x128xf32, #tpu.memory_space<hbm>>) target(%arg16 : memref<64x128xf32, #tpu.memory_space<vmem>>) offsets(%dma_start3A_1022 : memref<64xi32, #tpu.memory_space<vmem>>) semaphore(%arg26 : memref<!tpu.dma_semaphore, #tpu.memory_space<semaphore_mem>>)
    %dma_wait3A_1026 = arith.constant 0 : i32
    %dma_wait3A_1027 = arith.constant 640 : i32
    %dma_wait3A_1028 = tpu.memref_slice %arg8[%dma_wait3A_1026, %dma_wait3A_1027] : memref<2x1024xi32, #tpu.memory_space<vmem>> -> memref<1x64xi32, #tpu.memory_space<vmem>>
    %dma_wait3A_1029 = tpu.memref_squeeze %dma_wait3A_1028 : memref<1x64xi32, #tpu.memory_space<vmem>> -> memref<64xi32, #tpu.memory_space<vmem>>
    %dma_wait3A_1030 = arith.constant 0 : i32
    %dma_wait3A_1031 = arith.constant 0 : i32
    %dma_wait3A_1032 = tpu.memref_slice %arg3[%dma_wait3A_1030, %dma_wait3A_1031] : memref<131072x128xf32, #tpu.memory_space<hbm>> -> memref<131072x128xf32, #tpu.memory_space<hbm>>
    tpu.wait_indirect_dma semaphore(%arg19 : memref<!tpu.dma_semaphore, #tpu.memory_space<semaphore_mem>>) src(%dma_wait3A_1032 : memref<131072x128xf32, #tpu.memory_space<hbm>>) dst(%arg9 : memref<64x128xf32, #tpu.memory_space<vmem>>)
    %dma_wait3A_1033 = arith.constant 0 : i32
    %dma_wait3A_1034 = arith.constant 640 : i32
    %dma_wait3A_1035 = tpu.memref_slice %arg8[%dma_wait3A_1033, %dma_wait3A_1034] : memref<2x1024xi32, #tpu.memory_space<vmem>> -> memref<1x64xi32, #tpu.memory_space<vmem>>
    %dma_wait3A_1036 = tpu.memref_squeeze %dma_wait3A_1035 : memref<1x64xi32, #tpu.memory_space<vmem>> -> memref<64xi32, #tpu.memory_space<vmem>>
    %dma_wait3A_1037 = arith.constant 0 : i32
    %dma_wait3A_1038 = arith.constant 0 : i32
    %dma_wait3A_1039 = tpu.memref_slice %arg4[%dma_wait3A_1037, %dma_wait3A_1038] : memref<131072x128xf32, #tpu.memory_space<hbm>> -> memref<131072x128xf32, #tpu.memory_space<hbm>>
    tpu.wait_indirect_dma semaphore(%arg24 : memref<!tpu.dma_semaphore, #tpu.memory_space<semaphore_mem>>) src(%dma_wait3A_1039 : memref<131072x128xf32, #tpu.memory_space<hbm>>) dst(%arg14 : memref<64x128xf32, #tpu.memory_space<vmem>>)
    %add3A_1040 = arith.constant 0 : i32
    %add3A_1041 = arith.addi %mul3A_2, %add3A_1040 : i32
    %jit3A_1042 = arith.constant 8 : i32
    %div3A_1043 = arith.divsi %add3A_1041, %jit3A_1042 : i32
    %sign3A_1044 = arith.constant 0 : i32
    %sign3A_1045 = arith.cmpi sgt, %add3A_1041, %sign3A_1044 : i32
    %sign3A_1046 = arith.extui %sign3A_1045 : i1 to i32
    %sign3A_1047 = arith.constant 0 : i32
    %sign3A_1048 = arith.cmpi slt, %add3A_1041, %sign3A_1047 : i32
    %sign3A_1049 = arith.extui %sign3A_1048 : i1 to i32
    %sign3A_1050 = arith.subi %sign3A_1046, %sign3A_1049 : i32
    %sign3A_1051 = arith.constant 0 : i32
    %sign3A_1052 = arith.cmpi sgt, %jit3A_1042, %sign3A_1051 : i32
    %sign3A_1053 = arith.extui %sign3A_1052 : i1 to i32
    %sign3A_1054 = arith.constant 0 : i32
    %sign3A_1055 = arith.cmpi slt, %jit3A_1042, %sign3A_1054 : i32
    %sign3A_1056 = arith.extui %sign3A_1055 : i1 to i32
    %sign3A_1057 = arith.subi %sign3A_1053, %sign3A_1056 : i32
    %ne3A_1058 = arith.cmpi ne, %sign3A_1050, %sign3A_1057 : i32
    %rem3A_1059 = arith.remsi %add3A_1041, %jit3A_1042 : i32
    %ne3A_1060 = arith.constant 0 : i32
    %ne3A_1061 = arith.cmpi ne, %rem3A_1059, %ne3A_1060 : i32
    %and3A_1062 = arith.andi %ne3A_1058, %ne3A_1061 : i1
    %sub3A_1063 = arith.constant 1 : i32
    %sub3A_1064 = arith.subi %div3A_1043, %sub3A_1063 : i32
    %select_n3A_1065 = arith.select %and3A_1062, %sub3A_1064, %div3A_1043 : i32
    %jit3A_1066 = arith.constant 8 : i32
    %eq3A_1067 = arith.constant 0 : i32
    %eq3A_1068 = arith.cmpi eq, %jit3A_1066, %eq3A_1067 : i32
    %jit3A_1069 = arith.constant 1 : i32
    %select_n3A_1070 = arith.select %eq3A_1068, %jit3A_1069, %jit3A_1066 : i32
    %rem3A_1071 = arith.remsi %add3A_1041, %select_n3A_1070 : i32
    %ne3A_1072 = arith.constant 0 : i32
    %ne3A_1073 = arith.cmpi ne, %rem3A_1071, %ne3A_1072 : i32
    %lt3A_1074 = arith.constant 0 : i32
    %lt3A_1075 = arith.cmpi slt, %rem3A_1071, %lt3A_1074 : i32
    %lt3A_1076 = arith.constant 0 : i32
    %lt3A_1077 = arith.cmpi slt, %select_n3A_1070, %lt3A_1076 : i32
    %ne3A_1078 = arith.xori %lt3A_1075, %lt3A_1077 : i1
    %and3A_1079 = arith.andi %ne3A_1078, %ne3A_1073 : i1
    %add3A_1080 = arith.addi %rem3A_1071, %select_n3A_1070 : i32
    %select_n3A_1081 = arith.select %and3A_1079, %add3A_1080, %rem3A_1071 : i32
    %dma_start3A_1082 = arith.constant 640 : i32
    %dma_start3A_1083 = arith.constant 0 : i32
    %dma_start3A_1084 = tpu.memref_slice %arg5[%select_n3A_1065, %dma_start3A_1082, %select_n3A_1081, %dma_start3A_1083] : memref<8x1024x8x128xf32, #tpu.memory_space<hbm>> -> memref<1x64x1x128xf32, #tpu.memory_space<hbm>>
    %dma_start3A_1085 = tpu.memref_squeeze %dma_start3A_1084 : memref<1x64x1x128xf32, #tpu.memory_space<hbm>> -> memref<64x128xf32, #tpu.memory_space<hbm>>
    %dma_start3A_1086 = arith.constant 640 : i32
    %dma_start3A_1087 = arith.constant 0 : i32
    %dma_start3A_1088 = tpu.memref_slice %arg5[%select_n3A_1065, %dma_start3A_1086, %select_n3A_1081, %dma_start3A_1087] : memref<8x1024x8x128xf32, #tpu.memory_space<hbm>> -> memref<1x64x1x128xf32, #tpu.memory_space<hbm>>
    %dma_start3A_1089 = tpu.memref_squeeze %dma_start3A_1088 : memref<1x64x1x128xf32, #tpu.memory_space<hbm>> -> memref<64x128xf32, #tpu.memory_space<hbm>>
    tpu.enqueue_dma source(%arg9 : memref<64x128xf32, #tpu.memory_space<vmem>>) target(%dma_start3A_1089 : memref<64x128xf32, #tpu.memory_space<hbm>>) target_semaphore(%arg29 : memref<!tpu.dma_semaphore, #tpu.memory_space<semaphore_mem>>)
    %dma_start3A_1090 = arith.constant 640 : i32
    %dma_start3A_1091 = arith.constant 0 : i32
    %dma_start3A_1092 = tpu.memref_slice %arg6[%select_n3A_1065, %dma_start3A_1090, %select_n3A_1081, %dma_start3A_1091] : memref<8x1024x8x128xf32, #tpu.memory_space<hbm>> -> memref<1x64x1x128xf32, #tpu.memory_space<hbm>>
    %dma_start3A_1093 = tpu.memref_squeeze %dma_start3A_1092 : memref<1x64x1x128xf32, #tpu.memory_space<hbm>> -> memref<64x128xf32, #tpu.memory_space<hbm>>
    %dma_start3A_1094 = arith.constant 640 : i32
    %dma_start3A_1095 = arith.constant 0 : i32
    %dma_start3A_1096 = tpu.memref_slice %arg6[%select_n3A_1065, %dma_start3A_1094, %select_n3A_1081, %dma_start3A_1095] : memref<8x1024x8x128xf32, #tpu.memory_space<hbm>> -> memref<1x64x1x128xf32, #tpu.memory_space<hbm>>
    %dma_start3A_1097 = tpu.memref_squeeze %dma_start3A_1096 : memref<1x64x1x128xf32, #tpu.memory_space<hbm>> -> memref<64x128xf32, #tpu.memory_space<hbm>>
    tpu.enqueue_dma source(%arg14 : memref<64x128xf32, #tpu.memory_space<vmem>>) target(%dma_start3A_1097 : memref<64x128xf32, #tpu.memory_space<hbm>>) target_semaphore(%arg34 : memref<!tpu.dma_semaphore, #tpu.memory_space<semaphore_mem>>)
    %dma_wait3A_1098 = arith.constant 512 : i32
    %dma_wait3A_1099 = arith.constant 0 : i32
    %dma_wait3A_1100 = tpu.memref_slice %arg5[%select_n3A_861, %dma_wait3A_1098, %select_n3A_877, %dma_wait3A_1099] : memref<8x1024x8x128xf32, #tpu.memory_space<hbm>> -> memref<1x64x1x128xf32, #tpu.memory_space<hbm>>
    %dma_wait3A_1101 = tpu.memref_squeeze %dma_wait3A_1100 : memref<1x64x1x128xf32, #tpu.memory_space<hbm>> -> memref<64x128xf32, #tpu.memory_space<hbm>>
    %dma_wait3A_1102 = arith.constant 512 : i32
    %dma_wait3A_1103 = arith.constant 0 : i32
    %dma_wait3A_1104 = tpu.memref_slice %arg5[%select_n3A_861, %dma_wait3A_1102, %select_n3A_877, %dma_wait3A_1103] : memref<8x1024x8x128xf32, #tpu.memory_space<hbm>> -> memref<1x64x1x128xf32, #tpu.memory_space<hbm>>
    %dma_wait3A_1105 = tpu.memref_squeeze %dma_wait3A_1104 : memref<1x64x1x128xf32, #tpu.memory_space<hbm>> -> memref<64x128xf32, #tpu.memory_space<hbm>>
    tpu.wait_dma2 semaphore(%arg32 : memref<!tpu.dma_semaphore, #tpu.memory_space<semaphore_mem>>) src(%arg12 : memref<64x128xf32, #tpu.memory_space<vmem>>) dst(%dma_wait3A_1105 : memref<64x128xf32, #tpu.memory_space<hbm>>)
    %dma_wait3A_1106 = arith.constant 512 : i32
    %dma_wait3A_1107 = arith.constant 0 : i32
    %dma_wait3A_1108 = tpu.memref_slice %arg6[%select_n3A_861, %dma_wait3A_1106, %select_n3A_877, %dma_wait3A_1107] : memref<8x1024x8x128xf32, #tpu.memory_space<hbm>> -> memref<1x64x1x128xf32, #tpu.memory_space<hbm>>
    %dma_wait3A_1109 = tpu.memref_squeeze %dma_wait3A_1108 : memref<1x64x1x128xf32, #tpu.memory_space<hbm>> -> memref<64x128xf32, #tpu.memory_space<hbm>>
    %dma_wait3A_1110 = arith.constant 512 : i32
    %dma_wait3A_1111 = arith.constant 0 : i32
    %dma_wait3A_1112 = tpu.memref_slice %arg6[%select_n3A_861, %dma_wait3A_1110, %select_n3A_877, %dma_wait3A_1111] : memref<8x1024x8x128xf32, #tpu.memory_space<hbm>> -> memref<1x64x1x128xf32, #tpu.memory_space<hbm>>
    %dma_wait3A_1113 = tpu.memref_squeeze %dma_wait3A_1112 : memref<1x64x1x128xf32, #tpu.memory_space<hbm>> -> memref<64x128xf32, #tpu.memory_space<hbm>>
    tpu.wait_dma2 semaphore(%arg37 : memref<!tpu.dma_semaphore, #tpu.memory_space<semaphore_mem>>) src(%arg17 : memref<64x128xf32, #tpu.memory_space<vmem>>) dst(%dma_wait3A_1113 : memref<64x128xf32, #tpu.memory_space<hbm>>)
    %dma_start3A_1114 = arith.constant 0 : i32
    %dma_start3A_1115 = arith.constant 832 : i32
    %dma_start3A_1116 = tpu.memref_slice %arg8[%dma_start3A_1114, %dma_start3A_1115] : memref<2x1024xi32, #tpu.memory_space<vmem>> -> memref<1x64xi32, #tpu.memory_space<vmem>>
    %dma_start3A_1117 = tpu.memref_squeeze %dma_start3A_1116 : memref<1x64xi32, #tpu.memory_space<vmem>> -> memref<64xi32, #tpu.memory_space<vmem>>
    %dma_start3A_1118 = arith.constant 0 : i32
    %dma_start3A_1119 = arith.constant 0 : i32
    %dma_start3A_1120 = tpu.memref_slice %arg3[%dma_start3A_1118, %dma_start3A_1119] : memref<131072x128xf32, #tpu.memory_space<hbm>> -> memref<131072x128xf32, #tpu.memory_space<hbm>>
    tpu.enqueue_indirect_dma source(%dma_start3A_1120 : memref<131072x128xf32, #tpu.memory_space<hbm>>) target(%arg12 : memref<64x128xf32, #tpu.memory_space<vmem>>) offsets(%dma_start3A_1117 : memref<64xi32, #tpu.memory_space<vmem>>) semaphore(%arg22 : memref<!tpu.dma_semaphore, #tpu.memory_space<semaphore_mem>>)
    %dma_start3A_1121 = arith.constant 0 : i32
    %dma_start3A_1122 = arith.constant 832 : i32
    %dma_start3A_1123 = tpu.memref_slice %arg8[%dma_start3A_1121, %dma_start3A_1122] : memref<2x1024xi32, #tpu.memory_space<vmem>> -> memref<1x64xi32, #tpu.memory_space<vmem>>
    %dma_start3A_1124 = tpu.memref_squeeze %dma_start3A_1123 : memref<1x64xi32, #tpu.memory_space<vmem>> -> memref<64xi32, #tpu.memory_space<vmem>>
    %dma_start3A_1125 = arith.constant 0 : i32
    %dma_start3A_1126 = arith.constant 0 : i32
    %dma_start3A_1127 = tpu.memref_slice %arg4[%dma_start3A_1125, %dma_start3A_1126] : memref<131072x128xf32, #tpu.memory_space<hbm>> -> memref<131072x128xf32, #tpu.memory_space<hbm>>
    tpu.enqueue_indirect_dma source(%dma_start3A_1127 : memref<131072x128xf32, #tpu.memory_space<hbm>>) target(%arg17 : memref<64x128xf32, #tpu.memory_space<vmem>>) offsets(%dma_start3A_1124 : memref<64xi32, #tpu.memory_space<vmem>>) semaphore(%arg27 : memref<!tpu.dma_semaphore, #tpu.memory_space<semaphore_mem>>)
    %dma_wait3A_1128 = arith.constant 0 : i32
    %dma_wait3A_1129 = arith.constant 704 : i32
    %dma_wait3A_1130 = tpu.memref_slice %arg8[%dma_wait3A_1128, %dma_wait3A_1129] : memref<2x1024xi32, #tpu.memory_space<vmem>> -> memref<1x64xi32, #tpu.memory_space<vmem>>
    %dma_wait3A_1131 = tpu.memref_squeeze %dma_wait3A_1130 : memref<1x64xi32, #tpu.memory_space<vmem>> -> memref<64xi32, #tpu.memory_space<vmem>>
    %dma_wait3A_1132 = arith.constant 0 : i32
    %dma_wait3A_1133 = arith.constant 0 : i32
    %dma_wait3A_1134 = tpu.memref_slice %arg3[%dma_wait3A_1132, %dma_wait3A_1133] : memref<131072x128xf32, #tpu.memory_space<hbm>> -> memref<131072x128xf32, #tpu.memory_space<hbm>>
    tpu.wait_indirect_dma semaphore(%arg20 : memref<!tpu.dma_semaphore, #tpu.memory_space<semaphore_mem>>) src(%dma_wait3A_1134 : memref<131072x128xf32, #tpu.memory_space<hbm>>) dst(%arg10 : memref<64x128xf32, #tpu.memory_space<vmem>>)
    %dma_wait3A_1135 = arith.constant 0 : i32
    %dma_wait3A_1136 = arith.constant 704 : i32
    %dma_wait3A_1137 = tpu.memref_slice %arg8[%dma_wait3A_1135, %dma_wait3A_1136] : memref<2x1024xi32, #tpu.memory_space<vmem>> -> memref<1x64xi32, #tpu.memory_space<vmem>>
    %dma_wait3A_1138 = tpu.memref_squeeze %dma_wait3A_1137 : memref<1x64xi32, #tpu.memory_space<vmem>> -> memref<64xi32, #tpu.memory_space<vmem>>
    %dma_wait3A_1139 = arith.constant 0 : i32
    %dma_wait3A_1140 = arith.constant 0 : i32
    %dma_wait3A_1141 = tpu.memref_slice %arg4[%dma_wait3A_1139, %dma_wait3A_1140] : memref<131072x128xf32, #tpu.memory_space<hbm>> -> memref<131072x128xf32, #tpu.memory_space<hbm>>
    tpu.wait_indirect_dma semaphore(%arg25 : memref<!tpu.dma_semaphore, #tpu.memory_space<semaphore_mem>>) src(%dma_wait3A_1141 : memref<131072x128xf32, #tpu.memory_space<hbm>>) dst(%arg15 : memref<64x128xf32, #tpu.memory_space<vmem>>)
    %add3A_1142 = arith.constant 0 : i32
    %add3A_1143 = arith.addi %mul3A_2, %add3A_1142 : i32
    %jit3A_1144 = arith.constant 8 : i32
    %div3A_1145 = arith.divsi %add3A_1143, %jit3A_1144 : i32
    %sign3A_1146 = arith.constant 0 : i32
    %sign3A_1147 = arith.cmpi sgt, %add3A_1143, %sign3A_1146 : i32
    %sign3A_1148 = arith.extui %sign3A_1147 : i1 to i32
    %sign3A_1149 = arith.constant 0 : i32
    %sign3A_1150 = arith.cmpi slt, %add3A_1143, %sign3A_1149 : i32
    %sign3A_1151 = arith.extui %sign3A_1150 : i1 to i32
    %sign3A_1152 = arith.subi %sign3A_1148, %sign3A_1151 : i32
    %sign3A_1153 = arith.constant 0 : i32
    %sign3A_1154 = arith.cmpi sgt, %jit3A_1144, %sign3A_1153 : i32
    %sign3A_1155 = arith.extui %sign3A_1154 : i1 to i32
    %sign3A_1156 = arith.constant 0 : i32
    %sign3A_1157 = arith.cmpi slt, %jit3A_1144, %sign3A_1156 : i32
    %sign3A_1158 = arith.extui %sign3A_1157 : i1 to i32
    %sign3A_1159 = arith.subi %sign3A_1155, %sign3A_1158 : i32
    %ne3A_1160 = arith.cmpi ne, %sign3A_1152, %sign3A_1159 : i32
    %rem3A_1161 = arith.remsi %add3A_1143, %jit3A_1144 : i32
    %ne3A_1162 = arith.constant 0 : i32
    %ne3A_1163 = arith.cmpi ne, %rem3A_1161, %ne3A_1162 : i32
    %and3A_1164 = arith.andi %ne3A_1160, %ne3A_1163 : i1
    %sub3A_1165 = arith.constant 1 : i32
    %sub3A_1166 = arith.subi %div3A_1145, %sub3A_1165 : i32
    %select_n3A_1167 = arith.select %and3A_1164, %sub3A_1166, %div3A_1145 : i32
    %jit3A_1168 = arith.constant 8 : i32
    %eq3A_1169 = arith.constant 0 : i32
    %eq3A_1170 = arith.cmpi eq, %jit3A_1168, %eq3A_1169 : i32
    %jit3A_1171 = arith.constant 1 : i32
    %select_n3A_1172 = arith.select %eq3A_1170, %jit3A_1171, %jit3A_1168 : i32
    %rem3A_1173 = arith.remsi %add3A_1143, %select_n3A_1172 : i32
    %ne3A_1174 = arith.constant 0 : i32
    %ne3A_1175 = arith.cmpi ne, %rem3A_1173, %ne3A_1174 : i32
    %lt3A_1176 = arith.constant 0 : i32
    %lt3A_1177 = arith.cmpi slt, %rem3A_1173, %lt3A_1176 : i32
    %lt3A_1178 = arith.constant 0 : i32
    %lt3A_1179 = arith.cmpi slt, %select_n3A_1172, %lt3A_1178 : i32
    %ne3A_1180 = arith.xori %lt3A_1177, %lt3A_1179 : i1
    %and3A_1181 = arith.andi %ne3A_1180, %ne3A_1175 : i1
    %add3A_1182 = arith.addi %rem3A_1173, %select_n3A_1172 : i32
    %select_n3A_1183 = arith.select %and3A_1181, %add3A_1182, %rem3A_1173 : i32
    %dma_start3A_1184 = arith.constant 704 : i32
    %dma_start3A_1185 = arith.constant 0 : i32
    %dma_start3A_1186 = tpu.memref_slice %arg5[%select_n3A_1167, %dma_start3A_1184, %select_n3A_1183, %dma_start3A_1185] : memref<8x1024x8x128xf32, #tpu.memory_space<hbm>> -> memref<1x64x1x128xf32, #tpu.memory_space<hbm>>
    %dma_start3A_1187 = tpu.memref_squeeze %dma_start3A_1186 : memref<1x64x1x128xf32, #tpu.memory_space<hbm>> -> memref<64x128xf32, #tpu.memory_space<hbm>>
    %dma_start3A_1188 = arith.constant 704 : i32
    %dma_start3A_1189 = arith.constant 0 : i32
    %dma_start3A_1190 = tpu.memref_slice %arg5[%select_n3A_1167, %dma_start3A_1188, %select_n3A_1183, %dma_start3A_1189] : memref<8x1024x8x128xf32, #tpu.memory_space<hbm>> -> memref<1x64x1x128xf32, #tpu.memory_space<hbm>>
    %dma_start3A_1191 = tpu.memref_squeeze %dma_start3A_1190 : memref<1x64x1x128xf32, #tpu.memory_space<hbm>> -> memref<64x128xf32, #tpu.memory_space<hbm>>
    tpu.enqueue_dma source(%arg10 : memref<64x128xf32, #tpu.memory_space<vmem>>) target(%dma_start3A_1191 : memref<64x128xf32, #tpu.memory_space<hbm>>) target_semaphore(%arg30 : memref<!tpu.dma_semaphore, #tpu.memory_space<semaphore_mem>>)
    %dma_start3A_1192 = arith.constant 704 : i32
    %dma_start3A_1193 = arith.constant 0 : i32
    %dma_start3A_1194 = tpu.memref_slice %arg6[%select_n3A_1167, %dma_start3A_1192, %select_n3A_1183, %dma_start3A_1193] : memref<8x1024x8x128xf32, #tpu.memory_space<hbm>> -> memref<1x64x1x128xf32, #tpu.memory_space<hbm>>
    %dma_start3A_1195 = tpu.memref_squeeze %dma_start3A_1194 : memref<1x64x1x128xf32, #tpu.memory_space<hbm>> -> memref<64x128xf32, #tpu.memory_space<hbm>>
    %dma_start3A_1196 = arith.constant 704 : i32
    %dma_start3A_1197 = arith.constant 0 : i32
    %dma_start3A_1198 = tpu.memref_slice %arg6[%select_n3A_1167, %dma_start3A_1196, %select_n3A_1183, %dma_start3A_1197] : memref<8x1024x8x128xf32, #tpu.memory_space<hbm>> -> memref<1x64x1x128xf32, #tpu.memory_space<hbm>>
    %dma_start3A_1199 = tpu.memref_squeeze %dma_start3A_1198 : memref<1x64x1x128xf32, #tpu.memory_space<hbm>> -> memref<64x128xf32, #tpu.memory_space<hbm>>
    tpu.enqueue_dma source(%arg15 : memref<64x128xf32, #tpu.memory_space<vmem>>) target(%dma_start3A_1199 : memref<64x128xf32, #tpu.memory_space<hbm>>) target_semaphore(%arg35 : memref<!tpu.dma_semaphore, #tpu.memory_space<semaphore_mem>>)
    %dma_wait3A_1200 = arith.constant 576 : i32
    %dma_wait3A_1201 = arith.constant 0 : i32
    %dma_wait3A_1202 = tpu.memref_slice %arg5[%select_n3A_963, %dma_wait3A_1200, %select_n3A_979, %dma_wait3A_1201] : memref<8x1024x8x128xf32, #tpu.memory_space<hbm>> -> memref<1x64x1x128xf32, #tpu.memory_space<hbm>>
    %dma_wait3A_1203 = tpu.memref_squeeze %dma_wait3A_1202 : memref<1x64x1x128xf32, #tpu.memory_space<hbm>> -> memref<64x128xf32, #tpu.memory_space<hbm>>
    %dma_wait3A_1204 = arith.constant 576 : i32
    %dma_wait3A_1205 = arith.constant 0 : i32
    %dma_wait3A_1206 = tpu.memref_slice %arg5[%select_n3A_963, %dma_wait3A_1204, %select_n3A_979, %dma_wait3A_1205] : memref<8x1024x8x128xf32, #tpu.memory_space<hbm>> -> memref<1x64x1x128xf32, #tpu.memory_space<hbm>>
    %dma_wait3A_1207 = tpu.memref_squeeze %dma_wait3A_1206 : memref<1x64x1x128xf32, #tpu.memory_space<hbm>> -> memref<64x128xf32, #tpu.memory_space<hbm>>
    tpu.wait_dma2 semaphore(%arg33 : memref<!tpu.dma_semaphore, #tpu.memory_space<semaphore_mem>>) src(%arg13 : memref<64x128xf32, #tpu.memory_space<vmem>>) dst(%dma_wait3A_1207 : memref<64x128xf32, #tpu.memory_space<hbm>>)
    %dma_wait3A_1208 = arith.constant 576 : i32
    %dma_wait3A_1209 = arith.constant 0 : i32
    %dma_wait3A_1210 = tpu.memref_slice %arg6[%select_n3A_963, %dma_wait3A_1208, %select_n3A_979, %dma_wait3A_1209] : memref<8x1024x8x128xf32, #tpu.memory_space<hbm>> -> memref<1x64x1x128xf32, #tpu.memory_space<hbm>>
    %dma_wait3A_1211 = tpu.memref_squeeze %dma_wait3A_1210 : memref<1x64x1x128xf32, #tpu.memory_space<hbm>> -> memref<64x128xf32, #tpu.memory_space<hbm>>
    %dma_wait3A_1212 = arith.constant 576 : i32
    %dma_wait3A_1213 = arith.constant 0 : i32
    %dma_wait3A_1214 = tpu.memref_slice %arg6[%select_n3A_963, %dma_wait3A_1212, %select_n3A_979, %dma_wait3A_1213] : memref<8x1024x8x128xf32, #tpu.memory_space<hbm>> -> memref<1x64x1x128xf32, #tpu.memory_space<hbm>>
    %dma_wait3A_1215 = tpu.memref_squeeze %dma_wait3A_1214 : memref<1x64x1x128xf32, #tpu.memory_space<hbm>> -> memref<64x128xf32, #tpu.memory_space<hbm>>
    tpu.wait_dma2 semaphore(%arg38 : memref<!tpu.dma_semaphore, #tpu.memory_space<semaphore_mem>>) src(%arg18 : memref<64x128xf32, #tpu.memory_space<vmem>>) dst(%dma_wait3A_1215 : memref<64x128xf32, #tpu.memory_space<hbm>>)
    %dma_start3A_1216 = arith.constant 0 : i32
    %dma_start3A_1217 = arith.constant 896 : i32
    %dma_start3A_1218 = tpu.memref_slice %arg8[%dma_start3A_1216, %dma_start3A_1217] : memref<2x1024xi32, #tpu.memory_space<vmem>> -> memref<1x64xi32, #tpu.memory_space<vmem>>
    %dma_start3A_1219 = tpu.memref_squeeze %dma_start3A_1218 : memref<1x64xi32, #tpu.memory_space<vmem>> -> memref<64xi32, #tpu.memory_space<vmem>>
    %dma_start3A_1220 = arith.constant 0 : i32
    %dma_start3A_1221 = arith.constant 0 : i32
    %dma_start3A_1222 = tpu.memref_slice %arg3[%dma_start3A_1220, %dma_start3A_1221] : memref<131072x128xf32, #tpu.memory_space<hbm>> -> memref<131072x128xf32, #tpu.memory_space<hbm>>
    tpu.enqueue_indirect_dma source(%dma_start3A_1222 : memref<131072x128xf32, #tpu.memory_space<hbm>>) target(%arg13 : memref<64x128xf32, #tpu.memory_space<vmem>>) offsets(%dma_start3A_1219 : memref<64xi32, #tpu.memory_space<vmem>>) semaphore(%arg23 : memref<!tpu.dma_semaphore, #tpu.memory_space<semaphore_mem>>)
    %dma_start3A_1223 = arith.constant 0 : i32
    %dma_start3A_1224 = arith.constant 896 : i32
    %dma_start3A_1225 = tpu.memref_slice %arg8[%dma_start3A_1223, %dma_start3A_1224] : memref<2x1024xi32, #tpu.memory_space<vmem>> -> memref<1x64xi32, #tpu.memory_space<vmem>>
    %dma_start3A_1226 = tpu.memref_squeeze %dma_start3A_1225 : memref<1x64xi32, #tpu.memory_space<vmem>> -> memref<64xi32, #tpu.memory_space<vmem>>
    %dma_start3A_1227 = arith.constant 0 : i32
    %dma_start3A_1228 = arith.constant 0 : i32
    %dma_start3A_1229 = tpu.memref_slice %arg4[%dma_start3A_1227, %dma_start3A_1228] : memref<131072x128xf32, #tpu.memory_space<hbm>> -> memref<131072x128xf32, #tpu.memory_space<hbm>>
    tpu.enqueue_indirect_dma source(%dma_start3A_1229 : memref<131072x128xf32, #tpu.memory_space<hbm>>) target(%arg18 : memref<64x128xf32, #tpu.memory_space<vmem>>) offsets(%dma_start3A_1226 : memref<64xi32, #tpu.memory_space<vmem>>) semaphore(%arg28 : memref<!tpu.dma_semaphore, #tpu.memory_space<semaphore_mem>>)
    %dma_wait3A_1230 = arith.constant 0 : i32
    %dma_wait3A_1231 = arith.constant 768 : i32
    %dma_wait3A_1232 = tpu.memref_slice %arg8[%dma_wait3A_1230, %dma_wait3A_1231] : memref<2x1024xi32, #tpu.memory_space<vmem>> -> memref<1x64xi32, #tpu.memory_space<vmem>>
    %dma_wait3A_1233 = tpu.memref_squeeze %dma_wait3A_1232 : memref<1x64xi32, #tpu.memory_space<vmem>> -> memref<64xi32, #tpu.memory_space<vmem>>
    %dma_wait3A_1234 = arith.constant 0 : i32
    %dma_wait3A_1235 = arith.constant 0 : i32
    %dma_wait3A_1236 = tpu.memref_slice %arg3[%dma_wait3A_1234, %dma_wait3A_1235] : memref<131072x128xf32, #tpu.memory_space<hbm>> -> memref<131072x128xf32, #tpu.memory_space<hbm>>
    tpu.wait_indirect_dma semaphore(%arg21 : memref<!tpu.dma_semaphore, #tpu.memory_space<semaphore_mem>>) src(%dma_wait3A_1236 : memref<131072x128xf32, #tpu.memory_space<hbm>>) dst(%arg11 : memref<64x128xf32, #tpu.memory_space<vmem>>)
    %dma_wait3A_1237 = arith.constant 0 : i32
    %dma_wait3A_1238 = arith.constant 768 : i32
    %dma_wait3A_1239 = tpu.memref_slice %arg8[%dma_wait3A_1237, %dma_wait3A_1238] : memref<2x1024xi32, #tpu.memory_space<vmem>> -> memref<1x64xi32, #tpu.memory_space<vmem>>
    %dma_wait3A_1240 = tpu.memref_squeeze %dma_wait3A_1239 : memref<1x64xi32, #tpu.memory_space<vmem>> -> memref<64xi32, #tpu.memory_space<vmem>>
    %dma_wait3A_1241 = arith.constant 0 : i32
    %dma_wait3A_1242 = arith.constant 0 : i32
    %dma_wait3A_1243 = tpu.memref_slice %arg4[%dma_wait3A_1241, %dma_wait3A_1242] : memref<131072x128xf32, #tpu.memory_space<hbm>> -> memref<131072x128xf32, #tpu.memory_space<hbm>>
    tpu.wait_indirect_dma semaphore(%arg26 : memref<!tpu.dma_semaphore, #tpu.memory_space<semaphore_mem>>) src(%dma_wait3A_1243 : memref<131072x128xf32, #tpu.memory_space<hbm>>) dst(%arg16 : memref<64x128xf32, #tpu.memory_space<vmem>>)
    %add3A_1244 = arith.constant 0 : i32
    %add3A_1245 = arith.addi %mul3A_2, %add3A_1244 : i32
    %jit3A_1246 = arith.constant 8 : i32
    %div3A_1247 = arith.divsi %add3A_1245, %jit3A_1246 : i32
    %sign3A_1248 = arith.constant 0 : i32
    %sign3A_1249 = arith.cmpi sgt, %add3A_1245, %sign3A_1248 : i32
    %sign3A_1250 = arith.extui %sign3A_1249 : i1 to i32
    %sign3A_1251 = arith.constant 0 : i32
    %sign3A_1252 = arith.cmpi slt, %add3A_1245, %sign3A_1251 : i32
    %sign3A_1253 = arith.extui %sign3A_1252 : i1 to i32
    %sign3A_1254 = arith.subi %sign3A_1250, %sign3A_1253 : i32
    %sign3A_1255 = arith.constant 0 : i32
    %sign3A_1256 = arith.cmpi sgt, %jit3A_1246, %sign3A_1255 : i32
    %sign3A_1257 = arith.extui %sign3A_1256 : i1 to i32
    %sign3A_1258 = arith.constant 0 : i32
    %sign3A_1259 = arith.cmpi slt, %jit3A_1246, %sign3A_1258 : i32
    %sign3A_1260 = arith.extui %sign3A_1259 : i1 to i32
    %sign3A_1261 = arith.subi %sign3A_1257, %sign3A_1260 : i32
    %ne3A_1262 = arith.cmpi ne, %sign3A_1254, %sign3A_1261 : i32
    %rem3A_1263 = arith.remsi %add3A_1245, %jit3A_1246 : i32
    %ne3A_1264 = arith.constant 0 : i32
    %ne3A_1265 = arith.cmpi ne, %rem3A_1263, %ne3A_1264 : i32
    %and3A_1266 = arith.andi %ne3A_1262, %ne3A_1265 : i1
    %sub3A_1267 = arith.constant 1 : i32
    %sub3A_1268 = arith.subi %div3A_1247, %sub3A_1267 : i32
    %select_n3A_1269 = arith.select %and3A_1266, %sub3A_1268, %div3A_1247 : i32
    %jit3A_1270 = arith.constant 8 : i32
    %eq3A_1271 = arith.constant 0 : i32
    %eq3A_1272 = arith.cmpi eq, %jit3A_1270, %eq3A_1271 : i32
    %jit3A_1273 = arith.constant 1 : i32
    %select_n3A_1274 = arith.select %eq3A_1272, %jit3A_1273, %jit3A_1270 : i32
    %rem3A_1275 = arith.remsi %add3A_1245, %select_n3A_1274 : i32
    %ne3A_1276 = arith.constant 0 : i32
    %ne3A_1277 = arith.cmpi ne, %rem3A_1275, %ne3A_1276 : i32
    %lt3A_1278 = arith.constant 0 : i32
    %lt3A_1279 = arith.cmpi slt, %rem3A_1275, %lt3A_1278 : i32
    %lt3A_1280 = arith.constant 0 : i32
    %lt3A_1281 = arith.cmpi slt, %select_n3A_1274, %lt3A_1280 : i32
    %ne3A_1282 = arith.xori %lt3A_1279, %lt3A_1281 : i1
    %and3A_1283 = arith.andi %ne3A_1282, %ne3A_1277 : i1
    %add3A_1284 = arith.addi %rem3A_1275, %select_n3A_1274 : i32
    %select_n3A_1285 = arith.select %and3A_1283, %add3A_1284, %rem3A_1275 : i32
    %dma_start3A_1286 = arith.constant 768 : i32
    %dma_start3A_1287 = arith.constant 0 : i32
    %dma_start3A_1288 = tpu.memref_slice %arg5[%select_n3A_1269, %dma_start3A_1286, %select_n3A_1285, %dma_start3A_1287] : memref<8x1024x8x128xf32, #tpu.memory_space<hbm>> -> memref<1x64x1x128xf32, #tpu.memory_space<hbm>>
    %dma_start3A_1289 = tpu.memref_squeeze %dma_start3A_1288 : memref<1x64x1x128xf32, #tpu.memory_space<hbm>> -> memref<64x128xf32, #tpu.memory_space<hbm>>
    %dma_start3A_1290 = arith.constant 768 : i32
    %dma_start3A_1291 = arith.constant 0 : i32
    %dma_start3A_1292 = tpu.memref_slice %arg5[%select_n3A_1269, %dma_start3A_1290, %select_n3A_1285, %dma_start3A_1291] : memref<8x1024x8x128xf32, #tpu.memory_space<hbm>> -> memref<1x64x1x128xf32, #tpu.memory_space<hbm>>
    %dma_start3A_1293 = tpu.memref_squeeze %dma_start3A_1292 : memref<1x64x1x128xf32, #tpu.memory_space<hbm>> -> memref<64x128xf32, #tpu.memory_space<hbm>>
    tpu.enqueue_dma source(%arg11 : memref<64x128xf32, #tpu.memory_space<vmem>>) target(%dma_start3A_1293 : memref<64x128xf32, #tpu.memory_space<hbm>>) target_semaphore(%arg31 : memref<!tpu.dma_semaphore, #tpu.memory_space<semaphore_mem>>)
    %dma_start3A_1294 = arith.constant 768 : i32
    %dma_start3A_1295 = arith.constant 0 : i32
    %dma_start3A_1296 = tpu.memref_slice %arg6[%select_n3A_1269, %dma_start3A_1294, %select_n3A_1285, %dma_start3A_1295] : memref<8x1024x8x128xf32, #tpu.memory_space<hbm>> -> memref<1x64x1x128xf32, #tpu.memory_space<hbm>>
    %dma_start3A_1297 = tpu.memref_squeeze %dma_start3A_1296 : memref<1x64x1x128xf32, #tpu.memory_space<hbm>> -> memref<64x128xf32, #tpu.memory_space<hbm>>
    %dma_start3A_1298 = arith.constant 768 : i32
    %dma_start3A_1299 = arith.constant 0 : i32
    %dma_start3A_1300 = tpu.memref_slice %arg6[%select_n3A_1269, %dma_start3A_1298, %select_n3A_1285, %dma_start3A_1299] : memref<8x1024x8x128xf32, #tpu.memory_space<hbm>> -> memref<1x64x1x128xf32, #tpu.memory_space<hbm>>
    %dma_start3A_1301 = tpu.memref_squeeze %dma_start3A_1300 : memref<1x64x1x128xf32, #tpu.memory_space<hbm>> -> memref<64x128xf32, #tpu.memory_space<hbm>>
    tpu.enqueue_dma source(%arg16 : memref<64x128xf32, #tpu.memory_space<vmem>>) target(%dma_start3A_1301 : memref<64x128xf32, #tpu.memory_space<hbm>>) target_semaphore(%arg36 : memref<!tpu.dma_semaphore, #tpu.memory_space<semaphore_mem>>)
    %dma_wait3A_1302 = arith.constant 640 : i32
    %dma_wait3A_1303 = arith.constant 0 : i32
    %dma_wait3A_1304 = tpu.memref_slice %arg5[%select_n3A_1065, %dma_wait3A_1302, %select_n3A_1081, %dma_wait3A_1303] : memref<8x1024x8x128xf32, #tpu.memory_space<hbm>> -> memref<1x64x1x128xf32, #tpu.memory_space<hbm>>
    %dma_wait3A_1305 = tpu.memref_squeeze %dma_wait3A_1304 : memref<1x64x1x128xf32, #tpu.memory_space<hbm>> -> memref<64x128xf32, #tpu.memory_space<hbm>>
    %dma_wait3A_1306 = arith.constant 640 : i32
    %dma_wait3A_1307 = arith.constant 0 : i32
    %dma_wait3A_1308 = tpu.memref_slice %arg5[%select_n3A_1065, %dma_wait3A_1306, %select_n3A_1081, %dma_wait3A_1307] : memref<8x1024x8x128xf32, #tpu.memory_space<hbm>> -> memref<1x64x1x128xf32, #tpu.memory_space<hbm>>
    %dma_wait3A_1309 = tpu.memref_squeeze %dma_wait3A_1308 : memref<1x64x1x128xf32, #tpu.memory_space<hbm>> -> memref<64x128xf32, #tpu.memory_space<hbm>>
    tpu.wait_dma2 semaphore(%arg29 : memref<!tpu.dma_semaphore, #tpu.memory_space<semaphore_mem>>) src(%arg9 : memref<64x128xf32, #tpu.memory_space<vmem>>) dst(%dma_wait3A_1309 : memref<64x128xf32, #tpu.memory_space<hbm>>)
    %dma_wait3A_1310 = arith.constant 640 : i32
    %dma_wait3A_1311 = arith.constant 0 : i32
    %dma_wait3A_1312 = tpu.memref_slice %arg6[%select_n3A_1065, %dma_wait3A_1310, %select_n3A_1081, %dma_wait3A_1311] : memref<8x1024x8x128xf32, #tpu.memory_space<hbm>> -> memref<1x64x1x128xf32, #tpu.memory_space<hbm>>
    %dma_wait3A_1313 = tpu.memref_squeeze %dma_wait3A_1312 : memref<1x64x1x128xf32, #tpu.memory_space<hbm>> -> memref<64x128xf32, #tpu.memory_space<hbm>>
    %dma_wait3A_1314 = arith.constant 640 : i32
    %dma_wait3A_1315 = arith.constant 0 : i32
    %dma_wait3A_1316 = tpu.memref_slice %arg6[%select_n3A_1065, %dma_wait3A_1314, %select_n3A_1081, %dma_wait3A_1315] : memref<8x1024x8x128xf32, #tpu.memory_space<hbm>> -> memref<1x64x1x128xf32, #tpu.memory_space<hbm>>
    %dma_wait3A_1317 = tpu.memref_squeeze %dma_wait3A_1316 : memref<1x64x1x128xf32, #tpu.memory_space<hbm>> -> memref<64x128xf32, #tpu.memory_space<hbm>>
    tpu.wait_dma2 semaphore(%arg34 : memref<!tpu.dma_semaphore, #tpu.memory_space<semaphore_mem>>) src(%arg14 : memref<64x128xf32, #tpu.memory_space<vmem>>) dst(%dma_wait3A_1317 : memref<64x128xf32, #tpu.memory_space<hbm>>)
    %dma_start3A_1318 = arith.constant 0 : i32
    %dma_start3A_1319 = arith.constant 960 : i32
    %dma_start3A_1320 = tpu.memref_slice %arg8[%dma_start3A_1318, %dma_start3A_1319] : memref<2x1024xi32, #tpu.memory_space<vmem>> -> memref<1x64xi32, #tpu.memory_space<vmem>>
    %dma_start3A_1321 = tpu.memref_squeeze %dma_start3A_1320 : memref<1x64xi32, #tpu.memory_space<vmem>> -> memref<64xi32, #tpu.memory_space<vmem>>
    %dma_start3A_1322 = arith.constant 0 : i32
    %dma_start3A_1323 = arith.constant 0 : i32
    %dma_start3A_1324 = tpu.memref_slice %arg3[%dma_start3A_1322, %dma_start3A_1323] : memref<131072x128xf32, #tpu.memory_space<hbm>> -> memref<131072x128xf32, #tpu.memory_space<hbm>>
    tpu.enqueue_indirect_dma source(%dma_start3A_1324 : memref<131072x128xf32, #tpu.memory_space<hbm>>) target(%arg9 : memref<64x128xf32, #tpu.memory_space<vmem>>) offsets(%dma_start3A_1321 : memref<64xi32, #tpu.memory_space<vmem>>) semaphore(%arg19 : memref<!tpu.dma_semaphore, #tpu.memory_space<semaphore_mem>>)
    %dma_start3A_1325 = arith.constant 0 : i32
    %dma_start3A_1326 = arith.constant 960 : i32
    %dma_start3A_1327 = tpu.memref_slice %arg8[%dma_start3A_1325, %dma_start3A_1326] : memref<2x1024xi32, #tpu.memory_space<vmem>> -> memref<1x64xi32, #tpu.memory_space<vmem>>
    %dma_start3A_1328 = tpu.memref_squeeze %dma_start3A_1327 : memref<1x64xi32, #tpu.memory_space<vmem>> -> memref<64xi32, #tpu.memory_space<vmem>>
    %dma_start3A_1329 = arith.constant 0 : i32
    %dma_start3A_1330 = arith.constant 0 : i32
    %dma_start3A_1331 = tpu.memref_slice %arg4[%dma_start3A_1329, %dma_start3A_1330] : memref<131072x128xf32, #tpu.memory_space<hbm>> -> memref<131072x128xf32, #tpu.memory_space<hbm>>
    tpu.enqueue_indirect_dma source(%dma_start3A_1331 : memref<131072x128xf32, #tpu.memory_space<hbm>>) target(%arg14 : memref<64x128xf32, #tpu.memory_space<vmem>>) offsets(%dma_start3A_1328 : memref<64xi32, #tpu.memory_space<vmem>>) semaphore(%arg24 : memref<!tpu.dma_semaphore, #tpu.memory_space<semaphore_mem>>)
    %dma_wait3A_1332 = arith.constant 0 : i32
    %dma_wait3A_1333 = arith.constant 832 : i32
    %dma_wait3A_1334 = tpu.memref_slice %arg8[%dma_wait3A_1332, %dma_wait3A_1333] : memref<2x1024xi32, #tpu.memory_space<vmem>> -> memref<1x64xi32, #tpu.memory_space<vmem>>
    %dma_wait3A_1335 = tpu.memref_squeeze %dma_wait3A_1334 : memref<1x64xi32, #tpu.memory_space<vmem>> -> memref<64xi32, #tpu.memory_space<vmem>>
    %dma_wait3A_1336 = arith.constant 0 : i32
    %dma_wait3A_1337 = arith.constant 0 : i32
    %dma_wait3A_1338 = tpu.memref_slice %arg3[%dma_wait3A_1336, %dma_wait3A_1337] : memref<131072x128xf32, #tpu.memory_space<hbm>> -> memref<131072x128xf32, #tpu.memory_space<hbm>>
    tpu.wait_indirect_dma semaphore(%arg22 : memref<!tpu.dma_semaphore, #tpu.memory_space<semaphore_mem>>) src(%dma_wait3A_1338 : memref<131072x128xf32, #tpu.memory_space<hbm>>) dst(%arg12 : memref<64x128xf32, #tpu.memory_space<vmem>>)
    %dma_wait3A_1339 = arith.constant 0 : i32
    %dma_wait3A_1340 = arith.constant 832 : i32
    %dma_wait3A_1341 = tpu.memref_slice %arg8[%dma_wait3A_1339, %dma_wait3A_1340] : memref<2x1024xi32, #tpu.memory_space<vmem>> -> memref<1x64xi32, #tpu.memory_space<vmem>>
    %dma_wait3A_1342 = tpu.memref_squeeze %dma_wait3A_1341 : memref<1x64xi32, #tpu.memory_space<vmem>> -> memref<64xi32, #tpu.memory_space<vmem>>
    %dma_wait3A_1343 = arith.constant 0 : i32
    %dma_wait3A_1344 = arith.constant 0 : i32
    %dma_wait3A_1345 = tpu.memref_slice %arg4[%dma_wait3A_1343, %dma_wait3A_1344] : memref<131072x128xf32, #tpu.memory_space<hbm>> -> memref<131072x128xf32, #tpu.memory_space<hbm>>
    tpu.wait_indirect_dma semaphore(%arg27 : memref<!tpu.dma_semaphore, #tpu.memory_space<semaphore_mem>>) src(%dma_wait3A_1345 : memref<131072x128xf32, #tpu.memory_space<hbm>>) dst(%arg17 : memref<64x128xf32, #tpu.memory_space<vmem>>)
    %add3A_1346 = arith.constant 0 : i32
    %add3A_1347 = arith.addi %mul3A_2, %add3A_1346 : i32
    %jit3A_1348 = arith.constant 8 : i32
    %div3A_1349 = arith.divsi %add3A_1347, %jit3A_1348 : i32
    %sign3A_1350 = arith.constant 0 : i32
    %sign3A_1351 = arith.cmpi sgt, %add3A_1347, %sign3A_1350 : i32
    %sign3A_1352 = arith.extui %sign3A_1351 : i1 to i32
    %sign3A_1353 = arith.constant 0 : i32
    %sign3A_1354 = arith.cmpi slt, %add3A_1347, %sign3A_1353 : i32
    %sign3A_1355 = arith.extui %sign3A_1354 : i1 to i32
    %sign3A_1356 = arith.subi %sign3A_1352, %sign3A_1355 : i32
    %sign3A_1357 = arith.constant 0 : i32
    %sign3A_1358 = arith.cmpi sgt, %jit3A_1348, %sign3A_1357 : i32
    %sign3A_1359 = arith.extui %sign3A_1358 : i1 to i32
    %sign3A_1360 = arith.constant 0 : i32
    %sign3A_1361 = arith.cmpi slt, %jit3A_1348, %sign3A_1360 : i32
    %sign3A_1362 = arith.extui %sign3A_1361 : i1 to i32
    %sign3A_1363 = arith.subi %sign3A_1359, %sign3A_1362 : i32
    %ne3A_1364 = arith.cmpi ne, %sign3A_1356, %sign3A_1363 : i32
    %rem3A_1365 = arith.remsi %add3A_1347, %jit3A_1348 : i32
    %ne3A_1366 = arith.constant 0 : i32
    %ne3A_1367 = arith.cmpi ne, %rem3A_1365, %ne3A_1366 : i32
    %and3A_1368 = arith.andi %ne3A_1364, %ne3A_1367 : i1
    %sub3A_1369 = arith.constant 1 : i32
    %sub3A_1370 = arith.subi %div3A_1349, %sub3A_1369 : i32
    %select_n3A_1371 = arith.select %and3A_1368, %sub3A_1370, %div3A_1349 : i32
    %jit3A_1372 = arith.constant 8 : i32
    %eq3A_1373 = arith.constant 0 : i32
    %eq3A_1374 = arith.cmpi eq, %jit3A_1372, %eq3A_1373 : i32
    %jit3A_1375 = arith.constant 1 : i32
    %select_n3A_1376 = arith.select %eq3A_1374, %jit3A_1375, %jit3A_1372 : i32
    %rem3A_1377 = arith.remsi %add3A_1347, %select_n3A_1376 : i32
    %ne3A_1378 = arith.constant 0 : i32
    %ne3A_1379 = arith.cmpi ne, %rem3A_1377, %ne3A_1378 : i32
    %lt3A_1380 = arith.constant 0 : i32
    %lt3A_1381 = arith.cmpi slt, %rem3A_1377, %lt3A_1380 : i32
    %lt3A_1382 = arith.constant 0 : i32
    %lt3A_1383 = arith.cmpi slt, %select_n3A_1376, %lt3A_1382 : i32
    %ne3A_1384 = arith.xori %lt3A_1381, %lt3A_1383 : i1
    %and3A_1385 = arith.andi %ne3A_1384, %ne3A_1379 : i1
    %add3A_1386 = arith.addi %rem3A_1377, %select_n3A_1376 : i32
    %select_n3A_1387 = arith.select %and3A_1385, %add3A_1386, %rem3A_1377 : i32
    %dma_start3A_1388 = arith.constant 832 : i32
    %dma_start3A_1389 = arith.constant 0 : i32
    %dma_start3A_1390 = tpu.memref_slice %arg5[%select_n3A_1371, %dma_start3A_1388, %select_n3A_1387, %dma_start3A_1389] : memref<8x1024x8x128xf32, #tpu.memory_space<hbm>> -> memref<1x64x1x128xf32, #tpu.memory_space<hbm>>
    %dma_start3A_1391 = tpu.memref_squeeze %dma_start3A_1390 : memref<1x64x1x128xf32, #tpu.memory_space<hbm>> -> memref<64x128xf32, #tpu.memory_space<hbm>>
    %dma_start3A_1392 = arith.constant 832 : i32
    %dma_start3A_1393 = arith.constant 0 : i32
    %dma_start3A_1394 = tpu.memref_slice %arg5[%select_n3A_1371, %dma_start3A_1392, %select_n3A_1387, %dma_start3A_1393] : memref<8x1024x8x128xf32, #tpu.memory_space<hbm>> -> memref<1x64x1x128xf32, #tpu.memory_space<hbm>>
    %dma_start3A_1395 = tpu.memref_squeeze %dma_start3A_1394 : memref<1x64x1x128xf32, #tpu.memory_space<hbm>> -> memref<64x128xf32, #tpu.memory_space<hbm>>
    tpu.enqueue_dma source(%arg12 : memref<64x128xf32, #tpu.memory_space<vmem>>) target(%dma_start3A_1395 : memref<64x128xf32, #tpu.memory_space<hbm>>) target_semaphore(%arg32 : memref<!tpu.dma_semaphore, #tpu.memory_space<semaphore_mem>>)
    %dma_start3A_1396 = arith.constant 832 : i32
    %dma_start3A_1397 = arith.constant 0 : i32
    %dma_start3A_1398 = tpu.memref_slice %arg6[%select_n3A_1371, %dma_start3A_1396, %select_n3A_1387, %dma_start3A_1397] : memref<8x1024x8x128xf32, #tpu.memory_space<hbm>> -> memref<1x64x1x128xf32, #tpu.memory_space<hbm>>
    %dma_start3A_1399 = tpu.memref_squeeze %dma_start3A_1398 : memref<1x64x1x128xf32, #tpu.memory_space<hbm>> -> memref<64x128xf32, #tpu.memory_space<hbm>>
    %dma_start3A_1400 = arith.constant 832 : i32
    %dma_start3A_1401 = arith.constant 0 : i32
    %dma_start3A_1402 = tpu.memref_slice %arg6[%select_n3A_1371, %dma_start3A_1400, %select_n3A_1387, %dma_start3A_1401] : memref<8x1024x8x128xf32, #tpu.memory_space<hbm>> -> memref<1x64x1x128xf32, #tpu.memory_space<hbm>>
    %dma_start3A_1403 = tpu.memref_squeeze %dma_start3A_1402 : memref<1x64x1x128xf32, #tpu.memory_space<hbm>> -> memref<64x128xf32, #tpu.memory_space<hbm>>
    tpu.enqueue_dma source(%arg17 : memref<64x128xf32, #tpu.memory_space<vmem>>) target(%dma_start3A_1403 : memref<64x128xf32, #tpu.memory_space<hbm>>) target_semaphore(%arg37 : memref<!tpu.dma_semaphore, #tpu.memory_space<semaphore_mem>>)
    %dma_wait3A_1404 = arith.constant 704 : i32
    %dma_wait3A_1405 = arith.constant 0 : i32
    %dma_wait3A_1406 = tpu.memref_slice %arg5[%select_n3A_1167, %dma_wait3A_1404, %select_n3A_1183, %dma_wait3A_1405] : memref<8x1024x8x128xf32, #tpu.memory_space<hbm>> -> memref<1x64x1x128xf32, #tpu.memory_space<hbm>>
    %dma_wait3A_1407 = tpu.memref_squeeze %dma_wait3A_1406 : memref<1x64x1x128xf32, #tpu.memory_space<hbm>> -> memref<64x128xf32, #tpu.memory_space<hbm>>
    %dma_wait3A_1408 = arith.constant 704 : i32
    %dma_wait3A_1409 = arith.constant 0 : i32
    %dma_wait3A_1410 = tpu.memref_slice %arg5[%select_n3A_1167, %dma_wait3A_1408, %select_n3A_1183, %dma_wait3A_1409] : memref<8x1024x8x128xf32, #tpu.memory_space<hbm>> -> memref<1x64x1x128xf32, #tpu.memory_space<hbm>>
    %dma_wait3A_1411 = tpu.memref_squeeze %dma_wait3A_1410 : memref<1x64x1x128xf32, #tpu.memory_space<hbm>> -> memref<64x128xf32, #tpu.memory_space<hbm>>
    tpu.wait_dma2 semaphore(%arg30 : memref<!tpu.dma_semaphore, #tpu.memory_space<semaphore_mem>>) src(%arg10 : memref<64x128xf32, #tpu.memory_space<vmem>>) dst(%dma_wait3A_1411 : memref<64x128xf32, #tpu.memory_space<hbm>>)
    %dma_wait3A_1412 = arith.constant 704 : i32
    %dma_wait3A_1413 = arith.constant 0 : i32
    %dma_wait3A_1414 = tpu.memref_slice %arg6[%select_n3A_1167, %dma_wait3A_1412, %select_n3A_1183, %dma_wait3A_1413] : memref<8x1024x8x128xf32, #tpu.memory_space<hbm>> -> memref<1x64x1x128xf32, #tpu.memory_space<hbm>>
    %dma_wait3A_1415 = tpu.memref_squeeze %dma_wait3A_1414 : memref<1x64x1x128xf32, #tpu.memory_space<hbm>> -> memref<64x128xf32, #tpu.memory_space<hbm>>
    %dma_wait3A_1416 = arith.constant 704 : i32
    %dma_wait3A_1417 = arith.constant 0 : i32
    %dma_wait3A_1418 = tpu.memref_slice %arg6[%select_n3A_1167, %dma_wait3A_1416, %select_n3A_1183, %dma_wait3A_1417] : memref<8x1024x8x128xf32, #tpu.memory_space<hbm>> -> memref<1x64x1x128xf32, #tpu.memory_space<hbm>>
    %dma_wait3A_1419 = tpu.memref_squeeze %dma_wait3A_1418 : memref<1x64x1x128xf32, #tpu.memory_space<hbm>> -> memref<64x128xf32, #tpu.memory_space<hbm>>
    tpu.wait_dma2 semaphore(%arg35 : memref<!tpu.dma_semaphore, #tpu.memory_space<semaphore_mem>>) src(%arg15 : memref<64x128xf32, #tpu.memory_space<vmem>>) dst(%dma_wait3A_1419 : memref<64x128xf32, #tpu.memory_space<hbm>>)
    %dma_start3A_1420 = arith.constant 1 : i32
    %dma_start3A_1421 = arith.constant 0 : i32
    %dma_start3A_1422 = tpu.memref_slice %arg8[%dma_start3A_1420, %dma_start3A_1421] : memref<2x1024xi32, #tpu.memory_space<vmem>> -> memref<1x64xi32, #tpu.memory_space<vmem>>
    %dma_start3A_1423 = tpu.memref_squeeze %dma_start3A_1422 : memref<1x64xi32, #tpu.memory_space<vmem>> -> memref<64xi32, #tpu.memory_space<vmem>>
    %dma_start3A_1424 = arith.constant 0 : i32
    %dma_start3A_1425 = arith.constant 0 : i32
    %dma_start3A_1426 = tpu.memref_slice %arg3[%dma_start3A_1424, %dma_start3A_1425] : memref<131072x128xf32, #tpu.memory_space<hbm>> -> memref<131072x128xf32, #tpu.memory_space<hbm>>
    tpu.enqueue_indirect_dma source(%dma_start3A_1426 : memref<131072x128xf32, #tpu.memory_space<hbm>>) target(%arg10 : memref<64x128xf32, #tpu.memory_space<vmem>>) offsets(%dma_start3A_1423 : memref<64xi32, #tpu.memory_space<vmem>>) semaphore(%arg20 : memref<!tpu.dma_semaphore, #tpu.memory_space<semaphore_mem>>)
    %dma_start3A_1427 = arith.constant 1 : i32
    %dma_start3A_1428 = arith.constant 0 : i32
    %dma_start3A_1429 = tpu.memref_slice %arg8[%dma_start3A_1427, %dma_start3A_1428] : memref<2x1024xi32, #tpu.memory_space<vmem>> -> memref<1x64xi32, #tpu.memory_space<vmem>>
    %dma_start3A_1430 = tpu.memref_squeeze %dma_start3A_1429 : memref<1x64xi32, #tpu.memory_space<vmem>> -> memref<64xi32, #tpu.memory_space<vmem>>
    %dma_start3A_1431 = arith.constant 0 : i32
    %dma_start3A_1432 = arith.constant 0 : i32
    %dma_start3A_1433 = tpu.memref_slice %arg4[%dma_start3A_1431, %dma_start3A_1432] : memref<131072x128xf32, #tpu.memory_space<hbm>> -> memref<131072x128xf32, #tpu.memory_space<hbm>>
    tpu.enqueue_indirect_dma source(%dma_start3A_1433 : memref<131072x128xf32, #tpu.memory_space<hbm>>) target(%arg15 : memref<64x128xf32, #tpu.memory_space<vmem>>) offsets(%dma_start3A_1430 : memref<64xi32, #tpu.memory_space<vmem>>) semaphore(%arg25 : memref<!tpu.dma_semaphore, #tpu.memory_space<semaphore_mem>>)
    %dma_wait3A_1434 = arith.constant 0 : i32
    %dma_wait3A_1435 = arith.constant 896 : i32
    %dma_wait3A_1436 = tpu.memref_slice %arg8[%dma_wait3A_1434, %dma_wait3A_1435] : memref<2x1024xi32, #tpu.memory_space<vmem>> -> memref<1x64xi32, #tpu.memory_space<vmem>>
    %dma_wait3A_1437 = tpu.memref_squeeze %dma_wait3A_1436 : memref<1x64xi32, #tpu.memory_space<vmem>> -> memref<64xi32, #tpu.memory_space<vmem>>
    %dma_wait3A_1438 = arith.constant 0 : i32
    %dma_wait3A_1439 = arith.constant 0 : i32
    %dma_wait3A_1440 = tpu.memref_slice %arg3[%dma_wait3A_1438, %dma_wait3A_1439] : memref<131072x128xf32, #tpu.memory_space<hbm>> -> memref<131072x128xf32, #tpu.memory_space<hbm>>
    tpu.wait_indirect_dma semaphore(%arg23 : memref<!tpu.dma_semaphore, #tpu.memory_space<semaphore_mem>>) src(%dma_wait3A_1440 : memref<131072x128xf32, #tpu.memory_space<hbm>>) dst(%arg13 : memref<64x128xf32, #tpu.memory_space<vmem>>)
    %dma_wait3A_1441 = arith.constant 0 : i32
    %dma_wait3A_1442 = arith.constant 896 : i32
    %dma_wait3A_1443 = tpu.memref_slice %arg8[%dma_wait3A_1441, %dma_wait3A_1442] : memref<2x1024xi32, #tpu.memory_space<vmem>> -> memref<1x64xi32, #tpu.memory_space<vmem>>
    %dma_wait3A_1444 = tpu.memref_squeeze %dma_wait3A_1443 : memref<1x64xi32, #tpu.memory_space<vmem>> -> memref<64xi32, #tpu.memory_space<vmem>>
    %dma_wait3A_1445 = arith.constant 0 : i32
    %dma_wait3A_1446 = arith.constant 0 : i32
    %dma_wait3A_1447 = tpu.memref_slice %arg4[%dma_wait3A_1445, %dma_wait3A_1446] : memref<131072x128xf32, #tpu.memory_space<hbm>> -> memref<131072x128xf32, #tpu.memory_space<hbm>>
    tpu.wait_indirect_dma semaphore(%arg28 : memref<!tpu.dma_semaphore, #tpu.memory_space<semaphore_mem>>) src(%dma_wait3A_1447 : memref<131072x128xf32, #tpu.memory_space<hbm>>) dst(%arg18 : memref<64x128xf32, #tpu.memory_space<vmem>>)
    %add3A_1448 = arith.constant 0 : i32
    %add3A_1449 = arith.addi %mul3A_2, %add3A_1448 : i32
    %jit3A_1450 = arith.constant 8 : i32
    %div3A_1451 = arith.divsi %add3A_1449, %jit3A_1450 : i32
    %sign3A_1452 = arith.constant 0 : i32
    %sign3A_1453 = arith.cmpi sgt, %add3A_1449, %sign3A_1452 : i32
    %sign3A_1454 = arith.extui %sign3A_1453 : i1 to i32
    %sign3A_1455 = arith.constant 0 : i32
    %sign3A_1456 = arith.cmpi slt, %add3A_1449, %sign3A_1455 : i32
    %sign3A_1457 = arith.extui %sign3A_1456 : i1 to i32
    %sign3A_1458 = arith.subi %sign3A_1454, %sign3A_1457 : i32
    %sign3A_1459 = arith.constant 0 : i32
    %sign3A_1460 = arith.cmpi sgt, %jit3A_1450, %sign3A_1459 : i32
    %sign3A_1461 = arith.extui %sign3A_1460 : i1 to i32
    %sign3A_1462 = arith.constant 0 : i32
    %sign3A_1463 = arith.cmpi slt, %jit3A_1450, %sign3A_1462 : i32
    %sign3A_1464 = arith.extui %sign3A_1463 : i1 to i32
    %sign3A_1465 = arith.subi %sign3A_1461, %sign3A_1464 : i32
    %ne3A_1466 = arith.cmpi ne, %sign3A_1458, %sign3A_1465 : i32
    %rem3A_1467 = arith.remsi %add3A_1449, %jit3A_1450 : i32
    %ne3A_1468 = arith.constant 0 : i32
    %ne3A_1469 = arith.cmpi ne, %rem3A_1467, %ne3A_1468 : i32
    %and3A_1470 = arith.andi %ne3A_1466, %ne3A_1469 : i1
    %sub3A_1471 = arith.constant 1 : i32
    %sub3A_1472 = arith.subi %div3A_1451, %sub3A_1471 : i32
    %select_n3A_1473 = arith.select %and3A_1470, %sub3A_1472, %div3A_1451 : i32
    %jit3A_1474 = arith.constant 8 : i32
    %eq3A_1475 = arith.constant 0 : i32
    %eq3A_1476 = arith.cmpi eq, %jit3A_1474, %eq3A_1475 : i32
    %jit3A_1477 = arith.constant 1 : i32
    %select_n3A_1478 = arith.select %eq3A_1476, %jit3A_1477, %jit3A_1474 : i32
    %rem3A_1479 = arith.remsi %add3A_1449, %select_n3A_1478 : i32
    %ne3A_1480 = arith.constant 0 : i32
    %ne3A_1481 = arith.cmpi ne, %rem3A_1479, %ne3A_1480 : i32
    %lt3A_1482 = arith.constant 0 : i32
    %lt3A_1483 = arith.cmpi slt, %rem3A_1479, %lt3A_1482 : i32
    %lt3A_1484 = arith.constant 0 : i32
    %lt3A_1485 = arith.cmpi slt, %select_n3A_1478, %lt3A_1484 : i32
    %ne3A_1486 = arith.xori %lt3A_1483, %lt3A_1485 : i1
    %and3A_1487 = arith.andi %ne3A_1486, %ne3A_1481 : i1
    %add3A_1488 = arith.addi %rem3A_1479, %select_n3A_1478 : i32
    %select_n3A_1489 = arith.select %and3A_1487, %add3A_1488, %rem3A_1479 : i32
    %dma_start3A_1490 = arith.constant 896 : i32
    %dma_start3A_1491 = arith.constant 0 : i32
    %dma_start3A_1492 = tpu.memref_slice %arg5[%select_n3A_1473, %dma_start3A_1490, %select_n3A_1489, %dma_start3A_1491] : memref<8x1024x8x128xf32, #tpu.memory_space<hbm>> -> memref<1x64x1x128xf32, #tpu.memory_space<hbm>>
    %dma_start3A_1493 = tpu.memref_squeeze %dma_start3A_1492 : memref<1x64x1x128xf32, #tpu.memory_space<hbm>> -> memref<64x128xf32, #tpu.memory_space<hbm>>
    %dma_start3A_1494 = arith.constant 896 : i32
    %dma_start3A_1495 = arith.constant 0 : i32
    %dma_start3A_1496 = tpu.memref_slice %arg5[%select_n3A_1473, %dma_start3A_1494, %select_n3A_1489, %dma_start3A_1495] : memref<8x1024x8x128xf32, #tpu.memory_space<hbm>> -> memref<1x64x1x128xf32, #tpu.memory_space<hbm>>
    %dma_start3A_1497 = tpu.memref_squeeze %dma_start3A_1496 : memref<1x64x1x128xf32, #tpu.memory_space<hbm>> -> memref<64x128xf32, #tpu.memory_space<hbm>>
    tpu.enqueue_dma source(%arg13 : memref<64x128xf32, #tpu.memory_space<vmem>>) target(%dma_start3A_1497 : memref<64x128xf32, #tpu.memory_space<hbm>>) target_semaphore(%arg33 : memref<!tpu.dma_semaphore, #tpu.memory_space<semaphore_mem>>)
    %dma_start3A_1498 = arith.constant 896 : i32
    %dma_start3A_1499 = arith.constant 0 : i32
    %dma_start3A_1500 = tpu.memref_slice %arg6[%select_n3A_1473, %dma_start3A_1498, %select_n3A_1489, %dma_start3A_1499] : memref<8x1024x8x128xf32, #tpu.memory_space<hbm>> -> memref<1x64x1x128xf32, #tpu.memory_space<hbm>>
    %dma_start3A_1501 = tpu.memref_squeeze %dma_start3A_1500 : memref<1x64x1x128xf32, #tpu.memory_space<hbm>> -> memref<64x128xf32, #tpu.memory_space<hbm>>
    %dma_start3A_1502 = arith.constant 896 : i32
    %dma_start3A_1503 = arith.constant 0 : i32
    %dma_start3A_1504 = tpu.memref_slice %arg6[%select_n3A_1473, %dma_start3A_1502, %select_n3A_1489, %dma_start3A_1503] : memref<8x1024x8x128xf32, #tpu.memory_space<hbm>> -> memref<1x64x1x128xf32, #tpu.memory_space<hbm>>
    %dma_start3A_1505 = tpu.memref_squeeze %dma_start3A_1504 : memref<1x64x1x128xf32, #tpu.memory_space<hbm>> -> memref<64x128xf32, #tpu.memory_space<hbm>>
    tpu.enqueue_dma source(%arg18 : memref<64x128xf32, #tpu.memory_space<vmem>>) target(%dma_start3A_1505 : memref<64x128xf32, #tpu.memory_space<hbm>>) target_semaphore(%arg38 : memref<!tpu.dma_semaphore, #tpu.memory_space<semaphore_mem>>)
    %dma_wait3A_1506 = arith.constant 768 : i32
    %dma_wait3A_1507 = arith.constant 0 : i32
    %dma_wait3A_1508 = tpu.memref_slice %arg5[%select_n3A_1269, %dma_wait3A_1506, %select_n3A_1285, %dma_wait3A_1507] : memref<8x1024x8x128xf32, #tpu.memory_space<hbm>> -> memref<1x64x1x128xf32, #tpu.memory_space<hbm>>
    %dma_wait3A_1509 = tpu.memref_squeeze %dma_wait3A_1508 : memref<1x64x1x128xf32, #tpu.memory_space<hbm>> -> memref<64x128xf32, #tpu.memory_space<hbm>>
    %dma_wait3A_1510 = arith.constant 768 : i32
    %dma_wait3A_1511 = arith.constant 0 : i32
    %dma_wait3A_1512 = tpu.memref_slice %arg5[%select_n3A_1269, %dma_wait3A_1510, %select_n3A_1285, %dma_wait3A_1511] : memref<8x1024x8x128xf32, #tpu.memory_space<hbm>> -> memref<1x64x1x128xf32, #tpu.memory_space<hbm>>
    %dma_wait3A_1513 = tpu.memref_squeeze %dma_wait3A_1512 : memref<1x64x1x128xf32, #tpu.memory_space<hbm>> -> memref<64x128xf32, #tpu.memory_space<hbm>>
    tpu.wait_dma2 semaphore(%arg31 : memref<!tpu.dma_semaphore, #tpu.memory_space<semaphore_mem>>) src(%arg11 : memref<64x128xf32, #tpu.memory_space<vmem>>) dst(%dma_wait3A_1513 : memref<64x128xf32, #tpu.memory_space<hbm>>)
    %dma_wait3A_1514 = arith.constant 768 : i32
    %dma_wait3A_1515 = arith.constant 0 : i32
    %dma_wait3A_1516 = tpu.memref_slice %arg6[%select_n3A_1269, %dma_wait3A_1514, %select_n3A_1285, %dma_wait3A_1515] : memref<8x1024x8x128xf32, #tpu.memory_space<hbm>> -> memref<1x64x1x128xf32, #tpu.memory_space<hbm>>
    %dma_wait3A_1517 = tpu.memref_squeeze %dma_wait3A_1516 : memref<1x64x1x128xf32, #tpu.memory_space<hbm>> -> memref<64x128xf32, #tpu.memory_space<hbm>>
    %dma_wait3A_1518 = arith.constant 768 : i32
    %dma_wait3A_1519 = arith.constant 0 : i32
    %dma_wait3A_1520 = tpu.memref_slice %arg6[%select_n3A_1269, %dma_wait3A_1518, %select_n3A_1285, %dma_wait3A_1519] : memref<8x1024x8x128xf32, #tpu.memory_space<hbm>> -> memref<1x64x1x128xf32, #tpu.memory_space<hbm>>
    %dma_wait3A_1521 = tpu.memref_squeeze %dma_wait3A_1520 : memref<1x64x1x128xf32, #tpu.memory_space<hbm>> -> memref<64x128xf32, #tpu.memory_space<hbm>>
    tpu.wait_dma2 semaphore(%arg36 : memref<!tpu.dma_semaphore, #tpu.memory_space<semaphore_mem>>) src(%arg16 : memref<64x128xf32, #tpu.memory_space<vmem>>) dst(%dma_wait3A_1521 : memref<64x128xf32, #tpu.memory_space<hbm>>)
    %dma_start3A_1522 = arith.constant 1 : i32
    %dma_start3A_1523 = arith.constant 64 : i32
    %dma_start3A_1524 = tpu.memref_slice %arg8[%dma_start3A_1522, %dma_start3A_1523] : memref<2x1024xi32, #tpu.memory_space<vmem>> -> memref<1x64xi32, #tpu.memory_space<vmem>>
    %dma_start3A_1525 = tpu.memref_squeeze %dma_start3A_1524 : memref<1x64xi32, #tpu.memory_space<vmem>> -> memref<64xi32, #tpu.memory_space<vmem>>
    %dma_start3A_1526 = arith.constant 0 : i32
    %dma_start3A_1527 = arith.constant 0 : i32
    %dma_start3A_1528 = tpu.memref_slice %arg3[%dma_start3A_1526, %dma_start3A_1527] : memref<131072x128xf32, #tpu.memory_space<hbm>> -> memref<131072x128xf32, #tpu.memory_space<hbm>>
    tpu.enqueue_indirect_dma source(%dma_start3A_1528 : memref<131072x128xf32, #tpu.memory_space<hbm>>) target(%arg11 : memref<64x128xf32, #tpu.memory_space<vmem>>) offsets(%dma_start3A_1525 : memref<64xi32, #tpu.memory_space<vmem>>) semaphore(%arg21 : memref<!tpu.dma_semaphore, #tpu.memory_space<semaphore_mem>>)
    %dma_start3A_1529 = arith.constant 1 : i32
    %dma_start3A_1530 = arith.constant 64 : i32
    %dma_start3A_1531 = tpu.memref_slice %arg8[%dma_start3A_1529, %dma_start3A_1530] : memref<2x1024xi32, #tpu.memory_space<vmem>> -> memref<1x64xi32, #tpu.memory_space<vmem>>
    %dma_start3A_1532 = tpu.memref_squeeze %dma_start3A_1531 : memref<1x64xi32, #tpu.memory_space<vmem>> -> memref<64xi32, #tpu.memory_space<vmem>>
    %dma_start3A_1533 = arith.constant 0 : i32
    %dma_start3A_1534 = arith.constant 0 : i32
    %dma_start3A_1535 = tpu.memref_slice %arg4[%dma_start3A_1533, %dma_start3A_1534] : memref<131072x128xf32, #tpu.memory_space<hbm>> -> memref<131072x128xf32, #tpu.memory_space<hbm>>
    tpu.enqueue_indirect_dma source(%dma_start3A_1535 : memref<131072x128xf32, #tpu.memory_space<hbm>>) target(%arg16 : memref<64x128xf32, #tpu.memory_space<vmem>>) offsets(%dma_start3A_1532 : memref<64xi32, #tpu.memory_space<vmem>>) semaphore(%arg26 : memref<!tpu.dma_semaphore, #tpu.memory_space<semaphore_mem>>)
    %dma_wait3A_1536 = arith.constant 0 : i32
    %dma_wait3A_1537 = arith.constant 960 : i32
    %dma_wait3A_1538 = tpu.memref_slice %arg8[%dma_wait3A_1536, %dma_wait3A_1537] : memref<2x1024xi32, #tpu.memory_space<vmem>> -> memref<1x64xi32, #tpu.memory_space<vmem>>
    %dma_wait3A_1539 = tpu.memref_squeeze %dma_wait3A_1538 : memref<1x64xi32, #tpu.memory_space<vmem>> -> memref<64xi32, #tpu.memory_space<vmem>>
    %dma_wait3A_1540 = arith.constant 0 : i32
    %dma_wait3A_1541 = arith.constant 0 : i32
    %dma_wait3A_1542 = tpu.memref_slice %arg3[%dma_wait3A_1540, %dma_wait3A_1541] : memref<131072x128xf32, #tpu.memory_space<hbm>> -> memref<131072x128xf32, #tpu.memory_space<hbm>>
    tpu.wait_indirect_dma semaphore(%arg19 : memref<!tpu.dma_semaphore, #tpu.memory_space<semaphore_mem>>) src(%dma_wait3A_1542 : memref<131072x128xf32, #tpu.memory_space<hbm>>) dst(%arg9 : memref<64x128xf32, #tpu.memory_space<vmem>>)
    %dma_wait3A_1543 = arith.constant 0 : i32
    %dma_wait3A_1544 = arith.constant 960 : i32
    %dma_wait3A_1545 = tpu.memref_slice %arg8[%dma_wait3A_1543, %dma_wait3A_1544] : memref<2x1024xi32, #tpu.memory_space<vmem>> -> memref<1x64xi32, #tpu.memory_space<vmem>>
    %dma_wait3A_1546 = tpu.memref_squeeze %dma_wait3A_1545 : memref<1x64xi32, #tpu.memory_space<vmem>> -> memref<64xi32, #tpu.memory_space<vmem>>
    %dma_wait3A_1547 = arith.constant 0 : i32
    %dma_wait3A_1548 = arith.constant 0 : i32
    %dma_wait3A_1549 = tpu.memref_slice %arg4[%dma_wait3A_1547, %dma_wait3A_1548] : memref<131072x128xf32, #tpu.memory_space<hbm>> -> memref<131072x128xf32, #tpu.memory_space<hbm>>
    tpu.wait_indirect_dma semaphore(%arg24 : memref<!tpu.dma_semaphore, #tpu.memory_space<semaphore_mem>>) src(%dma_wait3A_1549 : memref<131072x128xf32, #tpu.memory_space<hbm>>) dst(%arg14 : memref<64x128xf32, #tpu.memory_space<vmem>>)
    %add3A_1550 = arith.constant 0 : i32
    %add3A_1551 = arith.addi %mul3A_2, %add3A_1550 : i32
    %jit3A_1552 = arith.constant 8 : i32
    %div3A_1553 = arith.divsi %add3A_1551, %jit3A_1552 : i32
    %sign3A_1554 = arith.constant 0 : i32
    %sign3A_1555 = arith.cmpi sgt, %add3A_1551, %sign3A_1554 : i32
    %sign3A_1556 = arith.extui %sign3A_1555 : i1 to i32
    %sign3A_1557 = arith.constant 0 : i32
    %sign3A_1558 = arith.cmpi slt, %add3A_1551, %sign3A_1557 : i32
    %sign3A_1559 = arith.extui %sign3A_1558 : i1 to i32
    %sign3A_1560 = arith.subi %sign3A_1556, %sign3A_1559 : i32
    %sign3A_1561 = arith.constant 0 : i32
    %sign3A_1562 = arith.cmpi sgt, %jit3A_1552, %sign3A_1561 : i32
    %sign3A_1563 = arith.extui %sign3A_1562 : i1 to i32
    %sign3A_1564 = arith.constant 0 : i32
    %sign3A_1565 = arith.cmpi slt, %jit3A_1552, %sign3A_1564 : i32
    %sign3A_1566 = arith.extui %sign3A_1565 : i1 to i32
    %sign3A_1567 = arith.subi %sign3A_1563, %sign3A_1566 : i32
    %ne3A_1568 = arith.cmpi ne, %sign3A_1560, %sign3A_1567 : i32
    %rem3A_1569 = arith.remsi %add3A_1551, %jit3A_1552 : i32
    %ne3A_1570 = arith.constant 0 : i32
    %ne3A_1571 = arith.cmpi ne, %rem3A_1569, %ne3A_1570 : i32
    %and3A_1572 = arith.andi %ne3A_1568, %ne3A_1571 : i1
    %sub3A_1573 = arith.constant 1 : i32
    %sub3A_1574 = arith.subi %div3A_1553, %sub3A_1573 : i32
    %select_n3A_1575 = arith.select %and3A_1572, %sub3A_1574, %div3A_1553 : i32
    %jit3A_1576 = arith.constant 8 : i32
    %eq3A_1577 = arith.constant 0 : i32
    %eq3A_1578 = arith.cmpi eq, %jit3A_1576, %eq3A_1577 : i32
    %jit3A_1579 = arith.constant 1 : i32
    %select_n3A_1580 = arith.select %eq3A_1578, %jit3A_1579, %jit3A_1576 : i32
    %rem3A_1581 = arith.remsi %add3A_1551, %select_n3A_1580 : i32
    %ne3A_1582 = arith.constant 0 : i32
    %ne3A_1583 = arith.cmpi ne, %rem3A_1581, %ne3A_1582 : i32
    %lt3A_1584 = arith.constant 0 : i32
    %lt3A_1585 = arith.cmpi slt, %rem3A_1581, %lt3A_1584 : i32
    %lt3A_1586 = arith.constant 0 : i32
    %lt3A_1587 = arith.cmpi slt, %select_n3A_1580, %lt3A_1586 : i32
    %ne3A_1588 = arith.xori %lt3A_1585, %lt3A_1587 : i1
    %and3A_1589 = arith.andi %ne3A_1588, %ne3A_1583 : i1
    %add3A_1590 = arith.addi %rem3A_1581, %select_n3A_1580 : i32
    %select_n3A_1591 = arith.select %and3A_1589, %add3A_1590, %rem3A_1581 : i32
    %dma_start3A_1592 = arith.constant 960 : i32
    %dma_start3A_1593 = arith.constant 0 : i32
    %dma_start3A_1594 = tpu.memref_slice %arg5[%select_n3A_1575, %dma_start3A_1592, %select_n3A_1591, %dma_start3A_1593] : memref<8x1024x8x128xf32, #tpu.memory_space<hbm>> -> memref<1x64x1x128xf32, #tpu.memory_space<hbm>>
    %dma_start3A_1595 = tpu.memref_squeeze %dma_start3A_1594 : memref<1x64x1x128xf32, #tpu.memory_space<hbm>> -> memref<64x128xf32, #tpu.memory_space<hbm>>
    %dma_start3A_1596 = arith.constant 960 : i32
    %dma_start3A_1597 = arith.constant 0 : i32
    %dma_start3A_1598 = tpu.memref_slice %arg5[%select_n3A_1575, %dma_start3A_1596, %select_n3A_1591, %dma_start3A_1597] : memref<8x1024x8x128xf32, #tpu.memory_space<hbm>> -> memref<1x64x1x128xf32, #tpu.memory_space<hbm>>
    %dma_start3A_1599 = tpu.memref_squeeze %dma_start3A_1598 : memref<1x64x1x128xf32, #tpu.memory_space<hbm>> -> memref<64x128xf32, #tpu.memory_space<hbm>>
    tpu.enqueue_dma source(%arg9 : memref<64x128xf32, #tpu.memory_space<vmem>>) target(%dma_start3A_1599 : memref<64x128xf32, #tpu.memory_space<hbm>>) target_semaphore(%arg29 : memref<!tpu.dma_semaphore, #tpu.memory_space<semaphore_mem>>)
    %dma_start3A_1600 = arith.constant 960 : i32
    %dma_start3A_1601 = arith.constant 0 : i32
    %dma_start3A_1602 = tpu.memref_slice %arg6[%select_n3A_1575, %dma_start3A_1600, %select_n3A_1591, %dma_start3A_1601] : memref<8x1024x8x128xf32, #tpu.memory_space<hbm>> -> memref<1x64x1x128xf32, #tpu.memory_space<hbm>>
    %dma_start3A_1603 = tpu.memref_squeeze %dma_start3A_1602 : memref<1x64x1x128xf32, #tpu.memory_space<hbm>> -> memref<64x128xf32, #tpu.memory_space<hbm>>
    %dma_start3A_1604 = arith.constant 960 : i32
    %dma_start3A_1605 = arith.constant 0 : i32
    %dma_start3A_1606 = tpu.memref_slice %arg6[%select_n3A_1575, %dma_start3A_1604, %select_n3A_1591, %dma_start3A_1605] : memref<8x1024x8x128xf32, #tpu.memory_space<hbm>> -> memref<1x64x1x128xf32, #tpu.memory_space<hbm>>
    %dma_start3A_1607 = tpu.memref_squeeze %dma_start3A_1606 : memref<1x64x1x128xf32, #tpu.memory_space<hbm>> -> memref<64x128xf32, #tpu.memory_space<hbm>>
    tpu.enqueue_dma source(%arg14 : memref<64x128xf32, #tpu.memory_space<vmem>>) target(%dma_start3A_1607 : memref<64x128xf32, #tpu.memory_space<hbm>>) target_semaphore(%arg34 : memref<!tpu.dma_semaphore, #tpu.memory_space<semaphore_mem>>)
    %dma_wait3A_1608 = arith.constant 832 : i32
    %dma_wait3A_1609 = arith.constant 0 : i32
    %dma_wait3A_1610 = tpu.memref_slice %arg5[%select_n3A_1371, %dma_wait3A_1608, %select_n3A_1387, %dma_wait3A_1609] : memref<8x1024x8x128xf32, #tpu.memory_space<hbm>> -> memref<1x64x1x128xf32, #tpu.memory_space<hbm>>
    %dma_wait3A_1611 = tpu.memref_squeeze %dma_wait3A_1610 : memref<1x64x1x128xf32, #tpu.memory_space<hbm>> -> memref<64x128xf32, #tpu.memory_space<hbm>>
    %dma_wait3A_1612 = arith.constant 832 : i32
    %dma_wait3A_1613 = arith.constant 0 : i32
    %dma_wait3A_1614 = tpu.memref_slice %arg5[%select_n3A_1371, %dma_wait3A_1612, %select_n3A_1387, %dma_wait3A_1613] : memref<8x1024x8x128xf32, #tpu.memory_space<hbm>> -> memref<1x64x1x128xf32, #tpu.memory_space<hbm>>
    %dma_wait3A_1615 = tpu.memref_squeeze %dma_wait3A_1614 : memref<1x64x1x128xf32, #tpu.memory_space<hbm>> -> memref<64x128xf32, #tpu.memory_space<hbm>>
    tpu.wait_dma2 semaphore(%arg32 : memref<!tpu.dma_semaphore, #tpu.memory_space<semaphore_mem>>) src(%arg12 : memref<64x128xf32, #tpu.memory_space<vmem>>) dst(%dma_wait3A_1615 : memref<64x128xf32, #tpu.memory_space<hbm>>)
    %dma_wait3A_1616 = arith.constant 832 : i32
    %dma_wait3A_1617 = arith.constant 0 : i32
    %dma_wait3A_1618 = tpu.memref_slice %arg6[%select_n3A_1371, %dma_wait3A_1616, %select_n3A_1387, %dma_wait3A_1617] : memref<8x1024x8x128xf32, #tpu.memory_space<hbm>> -> memref<1x64x1x128xf32, #tpu.memory_space<hbm>>
    %dma_wait3A_1619 = tpu.memref_squeeze %dma_wait3A_1618 : memref<1x64x1x128xf32, #tpu.memory_space<hbm>> -> memref<64x128xf32, #tpu.memory_space<hbm>>
    %dma_wait3A_1620 = arith.constant 832 : i32
    %dma_wait3A_1621 = arith.constant 0 : i32
    %dma_wait3A_1622 = tpu.memref_slice %arg6[%select_n3A_1371, %dma_wait3A_1620, %select_n3A_1387, %dma_wait3A_1621] : memref<8x1024x8x128xf32, #tpu.memory_space<hbm>> -> memref<1x64x1x128xf32, #tpu.memory_space<hbm>>
    %dma_wait3A_1623 = tpu.memref_squeeze %dma_wait3A_1622 : memref<1x64x1x128xf32, #tpu.memory_space<hbm>> -> memref<64x128xf32, #tpu.memory_space<hbm>>
    tpu.wait_dma2 semaphore(%arg37 : memref<!tpu.dma_semaphore, #tpu.memory_space<semaphore_mem>>) src(%arg17 : memref<64x128xf32, #tpu.memory_space<vmem>>) dst(%dma_wait3A_1623 : memref<64x128xf32, #tpu.memory_space<hbm>>)
    %dma_start3A_1624 = arith.constant 1 : i32
    %dma_start3A_1625 = arith.constant 128 : i32
    %dma_start3A_1626 = tpu.memref_slice %arg8[%dma_start3A_1624, %dma_start3A_1625] : memref<2x1024xi32, #tpu.memory_space<vmem>> -> memref<1x64xi32, #tpu.memory_space<vmem>>
    %dma_start3A_1627 = tpu.memref_squeeze %dma_start3A_1626 : memref<1x64xi32, #tpu.memory_space<vmem>> -> memref<64xi32, #tpu.memory_space<vmem>>
    %dma_start3A_1628 = arith.constant 0 : i32
    %dma_start3A_1629 = arith.constant 0 : i32
    %dma_start3A_1630 = tpu.memref_slice %arg3[%dma_start3A_1628, %dma_start3A_1629] : memref<131072x128xf32, #tpu.memory_space<hbm>> -> memref<131072x128xf32, #tpu.memory_space<hbm>>
    tpu.enqueue_indirect_dma source(%dma_start3A_1630 : memref<131072x128xf32, #tpu.memory_space<hbm>>) target(%arg12 : memref<64x128xf32, #tpu.memory_space<vmem>>) offsets(%dma_start3A_1627 : memref<64xi32, #tpu.memory_space<vmem>>) semaphore(%arg22 : memref<!tpu.dma_semaphore, #tpu.memory_space<semaphore_mem>>)
    %dma_start3A_1631 = arith.constant 1 : i32
    %dma_start3A_1632 = arith.constant 128 : i32
    %dma_start3A_1633 = tpu.memref_slice %arg8[%dma_start3A_1631, %dma_start3A_1632] : memref<2x1024xi32, #tpu.memory_space<vmem>> -> memref<1x64xi32, #tpu.memory_space<vmem>>
    %dma_start3A_1634 = tpu.memref_squeeze %dma_start3A_1633 : memref<1x64xi32, #tpu.memory_space<vmem>> -> memref<64xi32, #tpu.memory_space<vmem>>
    %dma_start3A_1635 = arith.constant 0 : i32
    %dma_start3A_1636 = arith.constant 0 : i32
    %dma_start3A_1637 = tpu.memref_slice %arg4[%dma_start3A_1635, %dma_start3A_1636] : memref<131072x128xf32, #tpu.memory_space<hbm>> -> memref<131072x128xf32, #tpu.memory_space<hbm>>
    tpu.enqueue_indirect_dma source(%dma_start3A_1637 : memref<131072x128xf32, #tpu.memory_space<hbm>>) target(%arg17 : memref<64x128xf32, #tpu.memory_space<vmem>>) offsets(%dma_start3A_1634 : memref<64xi32, #tpu.memory_space<vmem>>) semaphore(%arg27 : memref<!tpu.dma_semaphore, #tpu.memory_space<semaphore_mem>>)
    %dma_wait3A_1638 = arith.constant 1 : i32
    %dma_wait3A_1639 = arith.constant 0 : i32
    %dma_wait3A_1640 = tpu.memref_slice %arg8[%dma_wait3A_1638, %dma_wait3A_1639] : memref<2x1024xi32, #tpu.memory_space<vmem>> -> memref<1x64xi32, #tpu.memory_space<vmem>>
    %dma_wait3A_1641 = tpu.memref_squeeze %dma_wait3A_1640 : memref<1x64xi32, #tpu.memory_space<vmem>> -> memref<64xi32, #tpu.memory_space<vmem>>
    %dma_wait3A_1642 = arith.constant 0 : i32
    %dma_wait3A_1643 = arith.constant 0 : i32
    %dma_wait3A_1644 = tpu.memref_slice %arg3[%dma_wait3A_1642, %dma_wait3A_1643] : memref<131072x128xf32, #tpu.memory_space<hbm>> -> memref<131072x128xf32, #tpu.memory_space<hbm>>
    tpu.wait_indirect_dma semaphore(%arg20 : memref<!tpu.dma_semaphore, #tpu.memory_space<semaphore_mem>>) src(%dma_wait3A_1644 : memref<131072x128xf32, #tpu.memory_space<hbm>>) dst(%arg10 : memref<64x128xf32, #tpu.memory_space<vmem>>)
    %dma_wait3A_1645 = arith.constant 1 : i32
    %dma_wait3A_1646 = arith.constant 0 : i32
    %dma_wait3A_1647 = tpu.memref_slice %arg8[%dma_wait3A_1645, %dma_wait3A_1646] : memref<2x1024xi32, #tpu.memory_space<vmem>> -> memref<1x64xi32, #tpu.memory_space<vmem>>
    %dma_wait3A_1648 = tpu.memref_squeeze %dma_wait3A_1647 : memref<1x64xi32, #tpu.memory_space<vmem>> -> memref<64xi32, #tpu.memory_space<vmem>>
    %dma_wait3A_1649 = arith.constant 0 : i32
    %dma_wait3A_1650 = arith.constant 0 : i32
    %dma_wait3A_1651 = tpu.memref_slice %arg4[%dma_wait3A_1649, %dma_wait3A_1650] : memref<131072x128xf32, #tpu.memory_space<hbm>> -> memref<131072x128xf32, #tpu.memory_space<hbm>>
    tpu.wait_indirect_dma semaphore(%arg25 : memref<!tpu.dma_semaphore, #tpu.memory_space<semaphore_mem>>) src(%dma_wait3A_1651 : memref<131072x128xf32, #tpu.memory_space<hbm>>) dst(%arg15 : memref<64x128xf32, #tpu.memory_space<vmem>>)
    %add3A_1652 = arith.constant 1 : i32
    %add3A_1653 = arith.addi %mul3A_2, %add3A_1652 : i32
    %jit3A_1654 = arith.constant 8 : i32
    %div3A_1655 = arith.divsi %add3A_1653, %jit3A_1654 : i32
    %sign3A_1656 = arith.constant 0 : i32
    %sign3A_1657 = arith.cmpi sgt, %add3A_1653, %sign3A_1656 : i32
    %sign3A_1658 = arith.extui %sign3A_1657 : i1 to i32
    %sign3A_1659 = arith.constant 0 : i32
    %sign3A_1660 = arith.cmpi slt, %add3A_1653, %sign3A_1659 : i32
    %sign3A_1661 = arith.extui %sign3A_1660 : i1 to i32
    %sign3A_1662 = arith.subi %sign3A_1658, %sign3A_1661 : i32
    %sign3A_1663 = arith.constant 0 : i32
    %sign3A_1664 = arith.cmpi sgt, %jit3A_1654, %sign3A_1663 : i32
    %sign3A_1665 = arith.extui %sign3A_1664 : i1 to i32
    %sign3A_1666 = arith.constant 0 : i32
    %sign3A_1667 = arith.cmpi slt, %jit3A_1654, %sign3A_1666 : i32
    %sign3A_1668 = arith.extui %sign3A_1667 : i1 to i32
    %sign3A_1669 = arith.subi %sign3A_1665, %sign3A_1668 : i32
    %ne3A_1670 = arith.cmpi ne, %sign3A_1662, %sign3A_1669 : i32
    %rem3A_1671 = arith.remsi %add3A_1653, %jit3A_1654 : i32
    %ne3A_1672 = arith.constant 0 : i32
    %ne3A_1673 = arith.cmpi ne, %rem3A_1671, %ne3A_1672 : i32
    %and3A_1674 = arith.andi %ne3A_1670, %ne3A_1673 : i1
    %sub3A_1675 = arith.constant 1 : i32
    %sub3A_1676 = arith.subi %div3A_1655, %sub3A_1675 : i32
    %select_n3A_1677 = arith.select %and3A_1674, %sub3A_1676, %div3A_1655 : i32
    %jit3A_1678 = arith.constant 8 : i32
    %eq3A_1679 = arith.constant 0 : i32
    %eq3A_1680 = arith.cmpi eq, %jit3A_1678, %eq3A_1679 : i32
    %jit3A_1681 = arith.constant 1 : i32
    %select_n3A_1682 = arith.select %eq3A_1680, %jit3A_1681, %jit3A_1678 : i32
    %rem3A_1683 = arith.remsi %add3A_1653, %select_n3A_1682 : i32
    %ne3A_1684 = arith.constant 0 : i32
    %ne3A_1685 = arith.cmpi ne, %rem3A_1683, %ne3A_1684 : i32
    %lt3A_1686 = arith.constant 0 : i32
    %lt3A_1687 = arith.cmpi slt, %rem3A_1683, %lt3A_1686 : i32
    %lt3A_1688 = arith.constant 0 : i32
    %lt3A_1689 = arith.cmpi slt, %select_n3A_1682, %lt3A_1688 : i32
    %ne3A_1690 = arith.xori %lt3A_1687, %lt3A_1689 : i1
    %and3A_1691 = arith.andi %ne3A_1690, %ne3A_1685 : i1
    %add3A_1692 = arith.addi %rem3A_1683, %select_n3A_1682 : i32
    %select_n3A_1693 = arith.select %and3A_1691, %add3A_1692, %rem3A_1683 : i32
    %dma_start3A_1694 = arith.constant 0 : i32
    %dma_start3A_1695 = arith.constant 0 : i32
    %dma_start3A_1696 = tpu.memref_slice %arg5[%select_n3A_1677, %dma_start3A_1694, %select_n3A_1693, %dma_start3A_1695] : memref<8x1024x8x128xf32, #tpu.memory_space<hbm>> -> memref<1x64x1x128xf32, #tpu.memory_space<hbm>>
    %dma_start3A_1697 = tpu.memref_squeeze %dma_start3A_1696 : memref<1x64x1x128xf32, #tpu.memory_space<hbm>> -> memref<64x128xf32, #tpu.memory_space<hbm>>
    %dma_start3A_1698 = arith.constant 0 : i32
    %dma_start3A_1699 = arith.constant 0 : i32
    %dma_start3A_1700 = tpu.memref_slice %arg5[%select_n3A_1677, %dma_start3A_1698, %select_n3A_1693, %dma_start3A_1699] : memref<8x1024x8x128xf32, #tpu.memory_space<hbm>> -> memref<1x64x1x128xf32, #tpu.memory_space<hbm>>
    %dma_start3A_1701 = tpu.memref_squeeze %dma_start3A_1700 : memref<1x64x1x128xf32, #tpu.memory_space<hbm>> -> memref<64x128xf32, #tpu.memory_space<hbm>>
    tpu.enqueue_dma source(%arg10 : memref<64x128xf32, #tpu.memory_space<vmem>>) target(%dma_start3A_1701 : memref<64x128xf32, #tpu.memory_space<hbm>>) target_semaphore(%arg30 : memref<!tpu.dma_semaphore, #tpu.memory_space<semaphore_mem>>)
    %dma_start3A_1702 = arith.constant 0 : i32
    %dma_start3A_1703 = arith.constant 0 : i32
    %dma_start3A_1704 = tpu.memref_slice %arg6[%select_n3A_1677, %dma_start3A_1702, %select_n3A_1693, %dma_start3A_1703] : memref<8x1024x8x128xf32, #tpu.memory_space<hbm>> -> memref<1x64x1x128xf32, #tpu.memory_space<hbm>>
    %dma_start3A_1705 = tpu.memref_squeeze %dma_start3A_1704 : memref<1x64x1x128xf32, #tpu.memory_space<hbm>> -> memref<64x128xf32, #tpu.memory_space<hbm>>
    %dma_start3A_1706 = arith.constant 0 : i32
    %dma_start3A_1707 = arith.constant 0 : i32
    %dma_start3A_1708 = tpu.memref_slice %arg6[%select_n3A_1677, %dma_start3A_1706, %select_n3A_1693, %dma_start3A_1707] : memref<8x1024x8x128xf32, #tpu.memory_space<hbm>> -> memref<1x64x1x128xf32, #tpu.memory_space<hbm>>
    %dma_start3A_1709 = tpu.memref_squeeze %dma_start3A_1708 : memref<1x64x1x128xf32, #tpu.memory_space<hbm>> -> memref<64x128xf32, #tpu.memory_space<hbm>>
    tpu.enqueue_dma source(%arg15 : memref<64x128xf32, #tpu.memory_space<vmem>>) target(%dma_start3A_1709 : memref<64x128xf32, #tpu.memory_space<hbm>>) target_semaphore(%arg35 : memref<!tpu.dma_semaphore, #tpu.memory_space<semaphore_mem>>)
    %dma_wait3A_1710 = arith.constant 896 : i32
    %dma_wait3A_1711 = arith.constant 0 : i32
    %dma_wait3A_1712 = tpu.memref_slice %arg5[%select_n3A_1473, %dma_wait3A_1710, %select_n3A_1489, %dma_wait3A_1711] : memref<8x1024x8x128xf32, #tpu.memory_space<hbm>> -> memref<1x64x1x128xf32, #tpu.memory_space<hbm>>
    %dma_wait3A_1713 = tpu.memref_squeeze %dma_wait3A_1712 : memref<1x64x1x128xf32, #tpu.memory_space<hbm>> -> memref<64x128xf32, #tpu.memory_space<hbm>>
    %dma_wait3A_1714 = arith.constant 896 : i32
    %dma_wait3A_1715 = arith.constant 0 : i32
    %dma_wait3A_1716 = tpu.memref_slice %arg5[%select_n3A_1473, %dma_wait3A_1714, %select_n3A_1489, %dma_wait3A_1715] : memref<8x1024x8x128xf32, #tpu.memory_space<hbm>> -> memref<1x64x1x128xf32, #tpu.memory_space<hbm>>
    %dma_wait3A_1717 = tpu.memref_squeeze %dma_wait3A_1716 : memref<1x64x1x128xf32, #tpu.memory_space<hbm>> -> memref<64x128xf32, #tpu.memory_space<hbm>>
    tpu.wait_dma2 semaphore(%arg33 : memref<!tpu.dma_semaphore, #tpu.memory_space<semaphore_mem>>) src(%arg13 : memref<64x128xf32, #tpu.memory_space<vmem>>) dst(%dma_wait3A_1717 : memref<64x128xf32, #tpu.memory_space<hbm>>)
    %dma_wait3A_1718 = arith.constant 896 : i32
    %dma_wait3A_1719 = arith.constant 0 : i32
    %dma_wait3A_1720 = tpu.memref_slice %arg6[%select_n3A_1473, %dma_wait3A_1718, %select_n3A_1489, %dma_wait3A_1719] : memref<8x1024x8x128xf32, #tpu.memory_space<hbm>> -> memref<1x64x1x128xf32, #tpu.memory_space<hbm>>
    %dma_wait3A_1721 = tpu.memref_squeeze %dma_wait3A_1720 : memref<1x64x1x128xf32, #tpu.memory_space<hbm>> -> memref<64x128xf32, #tpu.memory_space<hbm>>
    %dma_wait3A_1722 = arith.constant 896 : i32
    %dma_wait3A_1723 = arith.constant 0 : i32
    %dma_wait3A_1724 = tpu.memref_slice %arg6[%select_n3A_1473, %dma_wait3A_1722, %select_n3A_1489, %dma_wait3A_1723] : memref<8x1024x8x128xf32, #tpu.memory_space<hbm>> -> memref<1x64x1x128xf32, #tpu.memory_space<hbm>>
    %dma_wait3A_1725 = tpu.memref_squeeze %dma_wait3A_1724 : memref<1x64x1x128xf32, #tpu.memory_space<hbm>> -> memref<64x128xf32, #tpu.memory_space<hbm>>
    tpu.wait_dma2 semaphore(%arg38 : memref<!tpu.dma_semaphore, #tpu.memory_space<semaphore_mem>>) src(%arg18 : memref<64x128xf32, #tpu.memory_space<vmem>>) dst(%dma_wait3A_1725 : memref<64x128xf32, #tpu.memory_space<hbm>>)
    %dma_start3A_1726 = arith.constant 1 : i32
    %dma_start3A_1727 = arith.constant 192 : i32
    %dma_start3A_1728 = tpu.memref_slice %arg8[%dma_start3A_1726, %dma_start3A_1727] : memref<2x1024xi32, #tpu.memory_space<vmem>> -> memref<1x64xi32, #tpu.memory_space<vmem>>
    %dma_start3A_1729 = tpu.memref_squeeze %dma_start3A_1728 : memref<1x64xi32, #tpu.memory_space<vmem>> -> memref<64xi32, #tpu.memory_space<vmem>>
    %dma_start3A_1730 = arith.constant 0 : i32
    %dma_start3A_1731 = arith.constant 0 : i32
    %dma_start3A_1732 = tpu.memref_slice %arg3[%dma_start3A_1730, %dma_start3A_1731] : memref<131072x128xf32, #tpu.memory_space<hbm>> -> memref<131072x128xf32, #tpu.memory_space<hbm>>
    tpu.enqueue_indirect_dma source(%dma_start3A_1732 : memref<131072x128xf32, #tpu.memory_space<hbm>>) target(%arg13 : memref<64x128xf32, #tpu.memory_space<vmem>>) offsets(%dma_start3A_1729 : memref<64xi32, #tpu.memory_space<vmem>>) semaphore(%arg23 : memref<!tpu.dma_semaphore, #tpu.memory_space<semaphore_mem>>)
    %dma_start3A_1733 = arith.constant 1 : i32
    %dma_start3A_1734 = arith.constant 192 : i32
    %dma_start3A_1735 = tpu.memref_slice %arg8[%dma_start3A_1733, %dma_start3A_1734] : memref<2x1024xi32, #tpu.memory_space<vmem>> -> memref<1x64xi32, #tpu.memory_space<vmem>>
    %dma_start3A_1736 = tpu.memref_squeeze %dma_start3A_1735 : memref<1x64xi32, #tpu.memory_space<vmem>> -> memref<64xi32, #tpu.memory_space<vmem>>
    %dma_start3A_1737 = arith.constant 0 : i32
    %dma_start3A_1738 = arith.constant 0 : i32
    %dma_start3A_1739 = tpu.memref_slice %arg4[%dma_start3A_1737, %dma_start3A_1738] : memref<131072x128xf32, #tpu.memory_space<hbm>> -> memref<131072x128xf32, #tpu.memory_space<hbm>>
    tpu.enqueue_indirect_dma source(%dma_start3A_1739 : memref<131072x128xf32, #tpu.memory_space<hbm>>) target(%arg18 : memref<64x128xf32, #tpu.memory_space<vmem>>) offsets(%dma_start3A_1736 : memref<64xi32, #tpu.memory_space<vmem>>) semaphore(%arg28 : memref<!tpu.dma_semaphore, #tpu.memory_space<semaphore_mem>>)
    %dma_wait3A_1740 = arith.constant 1 : i32
    %dma_wait3A_1741 = arith.constant 64 : i32
    %dma_wait3A_1742 = tpu.memref_slice %arg8[%dma_wait3A_1740, %dma_wait3A_1741] : memref<2x1024xi32, #tpu.memory_space<vmem>> -> memref<1x64xi32, #tpu.memory_space<vmem>>
    %dma_wait3A_1743 = tpu.memref_squeeze %dma_wait3A_1742 : memref<1x64xi32, #tpu.memory_space<vmem>> -> memref<64xi32, #tpu.memory_space<vmem>>
    %dma_wait3A_1744 = arith.constant 0 : i32
    %dma_wait3A_1745 = arith.constant 0 : i32
    %dma_wait3A_1746 = tpu.memref_slice %arg3[%dma_wait3A_1744, %dma_wait3A_1745] : memref<131072x128xf32, #tpu.memory_space<hbm>> -> memref<131072x128xf32, #tpu.memory_space<hbm>>
    tpu.wait_indirect_dma semaphore(%arg21 : memref<!tpu.dma_semaphore, #tpu.memory_space<semaphore_mem>>) src(%dma_wait3A_1746 : memref<131072x128xf32, #tpu.memory_space<hbm>>) dst(%arg11 : memref<64x128xf32, #tpu.memory_space<vmem>>)
    %dma_wait3A_1747 = arith.constant 1 : i32
    %dma_wait3A_1748 = arith.constant 64 : i32
    %dma_wait3A_1749 = tpu.memref_slice %arg8[%dma_wait3A_1747, %dma_wait3A_1748] : memref<2x1024xi32, #tpu.memory_space<vmem>> -> memref<1x64xi32, #tpu.memory_space<vmem>>
    %dma_wait3A_1750 = tpu.memref_squeeze %dma_wait3A_1749 : memref<1x64xi32, #tpu.memory_space<vmem>> -> memref<64xi32, #tpu.memory_space<vmem>>
    %dma_wait3A_1751 = arith.constant 0 : i32
    %dma_wait3A_1752 = arith.constant 0 : i32
    %dma_wait3A_1753 = tpu.memref_slice %arg4[%dma_wait3A_1751, %dma_wait3A_1752] : memref<131072x128xf32, #tpu.memory_space<hbm>> -> memref<131072x128xf32, #tpu.memory_space<hbm>>
    tpu.wait_indirect_dma semaphore(%arg26 : memref<!tpu.dma_semaphore, #tpu.memory_space<semaphore_mem>>) src(%dma_wait3A_1753 : memref<131072x128xf32, #tpu.memory_space<hbm>>) dst(%arg16 : memref<64x128xf32, #tpu.memory_space<vmem>>)
    %add3A_1754 = arith.constant 1 : i32
    %add3A_1755 = arith.addi %mul3A_2, %add3A_1754 : i32
    %jit3A_1756 = arith.constant 8 : i32
    %div3A_1757 = arith.divsi %add3A_1755, %jit3A_1756 : i32
    %sign3A_1758 = arith.constant 0 : i32
    %sign3A_1759 = arith.cmpi sgt, %add3A_1755, %sign3A_1758 : i32
    %sign3A_1760 = arith.extui %sign3A_1759 : i1 to i32
    %sign3A_1761 = arith.constant 0 : i32
    %sign3A_1762 = arith.cmpi slt, %add3A_1755, %sign3A_1761 : i32
    %sign3A_1763 = arith.extui %sign3A_1762 : i1 to i32
    %sign3A_1764 = arith.subi %sign3A_1760, %sign3A_1763 : i32
    %sign3A_1765 = arith.constant 0 : i32
    %sign3A_1766 = arith.cmpi sgt, %jit3A_1756, %sign3A_1765 : i32
    %sign3A_1767 = arith.extui %sign3A_1766 : i1 to i32
    %sign3A_1768 = arith.constant 0 : i32
    %sign3A_1769 = arith.cmpi slt, %jit3A_1756, %sign3A_1768 : i32
    %sign3A_1770 = arith.extui %sign3A_1769 : i1 to i32
    %sign3A_1771 = arith.subi %sign3A_1767, %sign3A_1770 : i32
    %ne3A_1772 = arith.cmpi ne, %sign3A_1764, %sign3A_1771 : i32
    %rem3A_1773 = arith.remsi %add3A_1755, %jit3A_1756 : i32
    %ne3A_1774 = arith.constant 0 : i32
    %ne3A_1775 = arith.cmpi ne, %rem3A_1773, %ne3A_1774 : i32
    %and3A_1776 = arith.andi %ne3A_1772, %ne3A_1775 : i1
    %sub3A_1777 = arith.constant 1 : i32
    %sub3A_1778 = arith.subi %div3A_1757, %sub3A_1777 : i32
    %select_n3A_1779 = arith.select %and3A_1776, %sub3A_1778, %div3A_1757 : i32
    %jit3A_1780 = arith.constant 8 : i32
    %eq3A_1781 = arith.constant 0 : i32
    %eq3A_1782 = arith.cmpi eq, %jit3A_1780, %eq3A_1781 : i32
    %jit3A_1783 = arith.constant 1 : i32
    %select_n3A_1784 = arith.select %eq3A_1782, %jit3A_1783, %jit3A_1780 : i32
    %rem3A_1785 = arith.remsi %add3A_1755, %select_n3A_1784 : i32
    %ne3A_1786 = arith.constant 0 : i32
    %ne3A_1787 = arith.cmpi ne, %rem3A_1785, %ne3A_1786 : i32
    %lt3A_1788 = arith.constant 0 : i32
    %lt3A_1789 = arith.cmpi slt, %rem3A_1785, %lt3A_1788 : i32
    %lt3A_1790 = arith.constant 0 : i32
    %lt3A_1791 = arith.cmpi slt, %select_n3A_1784, %lt3A_1790 : i32
    %ne3A_1792 = arith.xori %lt3A_1789, %lt3A_1791 : i1
    %and3A_1793 = arith.andi %ne3A_1792, %ne3A_1787 : i1
    %add3A_1794 = arith.addi %rem3A_1785, %select_n3A_1784 : i32
    %select_n3A_1795 = arith.select %and3A_1793, %add3A_1794, %rem3A_1785 : i32
    %dma_start3A_1796 = arith.constant 64 : i32
    %dma_start3A_1797 = arith.constant 0 : i32
    %dma_start3A_1798 = tpu.memref_slice %arg5[%select_n3A_1779, %dma_start3A_1796, %select_n3A_1795, %dma_start3A_1797] : memref<8x1024x8x128xf32, #tpu.memory_space<hbm>> -> memref<1x64x1x128xf32, #tpu.memory_space<hbm>>
    %dma_start3A_1799 = tpu.memref_squeeze %dma_start3A_1798 : memref<1x64x1x128xf32, #tpu.memory_space<hbm>> -> memref<64x128xf32, #tpu.memory_space<hbm>>
    %dma_start3A_1800 = arith.constant 64 : i32
    %dma_start3A_1801 = arith.constant 0 : i32
    %dma_start3A_1802 = tpu.memref_slice %arg5[%select_n3A_1779, %dma_start3A_1800, %select_n3A_1795, %dma_start3A_1801] : memref<8x1024x8x128xf32, #tpu.memory_space<hbm>> -> memref<1x64x1x128xf32, #tpu.memory_space<hbm>>
    %dma_start3A_1803 = tpu.memref_squeeze %dma_start3A_1802 : memref<1x64x1x128xf32, #tpu.memory_space<hbm>> -> memref<64x128xf32, #tpu.memory_space<hbm>>
    tpu.enqueue_dma source(%arg11 : memref<64x128xf32, #tpu.memory_space<vmem>>) target(%dma_start3A_1803 : memref<64x128xf32, #tpu.memory_space<hbm>>) target_semaphore(%arg31 : memref<!tpu.dma_semaphore, #tpu.memory_space<semaphore_mem>>)
    %dma_start3A_1804 = arith.constant 64 : i32
    %dma_start3A_1805 = arith.constant 0 : i32
    %dma_start3A_1806 = tpu.memref_slice %arg6[%select_n3A_1779, %dma_start3A_1804, %select_n3A_1795, %dma_start3A_1805] : memref<8x1024x8x128xf32, #tpu.memory_space<hbm>> -> memref<1x64x1x128xf32, #tpu.memory_space<hbm>>
    %dma_start3A_1807 = tpu.memref_squeeze %dma_start3A_1806 : memref<1x64x1x128xf32, #tpu.memory_space<hbm>> -> memref<64x128xf32, #tpu.memory_space<hbm>>
    %dma_start3A_1808 = arith.constant 64 : i32
    %dma_start3A_1809 = arith.constant 0 : i32
    %dma_start3A_1810 = tpu.memref_slice %arg6[%select_n3A_1779, %dma_start3A_1808, %select_n3A_1795, %dma_start3A_1809] : memref<8x1024x8x128xf32, #tpu.memory_space<hbm>> -> memref<1x64x1x128xf32, #tpu.memory_space<hbm>>
    %dma_start3A_1811 = tpu.memref_squeeze %dma_start3A_1810 : memref<1x64x1x128xf32, #tpu.memory_space<hbm>> -> memref<64x128xf32, #tpu.memory_space<hbm>>
    tpu.enqueue_dma source(%arg16 : memref<64x128xf32, #tpu.memory_space<vmem>>) target(%dma_start3A_1811 : memref<64x128xf32, #tpu.memory_space<hbm>>) target_semaphore(%arg36 : memref<!tpu.dma_semaphore, #tpu.memory_space<semaphore_mem>>)
    %dma_wait3A_1812 = arith.constant 960 : i32
    %dma_wait3A_1813 = arith.constant 0 : i32
    %dma_wait3A_1814 = tpu.memref_slice %arg5[%select_n3A_1575, %dma_wait3A_1812, %select_n3A_1591, %dma_wait3A_1813] : memref<8x1024x8x128xf32, #tpu.memory_space<hbm>> -> memref<1x64x1x128xf32, #tpu.memory_space<hbm>>
    %dma_wait3A_1815 = tpu.memref_squeeze %dma_wait3A_1814 : memref<1x64x1x128xf32, #tpu.memory_space<hbm>> -> memref<64x128xf32, #tpu.memory_space<hbm>>
    %dma_wait3A_1816 = arith.constant 960 : i32
    %dma_wait3A_1817 = arith.constant 0 : i32
    %dma_wait3A_1818 = tpu.memref_slice %arg5[%select_n3A_1575, %dma_wait3A_1816, %select_n3A_1591, %dma_wait3A_1817] : memref<8x1024x8x128xf32, #tpu.memory_space<hbm>> -> memref<1x64x1x128xf32, #tpu.memory_space<hbm>>
    %dma_wait3A_1819 = tpu.memref_squeeze %dma_wait3A_1818 : memref<1x64x1x128xf32, #tpu.memory_space<hbm>> -> memref<64x128xf32, #tpu.memory_space<hbm>>
    tpu.wait_dma2 semaphore(%arg29 : memref<!tpu.dma_semaphore, #tpu.memory_space<semaphore_mem>>) src(%arg9 : memref<64x128xf32, #tpu.memory_space<vmem>>) dst(%dma_wait3A_1819 : memref<64x128xf32, #tpu.memory_space<hbm>>)
    %dma_wait3A_1820 = arith.constant 960 : i32
    %dma_wait3A_1821 = arith.constant 0 : i32
    %dma_wait3A_1822 = tpu.memref_slice %arg6[%select_n3A_1575, %dma_wait3A_1820, %select_n3A_1591, %dma_wait3A_1821] : memref<8x1024x8x128xf32, #tpu.memory_space<hbm>> -> memref<1x64x1x128xf32, #tpu.memory_space<hbm>>
    %dma_wait3A_1823 = tpu.memref_squeeze %dma_wait3A_1822 : memref<1x64x1x128xf32, #tpu.memory_space<hbm>> -> memref<64x128xf32, #tpu.memory_space<hbm>>
    %dma_wait3A_1824 = arith.constant 960 : i32
    %dma_wait3A_1825 = arith.constant 0 : i32
    %dma_wait3A_1826 = tpu.memref_slice %arg6[%select_n3A_1575, %dma_wait3A_1824, %select_n3A_1591, %dma_wait3A_1825] : memref<8x1024x8x128xf32, #tpu.memory_space<hbm>> -> memref<1x64x1x128xf32, #tpu.memory_space<hbm>>
    %dma_wait3A_1827 = tpu.memref_squeeze %dma_wait3A_1826 : memref<1x64x1x128xf32, #tpu.memory_space<hbm>> -> memref<64x128xf32, #tpu.memory_space<hbm>>
    tpu.wait_dma2 semaphore(%arg34 : memref<!tpu.dma_semaphore, #tpu.memory_space<semaphore_mem>>) src(%arg14 : memref<64x128xf32, #tpu.memory_space<vmem>>) dst(%dma_wait3A_1827 : memref<64x128xf32, #tpu.memory_space<hbm>>)
    %dma_start3A_1828 = arith.constant 1 : i32
    %dma_start3A_1829 = arith.constant 256 : i32
    %dma_start3A_1830 = tpu.memref_slice %arg8[%dma_start3A_1828, %dma_start3A_1829] : memref<2x1024xi32, #tpu.memory_space<vmem>> -> memref<1x64xi32, #tpu.memory_space<vmem>>
    %dma_start3A_1831 = tpu.memref_squeeze %dma_start3A_1830 : memref<1x64xi32, #tpu.memory_space<vmem>> -> memref<64xi32, #tpu.memory_space<vmem>>
    %dma_start3A_1832 = arith.constant 0 : i32
    %dma_start3A_1833 = arith.constant 0 : i32
    %dma_start3A_1834 = tpu.memref_slice %arg3[%dma_start3A_1832, %dma_start3A_1833] : memref<131072x128xf32, #tpu.memory_space<hbm>> -> memref<131072x128xf32, #tpu.memory_space<hbm>>
    tpu.enqueue_indirect_dma source(%dma_start3A_1834 : memref<131072x128xf32, #tpu.memory_space<hbm>>) target(%arg9 : memref<64x128xf32, #tpu.memory_space<vmem>>) offsets(%dma_start3A_1831 : memref<64xi32, #tpu.memory_space<vmem>>) semaphore(%arg19 : memref<!tpu.dma_semaphore, #tpu.memory_space<semaphore_mem>>)
    %dma_start3A_1835 = arith.constant 1 : i32
    %dma_start3A_1836 = arith.constant 256 : i32
    %dma_start3A_1837 = tpu.memref_slice %arg8[%dma_start3A_1835, %dma_start3A_1836] : memref<2x1024xi32, #tpu.memory_space<vmem>> -> memref<1x64xi32, #tpu.memory_space<vmem>>
    %dma_start3A_1838 = tpu.memref_squeeze %dma_start3A_1837 : memref<1x64xi32, #tpu.memory_space<vmem>> -> memref<64xi32, #tpu.memory_space<vmem>>
    %dma_start3A_1839 = arith.constant 0 : i32
    %dma_start3A_1840 = arith.constant 0 : i32
    %dma_start3A_1841 = tpu.memref_slice %arg4[%dma_start3A_1839, %dma_start3A_1840] : memref<131072x128xf32, #tpu.memory_space<hbm>> -> memref<131072x128xf32, #tpu.memory_space<hbm>>
    tpu.enqueue_indirect_dma source(%dma_start3A_1841 : memref<131072x128xf32, #tpu.memory_space<hbm>>) target(%arg14 : memref<64x128xf32, #tpu.memory_space<vmem>>) offsets(%dma_start3A_1838 : memref<64xi32, #tpu.memory_space<vmem>>) semaphore(%arg24 : memref<!tpu.dma_semaphore, #tpu.memory_space<semaphore_mem>>)
    %dma_wait3A_1842 = arith.constant 1 : i32
    %dma_wait3A_1843 = arith.constant 128 : i32
    %dma_wait3A_1844 = tpu.memref_slice %arg8[%dma_wait3A_1842, %dma_wait3A_1843] : memref<2x1024xi32, #tpu.memory_space<vmem>> -> memref<1x64xi32, #tpu.memory_space<vmem>>
    %dma_wait3A_1845 = tpu.memref_squeeze %dma_wait3A_1844 : memref<1x64xi32, #tpu.memory_space<vmem>> -> memref<64xi32, #tpu.memory_space<vmem>>
    %dma_wait3A_1846 = arith.constant 0 : i32
    %dma_wait3A_1847 = arith.constant 0 : i32
    %dma_wait3A_1848 = tpu.memref_slice %arg3[%dma_wait3A_1846, %dma_wait3A_1847] : memref<131072x128xf32, #tpu.memory_space<hbm>> -> memref<131072x128xf32, #tpu.memory_space<hbm>>
    tpu.wait_indirect_dma semaphore(%arg22 : memref<!tpu.dma_semaphore, #tpu.memory_space<semaphore_mem>>) src(%dma_wait3A_1848 : memref<131072x128xf32, #tpu.memory_space<hbm>>) dst(%arg12 : memref<64x128xf32, #tpu.memory_space<vmem>>)
    %dma_wait3A_1849 = arith.constant 1 : i32
    %dma_wait3A_1850 = arith.constant 128 : i32
    %dma_wait3A_1851 = tpu.memref_slice %arg8[%dma_wait3A_1849, %dma_wait3A_1850] : memref<2x1024xi32, #tpu.memory_space<vmem>> -> memref<1x64xi32, #tpu.memory_space<vmem>>
    %dma_wait3A_1852 = tpu.memref_squeeze %dma_wait3A_1851 : memref<1x64xi32, #tpu.memory_space<vmem>> -> memref<64xi32, #tpu.memory_space<vmem>>
    %dma_wait3A_1853 = arith.constant 0 : i32
    %dma_wait3A_1854 = arith.constant 0 : i32
    %dma_wait3A_1855 = tpu.memref_slice %arg4[%dma_wait3A_1853, %dma_wait3A_1854] : memref<131072x128xf32, #tpu.memory_space<hbm>> -> memref<131072x128xf32, #tpu.memory_space<hbm>>
    tpu.wait_indirect_dma semaphore(%arg27 : memref<!tpu.dma_semaphore, #tpu.memory_space<semaphore_mem>>) src(%dma_wait3A_1855 : memref<131072x128xf32, #tpu.memory_space<hbm>>) dst(%arg17 : memref<64x128xf32, #tpu.memory_space<vmem>>)
    %add3A_1856 = arith.constant 1 : i32
    %add3A_1857 = arith.addi %mul3A_2, %add3A_1856 : i32
    %jit3A_1858 = arith.constant 8 : i32
    %div3A_1859 = arith.divsi %add3A_1857, %jit3A_1858 : i32
    %sign3A_1860 = arith.constant 0 : i32
    %sign3A_1861 = arith.cmpi sgt, %add3A_1857, %sign3A_1860 : i32
    %sign3A_1862 = arith.extui %sign3A_1861 : i1 to i32
    %sign3A_1863 = arith.constant 0 : i32
    %sign3A_1864 = arith.cmpi slt, %add3A_1857, %sign3A_1863 : i32
    %sign3A_1865 = arith.extui %sign3A_1864 : i1 to i32
    %sign3A_1866 = arith.subi %sign3A_1862, %sign3A_1865 : i32
    %sign3A_1867 = arith.constant 0 : i32
    %sign3A_1868 = arith.cmpi sgt, %jit3A_1858, %sign3A_1867 : i32
    %sign3A_1869 = arith.extui %sign3A_1868 : i1 to i32
    %sign3A_1870 = arith.constant 0 : i32
    %sign3A_1871 = arith.cmpi slt, %jit3A_1858, %sign3A_1870 : i32
    %sign3A_1872 = arith.extui %sign3A_1871 : i1 to i32
    %sign3A_1873 = arith.subi %sign3A_1869, %sign3A_1872 : i32
    %ne3A_1874 = arith.cmpi ne, %sign3A_1866, %sign3A_1873 : i32
    %rem3A_1875 = arith.remsi %add3A_1857, %jit3A_1858 : i32
    %ne3A_1876 = arith.constant 0 : i32
    %ne3A_1877 = arith.cmpi ne, %rem3A_1875, %ne3A_1876 : i32
    %and3A_1878 = arith.andi %ne3A_1874, %ne3A_1877 : i1
    %sub3A_1879 = arith.constant 1 : i32
    %sub3A_1880 = arith.subi %div3A_1859, %sub3A_1879 : i32
    %select_n3A_1881 = arith.select %and3A_1878, %sub3A_1880, %div3A_1859 : i32
    %jit3A_1882 = arith.constant 8 : i32
    %eq3A_1883 = arith.constant 0 : i32
    %eq3A_1884 = arith.cmpi eq, %jit3A_1882, %eq3A_1883 : i32
    %jit3A_1885 = arith.constant 1 : i32
    %select_n3A_1886 = arith.select %eq3A_1884, %jit3A_1885, %jit3A_1882 : i32
    %rem3A_1887 = arith.remsi %add3A_1857, %select_n3A_1886 : i32
    %ne3A_1888 = arith.constant 0 : i32
    %ne3A_1889 = arith.cmpi ne, %rem3A_1887, %ne3A_1888 : i32
    %lt3A_1890 = arith.constant 0 : i32
    %lt3A_1891 = arith.cmpi slt, %rem3A_1887, %lt3A_1890 : i32
    %lt3A_1892 = arith.constant 0 : i32
    %lt3A_1893 = arith.cmpi slt, %select_n3A_1886, %lt3A_1892 : i32
    %ne3A_1894 = arith.xori %lt3A_1891, %lt3A_1893 : i1
    %and3A_1895 = arith.andi %ne3A_1894, %ne3A_1889 : i1
    %add3A_1896 = arith.addi %rem3A_1887, %select_n3A_1886 : i32
    %select_n3A_1897 = arith.select %and3A_1895, %add3A_1896, %rem3A_1887 : i32
    %dma_start3A_1898 = arith.constant 128 : i32
    %dma_start3A_1899 = arith.constant 0 : i32
    %dma_start3A_1900 = tpu.memref_slice %arg5[%select_n3A_1881, %dma_start3A_1898, %select_n3A_1897, %dma_start3A_1899] : memref<8x1024x8x128xf32, #tpu.memory_space<hbm>> -> memref<1x64x1x128xf32, #tpu.memory_space<hbm>>
    %dma_start3A_1901 = tpu.memref_squeeze %dma_start3A_1900 : memref<1x64x1x128xf32, #tpu.memory_space<hbm>> -> memref<64x128xf32, #tpu.memory_space<hbm>>
    %dma_start3A_1902 = arith.constant 128 : i32
    %dma_start3A_1903 = arith.constant 0 : i32
    %dma_start3A_1904 = tpu.memref_slice %arg5[%select_n3A_1881, %dma_start3A_1902, %select_n3A_1897, %dma_start3A_1903] : memref<8x1024x8x128xf32, #tpu.memory_space<hbm>> -> memref<1x64x1x128xf32, #tpu.memory_space<hbm>>
    %dma_start3A_1905 = tpu.memref_squeeze %dma_start3A_1904 : memref<1x64x1x128xf32, #tpu.memory_space<hbm>> -> memref<64x128xf32, #tpu.memory_space<hbm>>
    tpu.enqueue_dma source(%arg12 : memref<64x128xf32, #tpu.memory_space<vmem>>) target(%dma_start3A_1905 : memref<64x128xf32, #tpu.memory_space<hbm>>) target_semaphore(%arg32 : memref<!tpu.dma_semaphore, #tpu.memory_space<semaphore_mem>>)
    %dma_start3A_1906 = arith.constant 128 : i32
    %dma_start3A_1907 = arith.constant 0 : i32
    %dma_start3A_1908 = tpu.memref_slice %arg6[%select_n3A_1881, %dma_start3A_1906, %select_n3A_1897, %dma_start3A_1907] : memref<8x1024x8x128xf32, #tpu.memory_space<hbm>> -> memref<1x64x1x128xf32, #tpu.memory_space<hbm>>
    %dma_start3A_1909 = tpu.memref_squeeze %dma_start3A_1908 : memref<1x64x1x128xf32, #tpu.memory_space<hbm>> -> memref<64x128xf32, #tpu.memory_space<hbm>>
    %dma_start3A_1910 = arith.constant 128 : i32
    %dma_start3A_1911 = arith.constant 0 : i32
    %dma_start3A_1912 = tpu.memref_slice %arg6[%select_n3A_1881, %dma_start3A_1910, %select_n3A_1897, %dma_start3A_1911] : memref<8x1024x8x128xf32, #tpu.memory_space<hbm>> -> memref<1x64x1x128xf32, #tpu.memory_space<hbm>>
    %dma_start3A_1913 = tpu.memref_squeeze %dma_start3A_1912 : memref<1x64x1x128xf32, #tpu.memory_space<hbm>> -> memref<64x128xf32, #tpu.memory_space<hbm>>
    tpu.enqueue_dma source(%arg17 : memref<64x128xf32, #tpu.memory_space<vmem>>) target(%dma_start3A_1913 : memref<64x128xf32, #tpu.memory_space<hbm>>) target_semaphore(%arg37 : memref<!tpu.dma_semaphore, #tpu.memory_space<semaphore_mem>>)
    %dma_wait3A_1914 = arith.constant 0 : i32
    %dma_wait3A_1915 = arith.constant 0 : i32
    %dma_wait3A_1916 = tpu.memref_slice %arg5[%select_n3A_1677, %dma_wait3A_1914, %select_n3A_1693, %dma_wait3A_1915] : memref<8x1024x8x128xf32, #tpu.memory_space<hbm>> -> memref<1x64x1x128xf32, #tpu.memory_space<hbm>>
    %dma_wait3A_1917 = tpu.memref_squeeze %dma_wait3A_1916 : memref<1x64x1x128xf32, #tpu.memory_space<hbm>> -> memref<64x128xf32, #tpu.memory_space<hbm>>
    %dma_wait3A_1918 = arith.constant 0 : i32
    %dma_wait3A_1919 = arith.constant 0 : i32
    %dma_wait3A_1920 = tpu.memref_slice %arg5[%select_n3A_1677, %dma_wait3A_1918, %select_n3A_1693, %dma_wait3A_1919] : memref<8x1024x8x128xf32, #tpu.memory_space<hbm>> -> memref<1x64x1x128xf32, #tpu.memory_space<hbm>>
    %dma_wait3A_1921 = tpu.memref_squeeze %dma_wait3A_1920 : memref<1x64x1x128xf32, #tpu.memory_space<hbm>> -> memref<64x128xf32, #tpu.memory_space<hbm>>
    tpu.wait_dma2 semaphore(%arg30 : memref<!tpu.dma_semaphore, #tpu.memory_space<semaphore_mem>>) src(%arg10 : memref<64x128xf32, #tpu.memory_space<vmem>>) dst(%dma_wait3A_1921 : memref<64x128xf32, #tpu.memory_space<hbm>>)
    %dma_wait3A_1922 = arith.constant 0 : i32
    %dma_wait3A_1923 = arith.constant 0 : i32
    %dma_wait3A_1924 = tpu.memref_slice %arg6[%select_n3A_1677, %dma_wait3A_1922, %select_n3A_1693, %dma_wait3A_1923] : memref<8x1024x8x128xf32, #tpu.memory_space<hbm>> -> memref<1x64x1x128xf32, #tpu.memory_space<hbm>>
    %dma_wait3A_1925 = tpu.memref_squeeze %dma_wait3A_1924 : memref<1x64x1x128xf32, #tpu.memory_space<hbm>> -> memref<64x128xf32, #tpu.memory_space<hbm>>
    %dma_wait3A_1926 = arith.constant 0 : i32
    %dma_wait3A_1927 = arith.constant 0 : i32
    %dma_wait3A_1928 = tpu.memref_slice %arg6[%select_n3A_1677, %dma_wait3A_1926, %select_n3A_1693, %dma_wait3A_1927] : memref<8x1024x8x128xf32, #tpu.memory_space<hbm>> -> memref<1x64x1x128xf32, #tpu.memory_space<hbm>>
    %dma_wait3A_1929 = tpu.memref_squeeze %dma_wait3A_1928 : memref<1x64x1x128xf32, #tpu.memory_space<hbm>> -> memref<64x128xf32, #tpu.memory_space<hbm>>
    tpu.wait_dma2 semaphore(%arg35 : memref<!tpu.dma_semaphore, #tpu.memory_space<semaphore_mem>>) src(%arg15 : memref<64x128xf32, #tpu.memory_space<vmem>>) dst(%dma_wait3A_1929 : memref<64x128xf32, #tpu.memory_space<hbm>>)
    %dma_start3A_1930 = arith.constant 1 : i32
    %dma_start3A_1931 = arith.constant 320 : i32
    %dma_start3A_1932 = tpu.memref_slice %arg8[%dma_start3A_1930, %dma_start3A_1931] : memref<2x1024xi32, #tpu.memory_space<vmem>> -> memref<1x64xi32, #tpu.memory_space<vmem>>
    %dma_start3A_1933 = tpu.memref_squeeze %dma_start3A_1932 : memref<1x64xi32, #tpu.memory_space<vmem>> -> memref<64xi32, #tpu.memory_space<vmem>>
    %dma_start3A_1934 = arith.constant 0 : i32
    %dma_start3A_1935 = arith.constant 0 : i32
    %dma_start3A_1936 = tpu.memref_slice %arg3[%dma_start3A_1934, %dma_start3A_1935] : memref<131072x128xf32, #tpu.memory_space<hbm>> -> memref<131072x128xf32, #tpu.memory_space<hbm>>
    tpu.enqueue_indirect_dma source(%dma_start3A_1936 : memref<131072x128xf32, #tpu.memory_space<hbm>>) target(%arg10 : memref<64x128xf32, #tpu.memory_space<vmem>>) offsets(%dma_start3A_1933 : memref<64xi32, #tpu.memory_space<vmem>>) semaphore(%arg20 : memref<!tpu.dma_semaphore, #tpu.memory_space<semaphore_mem>>)
    %dma_start3A_1937 = arith.constant 1 : i32
    %dma_start3A_1938 = arith.constant 320 : i32
    %dma_start3A_1939 = tpu.memref_slice %arg8[%dma_start3A_1937, %dma_start3A_1938] : memref<2x1024xi32, #tpu.memory_space<vmem>> -> memref<1x64xi32, #tpu.memory_space<vmem>>
    %dma_start3A_1940 = tpu.memref_squeeze %dma_start3A_1939 : memref<1x64xi32, #tpu.memory_space<vmem>> -> memref<64xi32, #tpu.memory_space<vmem>>
    %dma_start3A_1941 = arith.constant 0 : i32
    %dma_start3A_1942 = arith.constant 0 : i32
    %dma_start3A_1943 = tpu.memref_slice %arg4[%dma_start3A_1941, %dma_start3A_1942] : memref<131072x128xf32, #tpu.memory_space<hbm>> -> memref<131072x128xf32, #tpu.memory_space<hbm>>
    tpu.enqueue_indirect_dma source(%dma_start3A_1943 : memref<131072x128xf32, #tpu.memory_space<hbm>>) target(%arg15 : memref<64x128xf32, #tpu.memory_space<vmem>>) offsets(%dma_start3A_1940 : memref<64xi32, #tpu.memory_space<vmem>>) semaphore(%arg25 : memref<!tpu.dma_semaphore, #tpu.memory_space<semaphore_mem>>)
    %dma_wait3A_1944 = arith.constant 1 : i32
    %dma_wait3A_1945 = arith.constant 192 : i32
    %dma_wait3A_1946 = tpu.memref_slice %arg8[%dma_wait3A_1944, %dma_wait3A_1945] : memref<2x1024xi32, #tpu.memory_space<vmem>> -> memref<1x64xi32, #tpu.memory_space<vmem>>
    %dma_wait3A_1947 = tpu.memref_squeeze %dma_wait3A_1946 : memref<1x64xi32, #tpu.memory_space<vmem>> -> memref<64xi32, #tpu.memory_space<vmem>>
    %dma_wait3A_1948 = arith.constant 0 : i32
    %dma_wait3A_1949 = arith.constant 0 : i32
    %dma_wait3A_1950 = tpu.memref_slice %arg3[%dma_wait3A_1948, %dma_wait3A_1949] : memref<131072x128xf32, #tpu.memory_space<hbm>> -> memref<131072x128xf32, #tpu.memory_space<hbm>>
    tpu.wait_indirect_dma semaphore(%arg23 : memref<!tpu.dma_semaphore, #tpu.memory_space<semaphore_mem>>) src(%dma_wait3A_1950 : memref<131072x128xf32, #tpu.memory_space<hbm>>) dst(%arg13 : memref<64x128xf32, #tpu.memory_space<vmem>>)
    %dma_wait3A_1951 = arith.constant 1 : i32
    %dma_wait3A_1952 = arith.constant 192 : i32
    %dma_wait3A_1953 = tpu.memref_slice %arg8[%dma_wait3A_1951, %dma_wait3A_1952] : memref<2x1024xi32, #tpu.memory_space<vmem>> -> memref<1x64xi32, #tpu.memory_space<vmem>>
    %dma_wait3A_1954 = tpu.memref_squeeze %dma_wait3A_1953 : memref<1x64xi32, #tpu.memory_space<vmem>> -> memref<64xi32, #tpu.memory_space<vmem>>
    %dma_wait3A_1955 = arith.constant 0 : i32
    %dma_wait3A_1956 = arith.constant 0 : i32
    %dma_wait3A_1957 = tpu.memref_slice %arg4[%dma_wait3A_1955, %dma_wait3A_1956] : memref<131072x128xf32, #tpu.memory_space<hbm>> -> memref<131072x128xf32, #tpu.memory_space<hbm>>
    tpu.wait_indirect_dma semaphore(%arg28 : memref<!tpu.dma_semaphore, #tpu.memory_space<semaphore_mem>>) src(%dma_wait3A_1957 : memref<131072x128xf32, #tpu.memory_space<hbm>>) dst(%arg18 : memref<64x128xf32, #tpu.memory_space<vmem>>)
    %add3A_1958 = arith.constant 1 : i32
    %add3A_1959 = arith.addi %mul3A_2, %add3A_1958 : i32
    %jit3A_1960 = arith.constant 8 : i32
    %div3A_1961 = arith.divsi %add3A_1959, %jit3A_1960 : i32
    %sign3A_1962 = arith.constant 0 : i32
    %sign3A_1963 = arith.cmpi sgt, %add3A_1959, %sign3A_1962 : i32
    %sign3A_1964 = arith.extui %sign3A_1963 : i1 to i32
    %sign3A_1965 = arith.constant 0 : i32
    %sign3A_1966 = arith.cmpi slt, %add3A_1959, %sign3A_1965 : i32
    %sign3A_1967 = arith.extui %sign3A_1966 : i1 to i32
    %sign3A_1968 = arith.subi %sign3A_1964, %sign3A_1967 : i32
    %sign3A_1969 = arith.constant 0 : i32
    %sign3A_1970 = arith.cmpi sgt, %jit3A_1960, %sign3A_1969 : i32
    %sign3A_1971 = arith.extui %sign3A_1970 : i1 to i32
    %sign3A_1972 = arith.constant 0 : i32
    %sign3A_1973 = arith.cmpi slt, %jit3A_1960, %sign3A_1972 : i32
    %sign3A_1974 = arith.extui %sign3A_1973 : i1 to i32
    %sign3A_1975 = arith.subi %sign3A_1971, %sign3A_1974 : i32
    %ne3A_1976 = arith.cmpi ne, %sign3A_1968, %sign3A_1975 : i32
    %rem3A_1977 = arith.remsi %add3A_1959, %jit3A_1960 : i32
    %ne3A_1978 = arith.constant 0 : i32
    %ne3A_1979 = arith.cmpi ne, %rem3A_1977, %ne3A_1978 : i32
    %and3A_1980 = arith.andi %ne3A_1976, %ne3A_1979 : i1
    %sub3A_1981 = arith.constant 1 : i32
    %sub3A_1982 = arith.subi %div3A_1961, %sub3A_1981 : i32
    %select_n3A_1983 = arith.select %and3A_1980, %sub3A_1982, %div3A_1961 : i32
    %jit3A_1984 = arith.constant 8 : i32
    %eq3A_1985 = arith.constant 0 : i32
    %eq3A_1986 = arith.cmpi eq, %jit3A_1984, %eq3A_1985 : i32
    %jit3A_1987 = arith.constant 1 : i32
    %select_n3A_1988 = arith.select %eq3A_1986, %jit3A_1987, %jit3A_1984 : i32
    %rem3A_1989 = arith.remsi %add3A_1959, %select_n3A_1988 : i32
    %ne3A_1990 = arith.constant 0 : i32
    %ne3A_1991 = arith.cmpi ne, %rem3A_1989, %ne3A_1990 : i32
    %lt3A_1992 = arith.constant 0 : i32
    %lt3A_1993 = arith.cmpi slt, %rem3A_1989, %lt3A_1992 : i32
    %lt3A_1994 = arith.constant 0 : i32
    %lt3A_1995 = arith.cmpi slt, %select_n3A_1988, %lt3A_1994 : i32
    %ne3A_1996 = arith.xori %lt3A_1993, %lt3A_1995 : i1
    %and3A_1997 = arith.andi %ne3A_1996, %ne3A_1991 : i1
    %add3A_1998 = arith.addi %rem3A_1989, %select_n3A_1988 : i32
    %select_n3A_1999 = arith.select %and3A_1997, %add3A_1998, %rem3A_1989 : i32
    %dma_start3A_2000 = arith.constant 192 : i32
    %dma_start3A_2001 = arith.constant 0 : i32
    %dma_start3A_2002 = tpu.memref_slice %arg5[%select_n3A_1983, %dma_start3A_2000, %select_n3A_1999, %dma_start3A_2001] : memref<8x1024x8x128xf32, #tpu.memory_space<hbm>> -> memref<1x64x1x128xf32, #tpu.memory_space<hbm>>
    %dma_start3A_2003 = tpu.memref_squeeze %dma_start3A_2002 : memref<1x64x1x128xf32, #tpu.memory_space<hbm>> -> memref<64x128xf32, #tpu.memory_space<hbm>>
    %dma_start3A_2004 = arith.constant 192 : i32
    %dma_start3A_2005 = arith.constant 0 : i32
    %dma_start3A_2006 = tpu.memref_slice %arg5[%select_n3A_1983, %dma_start3A_2004, %select_n3A_1999, %dma_start3A_2005] : memref<8x1024x8x128xf32, #tpu.memory_space<hbm>> -> memref<1x64x1x128xf32, #tpu.memory_space<hbm>>
    %dma_start3A_2007 = tpu.memref_squeeze %dma_start3A_2006 : memref<1x64x1x128xf32, #tpu.memory_space<hbm>> -> memref<64x128xf32, #tpu.memory_space<hbm>>
    tpu.enqueue_dma source(%arg13 : memref<64x128xf32, #tpu.memory_space<vmem>>) target(%dma_start3A_2007 : memref<64x128xf32, #tpu.memory_space<hbm>>) target_semaphore(%arg33 : memref<!tpu.dma_semaphore, #tpu.memory_space<semaphore_mem>>)
    %dma_start3A_2008 = arith.constant 192 : i32
    %dma_start3A_2009 = arith.constant 0 : i32
    %dma_start3A_2010 = tpu.memref_slice %arg6[%select_n3A_1983, %dma_start3A_2008, %select_n3A_1999, %dma_start3A_2009] : memref<8x1024x8x128xf32, #tpu.memory_space<hbm>> -> memref<1x64x1x128xf32, #tpu.memory_space<hbm>>
    %dma_start3A_2011 = tpu.memref_squeeze %dma_start3A_2010 : memref<1x64x1x128xf32, #tpu.memory_space<hbm>> -> memref<64x128xf32, #tpu.memory_space<hbm>>
    %dma_start3A_2012 = arith.constant 192 : i32
    %dma_start3A_2013 = arith.constant 0 : i32
    %dma_start3A_2014 = tpu.memref_slice %arg6[%select_n3A_1983, %dma_start3A_2012, %select_n3A_1999, %dma_start3A_2013] : memref<8x1024x8x128xf32, #tpu.memory_space<hbm>> -> memref<1x64x1x128xf32, #tpu.memory_space<hbm>>
    %dma_start3A_2015 = tpu.memref_squeeze %dma_start3A_2014 : memref<1x64x1x128xf32, #tpu.memory_space<hbm>> -> memref<64x128xf32, #tpu.memory_space<hbm>>
    tpu.enqueue_dma source(%arg18 : memref<64x128xf32, #tpu.memory_space<vmem>>) target(%dma_start3A_2015 : memref<64x128xf32, #tpu.memory_space<hbm>>) target_semaphore(%arg38 : memref<!tpu.dma_semaphore, #tpu.memory_space<semaphore_mem>>)
    %dma_wait3A_2016 = arith.constant 64 : i32
    %dma_wait3A_2017 = arith.constant 0 : i32
    %dma_wait3A_2018 = tpu.memref_slice %arg5[%select_n3A_1779, %dma_wait3A_2016, %select_n3A_1795, %dma_wait3A_2017] : memref<8x1024x8x128xf32, #tpu.memory_space<hbm>> -> memref<1x64x1x128xf32, #tpu.memory_space<hbm>>
    %dma_wait3A_2019 = tpu.memref_squeeze %dma_wait3A_2018 : memref<1x64x1x128xf32, #tpu.memory_space<hbm>> -> memref<64x128xf32, #tpu.memory_space<hbm>>
    %dma_wait3A_2020 = arith.constant 64 : i32
    %dma_wait3A_2021 = arith.constant 0 : i32
    %dma_wait3A_2022 = tpu.memref_slice %arg5[%select_n3A_1779, %dma_wait3A_2020, %select_n3A_1795, %dma_wait3A_2021] : memref<8x1024x8x128xf32, #tpu.memory_space<hbm>> -> memref<1x64x1x128xf32, #tpu.memory_space<hbm>>
    %dma_wait3A_2023 = tpu.memref_squeeze %dma_wait3A_2022 : memref<1x64x1x128xf32, #tpu.memory_space<hbm>> -> memref<64x128xf32, #tpu.memory_space<hbm>>
    tpu.wait_dma2 semaphore(%arg31 : memref<!tpu.dma_semaphore, #tpu.memory_space<semaphore_mem>>) src(%arg11 : memref<64x128xf32, #tpu.memory_space<vmem>>) dst(%dma_wait3A_2023 : memref<64x128xf32, #tpu.memory_space<hbm>>)
    %dma_wait3A_2024 = arith.constant 64 : i32
    %dma_wait3A_2025 = arith.constant 0 : i32
    %dma_wait3A_2026 = tpu.memref_slice %arg6[%select_n3A_1779, %dma_wait3A_2024, %select_n3A_1795, %dma_wait3A_2025] : memref<8x1024x8x128xf32, #tpu.memory_space<hbm>> -> memref<1x64x1x128xf32, #tpu.memory_space<hbm>>
    %dma_wait3A_2027 = tpu.memref_squeeze %dma_wait3A_2026 : memref<1x64x1x128xf32, #tpu.memory_space<hbm>> -> memref<64x128xf32, #tpu.memory_space<hbm>>
    %dma_wait3A_2028 = arith.constant 64 : i32
    %dma_wait3A_2029 = arith.constant 0 : i32
    %dma_wait3A_2030 = tpu.memref_slice %arg6[%select_n3A_1779, %dma_wait3A_2028, %select_n3A_1795, %dma_wait3A_2029] : memref<8x1024x8x128xf32, #tpu.memory_space<hbm>> -> memref<1x64x1x128xf32, #tpu.memory_space<hbm>>
    %dma_wait3A_2031 = tpu.memref_squeeze %dma_wait3A_2030 : memref<1x64x1x128xf32, #tpu.memory_space<hbm>> -> memref<64x128xf32, #tpu.memory_space<hbm>>
    tpu.wait_dma2 semaphore(%arg36 : memref<!tpu.dma_semaphore, #tpu.memory_space<semaphore_mem>>) src(%arg16 : memref<64x128xf32, #tpu.memory_space<vmem>>) dst(%dma_wait3A_2031 : memref<64x128xf32, #tpu.memory_space<hbm>>)
    %dma_start3A_2032 = arith.constant 1 : i32
    %dma_start3A_2033 = arith.constant 384 : i32
    %dma_start3A_2034 = tpu.memref_slice %arg8[%dma_start3A_2032, %dma_start3A_2033] : memref<2x1024xi32, #tpu.memory_space<vmem>> -> memref<1x64xi32, #tpu.memory_space<vmem>>
    %dma_start3A_2035 = tpu.memref_squeeze %dma_start3A_2034 : memref<1x64xi32, #tpu.memory_space<vmem>> -> memref<64xi32, #tpu.memory_space<vmem>>
    %dma_start3A_2036 = arith.constant 0 : i32
    %dma_start3A_2037 = arith.constant 0 : i32
    %dma_start3A_2038 = tpu.memref_slice %arg3[%dma_start3A_2036, %dma_start3A_2037] : memref<131072x128xf32, #tpu.memory_space<hbm>> -> memref<131072x128xf32, #tpu.memory_space<hbm>>
    tpu.enqueue_indirect_dma source(%dma_start3A_2038 : memref<131072x128xf32, #tpu.memory_space<hbm>>) target(%arg11 : memref<64x128xf32, #tpu.memory_space<vmem>>) offsets(%dma_start3A_2035 : memref<64xi32, #tpu.memory_space<vmem>>) semaphore(%arg21 : memref<!tpu.dma_semaphore, #tpu.memory_space<semaphore_mem>>)
    %dma_start3A_2039 = arith.constant 1 : i32
    %dma_start3A_2040 = arith.constant 384 : i32
    %dma_start3A_2041 = tpu.memref_slice %arg8[%dma_start3A_2039, %dma_start3A_2040] : memref<2x1024xi32, #tpu.memory_space<vmem>> -> memref<1x64xi32, #tpu.memory_space<vmem>>
    %dma_start3A_2042 = tpu.memref_squeeze %dma_start3A_2041 : memref<1x64xi32, #tpu.memory_space<vmem>> -> memref<64xi32, #tpu.memory_space<vmem>>
    %dma_start3A_2043 = arith.constant 0 : i32
    %dma_start3A_2044 = arith.constant 0 : i32
    %dma_start3A_2045 = tpu.memref_slice %arg4[%dma_start3A_2043, %dma_start3A_2044] : memref<131072x128xf32, #tpu.memory_space<hbm>> -> memref<131072x128xf32, #tpu.memory_space<hbm>>
    tpu.enqueue_indirect_dma source(%dma_start3A_2045 : memref<131072x128xf32, #tpu.memory_space<hbm>>) target(%arg16 : memref<64x128xf32, #tpu.memory_space<vmem>>) offsets(%dma_start3A_2042 : memref<64xi32, #tpu.memory_space<vmem>>) semaphore(%arg26 : memref<!tpu.dma_semaphore, #tpu.memory_space<semaphore_mem>>)
    %dma_wait3A_2046 = arith.constant 1 : i32
    %dma_wait3A_2047 = arith.constant 256 : i32
    %dma_wait3A_2048 = tpu.memref_slice %arg8[%dma_wait3A_2046, %dma_wait3A_2047] : memref<2x1024xi32, #tpu.memory_space<vmem>> -> memref<1x64xi32, #tpu.memory_space<vmem>>
    %dma_wait3A_2049 = tpu.memref_squeeze %dma_wait3A_2048 : memref<1x64xi32, #tpu.memory_space<vmem>> -> memref<64xi32, #tpu.memory_space<vmem>>
    %dma_wait3A_2050 = arith.constant 0 : i32
    %dma_wait3A_2051 = arith.constant 0 : i32
    %dma_wait3A_2052 = tpu.memref_slice %arg3[%dma_wait3A_2050, %dma_wait3A_2051] : memref<131072x128xf32, #tpu.memory_space<hbm>> -> memref<131072x128xf32, #tpu.memory_space<hbm>>
    tpu.wait_indirect_dma semaphore(%arg19 : memref<!tpu.dma_semaphore, #tpu.memory_space<semaphore_mem>>) src(%dma_wait3A_2052 : memref<131072x128xf32, #tpu.memory_space<hbm>>) dst(%arg9 : memref<64x128xf32, #tpu.memory_space<vmem>>)
    %dma_wait3A_2053 = arith.constant 1 : i32
    %dma_wait3A_2054 = arith.constant 256 : i32
    %dma_wait3A_2055 = tpu.memref_slice %arg8[%dma_wait3A_2053, %dma_wait3A_2054] : memref<2x1024xi32, #tpu.memory_space<vmem>> -> memref<1x64xi32, #tpu.memory_space<vmem>>
    %dma_wait3A_2056 = tpu.memref_squeeze %dma_wait3A_2055 : memref<1x64xi32, #tpu.memory_space<vmem>> -> memref<64xi32, #tpu.memory_space<vmem>>
    %dma_wait3A_2057 = arith.constant 0 : i32
    %dma_wait3A_2058 = arith.constant 0 : i32
    %dma_wait3A_2059 = tpu.memref_slice %arg4[%dma_wait3A_2057, %dma_wait3A_2058] : memref<131072x128xf32, #tpu.memory_space<hbm>> -> memref<131072x128xf32, #tpu.memory_space<hbm>>
    tpu.wait_indirect_dma semaphore(%arg24 : memref<!tpu.dma_semaphore, #tpu.memory_space<semaphore_mem>>) src(%dma_wait3A_2059 : memref<131072x128xf32, #tpu.memory_space<hbm>>) dst(%arg14 : memref<64x128xf32, #tpu.memory_space<vmem>>)
    %add3A_2060 = arith.constant 1 : i32
    %add3A_2061 = arith.addi %mul3A_2, %add3A_2060 : i32
    %jit3A_2062 = arith.constant 8 : i32
    %div3A_2063 = arith.divsi %add3A_2061, %jit3A_2062 : i32
    %sign3A_2064 = arith.constant 0 : i32
    %sign3A_2065 = arith.cmpi sgt, %add3A_2061, %sign3A_2064 : i32
    %sign3A_2066 = arith.extui %sign3A_2065 : i1 to i32
    %sign3A_2067 = arith.constant 0 : i32
    %sign3A_2068 = arith.cmpi slt, %add3A_2061, %sign3A_2067 : i32
    %sign3A_2069 = arith.extui %sign3A_2068 : i1 to i32
    %sign3A_2070 = arith.subi %sign3A_2066, %sign3A_2069 : i32
    %sign3A_2071 = arith.constant 0 : i32
    %sign3A_2072 = arith.cmpi sgt, %jit3A_2062, %sign3A_2071 : i32
    %sign3A_2073 = arith.extui %sign3A_2072 : i1 to i32
    %sign3A_2074 = arith.constant 0 : i32
    %sign3A_2075 = arith.cmpi slt, %jit3A_2062, %sign3A_2074 : i32
    %sign3A_2076 = arith.extui %sign3A_2075 : i1 to i32
    %sign3A_2077 = arith.subi %sign3A_2073, %sign3A_2076 : i32
    %ne3A_2078 = arith.cmpi ne, %sign3A_2070, %sign3A_2077 : i32
    %rem3A_2079 = arith.remsi %add3A_2061, %jit3A_2062 : i32
    %ne3A_2080 = arith.constant 0 : i32
    %ne3A_2081 = arith.cmpi ne, %rem3A_2079, %ne3A_2080 : i32
    %and3A_2082 = arith.andi %ne3A_2078, %ne3A_2081 : i1
    %sub3A_2083 = arith.constant 1 : i32
    %sub3A_2084 = arith.subi %div3A_2063, %sub3A_2083 : i32
    %select_n3A_2085 = arith.select %and3A_2082, %sub3A_2084, %div3A_2063 : i32
    %jit3A_2086 = arith.constant 8 : i32
    %eq3A_2087 = arith.constant 0 : i32
    %eq3A_2088 = arith.cmpi eq, %jit3A_2086, %eq3A_2087 : i32
    %jit3A_2089 = arith.constant 1 : i32
    %select_n3A_2090 = arith.select %eq3A_2088, %jit3A_2089, %jit3A_2086 : i32
    %rem3A_2091 = arith.remsi %add3A_2061, %select_n3A_2090 : i32
    %ne3A_2092 = arith.constant 0 : i32
    %ne3A_2093 = arith.cmpi ne, %rem3A_2091, %ne3A_2092 : i32
    %lt3A_2094 = arith.constant 0 : i32
    %lt3A_2095 = arith.cmpi slt, %rem3A_2091, %lt3A_2094 : i32
    %lt3A_2096 = arith.constant 0 : i32
    %lt3A_2097 = arith.cmpi slt, %select_n3A_2090, %lt3A_2096 : i32
    %ne3A_2098 = arith.xori %lt3A_2095, %lt3A_2097 : i1
    %and3A_2099 = arith.andi %ne3A_2098, %ne3A_2093 : i1
    %add3A_2100 = arith.addi %rem3A_2091, %select_n3A_2090 : i32
    %select_n3A_2101 = arith.select %and3A_2099, %add3A_2100, %rem3A_2091 : i32
    %dma_start3A_2102 = arith.constant 256 : i32
    %dma_start3A_2103 = arith.constant 0 : i32
    %dma_start3A_2104 = tpu.memref_slice %arg5[%select_n3A_2085, %dma_start3A_2102, %select_n3A_2101, %dma_start3A_2103] : memref<8x1024x8x128xf32, #tpu.memory_space<hbm>> -> memref<1x64x1x128xf32, #tpu.memory_space<hbm>>
    %dma_start3A_2105 = tpu.memref_squeeze %dma_start3A_2104 : memref<1x64x1x128xf32, #tpu.memory_space<hbm>> -> memref<64x128xf32, #tpu.memory_space<hbm>>
    %dma_start3A_2106 = arith.constant 256 : i32
    %dma_start3A_2107 = arith.constant 0 : i32
    %dma_start3A_2108 = tpu.memref_slice %arg5[%select_n3A_2085, %dma_start3A_2106, %select_n3A_2101, %dma_start3A_2107] : memref<8x1024x8x128xf32, #tpu.memory_space<hbm>> -> memref<1x64x1x128xf32, #tpu.memory_space<hbm>>
    %dma_start3A_2109 = tpu.memref_squeeze %dma_start3A_2108 : memref<1x64x1x128xf32, #tpu.memory_space<hbm>> -> memref<64x128xf32, #tpu.memory_space<hbm>>
    tpu.enqueue_dma source(%arg9 : memref<64x128xf32, #tpu.memory_space<vmem>>) target(%dma_start3A_2109 : memref<64x128xf32, #tpu.memory_space<hbm>>) target_semaphore(%arg29 : memref<!tpu.dma_semaphore, #tpu.memory_space<semaphore_mem>>)
    %dma_start3A_2110 = arith.constant 256 : i32
    %dma_start3A_2111 = arith.constant 0 : i32
    %dma_start3A_2112 = tpu.memref_slice %arg6[%select_n3A_2085, %dma_start3A_2110, %select_n3A_2101, %dma_start3A_2111] : memref<8x1024x8x128xf32, #tpu.memory_space<hbm>> -> memref<1x64x1x128xf32, #tpu.memory_space<hbm>>
    %dma_start3A_2113 = tpu.memref_squeeze %dma_start3A_2112 : memref<1x64x1x128xf32, #tpu.memory_space<hbm>> -> memref<64x128xf32, #tpu.memory_space<hbm>>
    %dma_start3A_2114 = arith.constant 256 : i32
    %dma_start3A_2115 = arith.constant 0 : i32
    %dma_start3A_2116 = tpu.memref_slice %arg6[%select_n3A_2085, %dma_start3A_2114, %select_n3A_2101, %dma_start3A_2115] : memref<8x1024x8x128xf32, #tpu.memory_space<hbm>> -> memref<1x64x1x128xf32, #tpu.memory_space<hbm>>
    %dma_start3A_2117 = tpu.memref_squeeze %dma_start3A_2116 : memref<1x64x1x128xf32, #tpu.memory_space<hbm>> -> memref<64x128xf32, #tpu.memory_space<hbm>>
    tpu.enqueue_dma source(%arg14 : memref<64x128xf32, #tpu.memory_space<vmem>>) target(%dma_start3A_2117 : memref<64x128xf32, #tpu.memory_space<hbm>>) target_semaphore(%arg34 : memref<!tpu.dma_semaphore, #tpu.memory_space<semaphore_mem>>)
    %dma_wait3A_2118 = arith.constant 128 : i32
    %dma_wait3A_2119 = arith.constant 0 : i32
    %dma_wait3A_2120 = tpu.memref_slice %arg5[%select_n3A_1881, %dma_wait3A_2118, %select_n3A_1897, %dma_wait3A_2119] : memref<8x1024x8x128xf32, #tpu.memory_space<hbm>> -> memref<1x64x1x128xf32, #tpu.memory_space<hbm>>
    %dma_wait3A_2121 = tpu.memref_squeeze %dma_wait3A_2120 : memref<1x64x1x128xf32, #tpu.memory_space<hbm>> -> memref<64x128xf32, #tpu.memory_space<hbm>>
    %dma_wait3A_2122 = arith.constant 128 : i32
    %dma_wait3A_2123 = arith.constant 0 : i32
    %dma_wait3A_2124 = tpu.memref_slice %arg5[%select_n3A_1881, %dma_wait3A_2122, %select_n3A_1897, %dma_wait3A_2123] : memref<8x1024x8x128xf32, #tpu.memory_space<hbm>> -> memref<1x64x1x128xf32, #tpu.memory_space<hbm>>
    %dma_wait3A_2125 = tpu.memref_squeeze %dma_wait3A_2124 : memref<1x64x1x128xf32, #tpu.memory_space<hbm>> -> memref<64x128xf32, #tpu.memory_space<hbm>>
    tpu.wait_dma2 semaphore(%arg32 : memref<!tpu.dma_semaphore, #tpu.memory_space<semaphore_mem>>) src(%arg12 : memref<64x128xf32, #tpu.memory_space<vmem>>) dst(%dma_wait3A_2125 : memref<64x128xf32, #tpu.memory_space<hbm>>)
    %dma_wait3A_2126 = arith.constant 128 : i32
    %dma_wait3A_2127 = arith.constant 0 : i32
    %dma_wait3A_2128 = tpu.memref_slice %arg6[%select_n3A_1881, %dma_wait3A_2126, %select_n3A_1897, %dma_wait3A_2127] : memref<8x1024x8x128xf32, #tpu.memory_space<hbm>> -> memref<1x64x1x128xf32, #tpu.memory_space<hbm>>
    %dma_wait3A_2129 = tpu.memref_squeeze %dma_wait3A_2128 : memref<1x64x1x128xf32, #tpu.memory_space<hbm>> -> memref<64x128xf32, #tpu.memory_space<hbm>>
    %dma_wait3A_2130 = arith.constant 128 : i32
    %dma_wait3A_2131 = arith.constant 0 : i32
    %dma_wait3A_2132 = tpu.memref_slice %arg6[%select_n3A_1881, %dma_wait3A_2130, %select_n3A_1897, %dma_wait3A_2131] : memref<8x1024x8x128xf32, #tpu.memory_space<hbm>> -> memref<1x64x1x128xf32, #tpu.memory_space<hbm>>
    %dma_wait3A_2133 = tpu.memref_squeeze %dma_wait3A_2132 : memref<1x64x1x128xf32, #tpu.memory_space<hbm>> -> memref<64x128xf32, #tpu.memory_space<hbm>>
    tpu.wait_dma2 semaphore(%arg37 : memref<!tpu.dma_semaphore, #tpu.memory_space<semaphore_mem>>) src(%arg17 : memref<64x128xf32, #tpu.memory_space<vmem>>) dst(%dma_wait3A_2133 : memref<64x128xf32, #tpu.memory_space<hbm>>)
    %dma_start3A_2134 = arith.constant 1 : i32
    %dma_start3A_2135 = arith.constant 448 : i32
    %dma_start3A_2136 = tpu.memref_slice %arg8[%dma_start3A_2134, %dma_start3A_2135] : memref<2x1024xi32, #tpu.memory_space<vmem>> -> memref<1x64xi32, #tpu.memory_space<vmem>>
    %dma_start3A_2137 = tpu.memref_squeeze %dma_start3A_2136 : memref<1x64xi32, #tpu.memory_space<vmem>> -> memref<64xi32, #tpu.memory_space<vmem>>
    %dma_start3A_2138 = arith.constant 0 : i32
    %dma_start3A_2139 = arith.constant 0 : i32
    %dma_start3A_2140 = tpu.memref_slice %arg3[%dma_start3A_2138, %dma_start3A_2139] : memref<131072x128xf32, #tpu.memory_space<hbm>> -> memref<131072x128xf32, #tpu.memory_space<hbm>>
    tpu.enqueue_indirect_dma source(%dma_start3A_2140 : memref<131072x128xf32, #tpu.memory_space<hbm>>) target(%arg12 : memref<64x128xf32, #tpu.memory_space<vmem>>) offsets(%dma_start3A_2137 : memref<64xi32, #tpu.memory_space<vmem>>) semaphore(%arg22 : memref<!tpu.dma_semaphore, #tpu.memory_space<semaphore_mem>>)
    %dma_start3A_2141 = arith.constant 1 : i32
    %dma_start3A_2142 = arith.constant 448 : i32
    %dma_start3A_2143 = tpu.memref_slice %arg8[%dma_start3A_2141, %dma_start3A_2142] : memref<2x1024xi32, #tpu.memory_space<vmem>> -> memref<1x64xi32, #tpu.memory_space<vmem>>
    %dma_start3A_2144 = tpu.memref_squeeze %dma_start3A_2143 : memref<1x64xi32, #tpu.memory_space<vmem>> -> memref<64xi32, #tpu.memory_space<vmem>>
    %dma_start3A_2145 = arith.constant 0 : i32
    %dma_start3A_2146 = arith.constant 0 : i32
    %dma_start3A_2147 = tpu.memref_slice %arg4[%dma_start3A_2145, %dma_start3A_2146] : memref<131072x128xf32, #tpu.memory_space<hbm>> -> memref<131072x128xf32, #tpu.memory_space<hbm>>
    tpu.enqueue_indirect_dma source(%dma_start3A_2147 : memref<131072x128xf32, #tpu.memory_space<hbm>>) target(%arg17 : memref<64x128xf32, #tpu.memory_space<vmem>>) offsets(%dma_start3A_2144 : memref<64xi32, #tpu.memory_space<vmem>>) semaphore(%arg27 : memref<!tpu.dma_semaphore, #tpu.memory_space<semaphore_mem>>)
    %dma_wait3A_2148 = arith.constant 1 : i32
    %dma_wait3A_2149 = arith.constant 320 : i32
    %dma_wait3A_2150 = tpu.memref_slice %arg8[%dma_wait3A_2148, %dma_wait3A_2149] : memref<2x1024xi32, #tpu.memory_space<vmem>> -> memref<1x64xi32, #tpu.memory_space<vmem>>
    %dma_wait3A_2151 = tpu.memref_squeeze %dma_wait3A_2150 : memref<1x64xi32, #tpu.memory_space<vmem>> -> memref<64xi32, #tpu.memory_space<vmem>>
    %dma_wait3A_2152 = arith.constant 0 : i32
    %dma_wait3A_2153 = arith.constant 0 : i32
    %dma_wait3A_2154 = tpu.memref_slice %arg3[%dma_wait3A_2152, %dma_wait3A_2153] : memref<131072x128xf32, #tpu.memory_space<hbm>> -> memref<131072x128xf32, #tpu.memory_space<hbm>>
    tpu.wait_indirect_dma semaphore(%arg20 : memref<!tpu.dma_semaphore, #tpu.memory_space<semaphore_mem>>) src(%dma_wait3A_2154 : memref<131072x128xf32, #tpu.memory_space<hbm>>) dst(%arg10 : memref<64x128xf32, #tpu.memory_space<vmem>>)
    %dma_wait3A_2155 = arith.constant 1 : i32
    %dma_wait3A_2156 = arith.constant 320 : i32
    %dma_wait3A_2157 = tpu.memref_slice %arg8[%dma_wait3A_2155, %dma_wait3A_2156] : memref<2x1024xi32, #tpu.memory_space<vmem>> -> memref<1x64xi32, #tpu.memory_space<vmem>>
    %dma_wait3A_2158 = tpu.memref_squeeze %dma_wait3A_2157 : memref<1x64xi32, #tpu.memory_space<vmem>> -> memref<64xi32, #tpu.memory_space<vmem>>
    %dma_wait3A_2159 = arith.constant 0 : i32
    %dma_wait3A_2160 = arith.constant 0 : i32
    %dma_wait3A_2161 = tpu.memref_slice %arg4[%dma_wait3A_2159, %dma_wait3A_2160] : memref<131072x128xf32, #tpu.memory_space<hbm>> -> memref<131072x128xf32, #tpu.memory_space<hbm>>
    tpu.wait_indirect_dma semaphore(%arg25 : memref<!tpu.dma_semaphore, #tpu.memory_space<semaphore_mem>>) src(%dma_wait3A_2161 : memref<131072x128xf32, #tpu.memory_space<hbm>>) dst(%arg15 : memref<64x128xf32, #tpu.memory_space<vmem>>)
    %add3A_2162 = arith.constant 1 : i32
    %add3A_2163 = arith.addi %mul3A_2, %add3A_2162 : i32
    %jit3A_2164 = arith.constant 8 : i32
    %div3A_2165 = arith.divsi %add3A_2163, %jit3A_2164 : i32
    %sign3A_2166 = arith.constant 0 : i32
    %sign3A_2167 = arith.cmpi sgt, %add3A_2163, %sign3A_2166 : i32
    %sign3A_2168 = arith.extui %sign3A_2167 : i1 to i32
    %sign3A_2169 = arith.constant 0 : i32
    %sign3A_2170 = arith.cmpi slt, %add3A_2163, %sign3A_2169 : i32
    %sign3A_2171 = arith.extui %sign3A_2170 : i1 to i32
    %sign3A_2172 = arith.subi %sign3A_2168, %sign3A_2171 : i32
    %sign3A_2173 = arith.constant 0 : i32
    %sign3A_2174 = arith.cmpi sgt, %jit3A_2164, %sign3A_2173 : i32
    %sign3A_2175 = arith.extui %sign3A_2174 : i1 to i32
    %sign3A_2176 = arith.constant 0 : i32
    %sign3A_2177 = arith.cmpi slt, %jit3A_2164, %sign3A_2176 : i32
    %sign3A_2178 = arith.extui %sign3A_2177 : i1 to i32
    %sign3A_2179 = arith.subi %sign3A_2175, %sign3A_2178 : i32
    %ne3A_2180 = arith.cmpi ne, %sign3A_2172, %sign3A_2179 : i32
    %rem3A_2181 = arith.remsi %add3A_2163, %jit3A_2164 : i32
    %ne3A_2182 = arith.constant 0 : i32
    %ne3A_2183 = arith.cmpi ne, %rem3A_2181, %ne3A_2182 : i32
    %and3A_2184 = arith.andi %ne3A_2180, %ne3A_2183 : i1
    %sub3A_2185 = arith.constant 1 : i32
    %sub3A_2186 = arith.subi %div3A_2165, %sub3A_2185 : i32
    %select_n3A_2187 = arith.select %and3A_2184, %sub3A_2186, %div3A_2165 : i32
    %jit3A_2188 = arith.constant 8 : i32
    %eq3A_2189 = arith.constant 0 : i32
    %eq3A_2190 = arith.cmpi eq, %jit3A_2188, %eq3A_2189 : i32
    %jit3A_2191 = arith.constant 1 : i32
    %select_n3A_2192 = arith.select %eq3A_2190, %jit3A_2191, %jit3A_2188 : i32
    %rem3A_2193 = arith.remsi %add3A_2163, %select_n3A_2192 : i32
    %ne3A_2194 = arith.constant 0 : i32
    %ne3A_2195 = arith.cmpi ne, %rem3A_2193, %ne3A_2194 : i32
    %lt3A_2196 = arith.constant 0 : i32
    %lt3A_2197 = arith.cmpi slt, %rem3A_2193, %lt3A_2196 : i32
    %lt3A_2198 = arith.constant 0 : i32
    %lt3A_2199 = arith.cmpi slt, %select_n3A_2192, %lt3A_2198 : i32
    %ne3A_2200 = arith.xori %lt3A_2197, %lt3A_2199 : i1
    %and3A_2201 = arith.andi %ne3A_2200, %ne3A_2195 : i1
    %add3A_2202 = arith.addi %rem3A_2193, %select_n3A_2192 : i32
    %select_n3A_2203 = arith.select %and3A_2201, %add3A_2202, %rem3A_2193 : i32
    %dma_start3A_2204 = arith.constant 320 : i32
    %dma_start3A_2205 = arith.constant 0 : i32
    %dma_start3A_2206 = tpu.memref_slice %arg5[%select_n3A_2187, %dma_start3A_2204, %select_n3A_2203, %dma_start3A_2205] : memref<8x1024x8x128xf32, #tpu.memory_space<hbm>> -> memref<1x64x1x128xf32, #tpu.memory_space<hbm>>
    %dma_start3A_2207 = tpu.memref_squeeze %dma_start3A_2206 : memref<1x64x1x128xf32, #tpu.memory_space<hbm>> -> memref<64x128xf32, #tpu.memory_space<hbm>>
    %dma_start3A_2208 = arith.constant 320 : i32
    %dma_start3A_2209 = arith.constant 0 : i32
    %dma_start3A_2210 = tpu.memref_slice %arg5[%select_n3A_2187, %dma_start3A_2208, %select_n3A_2203, %dma_start3A_2209] : memref<8x1024x8x128xf32, #tpu.memory_space<hbm>> -> memref<1x64x1x128xf32, #tpu.memory_space<hbm>>
    %dma_start3A_2211 = tpu.memref_squeeze %dma_start3A_2210 : memref<1x64x1x128xf32, #tpu.memory_space<hbm>> -> memref<64x128xf32, #tpu.memory_space<hbm>>
    tpu.enqueue_dma source(%arg10 : memref<64x128xf32, #tpu.memory_space<vmem>>) target(%dma_start3A_2211 : memref<64x128xf32, #tpu.memory_space<hbm>>) target_semaphore(%arg30 : memref<!tpu.dma_semaphore, #tpu.memory_space<semaphore_mem>>)
    %dma_start3A_2212 = arith.constant 320 : i32
    %dma_start3A_2213 = arith.constant 0 : i32
    %dma_start3A_2214 = tpu.memref_slice %arg6[%select_n3A_2187, %dma_start3A_2212, %select_n3A_2203, %dma_start3A_2213] : memref<8x1024x8x128xf32, #tpu.memory_space<hbm>> -> memref<1x64x1x128xf32, #tpu.memory_space<hbm>>
    %dma_start3A_2215 = tpu.memref_squeeze %dma_start3A_2214 : memref<1x64x1x128xf32, #tpu.memory_space<hbm>> -> memref<64x128xf32, #tpu.memory_space<hbm>>
    %dma_start3A_2216 = arith.constant 320 : i32
    %dma_start3A_2217 = arith.constant 0 : i32
    %dma_start3A_2218 = tpu.memref_slice %arg6[%select_n3A_2187, %dma_start3A_2216, %select_n3A_2203, %dma_start3A_2217] : memref<8x1024x8x128xf32, #tpu.memory_space<hbm>> -> memref<1x64x1x128xf32, #tpu.memory_space<hbm>>
    %dma_start3A_2219 = tpu.memref_squeeze %dma_start3A_2218 : memref<1x64x1x128xf32, #tpu.memory_space<hbm>> -> memref<64x128xf32, #tpu.memory_space<hbm>>
    tpu.enqueue_dma source(%arg15 : memref<64x128xf32, #tpu.memory_space<vmem>>) target(%dma_start3A_2219 : memref<64x128xf32, #tpu.memory_space<hbm>>) target_semaphore(%arg35 : memref<!tpu.dma_semaphore, #tpu.memory_space<semaphore_mem>>)
    %dma_wait3A_2220 = arith.constant 192 : i32
    %dma_wait3A_2221 = arith.constant 0 : i32
    %dma_wait3A_2222 = tpu.memref_slice %arg5[%select_n3A_1983, %dma_wait3A_2220, %select_n3A_1999, %dma_wait3A_2221] : memref<8x1024x8x128xf32, #tpu.memory_space<hbm>> -> memref<1x64x1x128xf32, #tpu.memory_space<hbm>>
    %dma_wait3A_2223 = tpu.memref_squeeze %dma_wait3A_2222 : memref<1x64x1x128xf32, #tpu.memory_space<hbm>> -> memref<64x128xf32, #tpu.memory_space<hbm>>
    %dma_wait3A_2224 = arith.constant 192 : i32
    %dma_wait3A_2225 = arith.constant 0 : i32
    %dma_wait3A_2226 = tpu.memref_slice %arg5[%select_n3A_1983, %dma_wait3A_2224, %select_n3A_1999, %dma_wait3A_2225] : memref<8x1024x8x128xf32, #tpu.memory_space<hbm>> -> memref<1x64x1x128xf32, #tpu.memory_space<hbm>>
    %dma_wait3A_2227 = tpu.memref_squeeze %dma_wait3A_2226 : memref<1x64x1x128xf32, #tpu.memory_space<hbm>> -> memref<64x128xf32, #tpu.memory_space<hbm>>
    tpu.wait_dma2 semaphore(%arg33 : memref<!tpu.dma_semaphore, #tpu.memory_space<semaphore_mem>>) src(%arg13 : memref<64x128xf32, #tpu.memory_space<vmem>>) dst(%dma_wait3A_2227 : memref<64x128xf32, #tpu.memory_space<hbm>>)
    %dma_wait3A_2228 = arith.constant 192 : i32
    %dma_wait3A_2229 = arith.constant 0 : i32
    %dma_wait3A_2230 = tpu.memref_slice %arg6[%select_n3A_1983, %dma_wait3A_2228, %select_n3A_1999, %dma_wait3A_2229] : memref<8x1024x8x128xf32, #tpu.memory_space<hbm>> -> memref<1x64x1x128xf32, #tpu.memory_space<hbm>>
    %dma_wait3A_2231 = tpu.memref_squeeze %dma_wait3A_2230 : memref<1x64x1x128xf32, #tpu.memory_space<hbm>> -> memref<64x128xf32, #tpu.memory_space<hbm>>
    %dma_wait3A_2232 = arith.constant 192 : i32
    %dma_wait3A_2233 = arith.constant 0 : i32
    %dma_wait3A_2234 = tpu.memref_slice %arg6[%select_n3A_1983, %dma_wait3A_2232, %select_n3A_1999, %dma_wait3A_2233] : memref<8x1024x8x128xf32, #tpu.memory_space<hbm>> -> memref<1x64x1x128xf32, #tpu.memory_space<hbm>>
    %dma_wait3A_2235 = tpu.memref_squeeze %dma_wait3A_2234 : memref<1x64x1x128xf32, #tpu.memory_space<hbm>> -> memref<64x128xf32, #tpu.memory_space<hbm>>
    tpu.wait_dma2 semaphore(%arg38 : memref<!tpu.dma_semaphore, #tpu.memory_space<semaphore_mem>>) src(%arg18 : memref<64x128xf32, #tpu.memory_space<vmem>>) dst(%dma_wait3A_2235 : memref<64x128xf32, #tpu.memory_space<hbm>>)
    %dma_start3A_2236 = arith.constant 1 : i32
    %dma_start3A_2237 = arith.constant 512 : i32
    %dma_start3A_2238 = tpu.memref_slice %arg8[%dma_start3A_2236, %dma_start3A_2237] : memref<2x1024xi32, #tpu.memory_space<vmem>> -> memref<1x64xi32, #tpu.memory_space<vmem>>
    %dma_start3A_2239 = tpu.memref_squeeze %dma_start3A_2238 : memref<1x64xi32, #tpu.memory_space<vmem>> -> memref<64xi32, #tpu.memory_space<vmem>>
    %dma_start3A_2240 = arith.constant 0 : i32
    %dma_start3A_2241 = arith.constant 0 : i32
    %dma_start3A_2242 = tpu.memref_slice %arg3[%dma_start3A_2240, %dma_start3A_2241] : memref<131072x128xf32, #tpu.memory_space<hbm>> -> memref<131072x128xf32, #tpu.memory_space<hbm>>
    tpu.enqueue_indirect_dma source(%dma_start3A_2242 : memref<131072x128xf32, #tpu.memory_space<hbm>>) target(%arg13 : memref<64x128xf32, #tpu.memory_space<vmem>>) offsets(%dma_start3A_2239 : memref<64xi32, #tpu.memory_space<vmem>>) semaphore(%arg23 : memref<!tpu.dma_semaphore, #tpu.memory_space<semaphore_mem>>)
    %dma_start3A_2243 = arith.constant 1 : i32
    %dma_start3A_2244 = arith.constant 512 : i32
    %dma_start3A_2245 = tpu.memref_slice %arg8[%dma_start3A_2243, %dma_start3A_2244] : memref<2x1024xi32, #tpu.memory_space<vmem>> -> memref<1x64xi32, #tpu.memory_space<vmem>>
    %dma_start3A_2246 = tpu.memref_squeeze %dma_start3A_2245 : memref<1x64xi32, #tpu.memory_space<vmem>> -> memref<64xi32, #tpu.memory_space<vmem>>
    %dma_start3A_2247 = arith.constant 0 : i32
    %dma_start3A_2248 = arith.constant 0 : i32
    %dma_start3A_2249 = tpu.memref_slice %arg4[%dma_start3A_2247, %dma_start3A_2248] : memref<131072x128xf32, #tpu.memory_space<hbm>> -> memref<131072x128xf32, #tpu.memory_space<hbm>>
    tpu.enqueue_indirect_dma source(%dma_start3A_2249 : memref<131072x128xf32, #tpu.memory_space<hbm>>) target(%arg18 : memref<64x128xf32, #tpu.memory_space<vmem>>) offsets(%dma_start3A_2246 : memref<64xi32, #tpu.memory_space<vmem>>) semaphore(%arg28 : memref<!tpu.dma_semaphore, #tpu.memory_space<semaphore_mem>>)
    %dma_wait3A_2250 = arith.constant 1 : i32
    %dma_wait3A_2251 = arith.constant 384 : i32
    %dma_wait3A_2252 = tpu.memref_slice %arg8[%dma_wait3A_2250, %dma_wait3A_2251] : memref<2x1024xi32, #tpu.memory_space<vmem>> -> memref<1x64xi32, #tpu.memory_space<vmem>>
    %dma_wait3A_2253 = tpu.memref_squeeze %dma_wait3A_2252 : memref<1x64xi32, #tpu.memory_space<vmem>> -> memref<64xi32, #tpu.memory_space<vmem>>
    %dma_wait3A_2254 = arith.constant 0 : i32
    %dma_wait3A_2255 = arith.constant 0 : i32
    %dma_wait3A_2256 = tpu.memref_slice %arg3[%dma_wait3A_2254, %dma_wait3A_2255] : memref<131072x128xf32, #tpu.memory_space<hbm>> -> memref<131072x128xf32, #tpu.memory_space<hbm>>
    tpu.wait_indirect_dma semaphore(%arg21 : memref<!tpu.dma_semaphore, #tpu.memory_space<semaphore_mem>>) src(%dma_wait3A_2256 : memref<131072x128xf32, #tpu.memory_space<hbm>>) dst(%arg11 : memref<64x128xf32, #tpu.memory_space<vmem>>)
    %dma_wait3A_2257 = arith.constant 1 : i32
    %dma_wait3A_2258 = arith.constant 384 : i32
    %dma_wait3A_2259 = tpu.memref_slice %arg8[%dma_wait3A_2257, %dma_wait3A_2258] : memref<2x1024xi32, #tpu.memory_space<vmem>> -> memref<1x64xi32, #tpu.memory_space<vmem>>
    %dma_wait3A_2260 = tpu.memref_squeeze %dma_wait3A_2259 : memref<1x64xi32, #tpu.memory_space<vmem>> -> memref<64xi32, #tpu.memory_space<vmem>>
    %dma_wait3A_2261 = arith.constant 0 : i32
    %dma_wait3A_2262 = arith.constant 0 : i32
    %dma_wait3A_2263 = tpu.memref_slice %arg4[%dma_wait3A_2261, %dma_wait3A_2262] : memref<131072x128xf32, #tpu.memory_space<hbm>> -> memref<131072x128xf32, #tpu.memory_space<hbm>>
    tpu.wait_indirect_dma semaphore(%arg26 : memref<!tpu.dma_semaphore, #tpu.memory_space<semaphore_mem>>) src(%dma_wait3A_2263 : memref<131072x128xf32, #tpu.memory_space<hbm>>) dst(%arg16 : memref<64x128xf32, #tpu.memory_space<vmem>>)
    %add3A_2264 = arith.constant 1 : i32
    %add3A_2265 = arith.addi %mul3A_2, %add3A_2264 : i32
    %jit3A_2266 = arith.constant 8 : i32
    %div3A_2267 = arith.divsi %add3A_2265, %jit3A_2266 : i32
    %sign3A_2268 = arith.constant 0 : i32
    %sign3A_2269 = arith.cmpi sgt, %add3A_2265, %sign3A_2268 : i32
    %sign3A_2270 = arith.extui %sign3A_2269 : i1 to i32
    %sign3A_2271 = arith.constant 0 : i32
    %sign3A_2272 = arith.cmpi slt, %add3A_2265, %sign3A_2271 : i32
    %sign3A_2273 = arith.extui %sign3A_2272 : i1 to i32
    %sign3A_2274 = arith.subi %sign3A_2270, %sign3A_2273 : i32
    %sign3A_2275 = arith.constant 0 : i32
    %sign3A_2276 = arith.cmpi sgt, %jit3A_2266, %sign3A_2275 : i32
    %sign3A_2277 = arith.extui %sign3A_2276 : i1 to i32
    %sign3A_2278 = arith.constant 0 : i32
    %sign3A_2279 = arith.cmpi slt, %jit3A_2266, %sign3A_2278 : i32
    %sign3A_2280 = arith.extui %sign3A_2279 : i1 to i32
    %sign3A_2281 = arith.subi %sign3A_2277, %sign3A_2280 : i32
    %ne3A_2282 = arith.cmpi ne, %sign3A_2274, %sign3A_2281 : i32
    %rem3A_2283 = arith.remsi %add3A_2265, %jit3A_2266 : i32
    %ne3A_2284 = arith.constant 0 : i32
    %ne3A_2285 = arith.cmpi ne, %rem3A_2283, %ne3A_2284 : i32
    %and3A_2286 = arith.andi %ne3A_2282, %ne3A_2285 : i1
    %sub3A_2287 = arith.constant 1 : i32
    %sub3A_2288 = arith.subi %div3A_2267, %sub3A_2287 : i32
    %select_n3A_2289 = arith.select %and3A_2286, %sub3A_2288, %div3A_2267 : i32
    %jit3A_2290 = arith.constant 8 : i32
    %eq3A_2291 = arith.constant 0 : i32
    %eq3A_2292 = arith.cmpi eq, %jit3A_2290, %eq3A_2291 : i32
    %jit3A_2293 = arith.constant 1 : i32
    %select_n3A_2294 = arith.select %eq3A_2292, %jit3A_2293, %jit3A_2290 : i32
    %rem3A_2295 = arith.remsi %add3A_2265, %select_n3A_2294 : i32
    %ne3A_2296 = arith.constant 0 : i32
    %ne3A_2297 = arith.cmpi ne, %rem3A_2295, %ne3A_2296 : i32
    %lt3A_2298 = arith.constant 0 : i32
    %lt3A_2299 = arith.cmpi slt, %rem3A_2295, %lt3A_2298 : i32
    %lt3A_2300 = arith.constant 0 : i32
    %lt3A_2301 = arith.cmpi slt, %select_n3A_2294, %lt3A_2300 : i32
    %ne3A_2302 = arith.xori %lt3A_2299, %lt3A_2301 : i1
    %and3A_2303 = arith.andi %ne3A_2302, %ne3A_2297 : i1
    %add3A_2304 = arith.addi %rem3A_2295, %select_n3A_2294 : i32
    %select_n3A_2305 = arith.select %and3A_2303, %add3A_2304, %rem3A_2295 : i32
    %dma_start3A_2306 = arith.constant 384 : i32
    %dma_start3A_2307 = arith.constant 0 : i32
    %dma_start3A_2308 = tpu.memref_slice %arg5[%select_n3A_2289, %dma_start3A_2306, %select_n3A_2305, %dma_start3A_2307] : memref<8x1024x8x128xf32, #tpu.memory_space<hbm>> -> memref<1x64x1x128xf32, #tpu.memory_space<hbm>>
    %dma_start3A_2309 = tpu.memref_squeeze %dma_start3A_2308 : memref<1x64x1x128xf32, #tpu.memory_space<hbm>> -> memref<64x128xf32, #tpu.memory_space<hbm>>
    %dma_start3A_2310 = arith.constant 384 : i32
    %dma_start3A_2311 = arith.constant 0 : i32
    %dma_start3A_2312 = tpu.memref_slice %arg5[%select_n3A_2289, %dma_start3A_2310, %select_n3A_2305, %dma_start3A_2311] : memref<8x1024x8x128xf32, #tpu.memory_space<hbm>> -> memref<1x64x1x128xf32, #tpu.memory_space<hbm>>
    %dma_start3A_2313 = tpu.memref_squeeze %dma_start3A_2312 : memref<1x64x1x128xf32, #tpu.memory_space<hbm>> -> memref<64x128xf32, #tpu.memory_space<hbm>>
    tpu.enqueue_dma source(%arg11 : memref<64x128xf32, #tpu.memory_space<vmem>>) target(%dma_start3A_2313 : memref<64x128xf32, #tpu.memory_space<hbm>>) target_semaphore(%arg31 : memref<!tpu.dma_semaphore, #tpu.memory_space<semaphore_mem>>)
    %dma_start3A_2314 = arith.constant 384 : i32
    %dma_start3A_2315 = arith.constant 0 : i32
    %dma_start3A_2316 = tpu.memref_slice %arg6[%select_n3A_2289, %dma_start3A_2314, %select_n3A_2305, %dma_start3A_2315] : memref<8x1024x8x128xf32, #tpu.memory_space<hbm>> -> memref<1x64x1x128xf32, #tpu.memory_space<hbm>>
    %dma_start3A_2317 = tpu.memref_squeeze %dma_start3A_2316 : memref<1x64x1x128xf32, #tpu.memory_space<hbm>> -> memref<64x128xf32, #tpu.memory_space<hbm>>
    %dma_start3A_2318 = arith.constant 384 : i32
    %dma_start3A_2319 = arith.constant 0 : i32
    %dma_start3A_2320 = tpu.memref_slice %arg6[%select_n3A_2289, %dma_start3A_2318, %select_n3A_2305, %dma_start3A_2319] : memref<8x1024x8x128xf32, #tpu.memory_space<hbm>> -> memref<1x64x1x128xf32, #tpu.memory_space<hbm>>
    %dma_start3A_2321 = tpu.memref_squeeze %dma_start3A_2320 : memref<1x64x1x128xf32, #tpu.memory_space<hbm>> -> memref<64x128xf32, #tpu.memory_space<hbm>>
    tpu.enqueue_dma source(%arg16 : memref<64x128xf32, #tpu.memory_space<vmem>>) target(%dma_start3A_2321 : memref<64x128xf32, #tpu.memory_space<hbm>>) target_semaphore(%arg36 : memref<!tpu.dma_semaphore, #tpu.memory_space<semaphore_mem>>)
    %dma_wait3A_2322 = arith.constant 256 : i32
    %dma_wait3A_2323 = arith.constant 0 : i32
    %dma_wait3A_2324 = tpu.memref_slice %arg5[%select_n3A_2085, %dma_wait3A_2322, %select_n3A_2101, %dma_wait3A_2323] : memref<8x1024x8x128xf32, #tpu.memory_space<hbm>> -> memref<1x64x1x128xf32, #tpu.memory_space<hbm>>
    %dma_wait3A_2325 = tpu.memref_squeeze %dma_wait3A_2324 : memref<1x64x1x128xf32, #tpu.memory_space<hbm>> -> memref<64x128xf32, #tpu.memory_space<hbm>>
    %dma_wait3A_2326 = arith.constant 256 : i32
    %dma_wait3A_2327 = arith.constant 0 : i32
    %dma_wait3A_2328 = tpu.memref_slice %arg5[%select_n3A_2085, %dma_wait3A_2326, %select_n3A_2101, %dma_wait3A_2327] : memref<8x1024x8x128xf32, #tpu.memory_space<hbm>> -> memref<1x64x1x128xf32, #tpu.memory_space<hbm>>
    %dma_wait3A_2329 = tpu.memref_squeeze %dma_wait3A_2328 : memref<1x64x1x128xf32, #tpu.memory_space<hbm>> -> memref<64x128xf32, #tpu.memory_space<hbm>>
    tpu.wait_dma2 semaphore(%arg29 : memref<!tpu.dma_semaphore, #tpu.memory_space<semaphore_mem>>) src(%arg9 : memref<64x128xf32, #tpu.memory_space<vmem>>) dst(%dma_wait3A_2329 : memref<64x128xf32, #tpu.memory_space<hbm>>)
    %dma_wait3A_2330 = arith.constant 256 : i32
    %dma_wait3A_2331 = arith.constant 0 : i32
    %dma_wait3A_2332 = tpu.memref_slice %arg6[%select_n3A_2085, %dma_wait3A_2330, %select_n3A_2101, %dma_wait3A_2331] : memref<8x1024x8x128xf32, #tpu.memory_space<hbm>> -> memref<1x64x1x128xf32, #tpu.memory_space<hbm>>
    %dma_wait3A_2333 = tpu.memref_squeeze %dma_wait3A_2332 : memref<1x64x1x128xf32, #tpu.memory_space<hbm>> -> memref<64x128xf32, #tpu.memory_space<hbm>>
    %dma_wait3A_2334 = arith.constant 256 : i32
    %dma_wait3A_2335 = arith.constant 0 : i32
    %dma_wait3A_2336 = tpu.memref_slice %arg6[%select_n3A_2085, %dma_wait3A_2334, %select_n3A_2101, %dma_wait3A_2335] : memref<8x1024x8x128xf32, #tpu.memory_space<hbm>> -> memref<1x64x1x128xf32, #tpu.memory_space<hbm>>
    %dma_wait3A_2337 = tpu.memref_squeeze %dma_wait3A_2336 : memref<1x64x1x128xf32, #tpu.memory_space<hbm>> -> memref<64x128xf32, #tpu.memory_space<hbm>>
    tpu.wait_dma2 semaphore(%arg34 : memref<!tpu.dma_semaphore, #tpu.memory_space<semaphore_mem>>) src(%arg14 : memref<64x128xf32, #tpu.memory_space<vmem>>) dst(%dma_wait3A_2337 : memref<64x128xf32, #tpu.memory_space<hbm>>)
    %dma_start3A_2338 = arith.constant 1 : i32
    %dma_start3A_2339 = arith.constant 576 : i32
    %dma_start3A_2340 = tpu.memref_slice %arg8[%dma_start3A_2338, %dma_start3A_2339] : memref<2x1024xi32, #tpu.memory_space<vmem>> -> memref<1x64xi32, #tpu.memory_space<vmem>>
    %dma_start3A_2341 = tpu.memref_squeeze %dma_start3A_2340 : memref<1x64xi32, #tpu.memory_space<vmem>> -> memref<64xi32, #tpu.memory_space<vmem>>
    %dma_start3A_2342 = arith.constant 0 : i32
    %dma_start3A_2343 = arith.constant 0 : i32
    %dma_start3A_2344 = tpu.memref_slice %arg3[%dma_start3A_2342, %dma_start3A_2343] : memref<131072x128xf32, #tpu.memory_space<hbm>> -> memref<131072x128xf32, #tpu.memory_space<hbm>>
    tpu.enqueue_indirect_dma source(%dma_start3A_2344 : memref<131072x128xf32, #tpu.memory_space<hbm>>) target(%arg9 : memref<64x128xf32, #tpu.memory_space<vmem>>) offsets(%dma_start3A_2341 : memref<64xi32, #tpu.memory_space<vmem>>) semaphore(%arg19 : memref<!tpu.dma_semaphore, #tpu.memory_space<semaphore_mem>>)
    %dma_start3A_2345 = arith.constant 1 : i32
    %dma_start3A_2346 = arith.constant 576 : i32
    %dma_start3A_2347 = tpu.memref_slice %arg8[%dma_start3A_2345, %dma_start3A_2346] : memref<2x1024xi32, #tpu.memory_space<vmem>> -> memref<1x64xi32, #tpu.memory_space<vmem>>
    %dma_start3A_2348 = tpu.memref_squeeze %dma_start3A_2347 : memref<1x64xi32, #tpu.memory_space<vmem>> -> memref<64xi32, #tpu.memory_space<vmem>>
    %dma_start3A_2349 = arith.constant 0 : i32
    %dma_start3A_2350 = arith.constant 0 : i32
    %dma_start3A_2351 = tpu.memref_slice %arg4[%dma_start3A_2349, %dma_start3A_2350] : memref<131072x128xf32, #tpu.memory_space<hbm>> -> memref<131072x128xf32, #tpu.memory_space<hbm>>
    tpu.enqueue_indirect_dma source(%dma_start3A_2351 : memref<131072x128xf32, #tpu.memory_space<hbm>>) target(%arg14 : memref<64x128xf32, #tpu.memory_space<vmem>>) offsets(%dma_start3A_2348 : memref<64xi32, #tpu.memory_space<vmem>>) semaphore(%arg24 : memref<!tpu.dma_semaphore, #tpu.memory_space<semaphore_mem>>)
    %dma_wait3A_2352 = arith.constant 1 : i32
    %dma_wait3A_2353 = arith.constant 448 : i32
    %dma_wait3A_2354 = tpu.memref_slice %arg8[%dma_wait3A_2352, %dma_wait3A_2353] : memref<2x1024xi32, #tpu.memory_space<vmem>> -> memref<1x64xi32, #tpu.memory_space<vmem>>
    %dma_wait3A_2355 = tpu.memref_squeeze %dma_wait3A_2354 : memref<1x64xi32, #tpu.memory_space<vmem>> -> memref<64xi32, #tpu.memory_space<vmem>>
    %dma_wait3A_2356 = arith.constant 0 : i32
    %dma_wait3A_2357 = arith.constant 0 : i32
    %dma_wait3A_2358 = tpu.memref_slice %arg3[%dma_wait3A_2356, %dma_wait3A_2357] : memref<131072x128xf32, #tpu.memory_space<hbm>> -> memref<131072x128xf32, #tpu.memory_space<hbm>>
    tpu.wait_indirect_dma semaphore(%arg22 : memref<!tpu.dma_semaphore, #tpu.memory_space<semaphore_mem>>) src(%dma_wait3A_2358 : memref<131072x128xf32, #tpu.memory_space<hbm>>) dst(%arg12 : memref<64x128xf32, #tpu.memory_space<vmem>>)
    %dma_wait3A_2359 = arith.constant 1 : i32
    %dma_wait3A_2360 = arith.constant 448 : i32
    %dma_wait3A_2361 = tpu.memref_slice %arg8[%dma_wait3A_2359, %dma_wait3A_2360] : memref<2x1024xi32, #tpu.memory_space<vmem>> -> memref<1x64xi32, #tpu.memory_space<vmem>>
    %dma_wait3A_2362 = tpu.memref_squeeze %dma_wait3A_2361 : memref<1x64xi32, #tpu.memory_space<vmem>> -> memref<64xi32, #tpu.memory_space<vmem>>
    %dma_wait3A_2363 = arith.constant 0 : i32
    %dma_wait3A_2364 = arith.constant 0 : i32
    %dma_wait3A_2365 = tpu.memref_slice %arg4[%dma_wait3A_2363, %dma_wait3A_2364] : memref<131072x128xf32, #tpu.memory_space<hbm>> -> memref<131072x128xf32, #tpu.memory_space<hbm>>
    tpu.wait_indirect_dma semaphore(%arg27 : memref<!tpu.dma_semaphore, #tpu.memory_space<semaphore_mem>>) src(%dma_wait3A_2365 : memref<131072x128xf32, #tpu.memory_space<hbm>>) dst(%arg17 : memref<64x128xf32, #tpu.memory_space<vmem>>)
    %add3A_2366 = arith.constant 1 : i32
    %add3A_2367 = arith.addi %mul3A_2, %add3A_2366 : i32
    %jit3A_2368 = arith.constant 8 : i32
    %div3A_2369 = arith.divsi %add3A_2367, %jit3A_2368 : i32
    %sign3A_2370 = arith.constant 0 : i32
    %sign3A_2371 = arith.cmpi sgt, %add3A_2367, %sign3A_2370 : i32
    %sign3A_2372 = arith.extui %sign3A_2371 : i1 to i32
    %sign3A_2373 = arith.constant 0 : i32
    %sign3A_2374 = arith.cmpi slt, %add3A_2367, %sign3A_2373 : i32
    %sign3A_2375 = arith.extui %sign3A_2374 : i1 to i32
    %sign3A_2376 = arith.subi %sign3A_2372, %sign3A_2375 : i32
    %sign3A_2377 = arith.constant 0 : i32
    %sign3A_2378 = arith.cmpi sgt, %jit3A_2368, %sign3A_2377 : i32
    %sign3A_2379 = arith.extui %sign3A_2378 : i1 to i32
    %sign3A_2380 = arith.constant 0 : i32
    %sign3A_2381 = arith.cmpi slt, %jit3A_2368, %sign3A_2380 : i32
    %sign3A_2382 = arith.extui %sign3A_2381 : i1 to i32
    %sign3A_2383 = arith.subi %sign3A_2379, %sign3A_2382 : i32
    %ne3A_2384 = arith.cmpi ne, %sign3A_2376, %sign3A_2383 : i32
    %rem3A_2385 = arith.remsi %add3A_2367, %jit3A_2368 : i32
    %ne3A_2386 = arith.constant 0 : i32
    %ne3A_2387 = arith.cmpi ne, %rem3A_2385, %ne3A_2386 : i32
    %and3A_2388 = arith.andi %ne3A_2384, %ne3A_2387 : i1
    %sub3A_2389 = arith.constant 1 : i32
    %sub3A_2390 = arith.subi %div3A_2369, %sub3A_2389 : i32
    %select_n3A_2391 = arith.select %and3A_2388, %sub3A_2390, %div3A_2369 : i32
    %jit3A_2392 = arith.constant 8 : i32
    %eq3A_2393 = arith.constant 0 : i32
    %eq3A_2394 = arith.cmpi eq, %jit3A_2392, %eq3A_2393 : i32
    %jit3A_2395 = arith.constant 1 : i32
    %select_n3A_2396 = arith.select %eq3A_2394, %jit3A_2395, %jit3A_2392 : i32
    %rem3A_2397 = arith.remsi %add3A_2367, %select_n3A_2396 : i32
    %ne3A_2398 = arith.constant 0 : i32
    %ne3A_2399 = arith.cmpi ne, %rem3A_2397, %ne3A_2398 : i32
    %lt3A_2400 = arith.constant 0 : i32
    %lt3A_2401 = arith.cmpi slt, %rem3A_2397, %lt3A_2400 : i32
    %lt3A_2402 = arith.constant 0 : i32
    %lt3A_2403 = arith.cmpi slt, %select_n3A_2396, %lt3A_2402 : i32
    %ne3A_2404 = arith.xori %lt3A_2401, %lt3A_2403 : i1
    %and3A_2405 = arith.andi %ne3A_2404, %ne3A_2399 : i1
    %add3A_2406 = arith.addi %rem3A_2397, %select_n3A_2396 : i32
    %select_n3A_2407 = arith.select %and3A_2405, %add3A_2406, %rem3A_2397 : i32
    %dma_start3A_2408 = arith.constant 448 : i32
    %dma_start3A_2409 = arith.constant 0 : i32
    %dma_start3A_2410 = tpu.memref_slice %arg5[%select_n3A_2391, %dma_start3A_2408, %select_n3A_2407, %dma_start3A_2409] : memref<8x1024x8x128xf32, #tpu.memory_space<hbm>> -> memref<1x64x1x128xf32, #tpu.memory_space<hbm>>
    %dma_start3A_2411 = tpu.memref_squeeze %dma_start3A_2410 : memref<1x64x1x128xf32, #tpu.memory_space<hbm>> -> memref<64x128xf32, #tpu.memory_space<hbm>>
    %dma_start3A_2412 = arith.constant 448 : i32
    %dma_start3A_2413 = arith.constant 0 : i32
    %dma_start3A_2414 = tpu.memref_slice %arg5[%select_n3A_2391, %dma_start3A_2412, %select_n3A_2407, %dma_start3A_2413] : memref<8x1024x8x128xf32, #tpu.memory_space<hbm>> -> memref<1x64x1x128xf32, #tpu.memory_space<hbm>>
    %dma_start3A_2415 = tpu.memref_squeeze %dma_start3A_2414 : memref<1x64x1x128xf32, #tpu.memory_space<hbm>> -> memref<64x128xf32, #tpu.memory_space<hbm>>
    tpu.enqueue_dma source(%arg12 : memref<64x128xf32, #tpu.memory_space<vmem>>) target(%dma_start3A_2415 : memref<64x128xf32, #tpu.memory_space<hbm>>) target_semaphore(%arg32 : memref<!tpu.dma_semaphore, #tpu.memory_space<semaphore_mem>>)
    %dma_start3A_2416 = arith.constant 448 : i32
    %dma_start3A_2417 = arith.constant 0 : i32
    %dma_start3A_2418 = tpu.memref_slice %arg6[%select_n3A_2391, %dma_start3A_2416, %select_n3A_2407, %dma_start3A_2417] : memref<8x1024x8x128xf32, #tpu.memory_space<hbm>> -> memref<1x64x1x128xf32, #tpu.memory_space<hbm>>
    %dma_start3A_2419 = tpu.memref_squeeze %dma_start3A_2418 : memref<1x64x1x128xf32, #tpu.memory_space<hbm>> -> memref<64x128xf32, #tpu.memory_space<hbm>>
    %dma_start3A_2420 = arith.constant 448 : i32
    %dma_start3A_2421 = arith.constant 0 : i32
    %dma_start3A_2422 = tpu.memref_slice %arg6[%select_n3A_2391, %dma_start3A_2420, %select_n3A_2407, %dma_start3A_2421] : memref<8x1024x8x128xf32, #tpu.memory_space<hbm>> -> memref<1x64x1x128xf32, #tpu.memory_space<hbm>>
    %dma_start3A_2423 = tpu.memref_squeeze %dma_start3A_2422 : memref<1x64x1x128xf32, #tpu.memory_space<hbm>> -> memref<64x128xf32, #tpu.memory_space<hbm>>
    tpu.enqueue_dma source(%arg17 : memref<64x128xf32, #tpu.memory_space<vmem>>) target(%dma_start3A_2423 : memref<64x128xf32, #tpu.memory_space<hbm>>) target_semaphore(%arg37 : memref<!tpu.dma_semaphore, #tpu.memory_space<semaphore_mem>>)
    %dma_wait3A_2424 = arith.constant 320 : i32
    %dma_wait3A_2425 = arith.constant 0 : i32
    %dma_wait3A_2426 = tpu.memref_slice %arg5[%select_n3A_2187, %dma_wait3A_2424, %select_n3A_2203, %dma_wait3A_2425] : memref<8x1024x8x128xf32, #tpu.memory_space<hbm>> -> memref<1x64x1x128xf32, #tpu.memory_space<hbm>>
    %dma_wait3A_2427 = tpu.memref_squeeze %dma_wait3A_2426 : memref<1x64x1x128xf32, #tpu.memory_space<hbm>> -> memref<64x128xf32, #tpu.memory_space<hbm>>
    %dma_wait3A_2428 = arith.constant 320 : i32
    %dma_wait3A_2429 = arith.constant 0 : i32
    %dma_wait3A_2430 = tpu.memref_slice %arg5[%select_n3A_2187, %dma_wait3A_2428, %select_n3A_2203, %dma_wait3A_2429] : memref<8x1024x8x128xf32, #tpu.memory_space<hbm>> -> memref<1x64x1x128xf32, #tpu.memory_space<hbm>>
    %dma_wait3A_2431 = tpu.memref_squeeze %dma_wait3A_2430 : memref<1x64x1x128xf32, #tpu.memory_space<hbm>> -> memref<64x128xf32, #tpu.memory_space<hbm>>
    tpu.wait_dma2 semaphore(%arg30 : memref<!tpu.dma_semaphore, #tpu.memory_space<semaphore_mem>>) src(%arg10 : memref<64x128xf32, #tpu.memory_space<vmem>>) dst(%dma_wait3A_2431 : memref<64x128xf32, #tpu.memory_space<hbm>>)
    %dma_wait3A_2432 = arith.constant 320 : i32
    %dma_wait3A_2433 = arith.constant 0 : i32
    %dma_wait3A_2434 = tpu.memref_slice %arg6[%select_n3A_2187, %dma_wait3A_2432, %select_n3A_2203, %dma_wait3A_2433] : memref<8x1024x8x128xf32, #tpu.memory_space<hbm>> -> memref<1x64x1x128xf32, #tpu.memory_space<hbm>>
    %dma_wait3A_2435 = tpu.memref_squeeze %dma_wait3A_2434 : memref<1x64x1x128xf32, #tpu.memory_space<hbm>> -> memref<64x128xf32, #tpu.memory_space<hbm>>
    %dma_wait3A_2436 = arith.constant 320 : i32
    %dma_wait3A_2437 = arith.constant 0 : i32
    %dma_wait3A_2438 = tpu.memref_slice %arg6[%select_n3A_2187, %dma_wait3A_2436, %select_n3A_2203, %dma_wait3A_2437] : memref<8x1024x8x128xf32, #tpu.memory_space<hbm>> -> memref<1x64x1x128xf32, #tpu.memory_space<hbm>>
    %dma_wait3A_2439 = tpu.memref_squeeze %dma_wait3A_2438 : memref<1x64x1x128xf32, #tpu.memory_space<hbm>> -> memref<64x128xf32, #tpu.memory_space<hbm>>
    tpu.wait_dma2 semaphore(%arg35 : memref<!tpu.dma_semaphore, #tpu.memory_space<semaphore_mem>>) src(%arg15 : memref<64x128xf32, #tpu.memory_space<vmem>>) dst(%dma_wait3A_2439 : memref<64x128xf32, #tpu.memory_space<hbm>>)
    %dma_start3A_2440 = arith.constant 1 : i32
    %dma_start3A_2441 = arith.constant 640 : i32
    %dma_start3A_2442 = tpu.memref_slice %arg8[%dma_start3A_2440, %dma_start3A_2441] : memref<2x1024xi32, #tpu.memory_space<vmem>> -> memref<1x64xi32, #tpu.memory_space<vmem>>
    %dma_start3A_2443 = tpu.memref_squeeze %dma_start3A_2442 : memref<1x64xi32, #tpu.memory_space<vmem>> -> memref<64xi32, #tpu.memory_space<vmem>>
    %dma_start3A_2444 = arith.constant 0 : i32
    %dma_start3A_2445 = arith.constant 0 : i32
    %dma_start3A_2446 = tpu.memref_slice %arg3[%dma_start3A_2444, %dma_start3A_2445] : memref<131072x128xf32, #tpu.memory_space<hbm>> -> memref<131072x128xf32, #tpu.memory_space<hbm>>
    tpu.enqueue_indirect_dma source(%dma_start3A_2446 : memref<131072x128xf32, #tpu.memory_space<hbm>>) target(%arg10 : memref<64x128xf32, #tpu.memory_space<vmem>>) offsets(%dma_start3A_2443 : memref<64xi32, #tpu.memory_space<vmem>>) semaphore(%arg20 : memref<!tpu.dma_semaphore, #tpu.memory_space<semaphore_mem>>)
    %dma_start3A_2447 = arith.constant 1 : i32
    %dma_start3A_2448 = arith.constant 640 : i32
    %dma_start3A_2449 = tpu.memref_slice %arg8[%dma_start3A_2447, %dma_start3A_2448] : memref<2x1024xi32, #tpu.memory_space<vmem>> -> memref<1x64xi32, #tpu.memory_space<vmem>>
    %dma_start3A_2450 = tpu.memref_squeeze %dma_start3A_2449 : memref<1x64xi32, #tpu.memory_space<vmem>> -> memref<64xi32, #tpu.memory_space<vmem>>
    %dma_start3A_2451 = arith.constant 0 : i32
    %dma_start3A_2452 = arith.constant 0 : i32
    %dma_start3A_2453 = tpu.memref_slice %arg4[%dma_start3A_2451, %dma_start3A_2452] : memref<131072x128xf32, #tpu.memory_space<hbm>> -> memref<131072x128xf32, #tpu.memory_space<hbm>>
    tpu.enqueue_indirect_dma source(%dma_start3A_2453 : memref<131072x128xf32, #tpu.memory_space<hbm>>) target(%arg15 : memref<64x128xf32, #tpu.memory_space<vmem>>) offsets(%dma_start3A_2450 : memref<64xi32, #tpu.memory_space<vmem>>) semaphore(%arg25 : memref<!tpu.dma_semaphore, #tpu.memory_space<semaphore_mem>>)
    %dma_wait3A_2454 = arith.constant 1 : i32
    %dma_wait3A_2455 = arith.constant 512 : i32
    %dma_wait3A_2456 = tpu.memref_slice %arg8[%dma_wait3A_2454, %dma_wait3A_2455] : memref<2x1024xi32, #tpu.memory_space<vmem>> -> memref<1x64xi32, #tpu.memory_space<vmem>>
    %dma_wait3A_2457 = tpu.memref_squeeze %dma_wait3A_2456 : memref<1x64xi32, #tpu.memory_space<vmem>> -> memref<64xi32, #tpu.memory_space<vmem>>
    %dma_wait3A_2458 = arith.constant 0 : i32
    %dma_wait3A_2459 = arith.constant 0 : i32
    %dma_wait3A_2460 = tpu.memref_slice %arg3[%dma_wait3A_2458, %dma_wait3A_2459] : memref<131072x128xf32, #tpu.memory_space<hbm>> -> memref<131072x128xf32, #tpu.memory_space<hbm>>
    tpu.wait_indirect_dma semaphore(%arg23 : memref<!tpu.dma_semaphore, #tpu.memory_space<semaphore_mem>>) src(%dma_wait3A_2460 : memref<131072x128xf32, #tpu.memory_space<hbm>>) dst(%arg13 : memref<64x128xf32, #tpu.memory_space<vmem>>)
    %dma_wait3A_2461 = arith.constant 1 : i32
    %dma_wait3A_2462 = arith.constant 512 : i32
    %dma_wait3A_2463 = tpu.memref_slice %arg8[%dma_wait3A_2461, %dma_wait3A_2462] : memref<2x1024xi32, #tpu.memory_space<vmem>> -> memref<1x64xi32, #tpu.memory_space<vmem>>
    %dma_wait3A_2464 = tpu.memref_squeeze %dma_wait3A_2463 : memref<1x64xi32, #tpu.memory_space<vmem>> -> memref<64xi32, #tpu.memory_space<vmem>>
    %dma_wait3A_2465 = arith.constant 0 : i32
    %dma_wait3A_2466 = arith.constant 0 : i32
    %dma_wait3A_2467 = tpu.memref_slice %arg4[%dma_wait3A_2465, %dma_wait3A_2466] : memref<131072x128xf32, #tpu.memory_space<hbm>> -> memref<131072x128xf32, #tpu.memory_space<hbm>>
    tpu.wait_indirect_dma semaphore(%arg28 : memref<!tpu.dma_semaphore, #tpu.memory_space<semaphore_mem>>) src(%dma_wait3A_2467 : memref<131072x128xf32, #tpu.memory_space<hbm>>) dst(%arg18 : memref<64x128xf32, #tpu.memory_space<vmem>>)
    %add3A_2468 = arith.constant 1 : i32
    %add3A_2469 = arith.addi %mul3A_2, %add3A_2468 : i32
    %jit3A_2470 = arith.constant 8 : i32
    %div3A_2471 = arith.divsi %add3A_2469, %jit3A_2470 : i32
    %sign3A_2472 = arith.constant 0 : i32
    %sign3A_2473 = arith.cmpi sgt, %add3A_2469, %sign3A_2472 : i32
    %sign3A_2474 = arith.extui %sign3A_2473 : i1 to i32
    %sign3A_2475 = arith.constant 0 : i32
    %sign3A_2476 = arith.cmpi slt, %add3A_2469, %sign3A_2475 : i32
    %sign3A_2477 = arith.extui %sign3A_2476 : i1 to i32
    %sign3A_2478 = arith.subi %sign3A_2474, %sign3A_2477 : i32
    %sign3A_2479 = arith.constant 0 : i32
    %sign3A_2480 = arith.cmpi sgt, %jit3A_2470, %sign3A_2479 : i32
    %sign3A_2481 = arith.extui %sign3A_2480 : i1 to i32
    %sign3A_2482 = arith.constant 0 : i32
    %sign3A_2483 = arith.cmpi slt, %jit3A_2470, %sign3A_2482 : i32
    %sign3A_2484 = arith.extui %sign3A_2483 : i1 to i32
    %sign3A_2485 = arith.subi %sign3A_2481, %sign3A_2484 : i32
    %ne3A_2486 = arith.cmpi ne, %sign3A_2478, %sign3A_2485 : i32
    %rem3A_2487 = arith.remsi %add3A_2469, %jit3A_2470 : i32
    %ne3A_2488 = arith.constant 0 : i32
    %ne3A_2489 = arith.cmpi ne, %rem3A_2487, %ne3A_2488 : i32
    %and3A_2490 = arith.andi %ne3A_2486, %ne3A_2489 : i1
    %sub3A_2491 = arith.constant 1 : i32
    %sub3A_2492 = arith.subi %div3A_2471, %sub3A_2491 : i32
    %select_n3A_2493 = arith.select %and3A_2490, %sub3A_2492, %div3A_2471 : i32
    %jit3A_2494 = arith.constant 8 : i32
    %eq3A_2495 = arith.constant 0 : i32
    %eq3A_2496 = arith.cmpi eq, %jit3A_2494, %eq3A_2495 : i32
    %jit3A_2497 = arith.constant 1 : i32
    %select_n3A_2498 = arith.select %eq3A_2496, %jit3A_2497, %jit3A_2494 : i32
    %rem3A_2499 = arith.remsi %add3A_2469, %select_n3A_2498 : i32
    %ne3A_2500 = arith.constant 0 : i32
    %ne3A_2501 = arith.cmpi ne, %rem3A_2499, %ne3A_2500 : i32
    %lt3A_2502 = arith.constant 0 : i32
    %lt3A_2503 = arith.cmpi slt, %rem3A_2499, %lt3A_2502 : i32
    %lt3A_2504 = arith.constant 0 : i32
    %lt3A_2505 = arith.cmpi slt, %select_n3A_2498, %lt3A_2504 : i32
    %ne3A_2506 = arith.xori %lt3A_2503, %lt3A_2505 : i1
    %and3A_2507 = arith.andi %ne3A_2506, %ne3A_2501 : i1
    %add3A_2508 = arith.addi %rem3A_2499, %select_n3A_2498 : i32
    %select_n3A_2509 = arith.select %and3A_2507, %add3A_2508, %rem3A_2499 : i32
    %dma_start3A_2510 = arith.constant 512 : i32
    %dma_start3A_2511 = arith.constant 0 : i32
    %dma_start3A_2512 = tpu.memref_slice %arg5[%select_n3A_2493, %dma_start3A_2510, %select_n3A_2509, %dma_start3A_2511] : memref<8x1024x8x128xf32, #tpu.memory_space<hbm>> -> memref<1x64x1x128xf32, #tpu.memory_space<hbm>>
    %dma_start3A_2513 = tpu.memref_squeeze %dma_start3A_2512 : memref<1x64x1x128xf32, #tpu.memory_space<hbm>> -> memref<64x128xf32, #tpu.memory_space<hbm>>
    %dma_start3A_2514 = arith.constant 512 : i32
    %dma_start3A_2515 = arith.constant 0 : i32
    %dma_start3A_2516 = tpu.memref_slice %arg5[%select_n3A_2493, %dma_start3A_2514, %select_n3A_2509, %dma_start3A_2515] : memref<8x1024x8x128xf32, #tpu.memory_space<hbm>> -> memref<1x64x1x128xf32, #tpu.memory_space<hbm>>
    %dma_start3A_2517 = tpu.memref_squeeze %dma_start3A_2516 : memref<1x64x1x128xf32, #tpu.memory_space<hbm>> -> memref<64x128xf32, #tpu.memory_space<hbm>>
    tpu.enqueue_dma source(%arg13 : memref<64x128xf32, #tpu.memory_space<vmem>>) target(%dma_start3A_2517 : memref<64x128xf32, #tpu.memory_space<hbm>>) target_semaphore(%arg33 : memref<!tpu.dma_semaphore, #tpu.memory_space<semaphore_mem>>)
    %dma_start3A_2518 = arith.constant 512 : i32
    %dma_start3A_2519 = arith.constant 0 : i32
    %dma_start3A_2520 = tpu.memref_slice %arg6[%select_n3A_2493, %dma_start3A_2518, %select_n3A_2509, %dma_start3A_2519] : memref<8x1024x8x128xf32, #tpu.memory_space<hbm>> -> memref<1x64x1x128xf32, #tpu.memory_space<hbm>>
    %dma_start3A_2521 = tpu.memref_squeeze %dma_start3A_2520 : memref<1x64x1x128xf32, #tpu.memory_space<hbm>> -> memref<64x128xf32, #tpu.memory_space<hbm>>
    %dma_start3A_2522 = arith.constant 512 : i32
    %dma_start3A_2523 = arith.constant 0 : i32
    %dma_start3A_2524 = tpu.memref_slice %arg6[%select_n3A_2493, %dma_start3A_2522, %select_n3A_2509, %dma_start3A_2523] : memref<8x1024x8x128xf32, #tpu.memory_space<hbm>> -> memref<1x64x1x128xf32, #tpu.memory_space<hbm>>
    %dma_start3A_2525 = tpu.memref_squeeze %dma_start3A_2524 : memref<1x64x1x128xf32, #tpu.memory_space<hbm>> -> memref<64x128xf32, #tpu.memory_space<hbm>>
    tpu.enqueue_dma source(%arg18 : memref<64x128xf32, #tpu.memory_space<vmem>>) target(%dma_start3A_2525 : memref<64x128xf32, #tpu.memory_space<hbm>>) target_semaphore(%arg38 : memref<!tpu.dma_semaphore, #tpu.memory_space<semaphore_mem>>)
    %dma_wait3A_2526 = arith.constant 384 : i32
    %dma_wait3A_2527 = arith.constant 0 : i32
    %dma_wait3A_2528 = tpu.memref_slice %arg5[%select_n3A_2289, %dma_wait3A_2526, %select_n3A_2305, %dma_wait3A_2527] : memref<8x1024x8x128xf32, #tpu.memory_space<hbm>> -> memref<1x64x1x128xf32, #tpu.memory_space<hbm>>
    %dma_wait3A_2529 = tpu.memref_squeeze %dma_wait3A_2528 : memref<1x64x1x128xf32, #tpu.memory_space<hbm>> -> memref<64x128xf32, #tpu.memory_space<hbm>>
    %dma_wait3A_2530 = arith.constant 384 : i32
    %dma_wait3A_2531 = arith.constant 0 : i32
    %dma_wait3A_2532 = tpu.memref_slice %arg5[%select_n3A_2289, %dma_wait3A_2530, %select_n3A_2305, %dma_wait3A_2531] : memref<8x1024x8x128xf32, #tpu.memory_space<hbm>> -> memref<1x64x1x128xf32, #tpu.memory_space<hbm>>
    %dma_wait3A_2533 = tpu.memref_squeeze %dma_wait3A_2532 : memref<1x64x1x128xf32, #tpu.memory_space<hbm>> -> memref<64x128xf32, #tpu.memory_space<hbm>>
    tpu.wait_dma2 semaphore(%arg31 : memref<!tpu.dma_semaphore, #tpu.memory_space<semaphore_mem>>) src(%arg11 : memref<64x128xf32, #tpu.memory_space<vmem>>) dst(%dma_wait3A_2533 : memref<64x128xf32, #tpu.memory_space<hbm>>)
    %dma_wait3A_2534 = arith.constant 384 : i32
    %dma_wait3A_2535 = arith.constant 0 : i32
    %dma_wait3A_2536 = tpu.memref_slice %arg6[%select_n3A_2289, %dma_wait3A_2534, %select_n3A_2305, %dma_wait3A_2535] : memref<8x1024x8x128xf32, #tpu.memory_space<hbm>> -> memref<1x64x1x128xf32, #tpu.memory_space<hbm>>
    %dma_wait3A_2537 = tpu.memref_squeeze %dma_wait3A_2536 : memref<1x64x1x128xf32, #tpu.memory_space<hbm>> -> memref<64x128xf32, #tpu.memory_space<hbm>>
    %dma_wait3A_2538 = arith.constant 384 : i32
    %dma_wait3A_2539 = arith.constant 0 : i32
    %dma_wait3A_2540 = tpu.memref_slice %arg6[%select_n3A_2289, %dma_wait3A_2538, %select_n3A_2305, %dma_wait3A_2539] : memref<8x1024x8x128xf32, #tpu.memory_space<hbm>> -> memref<1x64x1x128xf32, #tpu.memory_space<hbm>>
    %dma_wait3A_2541 = tpu.memref_squeeze %dma_wait3A_2540 : memref<1x64x1x128xf32, #tpu.memory_space<hbm>> -> memref<64x128xf32, #tpu.memory_space<hbm>>
    tpu.wait_dma2 semaphore(%arg36 : memref<!tpu.dma_semaphore, #tpu.memory_space<semaphore_mem>>) src(%arg16 : memref<64x128xf32, #tpu.memory_space<vmem>>) dst(%dma_wait3A_2541 : memref<64x128xf32, #tpu.memory_space<hbm>>)
    %dma_start3A_2542 = arith.constant 1 : i32
    %dma_start3A_2543 = arith.constant 704 : i32
    %dma_start3A_2544 = tpu.memref_slice %arg8[%dma_start3A_2542, %dma_start3A_2543] : memref<2x1024xi32, #tpu.memory_space<vmem>> -> memref<1x64xi32, #tpu.memory_space<vmem>>
    %dma_start3A_2545 = tpu.memref_squeeze %dma_start3A_2544 : memref<1x64xi32, #tpu.memory_space<vmem>> -> memref<64xi32, #tpu.memory_space<vmem>>
    %dma_start3A_2546 = arith.constant 0 : i32
    %dma_start3A_2547 = arith.constant 0 : i32
    %dma_start3A_2548 = tpu.memref_slice %arg3[%dma_start3A_2546, %dma_start3A_2547] : memref<131072x128xf32, #tpu.memory_space<hbm>> -> memref<131072x128xf32, #tpu.memory_space<hbm>>
    tpu.enqueue_indirect_dma source(%dma_start3A_2548 : memref<131072x128xf32, #tpu.memory_space<hbm>>) target(%arg11 : memref<64x128xf32, #tpu.memory_space<vmem>>) offsets(%dma_start3A_2545 : memref<64xi32, #tpu.memory_space<vmem>>) semaphore(%arg21 : memref<!tpu.dma_semaphore, #tpu.memory_space<semaphore_mem>>)
    %dma_start3A_2549 = arith.constant 1 : i32
    %dma_start3A_2550 = arith.constant 704 : i32
    %dma_start3A_2551 = tpu.memref_slice %arg8[%dma_start3A_2549, %dma_start3A_2550] : memref<2x1024xi32, #tpu.memory_space<vmem>> -> memref<1x64xi32, #tpu.memory_space<vmem>>
    %dma_start3A_2552 = tpu.memref_squeeze %dma_start3A_2551 : memref<1x64xi32, #tpu.memory_space<vmem>> -> memref<64xi32, #tpu.memory_space<vmem>>
    %dma_start3A_2553 = arith.constant 0 : i32
    %dma_start3A_2554 = arith.constant 0 : i32
    %dma_start3A_2555 = tpu.memref_slice %arg4[%dma_start3A_2553, %dma_start3A_2554] : memref<131072x128xf32, #tpu.memory_space<hbm>> -> memref<131072x128xf32, #tpu.memory_space<hbm>>
    tpu.enqueue_indirect_dma source(%dma_start3A_2555 : memref<131072x128xf32, #tpu.memory_space<hbm>>) target(%arg16 : memref<64x128xf32, #tpu.memory_space<vmem>>) offsets(%dma_start3A_2552 : memref<64xi32, #tpu.memory_space<vmem>>) semaphore(%arg26 : memref<!tpu.dma_semaphore, #tpu.memory_space<semaphore_mem>>)
    %dma_wait3A_2556 = arith.constant 1 : i32
    %dma_wait3A_2557 = arith.constant 576 : i32
    %dma_wait3A_2558 = tpu.memref_slice %arg8[%dma_wait3A_2556, %dma_wait3A_2557] : memref<2x1024xi32, #tpu.memory_space<vmem>> -> memref<1x64xi32, #tpu.memory_space<vmem>>
    %dma_wait3A_2559 = tpu.memref_squeeze %dma_wait3A_2558 : memref<1x64xi32, #tpu.memory_space<vmem>> -> memref<64xi32, #tpu.memory_space<vmem>>
    %dma_wait3A_2560 = arith.constant 0 : i32
    %dma_wait3A_2561 = arith.constant 0 : i32
    %dma_wait3A_2562 = tpu.memref_slice %arg3[%dma_wait3A_2560, %dma_wait3A_2561] : memref<131072x128xf32, #tpu.memory_space<hbm>> -> memref<131072x128xf32, #tpu.memory_space<hbm>>
    tpu.wait_indirect_dma semaphore(%arg19 : memref<!tpu.dma_semaphore, #tpu.memory_space<semaphore_mem>>) src(%dma_wait3A_2562 : memref<131072x128xf32, #tpu.memory_space<hbm>>) dst(%arg9 : memref<64x128xf32, #tpu.memory_space<vmem>>)
    %dma_wait3A_2563 = arith.constant 1 : i32
    %dma_wait3A_2564 = arith.constant 576 : i32
    %dma_wait3A_2565 = tpu.memref_slice %arg8[%dma_wait3A_2563, %dma_wait3A_2564] : memref<2x1024xi32, #tpu.memory_space<vmem>> -> memref<1x64xi32, #tpu.memory_space<vmem>>
    %dma_wait3A_2566 = tpu.memref_squeeze %dma_wait3A_2565 : memref<1x64xi32, #tpu.memory_space<vmem>> -> memref<64xi32, #tpu.memory_space<vmem>>
    %dma_wait3A_2567 = arith.constant 0 : i32
    %dma_wait3A_2568 = arith.constant 0 : i32
    %dma_wait3A_2569 = tpu.memref_slice %arg4[%dma_wait3A_2567, %dma_wait3A_2568] : memref<131072x128xf32, #tpu.memory_space<hbm>> -> memref<131072x128xf32, #tpu.memory_space<hbm>>
    tpu.wait_indirect_dma semaphore(%arg24 : memref<!tpu.dma_semaphore, #tpu.memory_space<semaphore_mem>>) src(%dma_wait3A_2569 : memref<131072x128xf32, #tpu.memory_space<hbm>>) dst(%arg14 : memref<64x128xf32, #tpu.memory_space<vmem>>)
    %add3A_2570 = arith.constant 1 : i32
    %add3A_2571 = arith.addi %mul3A_2, %add3A_2570 : i32
    %jit3A_2572 = arith.constant 8 : i32
    %div3A_2573 = arith.divsi %add3A_2571, %jit3A_2572 : i32
    %sign3A_2574 = arith.constant 0 : i32
    %sign3A_2575 = arith.cmpi sgt, %add3A_2571, %sign3A_2574 : i32
    %sign3A_2576 = arith.extui %sign3A_2575 : i1 to i32
    %sign3A_2577 = arith.constant 0 : i32
    %sign3A_2578 = arith.cmpi slt, %add3A_2571, %sign3A_2577 : i32
    %sign3A_2579 = arith.extui %sign3A_2578 : i1 to i32
    %sign3A_2580 = arith.subi %sign3A_2576, %sign3A_2579 : i32
    %sign3A_2581 = arith.constant 0 : i32
    %sign3A_2582 = arith.cmpi sgt, %jit3A_2572, %sign3A_2581 : i32
    %sign3A_2583 = arith.extui %sign3A_2582 : i1 to i32
    %sign3A_2584 = arith.constant 0 : i32
    %sign3A_2585 = arith.cmpi slt, %jit3A_2572, %sign3A_2584 : i32
    %sign3A_2586 = arith.extui %sign3A_2585 : i1 to i32
    %sign3A_2587 = arith.subi %sign3A_2583, %sign3A_2586 : i32
    %ne3A_2588 = arith.cmpi ne, %sign3A_2580, %sign3A_2587 : i32
    %rem3A_2589 = arith.remsi %add3A_2571, %jit3A_2572 : i32
    %ne3A_2590 = arith.constant 0 : i32
    %ne3A_2591 = arith.cmpi ne, %rem3A_2589, %ne3A_2590 : i32
    %and3A_2592 = arith.andi %ne3A_2588, %ne3A_2591 : i1
    %sub3A_2593 = arith.constant 1 : i32
    %sub3A_2594 = arith.subi %div3A_2573, %sub3A_2593 : i32
    %select_n3A_2595 = arith.select %and3A_2592, %sub3A_2594, %div3A_2573 : i32
    %jit3A_2596 = arith.constant 8 : i32
    %eq3A_2597 = arith.constant 0 : i32
    %eq3A_2598 = arith.cmpi eq, %jit3A_2596, %eq3A_2597 : i32
    %jit3A_2599 = arith.constant 1 : i32
    %select_n3A_2600 = arith.select %eq3A_2598, %jit3A_2599, %jit3A_2596 : i32
    %rem3A_2601 = arith.remsi %add3A_2571, %select_n3A_2600 : i32
    %ne3A_2602 = arith.constant 0 : i32
    %ne3A_2603 = arith.cmpi ne, %rem3A_2601, %ne3A_2602 : i32
    %lt3A_2604 = arith.constant 0 : i32
    %lt3A_2605 = arith.cmpi slt, %rem3A_2601, %lt3A_2604 : i32
    %lt3A_2606 = arith.constant 0 : i32
    %lt3A_2607 = arith.cmpi slt, %select_n3A_2600, %lt3A_2606 : i32
    %ne3A_2608 = arith.xori %lt3A_2605, %lt3A_2607 : i1
    %and3A_2609 = arith.andi %ne3A_2608, %ne3A_2603 : i1
    %add3A_2610 = arith.addi %rem3A_2601, %select_n3A_2600 : i32
    %select_n3A_2611 = arith.select %and3A_2609, %add3A_2610, %rem3A_2601 : i32
    %dma_start3A_2612 = arith.constant 576 : i32
    %dma_start3A_2613 = arith.constant 0 : i32
    %dma_start3A_2614 = tpu.memref_slice %arg5[%select_n3A_2595, %dma_start3A_2612, %select_n3A_2611, %dma_start3A_2613] : memref<8x1024x8x128xf32, #tpu.memory_space<hbm>> -> memref<1x64x1x128xf32, #tpu.memory_space<hbm>>
    %dma_start3A_2615 = tpu.memref_squeeze %dma_start3A_2614 : memref<1x64x1x128xf32, #tpu.memory_space<hbm>> -> memref<64x128xf32, #tpu.memory_space<hbm>>
    %dma_start3A_2616 = arith.constant 576 : i32
    %dma_start3A_2617 = arith.constant 0 : i32
    %dma_start3A_2618 = tpu.memref_slice %arg5[%select_n3A_2595, %dma_start3A_2616, %select_n3A_2611, %dma_start3A_2617] : memref<8x1024x8x128xf32, #tpu.memory_space<hbm>> -> memref<1x64x1x128xf32, #tpu.memory_space<hbm>>
    %dma_start3A_2619 = tpu.memref_squeeze %dma_start3A_2618 : memref<1x64x1x128xf32, #tpu.memory_space<hbm>> -> memref<64x128xf32, #tpu.memory_space<hbm>>
    tpu.enqueue_dma source(%arg9 : memref<64x128xf32, #tpu.memory_space<vmem>>) target(%dma_start3A_2619 : memref<64x128xf32, #tpu.memory_space<hbm>>) target_semaphore(%arg29 : memref<!tpu.dma_semaphore, #tpu.memory_space<semaphore_mem>>)
    %dma_start3A_2620 = arith.constant 576 : i32
    %dma_start3A_2621 = arith.constant 0 : i32
    %dma_start3A_2622 = tpu.memref_slice %arg6[%select_n3A_2595, %dma_start3A_2620, %select_n3A_2611, %dma_start3A_2621] : memref<8x1024x8x128xf32, #tpu.memory_space<hbm>> -> memref<1x64x1x128xf32, #tpu.memory_space<hbm>>
    %dma_start3A_2623 = tpu.memref_squeeze %dma_start3A_2622 : memref<1x64x1x128xf32, #tpu.memory_space<hbm>> -> memref<64x128xf32, #tpu.memory_space<hbm>>
    %dma_start3A_2624 = arith.constant 576 : i32
    %dma_start3A_2625 = arith.constant 0 : i32
    %dma_start3A_2626 = tpu.memref_slice %arg6[%select_n3A_2595, %dma_start3A_2624, %select_n3A_2611, %dma_start3A_2625] : memref<8x1024x8x128xf32, #tpu.memory_space<hbm>> -> memref<1x64x1x128xf32, #tpu.memory_space<hbm>>
    %dma_start3A_2627 = tpu.memref_squeeze %dma_start3A_2626 : memref<1x64x1x128xf32, #tpu.memory_space<hbm>> -> memref<64x128xf32, #tpu.memory_space<hbm>>
    tpu.enqueue_dma source(%arg14 : memref<64x128xf32, #tpu.memory_space<vmem>>) target(%dma_start3A_2627 : memref<64x128xf32, #tpu.memory_space<hbm>>) target_semaphore(%arg34 : memref<!tpu.dma_semaphore, #tpu.memory_space<semaphore_mem>>)
    %dma_wait3A_2628 = arith.constant 448 : i32
    %dma_wait3A_2629 = arith.constant 0 : i32
    %dma_wait3A_2630 = tpu.memref_slice %arg5[%select_n3A_2391, %dma_wait3A_2628, %select_n3A_2407, %dma_wait3A_2629] : memref<8x1024x8x128xf32, #tpu.memory_space<hbm>> -> memref<1x64x1x128xf32, #tpu.memory_space<hbm>>
    %dma_wait3A_2631 = tpu.memref_squeeze %dma_wait3A_2630 : memref<1x64x1x128xf32, #tpu.memory_space<hbm>> -> memref<64x128xf32, #tpu.memory_space<hbm>>
    %dma_wait3A_2632 = arith.constant 448 : i32
    %dma_wait3A_2633 = arith.constant 0 : i32
    %dma_wait3A_2634 = tpu.memref_slice %arg5[%select_n3A_2391, %dma_wait3A_2632, %select_n3A_2407, %dma_wait3A_2633] : memref<8x1024x8x128xf32, #tpu.memory_space<hbm>> -> memref<1x64x1x128xf32, #tpu.memory_space<hbm>>
    %dma_wait3A_2635 = tpu.memref_squeeze %dma_wait3A_2634 : memref<1x64x1x128xf32, #tpu.memory_space<hbm>> -> memref<64x128xf32, #tpu.memory_space<hbm>>
    tpu.wait_dma2 semaphore(%arg32 : memref<!tpu.dma_semaphore, #tpu.memory_space<semaphore_mem>>) src(%arg12 : memref<64x128xf32, #tpu.memory_space<vmem>>) dst(%dma_wait3A_2635 : memref<64x128xf32, #tpu.memory_space<hbm>>)
    %dma_wait3A_2636 = arith.constant 448 : i32
    %dma_wait3A_2637 = arith.constant 0 : i32
    %dma_wait3A_2638 = tpu.memref_slice %arg6[%select_n3A_2391, %dma_wait3A_2636, %select_n3A_2407, %dma_wait3A_2637] : memref<8x1024x8x128xf32, #tpu.memory_space<hbm>> -> memref<1x64x1x128xf32, #tpu.memory_space<hbm>>
    %dma_wait3A_2639 = tpu.memref_squeeze %dma_wait3A_2638 : memref<1x64x1x128xf32, #tpu.memory_space<hbm>> -> memref<64x128xf32, #tpu.memory_space<hbm>>
    %dma_wait3A_2640 = arith.constant 448 : i32
    %dma_wait3A_2641 = arith.constant 0 : i32
    %dma_wait3A_2642 = tpu.memref_slice %arg6[%select_n3A_2391, %dma_wait3A_2640, %select_n3A_2407, %dma_wait3A_2641] : memref<8x1024x8x128xf32, #tpu.memory_space<hbm>> -> memref<1x64x1x128xf32, #tpu.memory_space<hbm>>
    %dma_wait3A_2643 = tpu.memref_squeeze %dma_wait3A_2642 : memref<1x64x1x128xf32, #tpu.memory_space<hbm>> -> memref<64x128xf32, #tpu.memory_space<hbm>>
    tpu.wait_dma2 semaphore(%arg37 : memref<!tpu.dma_semaphore, #tpu.memory_space<semaphore_mem>>) src(%arg17 : memref<64x128xf32, #tpu.memory_space<vmem>>) dst(%dma_wait3A_2643 : memref<64x128xf32, #tpu.memory_space<hbm>>)
    %dma_start3A_2644 = arith.constant 1 : i32
    %dma_start3A_2645 = arith.constant 768 : i32
    %dma_start3A_2646 = tpu.memref_slice %arg8[%dma_start3A_2644, %dma_start3A_2645] : memref<2x1024xi32, #tpu.memory_space<vmem>> -> memref<1x64xi32, #tpu.memory_space<vmem>>
    %dma_start3A_2647 = tpu.memref_squeeze %dma_start3A_2646 : memref<1x64xi32, #tpu.memory_space<vmem>> -> memref<64xi32, #tpu.memory_space<vmem>>
    %dma_start3A_2648 = arith.constant 0 : i32
    %dma_start3A_2649 = arith.constant 0 : i32
    %dma_start3A_2650 = tpu.memref_slice %arg3[%dma_start3A_2648, %dma_start3A_2649] : memref<131072x128xf32, #tpu.memory_space<hbm>> -> memref<131072x128xf32, #tpu.memory_space<hbm>>
    tpu.enqueue_indirect_dma source(%dma_start3A_2650 : memref<131072x128xf32, #tpu.memory_space<hbm>>) target(%arg12 : memref<64x128xf32, #tpu.memory_space<vmem>>) offsets(%dma_start3A_2647 : memref<64xi32, #tpu.memory_space<vmem>>) semaphore(%arg22 : memref<!tpu.dma_semaphore, #tpu.memory_space<semaphore_mem>>)
    %dma_start3A_2651 = arith.constant 1 : i32
    %dma_start3A_2652 = arith.constant 768 : i32
    %dma_start3A_2653 = tpu.memref_slice %arg8[%dma_start3A_2651, %dma_start3A_2652] : memref<2x1024xi32, #tpu.memory_space<vmem>> -> memref<1x64xi32, #tpu.memory_space<vmem>>
    %dma_start3A_2654 = tpu.memref_squeeze %dma_start3A_2653 : memref<1x64xi32, #tpu.memory_space<vmem>> -> memref<64xi32, #tpu.memory_space<vmem>>
    %dma_start3A_2655 = arith.constant 0 : i32
    %dma_start3A_2656 = arith.constant 0 : i32
    %dma_start3A_2657 = tpu.memref_slice %arg4[%dma_start3A_2655, %dma_start3A_2656] : memref<131072x128xf32, #tpu.memory_space<hbm>> -> memref<131072x128xf32, #tpu.memory_space<hbm>>
    tpu.enqueue_indirect_dma source(%dma_start3A_2657 : memref<131072x128xf32, #tpu.memory_space<hbm>>) target(%arg17 : memref<64x128xf32, #tpu.memory_space<vmem>>) offsets(%dma_start3A_2654 : memref<64xi32, #tpu.memory_space<vmem>>) semaphore(%arg27 : memref<!tpu.dma_semaphore, #tpu.memory_space<semaphore_mem>>)
    %dma_wait3A_2658 = arith.constant 1 : i32
    %dma_wait3A_2659 = arith.constant 640 : i32
    %dma_wait3A_2660 = tpu.memref_slice %arg8[%dma_wait3A_2658, %dma_wait3A_2659] : memref<2x1024xi32, #tpu.memory_space<vmem>> -> memref<1x64xi32, #tpu.memory_space<vmem>>
    %dma_wait3A_2661 = tpu.memref_squeeze %dma_wait3A_2660 : memref<1x64xi32, #tpu.memory_space<vmem>> -> memref<64xi32, #tpu.memory_space<vmem>>
    %dma_wait3A_2662 = arith.constant 0 : i32
    %dma_wait3A_2663 = arith.constant 0 : i32
    %dma_wait3A_2664 = tpu.memref_slice %arg3[%dma_wait3A_2662, %dma_wait3A_2663] : memref<131072x128xf32, #tpu.memory_space<hbm>> -> memref<131072x128xf32, #tpu.memory_space<hbm>>
    tpu.wait_indirect_dma semaphore(%arg20 : memref<!tpu.dma_semaphore, #tpu.memory_space<semaphore_mem>>) src(%dma_wait3A_2664 : memref<131072x128xf32, #tpu.memory_space<hbm>>) dst(%arg10 : memref<64x128xf32, #tpu.memory_space<vmem>>)
    %dma_wait3A_2665 = arith.constant 1 : i32
    %dma_wait3A_2666 = arith.constant 640 : i32
    %dma_wait3A_2667 = tpu.memref_slice %arg8[%dma_wait3A_2665, %dma_wait3A_2666] : memref<2x1024xi32, #tpu.memory_space<vmem>> -> memref<1x64xi32, #tpu.memory_space<vmem>>
    %dma_wait3A_2668 = tpu.memref_squeeze %dma_wait3A_2667 : memref<1x64xi32, #tpu.memory_space<vmem>> -> memref<64xi32, #tpu.memory_space<vmem>>
    %dma_wait3A_2669 = arith.constant 0 : i32
    %dma_wait3A_2670 = arith.constant 0 : i32
    %dma_wait3A_2671 = tpu.memref_slice %arg4[%dma_wait3A_2669, %dma_wait3A_2670] : memref<131072x128xf32, #tpu.memory_space<hbm>> -> memref<131072x128xf32, #tpu.memory_space<hbm>>
    tpu.wait_indirect_dma semaphore(%arg25 : memref<!tpu.dma_semaphore, #tpu.memory_space<semaphore_mem>>) src(%dma_wait3A_2671 : memref<131072x128xf32, #tpu.memory_space<hbm>>) dst(%arg15 : memref<64x128xf32, #tpu.memory_space<vmem>>)
    %add3A_2672 = arith.constant 1 : i32
    %add3A_2673 = arith.addi %mul3A_2, %add3A_2672 : i32
    %jit3A_2674 = arith.constant 8 : i32
    %div3A_2675 = arith.divsi %add3A_2673, %jit3A_2674 : i32
    %sign3A_2676 = arith.constant 0 : i32
    %sign3A_2677 = arith.cmpi sgt, %add3A_2673, %sign3A_2676 : i32
    %sign3A_2678 = arith.extui %sign3A_2677 : i1 to i32
    %sign3A_2679 = arith.constant 0 : i32
    %sign3A_2680 = arith.cmpi slt, %add3A_2673, %sign3A_2679 : i32
    %sign3A_2681 = arith.extui %sign3A_2680 : i1 to i32
    %sign3A_2682 = arith.subi %sign3A_2678, %sign3A_2681 : i32
    %sign3A_2683 = arith.constant 0 : i32
    %sign3A_2684 = arith.cmpi sgt, %jit3A_2674, %sign3A_2683 : i32
    %sign3A_2685 = arith.extui %sign3A_2684 : i1 to i32
    %sign3A_2686 = arith.constant 0 : i32
    %sign3A_2687 = arith.cmpi slt, %jit3A_2674, %sign3A_2686 : i32
    %sign3A_2688 = arith.extui %sign3A_2687 : i1 to i32
    %sign3A_2689 = arith.subi %sign3A_2685, %sign3A_2688 : i32
    %ne3A_2690 = arith.cmpi ne, %sign3A_2682, %sign3A_2689 : i32
    %rem3A_2691 = arith.remsi %add3A_2673, %jit3A_2674 : i32
    %ne3A_2692 = arith.constant 0 : i32
    %ne3A_2693 = arith.cmpi ne, %rem3A_2691, %ne3A_2692 : i32
    %and3A_2694 = arith.andi %ne3A_2690, %ne3A_2693 : i1
    %sub3A_2695 = arith.constant 1 : i32
    %sub3A_2696 = arith.subi %div3A_2675, %sub3A_2695 : i32
    %select_n3A_2697 = arith.select %and3A_2694, %sub3A_2696, %div3A_2675 : i32
    %jit3A_2698 = arith.constant 8 : i32
    %eq3A_2699 = arith.constant 0 : i32
    %eq3A_2700 = arith.cmpi eq, %jit3A_2698, %eq3A_2699 : i32
    %jit3A_2701 = arith.constant 1 : i32
    %select_n3A_2702 = arith.select %eq3A_2700, %jit3A_2701, %jit3A_2698 : i32
    %rem3A_2703 = arith.remsi %add3A_2673, %select_n3A_2702 : i32
    %ne3A_2704 = arith.constant 0 : i32
    %ne3A_2705 = arith.cmpi ne, %rem3A_2703, %ne3A_2704 : i32
    %lt3A_2706 = arith.constant 0 : i32
    %lt3A_2707 = arith.cmpi slt, %rem3A_2703, %lt3A_2706 : i32
    %lt3A_2708 = arith.constant 0 : i32
    %lt3A_2709 = arith.cmpi slt, %select_n3A_2702, %lt3A_2708 : i32
    %ne3A_2710 = arith.xori %lt3A_2707, %lt3A_2709 : i1
    %and3A_2711 = arith.andi %ne3A_2710, %ne3A_2705 : i1
    %add3A_2712 = arith.addi %rem3A_2703, %select_n3A_2702 : i32
    %select_n3A_2713 = arith.select %and3A_2711, %add3A_2712, %rem3A_2703 : i32
    %dma_start3A_2714 = arith.constant 640 : i32
    %dma_start3A_2715 = arith.constant 0 : i32
    %dma_start3A_2716 = tpu.memref_slice %arg5[%select_n3A_2697, %dma_start3A_2714, %select_n3A_2713, %dma_start3A_2715] : memref<8x1024x8x128xf32, #tpu.memory_space<hbm>> -> memref<1x64x1x128xf32, #tpu.memory_space<hbm>>
    %dma_start3A_2717 = tpu.memref_squeeze %dma_start3A_2716 : memref<1x64x1x128xf32, #tpu.memory_space<hbm>> -> memref<64x128xf32, #tpu.memory_space<hbm>>
    %dma_start3A_2718 = arith.constant 640 : i32
    %dma_start3A_2719 = arith.constant 0 : i32
    %dma_start3A_2720 = tpu.memref_slice %arg5[%select_n3A_2697, %dma_start3A_2718, %select_n3A_2713, %dma_start3A_2719] : memref<8x1024x8x128xf32, #tpu.memory_space<hbm>> -> memref<1x64x1x128xf32, #tpu.memory_space<hbm>>
    %dma_start3A_2721 = tpu.memref_squeeze %dma_start3A_2720 : memref<1x64x1x128xf32, #tpu.memory_space<hbm>> -> memref<64x128xf32, #tpu.memory_space<hbm>>
    tpu.enqueue_dma source(%arg10 : memref<64x128xf32, #tpu.memory_space<vmem>>) target(%dma_start3A_2721 : memref<64x128xf32, #tpu.memory_space<hbm>>) target_semaphore(%arg30 : memref<!tpu.dma_semaphore, #tpu.memory_space<semaphore_mem>>)
    %dma_start3A_2722 = arith.constant 640 : i32
    %dma_start3A_2723 = arith.constant 0 : i32
    %dma_start3A_2724 = tpu.memref_slice %arg6[%select_n3A_2697, %dma_start3A_2722, %select_n3A_2713, %dma_start3A_2723] : memref<8x1024x8x128xf32, #tpu.memory_space<hbm>> -> memref<1x64x1x128xf32, #tpu.memory_space<hbm>>
    %dma_start3A_2725 = tpu.memref_squeeze %dma_start3A_2724 : memref<1x64x1x128xf32, #tpu.memory_space<hbm>> -> memref<64x128xf32, #tpu.memory_space<hbm>>
    %dma_start3A_2726 = arith.constant 640 : i32
    %dma_start3A_2727 = arith.constant 0 : i32
    %dma_start3A_2728 = tpu.memref_slice %arg6[%select_n3A_2697, %dma_start3A_2726, %select_n3A_2713, %dma_start3A_2727] : memref<8x1024x8x128xf32, #tpu.memory_space<hbm>> -> memref<1x64x1x128xf32, #tpu.memory_space<hbm>>
    %dma_start3A_2729 = tpu.memref_squeeze %dma_start3A_2728 : memref<1x64x1x128xf32, #tpu.memory_space<hbm>> -> memref<64x128xf32, #tpu.memory_space<hbm>>
    tpu.enqueue_dma source(%arg15 : memref<64x128xf32, #tpu.memory_space<vmem>>) target(%dma_start3A_2729 : memref<64x128xf32, #tpu.memory_space<hbm>>) target_semaphore(%arg35 : memref<!tpu.dma_semaphore, #tpu.memory_space<semaphore_mem>>)
    %dma_wait3A_2730 = arith.constant 512 : i32
    %dma_wait3A_2731 = arith.constant 0 : i32
    %dma_wait3A_2732 = tpu.memref_slice %arg5[%select_n3A_2493, %dma_wait3A_2730, %select_n3A_2509, %dma_wait3A_2731] : memref<8x1024x8x128xf32, #tpu.memory_space<hbm>> -> memref<1x64x1x128xf32, #tpu.memory_space<hbm>>
    %dma_wait3A_2733 = tpu.memref_squeeze %dma_wait3A_2732 : memref<1x64x1x128xf32, #tpu.memory_space<hbm>> -> memref<64x128xf32, #tpu.memory_space<hbm>>
    %dma_wait3A_2734 = arith.constant 512 : i32
    %dma_wait3A_2735 = arith.constant 0 : i32
    %dma_wait3A_2736 = tpu.memref_slice %arg5[%select_n3A_2493, %dma_wait3A_2734, %select_n3A_2509, %dma_wait3A_2735] : memref<8x1024x8x128xf32, #tpu.memory_space<hbm>> -> memref<1x64x1x128xf32, #tpu.memory_space<hbm>>
    %dma_wait3A_2737 = tpu.memref_squeeze %dma_wait3A_2736 : memref<1x64x1x128xf32, #tpu.memory_space<hbm>> -> memref<64x128xf32, #tpu.memory_space<hbm>>
    tpu.wait_dma2 semaphore(%arg33 : memref<!tpu.dma_semaphore, #tpu.memory_space<semaphore_mem>>) src(%arg13 : memref<64x128xf32, #tpu.memory_space<vmem>>) dst(%dma_wait3A_2737 : memref<64x128xf32, #tpu.memory_space<hbm>>)
    %dma_wait3A_2738 = arith.constant 512 : i32
    %dma_wait3A_2739 = arith.constant 0 : i32
    %dma_wait3A_2740 = tpu.memref_slice %arg6[%select_n3A_2493, %dma_wait3A_2738, %select_n3A_2509, %dma_wait3A_2739] : memref<8x1024x8x128xf32, #tpu.memory_space<hbm>> -> memref<1x64x1x128xf32, #tpu.memory_space<hbm>>
    %dma_wait3A_2741 = tpu.memref_squeeze %dma_wait3A_2740 : memref<1x64x1x128xf32, #tpu.memory_space<hbm>> -> memref<64x128xf32, #tpu.memory_space<hbm>>
    %dma_wait3A_2742 = arith.constant 512 : i32
    %dma_wait3A_2743 = arith.constant 0 : i32
    %dma_wait3A_2744 = tpu.memref_slice %arg6[%select_n3A_2493, %dma_wait3A_2742, %select_n3A_2509, %dma_wait3A_2743] : memref<8x1024x8x128xf32, #tpu.memory_space<hbm>> -> memref<1x64x1x128xf32, #tpu.memory_space<hbm>>
    %dma_wait3A_2745 = tpu.memref_squeeze %dma_wait3A_2744 : memref<1x64x1x128xf32, #tpu.memory_space<hbm>> -> memref<64x128xf32, #tpu.memory_space<hbm>>
    tpu.wait_dma2 semaphore(%arg38 : memref<!tpu.dma_semaphore, #tpu.memory_space<semaphore_mem>>) src(%arg18 : memref<64x128xf32, #tpu.memory_space<vmem>>) dst(%dma_wait3A_2745 : memref<64x128xf32, #tpu.memory_space<hbm>>)
    %dma_start3A_2746 = arith.constant 1 : i32
    %dma_start3A_2747 = arith.constant 832 : i32
    %dma_start3A_2748 = tpu.memref_slice %arg8[%dma_start3A_2746, %dma_start3A_2747] : memref<2x1024xi32, #tpu.memory_space<vmem>> -> memref<1x64xi32, #tpu.memory_space<vmem>>
    %dma_start3A_2749 = tpu.memref_squeeze %dma_start3A_2748 : memref<1x64xi32, #tpu.memory_space<vmem>> -> memref<64xi32, #tpu.memory_space<vmem>>
    %dma_start3A_2750 = arith.constant 0 : i32
    %dma_start3A_2751 = arith.constant 0 : i32
    %dma_start3A_2752 = tpu.memref_slice %arg3[%dma_start3A_2750, %dma_start3A_2751] : memref<131072x128xf32, #tpu.memory_space<hbm>> -> memref<131072x128xf32, #tpu.memory_space<hbm>>
    tpu.enqueue_indirect_dma source(%dma_start3A_2752 : memref<131072x128xf32, #tpu.memory_space<hbm>>) target(%arg13 : memref<64x128xf32, #tpu.memory_space<vmem>>) offsets(%dma_start3A_2749 : memref<64xi32, #tpu.memory_space<vmem>>) semaphore(%arg23 : memref<!tpu.dma_semaphore, #tpu.memory_space<semaphore_mem>>)
    %dma_start3A_2753 = arith.constant 1 : i32
    %dma_start3A_2754 = arith.constant 832 : i32
    %dma_start3A_2755 = tpu.memref_slice %arg8[%dma_start3A_2753, %dma_start3A_2754] : memref<2x1024xi32, #tpu.memory_space<vmem>> -> memref<1x64xi32, #tpu.memory_space<vmem>>
    %dma_start3A_2756 = tpu.memref_squeeze %dma_start3A_2755 : memref<1x64xi32, #tpu.memory_space<vmem>> -> memref<64xi32, #tpu.memory_space<vmem>>
    %dma_start3A_2757 = arith.constant 0 : i32
    %dma_start3A_2758 = arith.constant 0 : i32
    %dma_start3A_2759 = tpu.memref_slice %arg4[%dma_start3A_2757, %dma_start3A_2758] : memref<131072x128xf32, #tpu.memory_space<hbm>> -> memref<131072x128xf32, #tpu.memory_space<hbm>>
    tpu.enqueue_indirect_dma source(%dma_start3A_2759 : memref<131072x128xf32, #tpu.memory_space<hbm>>) target(%arg18 : memref<64x128xf32, #tpu.memory_space<vmem>>) offsets(%dma_start3A_2756 : memref<64xi32, #tpu.memory_space<vmem>>) semaphore(%arg28 : memref<!tpu.dma_semaphore, #tpu.memory_space<semaphore_mem>>)
    %dma_wait3A_2760 = arith.constant 1 : i32
    %dma_wait3A_2761 = arith.constant 704 : i32
    %dma_wait3A_2762 = tpu.memref_slice %arg8[%dma_wait3A_2760, %dma_wait3A_2761] : memref<2x1024xi32, #tpu.memory_space<vmem>> -> memref<1x64xi32, #tpu.memory_space<vmem>>
    %dma_wait3A_2763 = tpu.memref_squeeze %dma_wait3A_2762 : memref<1x64xi32, #tpu.memory_space<vmem>> -> memref<64xi32, #tpu.memory_space<vmem>>
    %dma_wait3A_2764 = arith.constant 0 : i32
    %dma_wait3A_2765 = arith.constant 0 : i32
    %dma_wait3A_2766 = tpu.memref_slice %arg3[%dma_wait3A_2764, %dma_wait3A_2765] : memref<131072x128xf32, #tpu.memory_space<hbm>> -> memref<131072x128xf32, #tpu.memory_space<hbm>>
    tpu.wait_indirect_dma semaphore(%arg21 : memref<!tpu.dma_semaphore, #tpu.memory_space<semaphore_mem>>) src(%dma_wait3A_2766 : memref<131072x128xf32, #tpu.memory_space<hbm>>) dst(%arg11 : memref<64x128xf32, #tpu.memory_space<vmem>>)
    %dma_wait3A_2767 = arith.constant 1 : i32
    %dma_wait3A_2768 = arith.constant 704 : i32
    %dma_wait3A_2769 = tpu.memref_slice %arg8[%dma_wait3A_2767, %dma_wait3A_2768] : memref<2x1024xi32, #tpu.memory_space<vmem>> -> memref<1x64xi32, #tpu.memory_space<vmem>>
    %dma_wait3A_2770 = tpu.memref_squeeze %dma_wait3A_2769 : memref<1x64xi32, #tpu.memory_space<vmem>> -> memref<64xi32, #tpu.memory_space<vmem>>
    %dma_wait3A_2771 = arith.constant 0 : i32
    %dma_wait3A_2772 = arith.constant 0 : i32
    %dma_wait3A_2773 = tpu.memref_slice %arg4[%dma_wait3A_2771, %dma_wait3A_2772] : memref<131072x128xf32, #tpu.memory_space<hbm>> -> memref<131072x128xf32, #tpu.memory_space<hbm>>
    tpu.wait_indirect_dma semaphore(%arg26 : memref<!tpu.dma_semaphore, #tpu.memory_space<semaphore_mem>>) src(%dma_wait3A_2773 : memref<131072x128xf32, #tpu.memory_space<hbm>>) dst(%arg16 : memref<64x128xf32, #tpu.memory_space<vmem>>)
    %add3A_2774 = arith.constant 1 : i32
    %add3A_2775 = arith.addi %mul3A_2, %add3A_2774 : i32
    %jit3A_2776 = arith.constant 8 : i32
    %div3A_2777 = arith.divsi %add3A_2775, %jit3A_2776 : i32
    %sign3A_2778 = arith.constant 0 : i32
    %sign3A_2779 = arith.cmpi sgt, %add3A_2775, %sign3A_2778 : i32
    %sign3A_2780 = arith.extui %sign3A_2779 : i1 to i32
    %sign3A_2781 = arith.constant 0 : i32
    %sign3A_2782 = arith.cmpi slt, %add3A_2775, %sign3A_2781 : i32
    %sign3A_2783 = arith.extui %sign3A_2782 : i1 to i32
    %sign3A_2784 = arith.subi %sign3A_2780, %sign3A_2783 : i32
    %sign3A_2785 = arith.constant 0 : i32
    %sign3A_2786 = arith.cmpi sgt, %jit3A_2776, %sign3A_2785 : i32
    %sign3A_2787 = arith.extui %sign3A_2786 : i1 to i32
    %sign3A_2788 = arith.constant 0 : i32
    %sign3A_2789 = arith.cmpi slt, %jit3A_2776, %sign3A_2788 : i32
    %sign3A_2790 = arith.extui %sign3A_2789 : i1 to i32
    %sign3A_2791 = arith.subi %sign3A_2787, %sign3A_2790 : i32
    %ne3A_2792 = arith.cmpi ne, %sign3A_2784, %sign3A_2791 : i32
    %rem3A_2793 = arith.remsi %add3A_2775, %jit3A_2776 : i32
    %ne3A_2794 = arith.constant 0 : i32
    %ne3A_2795 = arith.cmpi ne, %rem3A_2793, %ne3A_2794 : i32
    %and3A_2796 = arith.andi %ne3A_2792, %ne3A_2795 : i1
    %sub3A_2797 = arith.constant 1 : i32
    %sub3A_2798 = arith.subi %div3A_2777, %sub3A_2797 : i32
    %select_n3A_2799 = arith.select %and3A_2796, %sub3A_2798, %div3A_2777 : i32
    %jit3A_2800 = arith.constant 8 : i32
    %eq3A_2801 = arith.constant 0 : i32
    %eq3A_2802 = arith.cmpi eq, %jit3A_2800, %eq3A_2801 : i32
    %jit3A_2803 = arith.constant 1 : i32
    %select_n3A_2804 = arith.select %eq3A_2802, %jit3A_2803, %jit3A_2800 : i32
    %rem3A_2805 = arith.remsi %add3A_2775, %select_n3A_2804 : i32
    %ne3A_2806 = arith.constant 0 : i32
    %ne3A_2807 = arith.cmpi ne, %rem3A_2805, %ne3A_2806 : i32
    %lt3A_2808 = arith.constant 0 : i32
    %lt3A_2809 = arith.cmpi slt, %rem3A_2805, %lt3A_2808 : i32
    %lt3A_2810 = arith.constant 0 : i32
    %lt3A_2811 = arith.cmpi slt, %select_n3A_2804, %lt3A_2810 : i32
    %ne3A_2812 = arith.xori %lt3A_2809, %lt3A_2811 : i1
    %and3A_2813 = arith.andi %ne3A_2812, %ne3A_2807 : i1
    %add3A_2814 = arith.addi %rem3A_2805, %select_n3A_2804 : i32
    %select_n3A_2815 = arith.select %and3A_2813, %add3A_2814, %rem3A_2805 : i32
    %dma_start3A_2816 = arith.constant 704 : i32
    %dma_start3A_2817 = arith.constant 0 : i32
    %dma_start3A_2818 = tpu.memref_slice %arg5[%select_n3A_2799, %dma_start3A_2816, %select_n3A_2815, %dma_start3A_2817] : memref<8x1024x8x128xf32, #tpu.memory_space<hbm>> -> memref<1x64x1x128xf32, #tpu.memory_space<hbm>>
    %dma_start3A_2819 = tpu.memref_squeeze %dma_start3A_2818 : memref<1x64x1x128xf32, #tpu.memory_space<hbm>> -> memref<64x128xf32, #tpu.memory_space<hbm>>
    %dma_start3A_2820 = arith.constant 704 : i32
    %dma_start3A_2821 = arith.constant 0 : i32
    %dma_start3A_2822 = tpu.memref_slice %arg5[%select_n3A_2799, %dma_start3A_2820, %select_n3A_2815, %dma_start3A_2821] : memref<8x1024x8x128xf32, #tpu.memory_space<hbm>> -> memref<1x64x1x128xf32, #tpu.memory_space<hbm>>
    %dma_start3A_2823 = tpu.memref_squeeze %dma_start3A_2822 : memref<1x64x1x128xf32, #tpu.memory_space<hbm>> -> memref<64x128xf32, #tpu.memory_space<hbm>>
    tpu.enqueue_dma source(%arg11 : memref<64x128xf32, #tpu.memory_space<vmem>>) target(%dma_start3A_2823 : memref<64x128xf32, #tpu.memory_space<hbm>>) target_semaphore(%arg31 : memref<!tpu.dma_semaphore, #tpu.memory_space<semaphore_mem>>)
    %dma_start3A_2824 = arith.constant 704 : i32
    %dma_start3A_2825 = arith.constant 0 : i32
    %dma_start3A_2826 = tpu.memref_slice %arg6[%select_n3A_2799, %dma_start3A_2824, %select_n3A_2815, %dma_start3A_2825] : memref<8x1024x8x128xf32, #tpu.memory_space<hbm>> -> memref<1x64x1x128xf32, #tpu.memory_space<hbm>>
    %dma_start3A_2827 = tpu.memref_squeeze %dma_start3A_2826 : memref<1x64x1x128xf32, #tpu.memory_space<hbm>> -> memref<64x128xf32, #tpu.memory_space<hbm>>
    %dma_start3A_2828 = arith.constant 704 : i32
    %dma_start3A_2829 = arith.constant 0 : i32
    %dma_start3A_2830 = tpu.memref_slice %arg6[%select_n3A_2799, %dma_start3A_2828, %select_n3A_2815, %dma_start3A_2829] : memref<8x1024x8x128xf32, #tpu.memory_space<hbm>> -> memref<1x64x1x128xf32, #tpu.memory_space<hbm>>
    %dma_start3A_2831 = tpu.memref_squeeze %dma_start3A_2830 : memref<1x64x1x128xf32, #tpu.memory_space<hbm>> -> memref<64x128xf32, #tpu.memory_space<hbm>>
    tpu.enqueue_dma source(%arg16 : memref<64x128xf32, #tpu.memory_space<vmem>>) target(%dma_start3A_2831 : memref<64x128xf32, #tpu.memory_space<hbm>>) target_semaphore(%arg36 : memref<!tpu.dma_semaphore, #tpu.memory_space<semaphore_mem>>)
    %dma_wait3A_2832 = arith.constant 576 : i32
    %dma_wait3A_2833 = arith.constant 0 : i32
    %dma_wait3A_2834 = tpu.memref_slice %arg5[%select_n3A_2595, %dma_wait3A_2832, %select_n3A_2611, %dma_wait3A_2833] : memref<8x1024x8x128xf32, #tpu.memory_space<hbm>> -> memref<1x64x1x128xf32, #tpu.memory_space<hbm>>
    %dma_wait3A_2835 = tpu.memref_squeeze %dma_wait3A_2834 : memref<1x64x1x128xf32, #tpu.memory_space<hbm>> -> memref<64x128xf32, #tpu.memory_space<hbm>>
    %dma_wait3A_2836 = arith.constant 576 : i32
    %dma_wait3A_2837 = arith.constant 0 : i32
    %dma_wait3A_2838 = tpu.memref_slice %arg5[%select_n3A_2595, %dma_wait3A_2836, %select_n3A_2611, %dma_wait3A_2837] : memref<8x1024x8x128xf32, #tpu.memory_space<hbm>> -> memref<1x64x1x128xf32, #tpu.memory_space<hbm>>
    %dma_wait3A_2839 = tpu.memref_squeeze %dma_wait3A_2838 : memref<1x64x1x128xf32, #tpu.memory_space<hbm>> -> memref<64x128xf32, #tpu.memory_space<hbm>>
    tpu.wait_dma2 semaphore(%arg29 : memref<!tpu.dma_semaphore, #tpu.memory_space<semaphore_mem>>) src(%arg9 : memref<64x128xf32, #tpu.memory_space<vmem>>) dst(%dma_wait3A_2839 : memref<64x128xf32, #tpu.memory_space<hbm>>)
    %dma_wait3A_2840 = arith.constant 576 : i32
    %dma_wait3A_2841 = arith.constant 0 : i32
    %dma_wait3A_2842 = tpu.memref_slice %arg6[%select_n3A_2595, %dma_wait3A_2840, %select_n3A_2611, %dma_wait3A_2841] : memref<8x1024x8x128xf32, #tpu.memory_space<hbm>> -> memref<1x64x1x128xf32, #tpu.memory_space<hbm>>
    %dma_wait3A_2843 = tpu.memref_squeeze %dma_wait3A_2842 : memref<1x64x1x128xf32, #tpu.memory_space<hbm>> -> memref<64x128xf32, #tpu.memory_space<hbm>>
    %dma_wait3A_2844 = arith.constant 576 : i32
    %dma_wait3A_2845 = arith.constant 0 : i32
    %dma_wait3A_2846 = tpu.memref_slice %arg6[%select_n3A_2595, %dma_wait3A_2844, %select_n3A_2611, %dma_wait3A_2845] : memref<8x1024x8x128xf32, #tpu.memory_space<hbm>> -> memref<1x64x1x128xf32, #tpu.memory_space<hbm>>
    %dma_wait3A_2847 = tpu.memref_squeeze %dma_wait3A_2846 : memref<1x64x1x128xf32, #tpu.memory_space<hbm>> -> memref<64x128xf32, #tpu.memory_space<hbm>>
    tpu.wait_dma2 semaphore(%arg34 : memref<!tpu.dma_semaphore, #tpu.memory_space<semaphore_mem>>) src(%arg14 : memref<64x128xf32, #tpu.memory_space<vmem>>) dst(%dma_wait3A_2847 : memref<64x128xf32, #tpu.memory_space<hbm>>)
    %dma_start3A_2848 = arith.constant 1 : i32
    %dma_start3A_2849 = arith.constant 896 : i32
    %dma_start3A_2850 = tpu.memref_slice %arg8[%dma_start3A_2848, %dma_start3A_2849] : memref<2x1024xi32, #tpu.memory_space<vmem>> -> memref<1x64xi32, #tpu.memory_space<vmem>>
    %dma_start3A_2851 = tpu.memref_squeeze %dma_start3A_2850 : memref<1x64xi32, #tpu.memory_space<vmem>> -> memref<64xi32, #tpu.memory_space<vmem>>
    %dma_start3A_2852 = arith.constant 0 : i32
    %dma_start3A_2853 = arith.constant 0 : i32
    %dma_start3A_2854 = tpu.memref_slice %arg3[%dma_start3A_2852, %dma_start3A_2853] : memref<131072x128xf32, #tpu.memory_space<hbm>> -> memref<131072x128xf32, #tpu.memory_space<hbm>>
    tpu.enqueue_indirect_dma source(%dma_start3A_2854 : memref<131072x128xf32, #tpu.memory_space<hbm>>) target(%arg9 : memref<64x128xf32, #tpu.memory_space<vmem>>) offsets(%dma_start3A_2851 : memref<64xi32, #tpu.memory_space<vmem>>) semaphore(%arg19 : memref<!tpu.dma_semaphore, #tpu.memory_space<semaphore_mem>>)
    %dma_start3A_2855 = arith.constant 1 : i32
    %dma_start3A_2856 = arith.constant 896 : i32
    %dma_start3A_2857 = tpu.memref_slice %arg8[%dma_start3A_2855, %dma_start3A_2856] : memref<2x1024xi32, #tpu.memory_space<vmem>> -> memref<1x64xi32, #tpu.memory_space<vmem>>
    %dma_start3A_2858 = tpu.memref_squeeze %dma_start3A_2857 : memref<1x64xi32, #tpu.memory_space<vmem>> -> memref<64xi32, #tpu.memory_space<vmem>>
    %dma_start3A_2859 = arith.constant 0 : i32
    %dma_start3A_2860 = arith.constant 0 : i32
    %dma_start3A_2861 = tpu.memref_slice %arg4[%dma_start3A_2859, %dma_start3A_2860] : memref<131072x128xf32, #tpu.memory_space<hbm>> -> memref<131072x128xf32, #tpu.memory_space<hbm>>
    tpu.enqueue_indirect_dma source(%dma_start3A_2861 : memref<131072x128xf32, #tpu.memory_space<hbm>>) target(%arg14 : memref<64x128xf32, #tpu.memory_space<vmem>>) offsets(%dma_start3A_2858 : memref<64xi32, #tpu.memory_space<vmem>>) semaphore(%arg24 : memref<!tpu.dma_semaphore, #tpu.memory_space<semaphore_mem>>)
    %dma_wait3A_2862 = arith.constant 1 : i32
    %dma_wait3A_2863 = arith.constant 768 : i32
    %dma_wait3A_2864 = tpu.memref_slice %arg8[%dma_wait3A_2862, %dma_wait3A_2863] : memref<2x1024xi32, #tpu.memory_space<vmem>> -> memref<1x64xi32, #tpu.memory_space<vmem>>
    %dma_wait3A_2865 = tpu.memref_squeeze %dma_wait3A_2864 : memref<1x64xi32, #tpu.memory_space<vmem>> -> memref<64xi32, #tpu.memory_space<vmem>>
    %dma_wait3A_2866 = arith.constant 0 : i32
    %dma_wait3A_2867 = arith.constant 0 : i32
    %dma_wait3A_2868 = tpu.memref_slice %arg3[%dma_wait3A_2866, %dma_wait3A_2867] : memref<131072x128xf32, #tpu.memory_space<hbm>> -> memref<131072x128xf32, #tpu.memory_space<hbm>>
    tpu.wait_indirect_dma semaphore(%arg22 : memref<!tpu.dma_semaphore, #tpu.memory_space<semaphore_mem>>) src(%dma_wait3A_2868 : memref<131072x128xf32, #tpu.memory_space<hbm>>) dst(%arg12 : memref<64x128xf32, #tpu.memory_space<vmem>>)
    %dma_wait3A_2869 = arith.constant 1 : i32
    %dma_wait3A_2870 = arith.constant 768 : i32
    %dma_wait3A_2871 = tpu.memref_slice %arg8[%dma_wait3A_2869, %dma_wait3A_2870] : memref<2x1024xi32, #tpu.memory_space<vmem>> -> memref<1x64xi32, #tpu.memory_space<vmem>>
    %dma_wait3A_2872 = tpu.memref_squeeze %dma_wait3A_2871 : memref<1x64xi32, #tpu.memory_space<vmem>> -> memref<64xi32, #tpu.memory_space<vmem>>
    %dma_wait3A_2873 = arith.constant 0 : i32
    %dma_wait3A_2874 = arith.constant 0 : i32
    %dma_wait3A_2875 = tpu.memref_slice %arg4[%dma_wait3A_2873, %dma_wait3A_2874] : memref<131072x128xf32, #tpu.memory_space<hbm>> -> memref<131072x128xf32, #tpu.memory_space<hbm>>
    tpu.wait_indirect_dma semaphore(%arg27 : memref<!tpu.dma_semaphore, #tpu.memory_space<semaphore_mem>>) src(%dma_wait3A_2875 : memref<131072x128xf32, #tpu.memory_space<hbm>>) dst(%arg17 : memref<64x128xf32, #tpu.memory_space<vmem>>)
    %add3A_2876 = arith.constant 1 : i32
    %add3A_2877 = arith.addi %mul3A_2, %add3A_2876 : i32
    %jit3A_2878 = arith.constant 8 : i32
    %div3A_2879 = arith.divsi %add3A_2877, %jit3A_2878 : i32
    %sign3A_2880 = arith.constant 0 : i32
    %sign3A_2881 = arith.cmpi sgt, %add3A_2877, %sign3A_2880 : i32
    %sign3A_2882 = arith.extui %sign3A_2881 : i1 to i32
    %sign3A_2883 = arith.constant 0 : i32
    %sign3A_2884 = arith.cmpi slt, %add3A_2877, %sign3A_2883 : i32
    %sign3A_2885 = arith.extui %sign3A_2884 : i1 to i32
    %sign3A_2886 = arith.subi %sign3A_2882, %sign3A_2885 : i32
    %sign3A_2887 = arith.constant 0 : i32
    %sign3A_2888 = arith.cmpi sgt, %jit3A_2878, %sign3A_2887 : i32
    %sign3A_2889 = arith.extui %sign3A_2888 : i1 to i32
    %sign3A_2890 = arith.constant 0 : i32
    %sign3A_2891 = arith.cmpi slt, %jit3A_2878, %sign3A_2890 : i32
    %sign3A_2892 = arith.extui %sign3A_2891 : i1 to i32
    %sign3A_2893 = arith.subi %sign3A_2889, %sign3A_2892 : i32
    %ne3A_2894 = arith.cmpi ne, %sign3A_2886, %sign3A_2893 : i32
    %rem3A_2895 = arith.remsi %add3A_2877, %jit3A_2878 : i32
    %ne3A_2896 = arith.constant 0 : i32
    %ne3A_2897 = arith.cmpi ne, %rem3A_2895, %ne3A_2896 : i32
    %and3A_2898 = arith.andi %ne3A_2894, %ne3A_2897 : i1
    %sub3A_2899 = arith.constant 1 : i32
    %sub3A_2900 = arith.subi %div3A_2879, %sub3A_2899 : i32
    %select_n3A_2901 = arith.select %and3A_2898, %sub3A_2900, %div3A_2879 : i32
    %jit3A_2902 = arith.constant 8 : i32
    %eq3A_2903 = arith.constant 0 : i32
    %eq3A_2904 = arith.cmpi eq, %jit3A_2902, %eq3A_2903 : i32
    %jit3A_2905 = arith.constant 1 : i32
    %select_n3A_2906 = arith.select %eq3A_2904, %jit3A_2905, %jit3A_2902 : i32
    %rem3A_2907 = arith.remsi %add3A_2877, %select_n3A_2906 : i32
    %ne3A_2908 = arith.constant 0 : i32
    %ne3A_2909 = arith.cmpi ne, %rem3A_2907, %ne3A_2908 : i32
    %lt3A_2910 = arith.constant 0 : i32
    %lt3A_2911 = arith.cmpi slt, %rem3A_2907, %lt3A_2910 : i32
    %lt3A_2912 = arith.constant 0 : i32
    %lt3A_2913 = arith.cmpi slt, %select_n3A_2906, %lt3A_2912 : i32
    %ne3A_2914 = arith.xori %lt3A_2911, %lt3A_2913 : i1
    %and3A_2915 = arith.andi %ne3A_2914, %ne3A_2909 : i1
    %add3A_2916 = arith.addi %rem3A_2907, %select_n3A_2906 : i32
    %select_n3A_2917 = arith.select %and3A_2915, %add3A_2916, %rem3A_2907 : i32
    %dma_start3A_2918 = arith.constant 768 : i32
    %dma_start3A_2919 = arith.constant 0 : i32
    %dma_start3A_2920 = tpu.memref_slice %arg5[%select_n3A_2901, %dma_start3A_2918, %select_n3A_2917, %dma_start3A_2919] : memref<8x1024x8x128xf32, #tpu.memory_space<hbm>> -> memref<1x64x1x128xf32, #tpu.memory_space<hbm>>
    %dma_start3A_2921 = tpu.memref_squeeze %dma_start3A_2920 : memref<1x64x1x128xf32, #tpu.memory_space<hbm>> -> memref<64x128xf32, #tpu.memory_space<hbm>>
    %dma_start3A_2922 = arith.constant 768 : i32
    %dma_start3A_2923 = arith.constant 0 : i32
    %dma_start3A_2924 = tpu.memref_slice %arg5[%select_n3A_2901, %dma_start3A_2922, %select_n3A_2917, %dma_start3A_2923] : memref<8x1024x8x128xf32, #tpu.memory_space<hbm>> -> memref<1x64x1x128xf32, #tpu.memory_space<hbm>>
    %dma_start3A_2925 = tpu.memref_squeeze %dma_start3A_2924 : memref<1x64x1x128xf32, #tpu.memory_space<hbm>> -> memref<64x128xf32, #tpu.memory_space<hbm>>
    tpu.enqueue_dma source(%arg12 : memref<64x128xf32, #tpu.memory_space<vmem>>) target(%dma_start3A_2925 : memref<64x128xf32, #tpu.memory_space<hbm>>) target_semaphore(%arg32 : memref<!tpu.dma_semaphore, #tpu.memory_space<semaphore_mem>>)
    %dma_start3A_2926 = arith.constant 768 : i32
    %dma_start3A_2927 = arith.constant 0 : i32
    %dma_start3A_2928 = tpu.memref_slice %arg6[%select_n3A_2901, %dma_start3A_2926, %select_n3A_2917, %dma_start3A_2927] : memref<8x1024x8x128xf32, #tpu.memory_space<hbm>> -> memref<1x64x1x128xf32, #tpu.memory_space<hbm>>
    %dma_start3A_2929 = tpu.memref_squeeze %dma_start3A_2928 : memref<1x64x1x128xf32, #tpu.memory_space<hbm>> -> memref<64x128xf32, #tpu.memory_space<hbm>>
    %dma_start3A_2930 = arith.constant 768 : i32
    %dma_start3A_2931 = arith.constant 0 : i32
    %dma_start3A_2932 = tpu.memref_slice %arg6[%select_n3A_2901, %dma_start3A_2930, %select_n3A_2917, %dma_start3A_2931] : memref<8x1024x8x128xf32, #tpu.memory_space<hbm>> -> memref<1x64x1x128xf32, #tpu.memory_space<hbm>>
    %dma_start3A_2933 = tpu.memref_squeeze %dma_start3A_2932 : memref<1x64x1x128xf32, #tpu.memory_space<hbm>> -> memref<64x128xf32, #tpu.memory_space<hbm>>
    tpu.enqueue_dma source(%arg17 : memref<64x128xf32, #tpu.memory_space<vmem>>) target(%dma_start3A_2933 : memref<64x128xf32, #tpu.memory_space<hbm>>) target_semaphore(%arg37 : memref<!tpu.dma_semaphore, #tpu.memory_space<semaphore_mem>>)
    %dma_wait3A_2934 = arith.constant 640 : i32
    %dma_wait3A_2935 = arith.constant 0 : i32
    %dma_wait3A_2936 = tpu.memref_slice %arg5[%select_n3A_2697, %dma_wait3A_2934, %select_n3A_2713, %dma_wait3A_2935] : memref<8x1024x8x128xf32, #tpu.memory_space<hbm>> -> memref<1x64x1x128xf32, #tpu.memory_space<hbm>>
    %dma_wait3A_2937 = tpu.memref_squeeze %dma_wait3A_2936 : memref<1x64x1x128xf32, #tpu.memory_space<hbm>> -> memref<64x128xf32, #tpu.memory_space<hbm>>
    %dma_wait3A_2938 = arith.constant 640 : i32
    %dma_wait3A_2939 = arith.constant 0 : i32
    %dma_wait3A_2940 = tpu.memref_slice %arg5[%select_n3A_2697, %dma_wait3A_2938, %select_n3A_2713, %dma_wait3A_2939] : memref<8x1024x8x128xf32, #tpu.memory_space<hbm>> -> memref<1x64x1x128xf32, #tpu.memory_space<hbm>>
    %dma_wait3A_2941 = tpu.memref_squeeze %dma_wait3A_2940 : memref<1x64x1x128xf32, #tpu.memory_space<hbm>> -> memref<64x128xf32, #tpu.memory_space<hbm>>
    tpu.wait_dma2 semaphore(%arg30 : memref<!tpu.dma_semaphore, #tpu.memory_space<semaphore_mem>>) src(%arg10 : memref<64x128xf32, #tpu.memory_space<vmem>>) dst(%dma_wait3A_2941 : memref<64x128xf32, #tpu.memory_space<hbm>>)
    %dma_wait3A_2942 = arith.constant 640 : i32
    %dma_wait3A_2943 = arith.constant 0 : i32
    %dma_wait3A_2944 = tpu.memref_slice %arg6[%select_n3A_2697, %dma_wait3A_2942, %select_n3A_2713, %dma_wait3A_2943] : memref<8x1024x8x128xf32, #tpu.memory_space<hbm>> -> memref<1x64x1x128xf32, #tpu.memory_space<hbm>>
    %dma_wait3A_2945 = tpu.memref_squeeze %dma_wait3A_2944 : memref<1x64x1x128xf32, #tpu.memory_space<hbm>> -> memref<64x128xf32, #tpu.memory_space<hbm>>
    %dma_wait3A_2946 = arith.constant 640 : i32
    %dma_wait3A_2947 = arith.constant 0 : i32
    %dma_wait3A_2948 = tpu.memref_slice %arg6[%select_n3A_2697, %dma_wait3A_2946, %select_n3A_2713, %dma_wait3A_2947] : memref<8x1024x8x128xf32, #tpu.memory_space<hbm>> -> memref<1x64x1x128xf32, #tpu.memory_space<hbm>>
    %dma_wait3A_2949 = tpu.memref_squeeze %dma_wait3A_2948 : memref<1x64x1x128xf32, #tpu.memory_space<hbm>> -> memref<64x128xf32, #tpu.memory_space<hbm>>
    tpu.wait_dma2 semaphore(%arg35 : memref<!tpu.dma_semaphore, #tpu.memory_space<semaphore_mem>>) src(%arg15 : memref<64x128xf32, #tpu.memory_space<vmem>>) dst(%dma_wait3A_2949 : memref<64x128xf32, #tpu.memory_space<hbm>>)
    %dma_start3A_2950 = arith.constant 1 : i32
    %dma_start3A_2951 = arith.constant 960 : i32
    %dma_start3A_2952 = tpu.memref_slice %arg8[%dma_start3A_2950, %dma_start3A_2951] : memref<2x1024xi32, #tpu.memory_space<vmem>> -> memref<1x64xi32, #tpu.memory_space<vmem>>
    %dma_start3A_2953 = tpu.memref_squeeze %dma_start3A_2952 : memref<1x64xi32, #tpu.memory_space<vmem>> -> memref<64xi32, #tpu.memory_space<vmem>>
    %dma_start3A_2954 = arith.constant 0 : i32
    %dma_start3A_2955 = arith.constant 0 : i32
    %dma_start3A_2956 = tpu.memref_slice %arg3[%dma_start3A_2954, %dma_start3A_2955] : memref<131072x128xf32, #tpu.memory_space<hbm>> -> memref<131072x128xf32, #tpu.memory_space<hbm>>
    tpu.enqueue_indirect_dma source(%dma_start3A_2956 : memref<131072x128xf32, #tpu.memory_space<hbm>>) target(%arg10 : memref<64x128xf32, #tpu.memory_space<vmem>>) offsets(%dma_start3A_2953 : memref<64xi32, #tpu.memory_space<vmem>>) semaphore(%arg20 : memref<!tpu.dma_semaphore, #tpu.memory_space<semaphore_mem>>)
    %dma_start3A_2957 = arith.constant 1 : i32
    %dma_start3A_2958 = arith.constant 960 : i32
    %dma_start3A_2959 = tpu.memref_slice %arg8[%dma_start3A_2957, %dma_start3A_2958] : memref<2x1024xi32, #tpu.memory_space<vmem>> -> memref<1x64xi32, #tpu.memory_space<vmem>>
    %dma_start3A_2960 = tpu.memref_squeeze %dma_start3A_2959 : memref<1x64xi32, #tpu.memory_space<vmem>> -> memref<64xi32, #tpu.memory_space<vmem>>
    %dma_start3A_2961 = arith.constant 0 : i32
    %dma_start3A_2962 = arith.constant 0 : i32
    %dma_start3A_2963 = tpu.memref_slice %arg4[%dma_start3A_2961, %dma_start3A_2962] : memref<131072x128xf32, #tpu.memory_space<hbm>> -> memref<131072x128xf32, #tpu.memory_space<hbm>>
    tpu.enqueue_indirect_dma source(%dma_start3A_2963 : memref<131072x128xf32, #tpu.memory_space<hbm>>) target(%arg15 : memref<64x128xf32, #tpu.memory_space<vmem>>) offsets(%dma_start3A_2960 : memref<64xi32, #tpu.memory_space<vmem>>) semaphore(%arg25 : memref<!tpu.dma_semaphore, #tpu.memory_space<semaphore_mem>>)
    %dma_wait3A_2964 = arith.constant 1 : i32
    %dma_wait3A_2965 = arith.constant 832 : i32
    %dma_wait3A_2966 = tpu.memref_slice %arg8[%dma_wait3A_2964, %dma_wait3A_2965] : memref<2x1024xi32, #tpu.memory_space<vmem>> -> memref<1x64xi32, #tpu.memory_space<vmem>>
    %dma_wait3A_2967 = tpu.memref_squeeze %dma_wait3A_2966 : memref<1x64xi32, #tpu.memory_space<vmem>> -> memref<64xi32, #tpu.memory_space<vmem>>
    %dma_wait3A_2968 = arith.constant 0 : i32
    %dma_wait3A_2969 = arith.constant 0 : i32
    %dma_wait3A_2970 = tpu.memref_slice %arg3[%dma_wait3A_2968, %dma_wait3A_2969] : memref<131072x128xf32, #tpu.memory_space<hbm>> -> memref<131072x128xf32, #tpu.memory_space<hbm>>
    tpu.wait_indirect_dma semaphore(%arg23 : memref<!tpu.dma_semaphore, #tpu.memory_space<semaphore_mem>>) src(%dma_wait3A_2970 : memref<131072x128xf32, #tpu.memory_space<hbm>>) dst(%arg13 : memref<64x128xf32, #tpu.memory_space<vmem>>)
    %dma_wait3A_2971 = arith.constant 1 : i32
    %dma_wait3A_2972 = arith.constant 832 : i32
    %dma_wait3A_2973 = tpu.memref_slice %arg8[%dma_wait3A_2971, %dma_wait3A_2972] : memref<2x1024xi32, #tpu.memory_space<vmem>> -> memref<1x64xi32, #tpu.memory_space<vmem>>
    %dma_wait3A_2974 = tpu.memref_squeeze %dma_wait3A_2973 : memref<1x64xi32, #tpu.memory_space<vmem>> -> memref<64xi32, #tpu.memory_space<vmem>>
    %dma_wait3A_2975 = arith.constant 0 : i32
    %dma_wait3A_2976 = arith.constant 0 : i32
    %dma_wait3A_2977 = tpu.memref_slice %arg4[%dma_wait3A_2975, %dma_wait3A_2976] : memref<131072x128xf32, #tpu.memory_space<hbm>> -> memref<131072x128xf32, #tpu.memory_space<hbm>>
    tpu.wait_indirect_dma semaphore(%arg28 : memref<!tpu.dma_semaphore, #tpu.memory_space<semaphore_mem>>) src(%dma_wait3A_2977 : memref<131072x128xf32, #tpu.memory_space<hbm>>) dst(%arg18 : memref<64x128xf32, #tpu.memory_space<vmem>>)
    %add3A_2978 = arith.constant 1 : i32
    %add3A_2979 = arith.addi %mul3A_2, %add3A_2978 : i32
    %jit3A_2980 = arith.constant 8 : i32
    %div3A_2981 = arith.divsi %add3A_2979, %jit3A_2980 : i32
    %sign3A_2982 = arith.constant 0 : i32
    %sign3A_2983 = arith.cmpi sgt, %add3A_2979, %sign3A_2982 : i32
    %sign3A_2984 = arith.extui %sign3A_2983 : i1 to i32
    %sign3A_2985 = arith.constant 0 : i32
    %sign3A_2986 = arith.cmpi slt, %add3A_2979, %sign3A_2985 : i32
    %sign3A_2987 = arith.extui %sign3A_2986 : i1 to i32
    %sign3A_2988 = arith.subi %sign3A_2984, %sign3A_2987 : i32
    %sign3A_2989 = arith.constant 0 : i32
    %sign3A_2990 = arith.cmpi sgt, %jit3A_2980, %sign3A_2989 : i32
    %sign3A_2991 = arith.extui %sign3A_2990 : i1 to i32
    %sign3A_2992 = arith.constant 0 : i32
    %sign3A_2993 = arith.cmpi slt, %jit3A_2980, %sign3A_2992 : i32
    %sign3A_2994 = arith.extui %sign3A_2993 : i1 to i32
    %sign3A_2995 = arith.subi %sign3A_2991, %sign3A_2994 : i32
    %ne3A_2996 = arith.cmpi ne, %sign3A_2988, %sign3A_2995 : i32
    %rem3A_2997 = arith.remsi %add3A_2979, %jit3A_2980 : i32
    %ne3A_2998 = arith.constant 0 : i32
    %ne3A_2999 = arith.cmpi ne, %rem3A_2997, %ne3A_2998 : i32
    %and3A_3000 = arith.andi %ne3A_2996, %ne3A_2999 : i1
    %sub3A_3001 = arith.constant 1 : i32
    %sub3A_3002 = arith.subi %div3A_2981, %sub3A_3001 : i32
    %select_n3A_3003 = arith.select %and3A_3000, %sub3A_3002, %div3A_2981 : i32
    %jit3A_3004 = arith.constant 8 : i32
    %eq3A_3005 = arith.constant 0 : i32
    %eq3A_3006 = arith.cmpi eq, %jit3A_3004, %eq3A_3005 : i32
    %jit3A_3007 = arith.constant 1 : i32
    %select_n3A_3008 = arith.select %eq3A_3006, %jit3A_3007, %jit3A_3004 : i32
    %rem3A_3009 = arith.remsi %add3A_2979, %select_n3A_3008 : i32
    %ne3A_3010 = arith.constant 0 : i32
    %ne3A_3011 = arith.cmpi ne, %rem3A_3009, %ne3A_3010 : i32
    %lt3A_3012 = arith.constant 0 : i32
    %lt3A_3013 = arith.cmpi slt, %rem3A_3009, %lt3A_3012 : i32
    %lt3A_3014 = arith.constant 0 : i32
    %lt3A_3015 = arith.cmpi slt, %select_n3A_3008, %lt3A_3014 : i32
    %ne3A_3016 = arith.xori %lt3A_3013, %lt3A_3015 : i1
    %and3A_3017 = arith.andi %ne3A_3016, %ne3A_3011 : i1
    %add3A_3018 = arith.addi %rem3A_3009, %select_n3A_3008 : i32
    %select_n3A_3019 = arith.select %and3A_3017, %add3A_3018, %rem3A_3009 : i32
    %dma_start3A_3020 = arith.constant 832 : i32
    %dma_start3A_3021 = arith.constant 0 : i32
    %dma_start3A_3022 = tpu.memref_slice %arg5[%select_n3A_3003, %dma_start3A_3020, %select_n3A_3019, %dma_start3A_3021] : memref<8x1024x8x128xf32, #tpu.memory_space<hbm>> -> memref<1x64x1x128xf32, #tpu.memory_space<hbm>>
    %dma_start3A_3023 = tpu.memref_squeeze %dma_start3A_3022 : memref<1x64x1x128xf32, #tpu.memory_space<hbm>> -> memref<64x128xf32, #tpu.memory_space<hbm>>
    %dma_start3A_3024 = arith.constant 832 : i32
    %dma_start3A_3025 = arith.constant 0 : i32
    %dma_start3A_3026 = tpu.memref_slice %arg5[%select_n3A_3003, %dma_start3A_3024, %select_n3A_3019, %dma_start3A_3025] : memref<8x1024x8x128xf32, #tpu.memory_space<hbm>> -> memref<1x64x1x128xf32, #tpu.memory_space<hbm>>
    %dma_start3A_3027 = tpu.memref_squeeze %dma_start3A_3026 : memref<1x64x1x128xf32, #tpu.memory_space<hbm>> -> memref<64x128xf32, #tpu.memory_space<hbm>>
    tpu.enqueue_dma source(%arg13 : memref<64x128xf32, #tpu.memory_space<vmem>>) target(%dma_start3A_3027 : memref<64x128xf32, #tpu.memory_space<hbm>>) target_semaphore(%arg33 : memref<!tpu.dma_semaphore, #tpu.memory_space<semaphore_mem>>)
    %dma_start3A_3028 = arith.constant 832 : i32
    %dma_start3A_3029 = arith.constant 0 : i32
    %dma_start3A_3030 = tpu.memref_slice %arg6[%select_n3A_3003, %dma_start3A_3028, %select_n3A_3019, %dma_start3A_3029] : memref<8x1024x8x128xf32, #tpu.memory_space<hbm>> -> memref<1x64x1x128xf32, #tpu.memory_space<hbm>>
    %dma_start3A_3031 = tpu.memref_squeeze %dma_start3A_3030 : memref<1x64x1x128xf32, #tpu.memory_space<hbm>> -> memref<64x128xf32, #tpu.memory_space<hbm>>
    %dma_start3A_3032 = arith.constant 832 : i32
    %dma_start3A_3033 = arith.constant 0 : i32
    %dma_start3A_3034 = tpu.memref_slice %arg6[%select_n3A_3003, %dma_start3A_3032, %select_n3A_3019, %dma_start3A_3033] : memref<8x1024x8x128xf32, #tpu.memory_space<hbm>> -> memref<1x64x1x128xf32, #tpu.memory_space<hbm>>
    %dma_start3A_3035 = tpu.memref_squeeze %dma_start3A_3034 : memref<1x64x1x128xf32, #tpu.memory_space<hbm>> -> memref<64x128xf32, #tpu.memory_space<hbm>>
    tpu.enqueue_dma source(%arg18 : memref<64x128xf32, #tpu.memory_space<vmem>>) target(%dma_start3A_3035 : memref<64x128xf32, #tpu.memory_space<hbm>>) target_semaphore(%arg38 : memref<!tpu.dma_semaphore, #tpu.memory_space<semaphore_mem>>)
    %dma_wait3A_3036 = arith.constant 1 : i32
    %dma_wait3A_3037 = arith.constant 896 : i32
    %dma_wait3A_3038 = tpu.memref_slice %arg8[%dma_wait3A_3036, %dma_wait3A_3037] : memref<2x1024xi32, #tpu.memory_space<vmem>> -> memref<1x64xi32, #tpu.memory_space<vmem>>
    %dma_wait3A_3039 = tpu.memref_squeeze %dma_wait3A_3038 : memref<1x64xi32, #tpu.memory_space<vmem>> -> memref<64xi32, #tpu.memory_space<vmem>>
    %dma_wait3A_3040 = arith.constant 0 : i32
    %dma_wait3A_3041 = arith.constant 0 : i32
    %dma_wait3A_3042 = tpu.memref_slice %arg3[%dma_wait3A_3040, %dma_wait3A_3041] : memref<131072x128xf32, #tpu.memory_space<hbm>> -> memref<131072x128xf32, #tpu.memory_space<hbm>>
    tpu.wait_indirect_dma semaphore(%arg19 : memref<!tpu.dma_semaphore, #tpu.memory_space<semaphore_mem>>) src(%dma_wait3A_3042 : memref<131072x128xf32, #tpu.memory_space<hbm>>) dst(%arg9 : memref<64x128xf32, #tpu.memory_space<vmem>>)
    %dma_wait3A_3043 = arith.constant 1 : i32
    %dma_wait3A_3044 = arith.constant 896 : i32
    %dma_wait3A_3045 = tpu.memref_slice %arg8[%dma_wait3A_3043, %dma_wait3A_3044] : memref<2x1024xi32, #tpu.memory_space<vmem>> -> memref<1x64xi32, #tpu.memory_space<vmem>>
    %dma_wait3A_3046 = tpu.memref_squeeze %dma_wait3A_3045 : memref<1x64xi32, #tpu.memory_space<vmem>> -> memref<64xi32, #tpu.memory_space<vmem>>
    %dma_wait3A_3047 = arith.constant 0 : i32
    %dma_wait3A_3048 = arith.constant 0 : i32
    %dma_wait3A_3049 = tpu.memref_slice %arg4[%dma_wait3A_3047, %dma_wait3A_3048] : memref<131072x128xf32, #tpu.memory_space<hbm>> -> memref<131072x128xf32, #tpu.memory_space<hbm>>
    tpu.wait_indirect_dma semaphore(%arg24 : memref<!tpu.dma_semaphore, #tpu.memory_space<semaphore_mem>>) src(%dma_wait3A_3049 : memref<131072x128xf32, #tpu.memory_space<hbm>>) dst(%arg14 : memref<64x128xf32, #tpu.memory_space<vmem>>)
    %add3A_3050 = arith.constant 1 : i32
    %add3A_3051 = arith.addi %mul3A_2, %add3A_3050 : i32
    %jit3A_3052 = arith.constant 8 : i32
    %div3A_3053 = arith.divsi %add3A_3051, %jit3A_3052 : i32
    %sign3A_3054 = arith.constant 0 : i32
    %sign3A_3055 = arith.cmpi sgt, %add3A_3051, %sign3A_3054 : i32
    %sign3A_3056 = arith.extui %sign3A_3055 : i1 to i32
    %sign3A_3057 = arith.constant 0 : i32
    %sign3A_3058 = arith.cmpi slt, %add3A_3051, %sign3A_3057 : i32
    %sign3A_3059 = arith.extui %sign3A_3058 : i1 to i32
    %sign3A_3060 = arith.subi %sign3A_3056, %sign3A_3059 : i32
    %sign3A_3061 = arith.constant 0 : i32
    %sign3A_3062 = arith.cmpi sgt, %jit3A_3052, %sign3A_3061 : i32
    %sign3A_3063 = arith.extui %sign3A_3062 : i1 to i32
    %sign3A_3064 = arith.constant 0 : i32
    %sign3A_3065 = arith.cmpi slt, %jit3A_3052, %sign3A_3064 : i32
    %sign3A_3066 = arith.extui %sign3A_3065 : i1 to i32
    %sign3A_3067 = arith.subi %sign3A_3063, %sign3A_3066 : i32
    %ne3A_3068 = arith.cmpi ne, %sign3A_3060, %sign3A_3067 : i32
    %rem3A_3069 = arith.remsi %add3A_3051, %jit3A_3052 : i32
    %ne3A_3070 = arith.constant 0 : i32
    %ne3A_3071 = arith.cmpi ne, %rem3A_3069, %ne3A_3070 : i32
    %and3A_3072 = arith.andi %ne3A_3068, %ne3A_3071 : i1
    %sub3A_3073 = arith.constant 1 : i32
    %sub3A_3074 = arith.subi %div3A_3053, %sub3A_3073 : i32
    %select_n3A_3075 = arith.select %and3A_3072, %sub3A_3074, %div3A_3053 : i32
    %jit3A_3076 = arith.constant 8 : i32
    %eq3A_3077 = arith.constant 0 : i32
    %eq3A_3078 = arith.cmpi eq, %jit3A_3076, %eq3A_3077 : i32
    %jit3A_3079 = arith.constant 1 : i32
    %select_n3A_3080 = arith.select %eq3A_3078, %jit3A_3079, %jit3A_3076 : i32
    %rem3A_3081 = arith.remsi %add3A_3051, %select_n3A_3080 : i32
    %ne3A_3082 = arith.constant 0 : i32
    %ne3A_3083 = arith.cmpi ne, %rem3A_3081, %ne3A_3082 : i32
    %lt3A_3084 = arith.constant 0 : i32
    %lt3A_3085 = arith.cmpi slt, %rem3A_3081, %lt3A_3084 : i32
    %lt3A_3086 = arith.constant 0 : i32
    %lt3A_3087 = arith.cmpi slt, %select_n3A_3080, %lt3A_3086 : i32
    %ne3A_3088 = arith.xori %lt3A_3085, %lt3A_3087 : i1
    %and3A_3089 = arith.andi %ne3A_3088, %ne3A_3083 : i1
    %add3A_3090 = arith.addi %rem3A_3081, %select_n3A_3080 : i32
    %select_n3A_3091 = arith.select %and3A_3089, %add3A_3090, %rem3A_3081 : i32
    %dma_start3A_3092 = arith.constant 896 : i32
    %dma_start3A_3093 = arith.constant 0 : i32
    %dma_start3A_3094 = tpu.memref_slice %arg5[%select_n3A_3075, %dma_start3A_3092, %select_n3A_3091, %dma_start3A_3093] : memref<8x1024x8x128xf32, #tpu.memory_space<hbm>> -> memref<1x64x1x128xf32, #tpu.memory_space<hbm>>
    %dma_start3A_3095 = tpu.memref_squeeze %dma_start3A_3094 : memref<1x64x1x128xf32, #tpu.memory_space<hbm>> -> memref<64x128xf32, #tpu.memory_space<hbm>>
    %dma_start3A_3096 = arith.constant 896 : i32
    %dma_start3A_3097 = arith.constant 0 : i32
    %dma_start3A_3098 = tpu.memref_slice %arg5[%select_n3A_3075, %dma_start3A_3096, %select_n3A_3091, %dma_start3A_3097] : memref<8x1024x8x128xf32, #tpu.memory_space<hbm>> -> memref<1x64x1x128xf32, #tpu.memory_space<hbm>>
    %dma_start3A_3099 = tpu.memref_squeeze %dma_start3A_3098 : memref<1x64x1x128xf32, #tpu.memory_space<hbm>> -> memref<64x128xf32, #tpu.memory_space<hbm>>
    tpu.enqueue_dma source(%arg9 : memref<64x128xf32, #tpu.memory_space<vmem>>) target(%dma_start3A_3099 : memref<64x128xf32, #tpu.memory_space<hbm>>) target_semaphore(%arg29 : memref<!tpu.dma_semaphore, #tpu.memory_space<semaphore_mem>>)
    %dma_start3A_3100 = arith.constant 896 : i32
    %dma_start3A_3101 = arith.constant 0 : i32
    %dma_start3A_3102 = tpu.memref_slice %arg6[%select_n3A_3075, %dma_start3A_3100, %select_n3A_3091, %dma_start3A_3101] : memref<8x1024x8x128xf32, #tpu.memory_space<hbm>> -> memref<1x64x1x128xf32, #tpu.memory_space<hbm>>
    %dma_start3A_3103 = tpu.memref_squeeze %dma_start3A_3102 : memref<1x64x1x128xf32, #tpu.memory_space<hbm>> -> memref<64x128xf32, #tpu.memory_space<hbm>>
    %dma_start3A_3104 = arith.constant 896 : i32
    %dma_start3A_3105 = arith.constant 0 : i32
    %dma_start3A_3106 = tpu.memref_slice %arg6[%select_n3A_3075, %dma_start3A_3104, %select_n3A_3091, %dma_start3A_3105] : memref<8x1024x8x128xf32, #tpu.memory_space<hbm>> -> memref<1x64x1x128xf32, #tpu.memory_space<hbm>>
    %dma_start3A_3107 = tpu.memref_squeeze %dma_start3A_3106 : memref<1x64x1x128xf32, #tpu.memory_space<hbm>> -> memref<64x128xf32, #tpu.memory_space<hbm>>
    tpu.enqueue_dma source(%arg14 : memref<64x128xf32, #tpu.memory_space<vmem>>) target(%dma_start3A_3107 : memref<64x128xf32, #tpu.memory_space<hbm>>) target_semaphore(%arg34 : memref<!tpu.dma_semaphore, #tpu.memory_space<semaphore_mem>>)
    %dma_wait3A_3108 = arith.constant 1 : i32
    %dma_wait3A_3109 = arith.constant 960 : i32
    %dma_wait3A_3110 = tpu.memref_slice %arg8[%dma_wait3A_3108, %dma_wait3A_3109] : memref<2x1024xi32, #tpu.memory_space<vmem>> -> memref<1x64xi32, #tpu.memory_space<vmem>>
    %dma_wait3A_3111 = tpu.memref_squeeze %dma_wait3A_3110 : memref<1x64xi32, #tpu.memory_space<vmem>> -> memref<64xi32, #tpu.memory_space<vmem>>
    %dma_wait3A_3112 = arith.constant 0 : i32
    %dma_wait3A_3113 = arith.constant 0 : i32
    %dma_wait3A_3114 = tpu.memref_slice %arg3[%dma_wait3A_3112, %dma_wait3A_3113] : memref<131072x128xf32, #tpu.memory_space<hbm>> -> memref<131072x128xf32, #tpu.memory_space<hbm>>
    tpu.wait_indirect_dma semaphore(%arg20 : memref<!tpu.dma_semaphore, #tpu.memory_space<semaphore_mem>>) src(%dma_wait3A_3114 : memref<131072x128xf32, #tpu.memory_space<hbm>>) dst(%arg10 : memref<64x128xf32, #tpu.memory_space<vmem>>)
    %dma_wait3A_3115 = arith.constant 1 : i32
    %dma_wait3A_3116 = arith.constant 960 : i32
    %dma_wait3A_3117 = tpu.memref_slice %arg8[%dma_wait3A_3115, %dma_wait3A_3116] : memref<2x1024xi32, #tpu.memory_space<vmem>> -> memref<1x64xi32, #tpu.memory_space<vmem>>
    %dma_wait3A_3118 = tpu.memref_squeeze %dma_wait3A_3117 : memref<1x64xi32, #tpu.memory_space<vmem>> -> memref<64xi32, #tpu.memory_space<vmem>>
    %dma_wait3A_3119 = arith.constant 0 : i32
    %dma_wait3A_3120 = arith.constant 0 : i32
    %dma_wait3A_3121 = tpu.memref_slice %arg4[%dma_wait3A_3119, %dma_wait3A_3120] : memref<131072x128xf32, #tpu.memory_space<hbm>> -> memref<131072x128xf32, #tpu.memory_space<hbm>>
    tpu.wait_indirect_dma semaphore(%arg25 : memref<!tpu.dma_semaphore, #tpu.memory_space<semaphore_mem>>) src(%dma_wait3A_3121 : memref<131072x128xf32, #tpu.memory_space<hbm>>) dst(%arg15 : memref<64x128xf32, #tpu.memory_space<vmem>>)
    %add3A_3122 = arith.constant 1 : i32
    %add3A_3123 = arith.addi %mul3A_2, %add3A_3122 : i32
    %jit3A_3124 = arith.constant 8 : i32
    %div3A_3125 = arith.divsi %add3A_3123, %jit3A_3124 : i32
    %sign3A_3126 = arith.constant 0 : i32
    %sign3A_3127 = arith.cmpi sgt, %add3A_3123, %sign3A_3126 : i32
    %sign3A_3128 = arith.extui %sign3A_3127 : i1 to i32
    %sign3A_3129 = arith.constant 0 : i32
    %sign3A_3130 = arith.cmpi slt, %add3A_3123, %sign3A_3129 : i32
    %sign3A_3131 = arith.extui %sign3A_3130 : i1 to i32
    %sign3A_3132 = arith.subi %sign3A_3128, %sign3A_3131 : i32
    %sign3A_3133 = arith.constant 0 : i32
    %sign3A_3134 = arith.cmpi sgt, %jit3A_3124, %sign3A_3133 : i32
    %sign3A_3135 = arith.extui %sign3A_3134 : i1 to i32
    %sign3A_3136 = arith.constant 0 : i32
    %sign3A_3137 = arith.cmpi slt, %jit3A_3124, %sign3A_3136 : i32
    %sign3A_3138 = arith.extui %sign3A_3137 : i1 to i32
    %sign3A_3139 = arith.subi %sign3A_3135, %sign3A_3138 : i32
    %ne3A_3140 = arith.cmpi ne, %sign3A_3132, %sign3A_3139 : i32
    %rem3A_3141 = arith.remsi %add3A_3123, %jit3A_3124 : i32
    %ne3A_3142 = arith.constant 0 : i32
    %ne3A_3143 = arith.cmpi ne, %rem3A_3141, %ne3A_3142 : i32
    %and3A_3144 = arith.andi %ne3A_3140, %ne3A_3143 : i1
    %sub3A_3145 = arith.constant 1 : i32
    %sub3A_3146 = arith.subi %div3A_3125, %sub3A_3145 : i32
    %select_n3A_3147 = arith.select %and3A_3144, %sub3A_3146, %div3A_3125 : i32
    %jit3A_3148 = arith.constant 8 : i32
    %eq3A_3149 = arith.constant 0 : i32
    %eq3A_3150 = arith.cmpi eq, %jit3A_3148, %eq3A_3149 : i32
    %jit3A_3151 = arith.constant 1 : i32
    %select_n3A_3152 = arith.select %eq3A_3150, %jit3A_3151, %jit3A_3148 : i32
    %rem3A_3153 = arith.remsi %add3A_3123, %select_n3A_3152 : i32
    %ne3A_3154 = arith.constant 0 : i32
    %ne3A_3155 = arith.cmpi ne, %rem3A_3153, %ne3A_3154 : i32
    %lt3A_3156 = arith.constant 0 : i32
    %lt3A_3157 = arith.cmpi slt, %rem3A_3153, %lt3A_3156 : i32
    %lt3A_3158 = arith.constant 0 : i32
    %lt3A_3159 = arith.cmpi slt, %select_n3A_3152, %lt3A_3158 : i32
    %ne3A_3160 = arith.xori %lt3A_3157, %lt3A_3159 : i1
    %and3A_3161 = arith.andi %ne3A_3160, %ne3A_3155 : i1
    %add3A_3162 = arith.addi %rem3A_3153, %select_n3A_3152 : i32
    %select_n3A_3163 = arith.select %and3A_3161, %add3A_3162, %rem3A_3153 : i32
    %dma_start3A_3164 = arith.constant 960 : i32
    %dma_start3A_3165 = arith.constant 0 : i32
    %dma_start3A_3166 = tpu.memref_slice %arg5[%select_n3A_3147, %dma_start3A_3164, %select_n3A_3163, %dma_start3A_3165] : memref<8x1024x8x128xf32, #tpu.memory_space<hbm>> -> memref<1x64x1x128xf32, #tpu.memory_space<hbm>>
    %dma_start3A_3167 = tpu.memref_squeeze %dma_start3A_3166 : memref<1x64x1x128xf32, #tpu.memory_space<hbm>> -> memref<64x128xf32, #tpu.memory_space<hbm>>
    %dma_start3A_3168 = arith.constant 960 : i32
    %dma_start3A_3169 = arith.constant 0 : i32
    %dma_start3A_3170 = tpu.memref_slice %arg5[%select_n3A_3147, %dma_start3A_3168, %select_n3A_3163, %dma_start3A_3169] : memref<8x1024x8x128xf32, #tpu.memory_space<hbm>> -> memref<1x64x1x128xf32, #tpu.memory_space<hbm>>
    %dma_start3A_3171 = tpu.memref_squeeze %dma_start3A_3170 : memref<1x64x1x128xf32, #tpu.memory_space<hbm>> -> memref<64x128xf32, #tpu.memory_space<hbm>>
    tpu.enqueue_dma source(%arg10 : memref<64x128xf32, #tpu.memory_space<vmem>>) target(%dma_start3A_3171 : memref<64x128xf32, #tpu.memory_space<hbm>>) target_semaphore(%arg30 : memref<!tpu.dma_semaphore, #tpu.memory_space<semaphore_mem>>)
    %dma_start3A_3172 = arith.constant 960 : i32
    %dma_start3A_3173 = arith.constant 0 : i32
    %dma_start3A_3174 = tpu.memref_slice %arg6[%select_n3A_3147, %dma_start3A_3172, %select_n3A_3163, %dma_start3A_3173] : memref<8x1024x8x128xf32, #tpu.memory_space<hbm>> -> memref<1x64x1x128xf32, #tpu.memory_space<hbm>>
    %dma_start3A_3175 = tpu.memref_squeeze %dma_start3A_3174 : memref<1x64x1x128xf32, #tpu.memory_space<hbm>> -> memref<64x128xf32, #tpu.memory_space<hbm>>
    %dma_start3A_3176 = arith.constant 960 : i32
    %dma_start3A_3177 = arith.constant 0 : i32
    %dma_start3A_3178 = tpu.memref_slice %arg6[%select_n3A_3147, %dma_start3A_3176, %select_n3A_3163, %dma_start3A_3177] : memref<8x1024x8x128xf32, #tpu.memory_space<hbm>> -> memref<1x64x1x128xf32, #tpu.memory_space<hbm>>
    %dma_start3A_3179 = tpu.memref_squeeze %dma_start3A_3178 : memref<1x64x1x128xf32, #tpu.memory_space<hbm>> -> memref<64x128xf32, #tpu.memory_space<hbm>>
    tpu.enqueue_dma source(%arg15 : memref<64x128xf32, #tpu.memory_space<vmem>>) target(%dma_start3A_3179 : memref<64x128xf32, #tpu.memory_space<hbm>>) target_semaphore(%arg35 : memref<!tpu.dma_semaphore, #tpu.memory_space<semaphore_mem>>)
    %dma_wait3A_3180 = arith.constant 704 : i32
    %dma_wait3A_3181 = arith.constant 0 : i32
    %dma_wait3A_3182 = tpu.memref_slice %arg5[%select_n3A_2799, %dma_wait3A_3180, %select_n3A_2815, %dma_wait3A_3181] : memref<8x1024x8x128xf32, #tpu.memory_space<hbm>> -> memref<1x64x1x128xf32, #tpu.memory_space<hbm>>
    %dma_wait3A_3183 = tpu.memref_squeeze %dma_wait3A_3182 : memref<1x64x1x128xf32, #tpu.memory_space<hbm>> -> memref<64x128xf32, #tpu.memory_space<hbm>>
    %dma_wait3A_3184 = arith.constant 704 : i32
    %dma_wait3A_3185 = arith.constant 0 : i32
    %dma_wait3A_3186 = tpu.memref_slice %arg5[%select_n3A_2799, %dma_wait3A_3184, %select_n3A_2815, %dma_wait3A_3185] : memref<8x1024x8x128xf32, #tpu.memory_space<hbm>> -> memref<1x64x1x128xf32, #tpu.memory_space<hbm>>
    %dma_wait3A_3187 = tpu.memref_squeeze %dma_wait3A_3186 : memref<1x64x1x128xf32, #tpu.memory_space<hbm>> -> memref<64x128xf32, #tpu.memory_space<hbm>>
    tpu.wait_dma2 semaphore(%arg31 : memref<!tpu.dma_semaphore, #tpu.memory_space<semaphore_mem>>) src(%arg11 : memref<64x128xf32, #tpu.memory_space<vmem>>) dst(%dma_wait3A_3187 : memref<64x128xf32, #tpu.memory_space<hbm>>)
    %dma_wait3A_3188 = arith.constant 704 : i32
    %dma_wait3A_3189 = arith.constant 0 : i32
    %dma_wait3A_3190 = tpu.memref_slice %arg6[%select_n3A_2799, %dma_wait3A_3188, %select_n3A_2815, %dma_wait3A_3189] : memref<8x1024x8x128xf32, #tpu.memory_space<hbm>> -> memref<1x64x1x128xf32, #tpu.memory_space<hbm>>
    %dma_wait3A_3191 = tpu.memref_squeeze %dma_wait3A_3190 : memref<1x64x1x128xf32, #tpu.memory_space<hbm>> -> memref<64x128xf32, #tpu.memory_space<hbm>>
    %dma_wait3A_3192 = arith.constant 704 : i32
    %dma_wait3A_3193 = arith.constant 0 : i32
    %dma_wait3A_3194 = tpu.memref_slice %arg6[%select_n3A_2799, %dma_wait3A_3192, %select_n3A_2815, %dma_wait3A_3193] : memref<8x1024x8x128xf32, #tpu.memory_space<hbm>> -> memref<1x64x1x128xf32, #tpu.memory_space<hbm>>
    %dma_wait3A_3195 = tpu.memref_squeeze %dma_wait3A_3194 : memref<1x64x1x128xf32, #tpu.memory_space<hbm>> -> memref<64x128xf32, #tpu.memory_space<hbm>>
    tpu.wait_dma2 semaphore(%arg36 : memref<!tpu.dma_semaphore, #tpu.memory_space<semaphore_mem>>) src(%arg16 : memref<64x128xf32, #tpu.memory_space<vmem>>) dst(%dma_wait3A_3195 : memref<64x128xf32, #tpu.memory_space<hbm>>)
    %dma_wait3A_3196 = arith.constant 768 : i32
    %dma_wait3A_3197 = arith.constant 0 : i32
    %dma_wait3A_3198 = tpu.memref_slice %arg5[%select_n3A_2901, %dma_wait3A_3196, %select_n3A_2917, %dma_wait3A_3197] : memref<8x1024x8x128xf32, #tpu.memory_space<hbm>> -> memref<1x64x1x128xf32, #tpu.memory_space<hbm>>
    %dma_wait3A_3199 = tpu.memref_squeeze %dma_wait3A_3198 : memref<1x64x1x128xf32, #tpu.memory_space<hbm>> -> memref<64x128xf32, #tpu.memory_space<hbm>>
    %dma_wait3A_3200 = arith.constant 768 : i32
    %dma_wait3A_3201 = arith.constant 0 : i32
    %dma_wait3A_3202 = tpu.memref_slice %arg5[%select_n3A_2901, %dma_wait3A_3200, %select_n3A_2917, %dma_wait3A_3201] : memref<8x1024x8x128xf32, #tpu.memory_space<hbm>> -> memref<1x64x1x128xf32, #tpu.memory_space<hbm>>
    %dma_wait3A_3203 = tpu.memref_squeeze %dma_wait3A_3202 : memref<1x64x1x128xf32, #tpu.memory_space<hbm>> -> memref<64x128xf32, #tpu.memory_space<hbm>>
    tpu.wait_dma2 semaphore(%arg32 : memref<!tpu.dma_semaphore, #tpu.memory_space<semaphore_mem>>) src(%arg12 : memref<64x128xf32, #tpu.memory_space<vmem>>) dst(%dma_wait3A_3203 : memref<64x128xf32, #tpu.memory_space<hbm>>)
    %dma_wait3A_3204 = arith.constant 768 : i32
    %dma_wait3A_3205 = arith.constant 0 : i32
    %dma_wait3A_3206 = tpu.memref_slice %arg6[%select_n3A_2901, %dma_wait3A_3204, %select_n3A_2917, %dma_wait3A_3205] : memref<8x1024x8x128xf32, #tpu.memory_space<hbm>> -> memref<1x64x1x128xf32, #tpu.memory_space<hbm>>
    %dma_wait3A_3207 = tpu.memref_squeeze %dma_wait3A_3206 : memref<1x64x1x128xf32, #tpu.memory_space<hbm>> -> memref<64x128xf32, #tpu.memory_space<hbm>>
    %dma_wait3A_3208 = arith.constant 768 : i32
    %dma_wait3A_3209 = arith.constant 0 : i32
    %dma_wait3A_3210 = tpu.memref_slice %arg6[%select_n3A_2901, %dma_wait3A_3208, %select_n3A_2917, %dma_wait3A_3209] : memref<8x1024x8x128xf32, #tpu.memory_space<hbm>> -> memref<1x64x1x128xf32, #tpu.memory_space<hbm>>
    %dma_wait3A_3211 = tpu.memref_squeeze %dma_wait3A_3210 : memref<1x64x1x128xf32, #tpu.memory_space<hbm>> -> memref<64x128xf32, #tpu.memory_space<hbm>>
    tpu.wait_dma2 semaphore(%arg37 : memref<!tpu.dma_semaphore, #tpu.memory_space<semaphore_mem>>) src(%arg17 : memref<64x128xf32, #tpu.memory_space<vmem>>) dst(%dma_wait3A_3211 : memref<64x128xf32, #tpu.memory_space<hbm>>)
    %dma_wait3A_3212 = arith.constant 832 : i32
    %dma_wait3A_3213 = arith.constant 0 : i32
    %dma_wait3A_3214 = tpu.memref_slice %arg5[%select_n3A_3003, %dma_wait3A_3212, %select_n3A_3019, %dma_wait3A_3213] : memref<8x1024x8x128xf32, #tpu.memory_space<hbm>> -> memref<1x64x1x128xf32, #tpu.memory_space<hbm>>
    %dma_wait3A_3215 = tpu.memref_squeeze %dma_wait3A_3214 : memref<1x64x1x128xf32, #tpu.memory_space<hbm>> -> memref<64x128xf32, #tpu.memory_space<hbm>>
    %dma_wait3A_3216 = arith.constant 832 : i32
    %dma_wait3A_3217 = arith.constant 0 : i32
    %dma_wait3A_3218 = tpu.memref_slice %arg5[%select_n3A_3003, %dma_wait3A_3216, %select_n3A_3019, %dma_wait3A_3217] : memref<8x1024x8x128xf32, #tpu.memory_space<hbm>> -> memref<1x64x1x128xf32, #tpu.memory_space<hbm>>
    %dma_wait3A_3219 = tpu.memref_squeeze %dma_wait3A_3218 : memref<1x64x1x128xf32, #tpu.memory_space<hbm>> -> memref<64x128xf32, #tpu.memory_space<hbm>>
    tpu.wait_dma2 semaphore(%arg33 : memref<!tpu.dma_semaphore, #tpu.memory_space<semaphore_mem>>) src(%arg13 : memref<64x128xf32, #tpu.memory_space<vmem>>) dst(%dma_wait3A_3219 : memref<64x128xf32, #tpu.memory_space<hbm>>)
    %dma_wait3A_3220 = arith.constant 832 : i32
    %dma_wait3A_3221 = arith.constant 0 : i32
    %dma_wait3A_3222 = tpu.memref_slice %arg6[%select_n3A_3003, %dma_wait3A_3220, %select_n3A_3019, %dma_wait3A_3221] : memref<8x1024x8x128xf32, #tpu.memory_space<hbm>> -> memref<1x64x1x128xf32, #tpu.memory_space<hbm>>
    %dma_wait3A_3223 = tpu.memref_squeeze %dma_wait3A_3222 : memref<1x64x1x128xf32, #tpu.memory_space<hbm>> -> memref<64x128xf32, #tpu.memory_space<hbm>>
    %dma_wait3A_3224 = arith.constant 832 : i32
    %dma_wait3A_3225 = arith.constant 0 : i32
    %dma_wait3A_3226 = tpu.memref_slice %arg6[%select_n3A_3003, %dma_wait3A_3224, %select_n3A_3019, %dma_wait3A_3225] : memref<8x1024x8x128xf32, #tpu.memory_space<hbm>> -> memref<1x64x1x128xf32, #tpu.memory_space<hbm>>
    %dma_wait3A_3227 = tpu.memref_squeeze %dma_wait3A_3226 : memref<1x64x1x128xf32, #tpu.memory_space<hbm>> -> memref<64x128xf32, #tpu.memory_space<hbm>>
    tpu.wait_dma2 semaphore(%arg38 : memref<!tpu.dma_semaphore, #tpu.memory_space<semaphore_mem>>) src(%arg18 : memref<64x128xf32, #tpu.memory_space<vmem>>) dst(%dma_wait3A_3227 : memref<64x128xf32, #tpu.memory_space<hbm>>)
    %dma_wait3A_3228 = arith.constant 896 : i32
    %dma_wait3A_3229 = arith.constant 0 : i32
    %dma_wait3A_3230 = tpu.memref_slice %arg5[%select_n3A_3075, %dma_wait3A_3228, %select_n3A_3091, %dma_wait3A_3229] : memref<8x1024x8x128xf32, #tpu.memory_space<hbm>> -> memref<1x64x1x128xf32, #tpu.memory_space<hbm>>
    %dma_wait3A_3231 = tpu.memref_squeeze %dma_wait3A_3230 : memref<1x64x1x128xf32, #tpu.memory_space<hbm>> -> memref<64x128xf32, #tpu.memory_space<hbm>>
    %dma_wait3A_3232 = arith.constant 896 : i32
    %dma_wait3A_3233 = arith.constant 0 : i32
    %dma_wait3A_3234 = tpu.memref_slice %arg5[%select_n3A_3075, %dma_wait3A_3232, %select_n3A_3091, %dma_wait3A_3233] : memref<8x1024x8x128xf32, #tpu.memory_space<hbm>> -> memref<1x64x1x128xf32, #tpu.memory_space<hbm>>
    %dma_wait3A_3235 = tpu.memref_squeeze %dma_wait3A_3234 : memref<1x64x1x128xf32, #tpu.memory_space<hbm>> -> memref<64x128xf32, #tpu.memory_space<hbm>>
    tpu.wait_dma2 semaphore(%arg29 : memref<!tpu.dma_semaphore, #tpu.memory_space<semaphore_mem>>) src(%arg9 : memref<64x128xf32, #tpu.memory_space<vmem>>) dst(%dma_wait3A_3235 : memref<64x128xf32, #tpu.memory_space<hbm>>)
    %dma_wait3A_3236 = arith.constant 896 : i32
    %dma_wait3A_3237 = arith.constant 0 : i32
    %dma_wait3A_3238 = tpu.memref_slice %arg6[%select_n3A_3075, %dma_wait3A_3236, %select_n3A_3091, %dma_wait3A_3237] : memref<8x1024x8x128xf32, #tpu.memory_space<hbm>> -> memref<1x64x1x128xf32, #tpu.memory_space<hbm>>
    %dma_wait3A_3239 = tpu.memref_squeeze %dma_wait3A_3238 : memref<1x64x1x128xf32, #tpu.memory_space<hbm>> -> memref<64x128xf32, #tpu.memory_space<hbm>>
    %dma_wait3A_3240 = arith.constant 896 : i32
    %dma_wait3A_3241 = arith.constant 0 : i32
    %dma_wait3A_3242 = tpu.memref_slice %arg6[%select_n3A_3075, %dma_wait3A_3240, %select_n3A_3091, %dma_wait3A_3241] : memref<8x1024x8x128xf32, #tpu.memory_space<hbm>> -> memref<1x64x1x128xf32, #tpu.memory_space<hbm>>
    %dma_wait3A_3243 = tpu.memref_squeeze %dma_wait3A_3242 : memref<1x64x1x128xf32, #tpu.memory_space<hbm>> -> memref<64x128xf32, #tpu.memory_space<hbm>>
    tpu.wait_dma2 semaphore(%arg34 : memref<!tpu.dma_semaphore, #tpu.memory_space<semaphore_mem>>) src(%arg14 : memref<64x128xf32, #tpu.memory_space<vmem>>) dst(%dma_wait3A_3243 : memref<64x128xf32, #tpu.memory_space<hbm>>)
    %dma_wait3A_3244 = arith.constant 960 : i32
    %dma_wait3A_3245 = arith.constant 0 : i32
    %dma_wait3A_3246 = tpu.memref_slice %arg5[%select_n3A_3147, %dma_wait3A_3244, %select_n3A_3163, %dma_wait3A_3245] : memref<8x1024x8x128xf32, #tpu.memory_space<hbm>> -> memref<1x64x1x128xf32, #tpu.memory_space<hbm>>
    %dma_wait3A_3247 = tpu.memref_squeeze %dma_wait3A_3246 : memref<1x64x1x128xf32, #tpu.memory_space<hbm>> -> memref<64x128xf32, #tpu.memory_space<hbm>>
    %dma_wait3A_3248 = arith.constant 960 : i32
    %dma_wait3A_3249 = arith.constant 0 : i32
    %dma_wait3A_3250 = tpu.memref_slice %arg5[%select_n3A_3147, %dma_wait3A_3248, %select_n3A_3163, %dma_wait3A_3249] : memref<8x1024x8x128xf32, #tpu.memory_space<hbm>> -> memref<1x64x1x128xf32, #tpu.memory_space<hbm>>
    %dma_wait3A_3251 = tpu.memref_squeeze %dma_wait3A_3250 : memref<1x64x1x128xf32, #tpu.memory_space<hbm>> -> memref<64x128xf32, #tpu.memory_space<hbm>>
    tpu.wait_dma2 semaphore(%arg30 : memref<!tpu.dma_semaphore, #tpu.memory_space<semaphore_mem>>) src(%arg10 : memref<64x128xf32, #tpu.memory_space<vmem>>) dst(%dma_wait3A_3251 : memref<64x128xf32, #tpu.memory_space<hbm>>)
    %dma_wait3A_3252 = arith.constant 960 : i32
    %dma_wait3A_3253 = arith.constant 0 : i32
    %dma_wait3A_3254 = tpu.memref_slice %arg6[%select_n3A_3147, %dma_wait3A_3252, %select_n3A_3163, %dma_wait3A_3253] : memref<8x1024x8x128xf32, #tpu.memory_space<hbm>> -> memref<1x64x1x128xf32, #tpu.memory_space<hbm>>
    %dma_wait3A_3255 = tpu.memref_squeeze %dma_wait3A_3254 : memref<1x64x1x128xf32, #tpu.memory_space<hbm>> -> memref<64x128xf32, #tpu.memory_space<hbm>>
    %dma_wait3A_3256 = arith.constant 960 : i32
    %dma_wait3A_3257 = arith.constant 0 : i32
    %dma_wait3A_3258 = tpu.memref_slice %arg6[%select_n3A_3147, %dma_wait3A_3256, %select_n3A_3163, %dma_wait3A_3257] : memref<8x1024x8x128xf32, #tpu.memory_space<hbm>> -> memref<1x64x1x128xf32, #tpu.memory_space<hbm>>
    %dma_wait3A_3259 = tpu.memref_squeeze %dma_wait3A_3258 : memref<1x64x1x128xf32, #tpu.memory_space<hbm>> -> memref<64x128xf32, #tpu.memory_space<hbm>>
    tpu.wait_dma2 semaphore(%arg35 : memref<!tpu.dma_semaphore, #tpu.memory_space<semaphore_mem>>) src(%arg15 : memref<64x128xf32, #tpu.memory_space<vmem>>) dst(%dma_wait3A_3259 : memref<64x128xf32, #tpu.memory_space<hbm>>)
    return
  }
}

module attributes {stable_mosaic.version = 14 : i64} {
  func.func @_gate_topk_body(%arg0: memref<2048x1xf32, #tpu.memory_space<vmem>>, %arg1: memref<1x2048xf32, #tpu.memory_space<vmem>>, %arg2: memref<8x128xi32, #tpu.memory_space<vmem>>) attributes {dimension_semantics = [], scalar_prefetch = 0 : i64, scratch_operands = 0 : i64, tpu.core_type = #tpu.core_type<tc>} {
    %get3A = arith.constant 0 : index
    %get3A_0 = arith.constant 0 : index
    %get3A_1 = vector.load %arg0[%get3A, %get3A_0] : memref<2048x1xf32, #tpu.memory_space<vmem>>, vector<2048x1xf32>
    %get3A_2 = arith.constant 0 : index
    %get3A_3 = arith.constant 0 : index
    %get3A_4 = vector.load %arg1[%get3A_2, %get3A_3] : memref<1x2048xf32, #tpu.memory_space<vmem>>, vector<1x2048xf32>
    %iota3A = tpu.iota {dimensions = array<i32: 0>} : vector<2048x2048xi32>
    %iota3A_5 = tpu.iota {dimensions = array<i32: 1>} : vector<2048x2048xi32>
    %gt3A = vector.broadcast %get3A_4 : vector<1x2048xf32> to vector<2048x2048xf32>
    %gt3A_6 = vector.broadcast %get3A_1 : vector<2048x1xf32> to vector<2048x2048xf32>
    %gt3A_7 = arith.cmpf ogt, %gt3A, %gt3A_6 : vector<2048x2048xf32>
    %eq3A = vector.broadcast %get3A_4 : vector<1x2048xf32> to vector<2048x2048xf32>
    %eq3A_8 = vector.broadcast %get3A_1 : vector<2048x1xf32> to vector<2048x2048xf32>
    %eq3A_9 = arith.cmpf oeq, %eq3A, %eq3A_8 : vector<2048x2048xf32>
    %lt3A = arith.cmpi slt, %iota3A_5, %iota3A : vector<2048x2048xi32>
    %and3A = arith.andi %eq3A_9, %lt3A : vector<2048x2048xi1>
    %or3A = arith.ori %gt3A_7, %and3A : vector<2048x2048xi1>
    %broadcast_in_dim3A = arith.constant 1.000000e+00 : f32
    %broadcast_in_dim3A_10 = vector.broadcast %broadcast_in_dim3A : f32 to vector<2048x2048xf32>
    %broadcast_in_dim3A_11 = arith.constant 0.000000e+00 : f32
    %broadcast_in_dim3A_12 = vector.broadcast %broadcast_in_dim3A_11 : f32 to vector<2048x2048xf32>
    %select_n3A = arith.select %or3A, %broadcast_in_dim3A_10, %broadcast_in_dim3A_12 : vector<2048x2048xi1>, vector<2048x2048xf32>
    %reduce_sum3A = arith.constant dense<0.000000e+00> : vector<2048xf32>
    %reduce_sum3A_13 = vector.multi_reduction <add>, %select_n3A, %reduce_sum3A [1] : vector<2048x2048xf32> to vector<2048xf32>
    %broadcast_in_dim3A_14 = vector.shape_cast %reduce_sum3A_13 : vector<2048xf32> to vector<2048x1xf32>
    %convert_element_type3A = arith.fptosi %broadcast_in_dim3A_14 : vector<2048x1xf32> to vector<2048x1xi32>
    %iota3A_15 = tpu.iota {dimensions = array<i32: 0>} : vector<2048x128xi32>
    %iota3A_16 = tpu.iota {dimensions = array<i32: 1>} : vector<2048x128xi32>
    %broadcast_in_dim3A_17 = arith.constant 0 : i32
    %broadcast_in_dim3A_18 = vector.broadcast %broadcast_in_dim3A_17 : i32 to vector<2048x128xi32>
    %add3A = arith.constant 0 : i32
    %add3A_19 = vector.broadcast %add3A : i32 to vector<2048x128xi32>
    %add3A_20 = arith.addi %add3A_19, %iota3A_16 : vector<2048x128xi32>
    %eq3A_21 = vector.broadcast %convert_element_type3A : vector<2048x1xi32> to vector<2048x128xi32>
    %eq3A_22 = arith.cmpi eq, %eq3A_21, %add3A_20 : vector<2048x128xi32>
    %select_n3A_23 = arith.select %eq3A_22, %iota3A_15, %broadcast_in_dim3A_18 : vector<2048x128xi1>, vector<2048x128xi32>
    %reduce_sum3A_24 = arith.constant dense<0> : vector<128xi32>
    %reduce_sum3A_25 = vector.multi_reduction <add>, %select_n3A_23, %reduce_sum3A_24 [0] : vector<2048x128xi32> to vector<128xi32>
    %broadcast_in_dim3A_26 = vector.shape_cast %reduce_sum3A_25 : vector<128xi32> to vector<1x128xi32>
    %swap3A = arith.constant 0 : index
    %swap3A_27 = arith.constant 0 : index
    %swap3A_28 = vector.load %arg2[%swap3A, %swap3A_27] : memref<8x128xi32, #tpu.memory_space<vmem>>, vector<1x128xi32>
    tpu.vector_store %arg2[%swap3A, %swap3A_27], %broadcast_in_dim3A_26 {strides = array<i32>} : memref<8x128xi32, #tpu.memory_space<vmem>>, vector<1x128xi32>,
    %add3A_29 = arith.constant 128 : i32
    %add3A_30 = vector.broadcast %add3A_29 : i32 to vector<2048x128xi32>
    %add3A_31 = arith.addi %add3A_30, %iota3A_16 : vector<2048x128xi32>
    %eq3A_32 = vector.broadcast %convert_element_type3A : vector<2048x1xi32> to vector<2048x128xi32>
    %eq3A_33 = arith.cmpi eq, %eq3A_32, %add3A_31 : vector<2048x128xi32>
    %select_n3A_34 = arith.select %eq3A_33, %iota3A_15, %broadcast_in_dim3A_18 : vector<2048x128xi1>, vector<2048x128xi32>
    %reduce_sum3A_35 = arith.constant dense<0> : vector<128xi32>
    %reduce_sum3A_36 = vector.multi_reduction <add>, %select_n3A_34, %reduce_sum3A_35 [0] : vector<2048x128xi32> to vector<128xi32>
    %broadcast_in_dim3A_37 = vector.shape_cast %reduce_sum3A_36 : vector<128xi32> to vector<1x128xi32>
    %swap3A_38 = arith.constant 1 : index
    %swap3A_39 = arith.constant 0 : index
    %swap3A_40 = vector.load %arg2[%swap3A_38, %swap3A_39] : memref<8x128xi32, #tpu.memory_space<vmem>>, vector<1x128xi32>
    tpu.vector_store %arg2[%swap3A_38, %swap3A_39], %broadcast_in_dim3A_37 {strides = array<i32>} : memref<8x128xi32, #tpu.memory_space<vmem>>, vector<1x128xi32>,
    %add3A_41 = arith.constant 256 : i32
    %add3A_42 = vector.broadcast %add3A_41 : i32 to vector<2048x128xi32>
    %add3A_43 = arith.addi %add3A_42, %iota3A_16 : vector<2048x128xi32>
    %eq3A_44 = vector.broadcast %convert_element_type3A : vector<2048x1xi32> to vector<2048x128xi32>
    %eq3A_45 = arith.cmpi eq, %eq3A_44, %add3A_43 : vector<2048x128xi32>
    %select_n3A_46 = arith.select %eq3A_45, %iota3A_15, %broadcast_in_dim3A_18 : vector<2048x128xi1>, vector<2048x128xi32>
    %reduce_sum3A_47 = arith.constant dense<0> : vector<128xi32>
    %reduce_sum3A_48 = vector.multi_reduction <add>, %select_n3A_46, %reduce_sum3A_47 [0] : vector<2048x128xi32> to vector<128xi32>
    %broadcast_in_dim3A_49 = vector.shape_cast %reduce_sum3A_48 : vector<128xi32> to vector<1x128xi32>
    %swap3A_50 = arith.constant 2 : index
    %swap3A_51 = arith.constant 0 : index
    %swap3A_52 = vector.load %arg2[%swap3A_50, %swap3A_51] : memref<8x128xi32, #tpu.memory_space<vmem>>, vector<1x128xi32>
    tpu.vector_store %arg2[%swap3A_50, %swap3A_51], %broadcast_in_dim3A_49 {strides = array<i32>} : memref<8x128xi32, #tpu.memory_space<vmem>>, vector<1x128xi32>,
    %add3A_53 = arith.constant 384 : i32
    %add3A_54 = vector.broadcast %add3A_53 : i32 to vector<2048x128xi32>
    %add3A_55 = arith.addi %add3A_54, %iota3A_16 : vector<2048x128xi32>
    %eq3A_56 = vector.broadcast %convert_element_type3A : vector<2048x1xi32> to vector<2048x128xi32>
    %eq3A_57 = arith.cmpi eq, %eq3A_56, %add3A_55 : vector<2048x128xi32>
    %select_n3A_58 = arith.select %eq3A_57, %iota3A_15, %broadcast_in_dim3A_18 : vector<2048x128xi1>, vector<2048x128xi32>
    %reduce_sum3A_59 = arith.constant dense<0> : vector<128xi32>
    %reduce_sum3A_60 = vector.multi_reduction <add>, %select_n3A_58, %reduce_sum3A_59 [0] : vector<2048x128xi32> to vector<128xi32>
    %broadcast_in_dim3A_61 = vector.shape_cast %reduce_sum3A_60 : vector<128xi32> to vector<1x128xi32>
    %swap3A_62 = arith.constant 3 : index
    %swap3A_63 = arith.constant 0 : index
    %swap3A_64 = vector.load %arg2[%swap3A_62, %swap3A_63] : memref<8x128xi32, #tpu.memory_space<vmem>>, vector<1x128xi32>
    tpu.vector_store %arg2[%swap3A_62, %swap3A_63], %broadcast_in_dim3A_61 {strides = array<i32>} : memref<8x128xi32, #tpu.memory_space<vmem>>, vector<1x128xi32>,
    %add3A_65 = arith.constant 512 : i32
    %add3A_66 = vector.broadcast %add3A_65 : i32 to vector<2048x128xi32>
    %add3A_67 = arith.addi %add3A_66, %iota3A_16 : vector<2048x128xi32>
    %eq3A_68 = vector.broadcast %convert_element_type3A : vector<2048x1xi32> to vector<2048x128xi32>
    %eq3A_69 = arith.cmpi eq, %eq3A_68, %add3A_67 : vector<2048x128xi32>
    %select_n3A_70 = arith.select %eq3A_69, %iota3A_15, %broadcast_in_dim3A_18 : vector<2048x128xi1>, vector<2048x128xi32>
    %reduce_sum3A_71 = arith.constant dense<0> : vector<128xi32>
    %reduce_sum3A_72 = vector.multi_reduction <add>, %select_n3A_70, %reduce_sum3A_71 [0] : vector<2048x128xi32> to vector<128xi32>
    %broadcast_in_dim3A_73 = vector.shape_cast %reduce_sum3A_72 : vector<128xi32> to vector<1x128xi32>
    %swap3A_74 = arith.constant 4 : index
    %swap3A_75 = arith.constant 0 : index
    %swap3A_76 = vector.load %arg2[%swap3A_74, %swap3A_75] : memref<8x128xi32, #tpu.memory_space<vmem>>, vector<1x128xi32>
    tpu.vector_store %arg2[%swap3A_74, %swap3A_75], %broadcast_in_dim3A_73 {strides = array<i32>} : memref<8x128xi32, #tpu.memory_space<vmem>>, vector<1x128xi32>,
    %add3A_77 = arith.constant 640 : i32
    %add3A_78 = vector.broadcast %add3A_77 : i32 to vector<2048x128xi32>
    %add3A_79 = arith.addi %add3A_78, %iota3A_16 : vector<2048x128xi32>
    %eq3A_80 = vector.broadcast %convert_element_type3A : vector<2048x1xi32> to vector<2048x128xi32>
    %eq3A_81 = arith.cmpi eq, %eq3A_80, %add3A_79 : vector<2048x128xi32>
    %select_n3A_82 = arith.select %eq3A_81, %iota3A_15, %broadcast_in_dim3A_18 : vector<2048x128xi1>, vector<2048x128xi32>
    %reduce_sum3A_83 = arith.constant dense<0> : vector<128xi32>
    %reduce_sum3A_84 = vector.multi_reduction <add>, %select_n3A_82, %reduce_sum3A_83 [0] : vector<2048x128xi32> to vector<128xi32>
    %broadcast_in_dim3A_85 = vector.shape_cast %reduce_sum3A_84 : vector<128xi32> to vector<1x128xi32>
    %swap3A_86 = arith.constant 5 : index
    %swap3A_87 = arith.constant 0 : index
    %swap3A_88 = vector.load %arg2[%swap3A_86, %swap3A_87] : memref<8x128xi32, #tpu.memory_space<vmem>>, vector<1x128xi32>
    tpu.vector_store %arg2[%swap3A_86, %swap3A_87], %broadcast_in_dim3A_85 {strides = array<i32>} : memref<8x128xi32, #tpu.memory_space<vmem>>, vector<1x128xi32>,
    %add3A_89 = arith.constant 768 : i32
    %add3A_90 = vector.broadcast %add3A_89 : i32 to vector<2048x128xi32>
    %add3A_91 = arith.addi %add3A_90, %iota3A_16 : vector<2048x128xi32>
    %eq3A_92 = vector.broadcast %convert_element_type3A : vector<2048x1xi32> to vector<2048x128xi32>
    %eq3A_93 = arith.cmpi eq, %eq3A_92, %add3A_91 : vector<2048x128xi32>
    %select_n3A_94 = arith.select %eq3A_93, %iota3A_15, %broadcast_in_dim3A_18 : vector<2048x128xi1>, vector<2048x128xi32>
    %reduce_sum3A_95 = arith.constant dense<0> : vector<128xi32>
    %reduce_sum3A_96 = vector.multi_reduction <add>, %select_n3A_94, %reduce_sum3A_95 [0] : vector<2048x128xi32> to vector<128xi32>
    %broadcast_in_dim3A_97 = vector.shape_cast %reduce_sum3A_96 : vector<128xi32> to vector<1x128xi32>
    %swap3A_98 = arith.constant 6 : index
    %swap3A_99 = arith.constant 0 : index
    %swap3A_100 = vector.load %arg2[%swap3A_98, %swap3A_99] : memref<8x128xi32, #tpu.memory_space<vmem>>, vector<1x128xi32>
    tpu.vector_store %arg2[%swap3A_98, %swap3A_99], %broadcast_in_dim3A_97 {strides = array<i32>} : memref<8x128xi32, #tpu.memory_space<vmem>>, vector<1x128xi32>,
    %add3A_101 = arith.constant 896 : i32
    %add3A_102 = vector.broadcast %add3A_101 : i32 to vector<2048x128xi32>
    %add3A_103 = arith.addi %add3A_102, %iota3A_16 : vector<2048x128xi32>
    %eq3A_104 = vector.broadcast %convert_element_type3A : vector<2048x1xi32> to vector<2048x128xi32>
    %eq3A_105 = arith.cmpi eq, %eq3A_104, %add3A_103 : vector<2048x128xi32>
    %select_n3A_106 = arith.select %eq3A_105, %iota3A_15, %broadcast_in_dim3A_18 : vector<2048x128xi1>, vector<2048x128xi32>
    %reduce_sum3A_107 = arith.constant dense<0> : vector<128xi32>
    %reduce_sum3A_108 = vector.multi_reduction <add>, %select_n3A_106, %reduce_sum3A_107 [0] : vector<2048x128xi32> to vector<128xi32>
    %broadcast_in_dim3A_109 = vector.shape_cast %reduce_sum3A_108 : vector<128xi32> to vector<1x128xi32>
    %swap3A_110 = arith.constant 7 : index
    %swap3A_111 = arith.constant 0 : index
    %swap3A_112 = vector.load %arg2[%swap3A_110, %swap3A_111] : memref<8x128xi32, #tpu.memory_space<vmem>>, vector<1x128xi32>
    tpu.vector_store %arg2[%swap3A_110, %swap3A_111], %broadcast_in_dim3A_109 {strides = array<i32>} : memref<8x128xi32, #tpu.memory_space<vmem>>, vector<1x128xi32>,
    return
  }
}

</mosaic_0001>

<sc_bundles>
// kernel: kernel.4.cloned.1.call-start
scs
__scs_entry_jumppad:
0x0: {  	(pc) =	sbr.rel $0x88, $3  }
0x1: {  	(tag) =	ssettag $0x0;
	lr =	simm.s32 $0x1  }
0x2: {  	[smem:$0x3F9C] =	sst lr;
	_ =	strace $0xD0000000  }
0x3: {  	_ = 	snop  }
0x4: {  	_ = 	snop  }
0x5: {  	_ = 	snop  }
0x6: {  	_ = 	snop  }
0x7: {  	_ = 	snop  }
__scs_overlays_trampoline_lowered:
0x8: {  	[smem:$0x3FAB] =	sst s0  }
0x9: {  	[smem:$0x3FAC] =	sst s1  }
0xa: {  	[smem:$0x3FAD] =	sst s2  }
0xb: {  	[smem:$0x3FAE] =	sst s3  }
0xc: {  	[smem:$0x3FAF] =	sst s4  }
0xd: {  	[smem:$0x3FB0] =	sst s5  }
0xe: {  	[smem:$0x3FB1] =	sst s6  }
0xf: {  	[smem:$0x3FB2] =	sst s7  }
0x10: {  	[smem:$0x3FB3] =	sst s8  }
0x11: {  	[smem:$0x3FB4] =	sst s9;
	s0 =	simm.s32 @!p0 $0x0  }
0x12: {  	s1 =	sld [smem:$0x3F9A];
	s0 =	simm.s32 @p0 $0x1  }
0x13: {  	[smem:$0x3FB5] =	sst s0;
	s0 =	simm.s32 @!p1 $0x0  }
0x14: {  	s2 =	sld [smem:$0x3F99];
	s0 =	simm.s32 @p1 $0x1  }
0x15: {  	[smem:$0x3FB6] =	sst s0;
	s0 =	simm.s32 @!p2 $0x0  }
0x16: {  	s3 =	sld [smem:$0x3FDB];
	s0 =	simm.s32 @p2 $0x1  }
0x17: {  	s4 =	simm.s32 $0x1BF5;
	[smem:$0x3FB8] =	sst s0  }
0x18: {  	s0 =	sld [smem:$0x3F9B];
	_ =	swait.ge [sflag:s4], $0x0  }
0x19: {  	s7 =	sld [smem:$0x3F9C]  }
0x1a: {  	s8 =	sadd.s32 $0xFFFFE003, lr  }
0x1b: {  	s9 =	sadd.s32 $0xFFFFFEF7, lr;
	s5 =	simm.s32 $0xFFFFFFFF;
	p2 =	slt.u32 s8, $0xFFFFF086  }
0x1c: {  	p1 =	slt.u32 s9, $0xF7A;
	s5 =	simm.s32 @!p2 $0x0  }
0x1d: {  	s5 =	simm.s32 @p1 $0x1;
	p0 =	seq.s32 s7, s2  }
0x1e: {  	s7 =	smul.u32 @!p0 $0xF7A, s2;
	p2 =	seq.s32 @!p0 s5, $0x0  }
0x1f: {  	s9 =	smul.u32 $0xF7A, s1;
	s8 =	simm.s32 @!p0 $0x1BF5;
	p2 =	por !p2, p0  }
0x20: {  	[sflag:s8] =	ssyncset.s32 @!p0 $0xFFFFF086;
	s6 =	sadd.s32 @!p0 s3, s7;
	s7 =	simm.s32 @!p0 $0x108  }
0x21: {  	s3 =	sadd.s32 s3, s9;
	s6 =	sadd.s32 @!p0 $0x88, s6;
	s7 =	simm.s32 @p2 $0x1082  }
0x22: {  	[simem:s7], [sflag:s8] =	dma.local @!p0 [hbm:s6], $0xF7A  }
0x23: {  	s9 =	sor.u32 $0xD0000000, s2;
	s6 =	simm.s32 $0x108;
	_ =	swait.ge @!p0 [sflag:s8], $0x0  }
0x24: {  	s3 =	sadd.s32 $0x88, s3;
	s6 =	simm.s32 @!p1 $0x1082;
	[sflag:s4] =	ssyncset.s32 $0xFFFFF086  }
0x25: {  	[simem:s6], [sflag:s4] =	dma.local [hbm:s3], $0xF7A  }
0x26: {  	[smem:$0x3F9C] =	sst s1;
	(tag) =	ssettag s2;
	_ =	strace s9  }
0x27: {  	s1 =	sld [smem:$0x3FAC]  }
0x28: {  	s2 =	sld [smem:$0x3FAD]  }
0x29: {  	s4 =	sld [smem:$0x3FAF]  }
0x2a: {  	p0 =	seq.s32 s5, $0x0;
	s5 =	sld [smem:$0x3FB0]  }
0x2b: {  	s6 =	sld [smem:$0x3FB1]  }
0x2c: {  	s7 =	sld [smem:$0x3FB2]  }
0x2d: {  	s3 =	simm.s32 $0x108;
	s8 =	sld [smem:$0x3FB3]  }
0x2e: {  	s3 =	simm.s32 @!p0 $0x1082;
	s9 =	sld [smem:$0x3FB4]  }
0x2f: {  	lr =	sadd.s32 s0, s3;
	s0 =	sld [smem:$0x3FAB]  }
0x30: {  	s3 =	sld [smem:$0x3FAE]  }
0x31: {  	[smem:$0x3FB7] =	sst s10  }
0x32: {  	s10 =	sld [smem:$0x3FB5];
	_ =	sdelay $0x3  }
0x33: {  	p0 =	seq.s32 s10, $0x1;
	s10 =	sld [smem:$0x3FB7];
	_ =	sdelay $0x3  }
0x34: {  	[smem:$0x3FB7] =	sst s10  }
0x35: {  	s10 =	sld [smem:$0x3FB6];
	_ =	sdelay $0x3  }
0x36: {  	p1 =	seq.s32 s10, $0x1;
	s10 =	sld [smem:$0x3FB7];
	_ =	sdelay $0x3  }
0x37: {  	[smem:$0x3FB7] =	sst s10  }
0x38: {  	s10 =	sld [smem:$0x3FB8]  }
0x39: {  	_ = 	snop;
	(pc) =	sbr.ind lr, $3  }
0x3a: {  	_ = 	snop  }
0x3b: {  	_ = 	snop  }
0x3c: {  	p2 =	seq.s32 s10, $0x1;
	s10 =	sld [smem:$0x3FB7]  }
0x3d: {  	_ =	shalt  }
0x3e: {  	_ =	shalt  }
0x3f: {  	_ =	shalt  }
0x40: {  	_ =	shalt  }
0x41: {  	_ =	shalt  }
0x42: {  	_ =	shalt  }
0x43: {  	_ =	shalt  }
0x44: {  	_ =	shalt  }
0x45: {  	_ =	shalt  }
0x46: {  	_ =	shalt  }
0x47: {  	_ =	shalt  }
0x48: {  	_ =	shalt  }
0x49: {  	_ =	shalt  }
0x4a: {  	_ =	shalt  }
0x4b: {  	_ =	shalt  }
0x4c: {  	_ =	shalt  }
0x4d: {  	_ =	shalt  }
0x4e: {  	_ =	shalt  }
0x4f: {  	_ =	shalt  }
0x50: {  	_ =	shalt  }
0x51: {  	_ =	shalt  }
0x52: {  	_ =	shalt  }
0x53: {  	_ =	shalt  }
0x54: {  	_ =	shalt  }
0x55: {  	_ =	shalt  }
0x56: {  	_ =	shalt  }
0x57: {  	_ =	shalt  }
0x58: {  	_ =	shalt  }
0x59: {  	_ =	shalt  }
0x5a: {  	_ =	shalt  }
0x5b: {  	_ =	shalt  }
0x5c: {  	_ =	shalt  }
0x5d: {  	_ =	shalt  }
0x5e: {  	_ =	shalt  }
0x5f: {  	_ =	shalt  }
0x60: {  	_ =	shalt  }
0x61: {  	_ =	shalt  }
0x62: {  	_ =	shalt  }
0x63: {  	_ =	shalt  }
0x64: {  	_ =	shalt  }
0x65: {  	_ =	shalt  }
0x66: {  	_ =	shalt  }
0x67: {  	_ =	shalt  }
0x68: {  	_ =	shalt  }
0x69: {  	_ =	shalt  }
0x6a: {  	_ =	shalt  }
0x6b: {  	_ =	shalt  }
0x6c: {  	_ =	shalt  }
0x6d: {  	_ =	shalt  }
0x6e: {  	_ =	shalt  }
0x6f: {  	_ =	shalt  }
0x70: {  	_ =	shalt  }
0x71: {  	_ =	shalt  }
0x72: {  	_ =	shalt  }
0x73: {  	_ =	shalt  }
0x74: {  	_ =	shalt  }
0x75: {  	_ =	shalt  }
0x76: {  	_ =	shalt  }
0x77: {  	_ =	shalt  }
0x78: {  	_ =	shalt  }
0x79: {  	_ =	shalt  }
0x7a: {  	_ =	shalt  }
0x7b: {  	_ =	shalt  }
0x7c: {  	_ =	shalt  }
0x7d: {  	_ =	shalt  }
0x7e: {  	_ =	shalt  }
0x7f: {  	_ =	shalt  }
0x80: {  	_ =	shalt  }
0x81: {  	_ =	shalt  }
0x82: {  	_ =	shalt  }
0x83: {  	_ =	shalt  }
0x84: {  	_ =	shalt  }
0x85: {  	_ =	shalt  }
0x86: {  	_ =	shalt  }
0x87: {  	_ =	shalt  }
.Lfunc_end0:
.L_simem_size_0:
called_computation_lowered:
.L_overlay_start_0:
0x88: {  	s2 =	sld [smem:$0x3FD9]  }
0x89: {  	s3 =	sld [smem:$0x3FFE];
	_ =	sdelay $0x1  }
0x8a: {  	s1 =	srdreg.scid  }
0x8b: {  	s0 =	sand.u32 $0x1, s1  }
0x8c: {  	s14 =	sshll.u32 s0, $0xA;
	s2 =	sadd.s32 s3, s2  }
0x8d: {  	s2 =	sadd.s32 s2, s14  }
0x8e: {  	[smem:$0x3FC3] =	sst s2  }
0x8f: {  	_ = 	snop  }
0x90: {  	s2 =	sld [smem:$0x3FD0];
	_ =	sdelay $0x1  }
0x91: {  	s15 =	sld [smem:$0x3FC8]  }
0x92: {  	s5 =	simm.s32 $0xA;
	s6 =	simm.s32 $0x10;
	s4 =	sld [smem:$0x3FC7]  }
0x93: {  	[smem:s6], [sflag:s5] =	dma.local [hbm:s2], $0x1  }
0x94: {  	_ =	swait.eq [sflag:s5], $0x1  }
0x95: {  	[sflag:s5] =	ssyncset.done $0x0  }
0x96: {  	s16 =	sld [smem:$0x10];
	[sflag:s5] =	ssyncadd.s32 $0xFFFFFFFF  }
0x97: {  	s17 =	sld [smem:$0x11];
	(tm) =	ssettm $0x1  }
0x98: {  	s18 =	sld [smem:$0x3FFB];
	_ =	sdelay $0x3  }
0x99: {  	_ =	strace s18  }
0x9a: {  	s6 =	sld [smem:$0x3FFC];
	_ =	sdelay $0x3  }
0x9b: {  	_ =	strace s6  }
0x9c: {  	s6 =	sld [smem:$0x3FFD];
	_ =	sdelay $0x3  }
0x9d: {  	_ =	strace s6  }
0x9e: {  	_ =	strace $0x8FFFFFFF  }
0x9f: {  	s19 =	sld [smem:$0x3FDB];
	_ =	sdelay $0x1  }
0xa0: {  	s7 =	simm.s32 $_scs_section_size  }
0xa1: {  	s8 =	simm.s32 $_size__tile_overlayer_lowered;
	s9 =	simm.s32 $_tile_overlayer_lowered  }
0xa2: {  	s22 =	simm.s32 $0x1BFF;
	s21 =	sshll.u32 s9, $0x1;
	s6 =	sadd.s32 s7, s19  }
0xa3: {  	s10 =	simm.s32 $0x0;
	s20 =	sshll.u32 s8, $0x1;
	s8 =	sadd.s32 s21, s6  }
0xa4: {  	[timem:s10], [sflag:s22] =	dma.local [hbm:s8], s20  }
0xa5: {  	_ =	swait.ge [sflag:s22], s20  }
0xa6: {  	s7 =	ssub.s32 $0x0, s20;
	[sflag:s22] =	ssyncset.done $0x0  }
0xa7: {  	[sflag:s22] =	ssyncadd.s32 s7;
	_ =	sdelay $0x1  }
0xa8: {  	s23 =	simm.s32 $0x1B8B  }
0xa9: {  	_ =	swait.ge [sflag:s23], $0x1  }
0xaa: {  	[sflag:s23] =	ssyncset.done $0x0  }
0xab: {  	s25 =	simm.s32 $0x1B8E;
	s24 =	sld [smem:$0x3FFE];
	[sflag:s23] =	ssyncadd.s32 $0xFFFFFFFF  }
0xac: {  	s26 =	simm.s32 $execute0_lowered;
	[smem:$0x3FD2] =	sst s25  }
0xad: {  	s8 =	sshll.u32 s26, $0x1;
	_ =	strace $0x80000046;
	[dreg:$0x1] =	wrdreg $0xFFFFFFFF  }
0xae: {  	s28 =	simm.s32 $_size_execute0_lowered;
	s6 =	sadd.s32 s6, s8;
	[dreg:$0x0] =	wrdreg $0x0  }
0xaf: {  	s8 =	sshll.u32 s28, $0x1;
	[dreg:$0x2] =	wrdreg s6  }
0xb0: {  	[dreg:$0x3] =	wrdreg s8  }
0xb1: {  	[dreg:$0x4] =	wrdreg $0xC0  }
0xb2: {  	_ =	task [dreg:s10], $0x5FFFF  }
0xb3: {  	[dreg:$0x1] =	wrdreg $0xFFFFFFFF  }
0xb4: {  	[dreg:$0x0] =	wrdreg $0x60  }
0xb5: {  	[dreg:$0x2] =	wrdreg s24  }
0xb6: {  	[dreg:$0x3] =	wrdreg s15  }
0xb7: {  	[dreg:$0x4] =	wrdreg s4  }
0xb8: {  	[dreg:$0x5] =	wrdreg s16  }
0xb9: {  	[dreg:$0x6] =	wrdreg s17  }
0xba: {  	[dreg:$0x7] =	wrdreg $0x9  }
0xbb: {  	_ =	task.clear_ibuf [dreg:s10], $0x8FFFF;
	_ =	strace $0x90000046  }
0xbc: {  	s29 =	simm.s32 $0x9;
	_ =	strace $0x80000048  }
0xbd: {  	_ =	swait.ge [sflag:s29], $0x1  }
0xbe: {  	[sflag:s29] =	ssyncadd.s32 $0xFFFFFFFF  }
0xbf: {  	_ =	strace $0x90000048  }
0xc0: {  	_ =	sfence  }
0xc1: {  	s30 =	sld [smem:$0x0];
	_ =	sdelay $0x2  }
0xc2: {  	s31 =	sshll.u32 s1, $0xD;
	s1 =	sshrl.u32 s1, $0x2  }
0xc3: {  	s3 =	sand.u32 $0x4000, s31;
	s1 =	sadd.s32 s1, s30  }
0xc4: {  	s0 =	sor.u32 s3, s0;
	s1 =	sshll.u32 s1, $0x11  }
0xc5: {  	s0 =	sor.u32 s1, s0  }
0xc6: {  	s0 =	sadd.s32 $0x8F2B, s0  }
0xc7: {  	[sflag:s0] =	ssyncadd.remote.s32 $0x1  }
0xc8: {  	_ =	sfence.sel $0xFFFF  }
0xc9: {  	[dreg:$0x0] =	wrdreg $0xFFFFFFFF;
	(pc) =	sbr.abs _section_cstart, $3  }
0xca: {  	[dreg:$0x1] =	wrdreg $0xFFFFFFFF  }
0xcb: {  	_ =	task.clear_ibuf [dreg:s10], $0x2FFFF;
	_ =	strace $0x9FFFFFFF  }
0xcc: {  	(tm) =	ssettm $0x7FFFFFFF  }
0xcd: {  	_ =	shalt  }
tec
execute0_lowered:
.L_overlay_start_1:
0x0: {  	(tag) =	ssettag $0x1  }
0x1: {  	s0 =	srdreg.scid;
	s1 =	stileid.u32  }
0x2: {  	s2 =	sand.u32 $0x1, s0;
	s10 =	sshll.u32 s1, $0x1  }
0x3: {  	s0 =	sor.u32 s2, s10  }
0x4: {  	s11 =	sshll.u32 s0, $0x8;
	s3 =	sshll.u32 s0, $0x12  }
0x5: {  	s6 =	sand.u32 $0x700000, s3;
	s7 =	sand.u32 $0x300, s11  }
0x6: {  	s4 =	rddreg [dreg:$0x4];
	s5 =	sor.u32 s7, s6  }
0x7: {  	s1 =	rddreg [dreg:$0x3];
	s8 =	sshrl.u32 s5, $0x3  }
0x8: {  	s2 =	ssub.s32 $0x2, s2;
	s10 =	simm.s32 $0x0;
	s9 =	sor.u32 $0x2000, s8  }
0x9: {  	s12 =	sshrl.u32 s2, $0x1;
	[smem:$0x7FF] =	sst s10;
	s13 =	sadd.s32 s1, s9  }
0xa: {  	s15 =	sor.u32 $0x4000, s8;
	s14 =	sadd.s32 s4, s9;
	[dreg:$0x6] =	wrdreg s13  }
0xb: {  	s5 =	ssub.s32 s2, s12;
	s17 =	sadd.s32 s1, s15;
	[dreg:$0x7] =	wrdreg s14  }
0xc: {  	s16 =	sor.u32 $0x6000, s8;
	s2 =	sadd.s32 s4, s15;
	[dreg:$0x8] =	wrdreg s17  }
0xd: {  	s18 =	sadd.s32 s1, s16;
	[dreg:$0x9] =	wrdreg s2  }
0xe: {  	s20 =	sor.u32 $0x8000, s8;
	s19 =	sadd.s32 s4, s16;
	[dreg:$0xa] =	wrdreg s18  }
0xf: {  	s21 =	sor.u32 $0xA000, s8;
	s22 =	sadd.s32 s1, s20;
	[dreg:$0xb] =	wrdreg s19  }
0x10: {  	s23 =	sadd.s32 s1, s21;
	[dreg:$0xc] =	wrdreg s22  }
0x11: {  	s25 =	sor.u32 $0xC000, s8;
	s24 =	sadd.s32 s4, s21;
	[dreg:$0xe] =	wrdreg s23  }
0x12: {  	s26 =	sor.u32 $0xE000, s8;
	s31 =	sadd.s32 s1, s25;
	[dreg:$0xf] =	wrdreg s24  }
0x13: {  	s10 =	sadd.s32 s1, s26;
	[dreg:$0x10] =	wrdreg s31  }
0x14: {  	s11 =	sadd.s32 s4, s26;
	[dreg:$0x12] =	wrdreg s10  }
0x15: {  	s12 =	sor.u32 $0x10000, s8;
	s2 =	sadd.s32 s4, s20;
	[dreg:$0x13] =	wrdreg s11  }
0x16: {  	s15 =	sor.u32 $0x12000, s8;
	s14 =	sadd.s32 s1, s12;
	[dreg:$0xd] =	wrdreg s2  }
0x17: {  	s16 =	sadd.s32 s1, s15;
	[dreg:$0x14] =	wrdreg s14  }
0x18: {  	s19 =	sadd.s32 s1, s8;
	[dreg:$0x16] =	wrdreg s16  }
0x19: {  	s21 =	sor.u32 $0x16000, s8;
	s20 =	sadd.s32 s4, s8;
	[dreg:$0x1a] =	wrdreg s19  }
0x1a: {  	s17 =	sor.u32 $0x14000, s8;
	s8 =	sadd.s32 s1, s21;
	[dreg:$0x1b] =	wrdreg s20  }
0x1b: {  	s13 =	sor.u32 $0x80, s7;
	s2 =	sadd.s32 s4, s25;
	[dreg:$0x1c] =	wrdreg s8  }
0x1c: {  	s7 =	sor.u32 s3, s7;
	s18 =	sadd.s32 s1, s17;
	[dreg:$0x11] =	wrdreg s2  }
0x1d: {  	s7 =	sshrl.u32 s7, $0x3;
	s2 =	sadd.s32 s4, s12;
	[dreg:$0x18] =	wrdreg s18  }
0x1e: {  	s22 =	sor.u32 $0x18000, s7;
	[dreg:$0x15] =	wrdreg s2;
	s2 =	sadd.s32 s4, s15  }
0x1f: {  	s24 =	sor.u32 $0x1A000, s7;
	s23 =	sadd.s32 s1, s22;
	[dreg:$0x17] =	wrdreg s2  }
0x20: {  	s26 =	sor.u32 $0x1C000, s7;
	s25 =	sadd.s32 s1, s24;
	[dreg:$0x1e] =	wrdreg s23  }
0x21: {  	s7 =	sor.u32 $0x1E000, s7;
	s31 =	sadd.s32 s1, s26;
	[smem:$0x7D6] =	sst s25  }
0x22: {  	s6 =	sor.u32 s6, s13;
	s8 =	sadd.s32 s1, s7;
	[smem:$0x7D8] =	sst s31  }
0x23: {  	s6 =	sshrl.u32 s6, $0x3;
	s7 =	sadd.s32 s4, s7;
	[smem:$0x7DA] =	sst s8  }
0x24: {  	s9 =	sor.u32 $0x2000, s6;
	s2 =	sadd.s32 s4, s17;
	[smem:$0x7DB] =	sst s7  }
0x25: {  	s11 =	sor.u32 $0x4000, s6;
	s10 =	sadd.s32 s1, s9;
	[dreg:$0x19] =	wrdreg s2  }
0x26: {  	s3 =	sor.u32 s3, s13;
	s12 =	sadd.s32 s1, s11;
	[smem:$0x7DC] =	sst s10  }
0x27: {  	s13 =	sor.u32 $0x6000, s6;
	s7 =	sadd.s32 s4, s11;
	[smem:$0x7DE] =	sst s12  }
0x28: {  	s15 =	sor.u32 $0x8000, s6;
	s14 =	sadd.s32 s1, s13;
	[smem:$0x7DF] =	sst s7  }
0x29: {  	s19 =	sor.u32 $0xC000, s6;
	s16 =	sadd.s32 s1, s15;
	[smem:$0x7E0] =	sst s14  }
0x2a: {  	s20 =	sadd.s32 s1, s19;
	[smem:$0x7E2] =	sst s16  }
0x2b: {  	s31 =	sadd.s32 s1, s6;
	[smem:$0x7E6] =	sst s20  }
0x2c: {  	[smem:$0x7EE] =	sst s31  }
0x2d: {  	s3 =	sshrl.u32 s3, $0x3;
	s2 =	sadd.s32 s4, s21;
	s14 =	rddreg [dreg:$0x0]  }
0x2e: {  	s17 =	sor.u32 $0xA000, s6;
	s7 =	sadd.s32 s4, s15;
	[dreg:$0x1d] =	wrdreg s2  }
0x2f: {  	s11 =	sor.u32 $0x18000, s3;
	s18 =	sadd.s32 s1, s17;
	[smem:$0x7E3] =	sst s7  }
0x30: {  	s12 =	sadd.s32 s1, s11;
	[smem:$0x7E4] =	sst s18  }
0x31: {  	s2 =	sadd.s32 s4, s22;
	[smem:$0x7F4] =	sst s12  }
0x32: {  	s21 =	sor.u32 $0xE000, s6;
	s7 =	sadd.s32 s4, s19;
	[dreg:$0x1f] =	wrdreg s2  }
0x33: {  	s22 =	sadd.s32 s1, s21;
	[smem:$0x7E7] =	sst s7  }
0x34: {  	s23 =	sor.u32 $0x10000, s6;
	s2 =	sadd.s32 s4, s24;
	[smem:$0x7E8] =	sst s22  }
0x35: {  	s24 =	sadd.s32 s1, s23;
	[smem:$0x7D7] =	sst s2  }
0x36: {  	s18 =	sor.u32 $0x1E000, s3;
	s7 =	sadd.s32 s4, s23;
	[smem:$0x7EA] =	sst s24  }
0x37: {  	s20 =	sadd.s32 s4, s18;
	[smem:$0x7EB] =	sst s7  }
0x38: {  	s25 =	sor.u32 $0x12000, s6;
	s2 =	sadd.s32 s4, s26;
	[smem:$0x7FB] =	sst s20  }
0x39: {  	s26 =	sadd.s32 s1, s25;
	[smem:$0x7D9] =	sst s2  }
0x3a: {  	s7 =	sadd.s32 s4, s6;
	[smem:$0x7EC] =	sst s26  }
0x3b: {  	s8 =	sor.u32 $0x14000, s6;
	s2 =	sadd.s32 s4, s9;
	[smem:$0x7EF] =	sst s7  }
0x3c: {  	s6 =	sor.u32 $0x16000, s6;
	s9 =	sadd.s32 s1, s8;
	[smem:$0x7DD] =	sst s2  }
0x3d: {  	s10 =	sadd.s32 s1, s6;
	[smem:$0x7F0] =	sst s9  }
0x3e: {  	s6 =	sadd.s32 s4, s6;
	[smem:$0x7F2] =	sst s10  }
0x3f: {  	s2 =	sadd.s32 s4, s13;
	[smem:$0x7F3] =	sst s6  }
0x40: {  	s28 =	simm.s32 $0x2;
	s13 =	sor.u32 $0x1A000, s3;
	[smem:$0x7E1] =	sst s2  }
0x41: {  	s2 =	sadd.s32 s4, s17;
	s17 =	sor.u32 $0x1C000, s3;
	s3 =	rddreg [dreg:$0x2]  }
0x42: {  	s29 =	simm.s32 $0x7;
	s15 =	sadd.s32 s1, s13;
	[smem:$0x7E5] =	sst s2  }
0x43: {  	s30 =	simm.s32 $0x5;
	s16 =	sadd.s32 s4, s13;
	[smem:$0x7F6] =	sst s15  }
0x44: {  	s12 =	simm.s32 $0x400;
	s2 =	sadd.s32 s4, s21;
	[smem:$0x7F7] =	sst s16  }
0x45: {  	s22 =	simm.s32 $0x6;
	s19 =	sadd.s32 s1, s17;
	[smem:$0x7E9] =	sst s2  }
0x46: {  	s23 =	simm.s32 $0x80;
	s6 =	sadd.s32 s4, s17;
	[smem:$0x7F8] =	sst s19  }
0x47: {  	s24 =	simm.s32 $0x11;
	s1 =	sadd.s32 s1, s18;
	[smem:$0x7F9] =	sst s6  }
0x48: {  	s26 =	smax.u32 s5, $0x1;
	s2 =	sadd.s32 s4, s25;
	[smem:$0x7FA] =	sst s1  }
0x49: {  	s7 =	simm.s32 $0x10;
	[smem:$0x7ED] =	sst s2;
	s2 =	sadd.s32 s4, s8  }
0x4a: {  	s5 =	simm.s32 $0x0;
	[smem:$0x7F1] =	sst s2;
	s2 =	sadd.s32 s4, s11  }
0x4b: {  	s9 =	simm.s32 $0xC;
	s21 =	sshll.u32 s0, $0xC;
	[smem:$0x7F5] =	sst s2  }
0x4c: {  	s25 =	sadd.s32 $0xC00, s14;
	s31 =	sor.u32 $0x800, s21;
	s2 =	rddreg [dreg:$0x1]  }
0x4d: {  	s6 =	simm.s32 $0xB;
	_ =	strace $0x80000047;
	[smem:$0x7FC] =	sst s25  }
0x4e: {  	v0 =	vmov s21;
	v1 =	vmov s31;
	s11 =	simm.s32 $0x40;
	[smem:$0x7FD] =	sst s26;
	s26 =	simm.s32 $0x1  }
.LBB2_1:
0x4f: {  	s0 =	sld [smem:$0x7FC];
	_ =	sdelay $0x1  }
0x50: {  	[smem:$0x7D5] =	sst s5;
	s13 =	simm.s32 $0x0;
	s25 =	simm.s32 $0x15  }
0x51: {  	[tilespmem:s13], [sflag:$0x15] =	stream.linear.gather [hbm4b:s0+s13], $0x400, $0x38;
	[tilespmem:$0x14C00] =	vst v63  }
0x52: {  	_ =	swait.ge [sflag:s25], $0x400  }
0x53: {  	[sflag:s25] =	ssyncset.done $0x0  }
0x54: {  	[sflag:s25] =	ssyncadd.s32 $0xFFFFFC00  }
0x55: {  	v2 =	vld [tilespmem:s13+$0x0];
	_ =	sdelay $0x3  }
0x56: {  	s31 =	sand.u32 $0x70, s13;
	s13 =	sand.u32 $0x700, s13  }
0x57: {  	s0 =	sor.u32 s31, s13;
	v3 =	vadd.s32 v0, v2  }
0x58: {  	v2 =	vadd.s32 v1, v2;
	[tilespmem:s0+$0x400] =	vst v3  }
0x59: {  	s14 =	simm.s32 $0x10;
	[tilespmem:s0+$0x480] =	vst v2  }
0x5a: {  	s16 =	simm.s32 $0x10;
	s13 =	simm.s32 $0x20;
	s0 =	simm.s32 $0x0;
	v2 =	vld [tilespmem:s14+$0x0]  }
.LBB2_2:
0x5b: {  	p0 =	sne.s32 s13, $0x3F0;
	_ =	sdelay $0x1  }
0x5c: {  	s0 =	sadd.s32 $0x20, s0  }
.Ltmp0:
0x5d: {  	s14 =	sand.u32 $0x70, s14;
	s17 =	sand.u32 $0x700, s0;
	(pc) =	sbr.rel @p0 .LBB2_2-.Ltmp0, $4  }
0x5e: {  	s17 =	sor.u32 s14, s17;
	s14 =	smov.u32 s13;
	v3 =	vadd.s32 v0, v2;
	v2 =	vadd.s32 v1, v2  }
0x5f: {  	[tilespmem:s17+$0x400] =	vst v3  }
0x60: {  	s16 =	sadd.s32 $0x10, s16;
	[tilespmem:s17+$0x480] =	vst v2  }
0x61: {  	s13 =	sadd.s32 $0x10, s13;
	v2 =	vld [tilespmem:s16+$0x0]  }
0x62: {  	_ =	sdelay $0x1  }
0x63: {  	s0 =	sadd.s32 $0x20, s0  }
0x64: {  	s13 =	sand.u32 $0x70, s14;
	s0 =	sand.u32 $0x700, s0  }
0x65: {  	s0 =	sor.u32 s13, s0;
	v3 =	vadd.s32 v0, v2  }
0x66: {  	v2 =	vadd.s32 v1, v2;
	[tilespmem:s0+$0x400] =	vst v3  }
0x67: {  	s17 =	simm.s32 $0xC00;
	[tilespmem:s0+$0x480] =	vst v2  }
0x68: {  	[tilespmem:s17], [sflag:$0x1] =	stream.indirect.gather [hbm4b:s2+s11], $0x80, s12, s11, $0xb8;
	[tilespmem:$0x14C00] =	vst v63  }
0x69: {  	s18 =	simm.s32 $0xAC00  }
0x6a: {  	[tilespmem:s18], [sflag:$0x6] =	stream.indirect.gather [hbm4b:s3+s11], $0x80, s12, s11, $0xb8;
	[tilespmem:$0x14C00] =	vst v63  }
0x6b: {  	s19 =	simm.s32 $0x440;
	s1 =	simm.s32 $0x2C00  }
0x6c: {  	[tilespmem:s1], [sflag:$0x2] =	stream.indirect.gather [hbm4b:s2+s11], $0x80, s19, s11, $0xb8;
	[tilespmem:$0x14C00] =	vst v63  }
0x6d: {  	s4 =	simm.s32 $0xCC00  }
0x6e: {  	[tilespmem:s4], [sflag:$0x7] =	stream.indirect.gather [hbm4b:s3+s11], $0x80, s19, s11, $0xb8;
	[tilespmem:$0x14C00] =	vst v63  }
0x6f: {  	s20 =	simm.s32 $0x500;
	s21 =	simm.s32 $0x4C00  }
0x70: {  	[tilespmem:s21], [sflag:$0x3] =	stream.indirect.gather [hbm4b:s2+s11], $0x80, s20, s11, $0xb8;
	[tilespmem:$0x14C00] =	vst v63  }
0x71: {  	s25 =	simm.s32 $0xEC00  }
0x72: {  	[tilespmem:s25], [sflag:$0x8] =	stream.indirect.gather [hbm4b:s3+s11], $0x80, s20, s11, $0xb8;
	[tilespmem:$0x14C00] =	vst v63  }
0x73: {  	_ =	swait.ge [sflag:s26], $0x2000  }
0x74: {  	[sflag:s26] =	ssyncset.done $0x0  }
0x75: {  	[sflag:s26] =	ssyncadd.s32 $0xFFFFE000  }
0x76: {  	_ =	swait.ge [sflag:s22], $0x2000  }
0x77: {  	[sflag:s22] =	ssyncset.done $0x0  }
0x78: {  	s8 =	simm.s32 $0xC00;
	s31 =	rddreg [dreg:$0x1a];
	[sflag:s22] =	ssyncadd.s32 $0xFFFFE000  }
0x79: {  	[hbm4b:s31+s23] =	stream.strided.scatter [tilespmem:s8], [sflag:$0xB], $0x2000, s12, s23, $0x38;
	[tilespmem:$0x14C00] =	vst v63  }
0x7a: {  	s10 =	simm.s32 $0xAC00;
	s4 =	rddreg [dreg:$0x1b]  }
0x7b: {  	[hbm4b:s4+s23] =	stream.strided.scatter [tilespmem:s10], [sflag:$0x10], $0x2000, s12, s23, $0x38;
	[tilespmem:$0x14C00] =	vst v63  }
0x7c: {  	s13 =	simm.s32 $0x6C00;
	s8 =	simm.s32 $0x540  }
0x7d: {  	[tilespmem:s13], [sflag:$0x4] =	stream.indirect.gather [hbm4b:s2+s11], $0x80, s8, s11, $0xb8;
	[tilespmem:$0x14C00] =	vst v63  }
0x7e: {  	s16 =	simm.s32 $0x10C00  }
0x7f: {  	[tilespmem:s16], [sflag:$0x9] =	stream.indirect.gather [hbm4b:s3+s11], $0x80, s8, s11, $0xb8;
	[tilespmem:$0x14C00] =	vst v63  }
0x80: {  	_ =	swait.ge [sflag:s28], $0x2000  }
0x81: {  	[sflag:s28] =	ssyncset.done $0x0  }
0x82: {  	[sflag:s28] =	ssyncadd.s32 $0xFFFFE000  }
0x83: {  	_ =	swait.ge [sflag:s29], $0x2000  }
0x84: {  	[sflag:s29] =	ssyncset.done $0x0  }
0x85: {  	s1 =	simm.s32 $0x2C00;
	s19 =	rddreg [dreg:$0x6];
	[sflag:s29] =	ssyncadd.s32 $0xFFFFE000  }
0x86: {  	[hbm4b:s19+s23] =	stream.strided.scatter [tilespmem:s1], [sflag:$0xC], $0x2000, s12, s23, $0x38;
	[tilespmem:$0x14C00] =	vst v63  }
0x87: {  	s5 =	simm.s32 $0xCC00;
	s20 =	rddreg [dreg:$0x7]  }
0x88: {  	[hbm4b:s20+s23] =	stream.strided.scatter [tilespmem:s5], [sflag:$0x11], $0x2000, s12, s23, $0x38;
	[tilespmem:$0x14C00] =	vst v63  }
0x89: {  	s21 =	simm.s32 $0x600;
	s25 =	simm.s32 $0x8C00  }
0x8a: {  	[tilespmem:s25], [sflag:$0x5] =	stream.indirect.gather [hbm4b:s2+s11], $0x80, s21, s11, $0xb8;
	[tilespmem:$0x14C00] =	vst v63  }
0x8b: {  	s31 =	simm.s32 $0x12C00;
	s5 =	simm.s32 $0x3  }
0x8c: {  	[tilespmem:s31], [sflag:$0xA] =	stream.indirect.gather [hbm4b:s3+s11], $0x80, s21, s11, $0xb8;
	[tilespmem:$0x14C00] =	vst v63  }
0x8d: {  	_ =	swait.ge [sflag:s5], $0x2000  }
0x8e: {  	[sflag:s5] =	ssyncset.done $0x0  }
0x8f: {  	s8 =	simm.s32 $0x8;
	[sflag:s5] =	ssyncadd.s32 $0xFFFFE000  }
0x90: {  	_ =	swait.ge [sflag:s8], $0x2000  }
0x91: {  	[sflag:s8] =	ssyncset.done $0x0  }
0x92: {  	s15 =	simm.s32 $0x4C00;
	s1 =	rddreg [dreg:$0x8];
	[sflag:s8] =	ssyncadd.s32 $0xFFFFE000  }
0x93: {  	[hbm4b:s1+s23] =	stream.strided.scatter [tilespmem:s15], [sflag:$0xD], $0x2000, s12, s23, $0x38;
	[tilespmem:$0x14C00] =	vst v63  }
0x94: {  	s18 =	simm.s32 $0xEC00;
	s16 =	rddreg [dreg:$0x9]  }
0x95: {  	[hbm4b:s16+s23] =	stream.strided.scatter [tilespmem:s18], [sflag:$0x12], $0x2000, s12, s23, $0x38;
	[tilespmem:$0x14C00] =	vst v63  }
0x96: {  	_ =	swait.ge [sflag:s6], $0x2000  }
0x97: {  	[sflag:s6] =	ssyncset.done $0x0  }
0x98: {  	[sflag:s6] =	ssyncadd.s32 $0xFFFFE000  }
0x99: {  	_ =	swait.ge [sflag:s7], $0x2000  }
0x9a: {  	[sflag:s7] =	ssyncset.done $0x0  }
0x9b: {  	s14 =	simm.s32 $0xC00;
	s18 =	simm.s32 $0x640;
	[sflag:s7] =	ssyncadd.s32 $0xFFFFE000  }
0x9c: {  	[tilespmem:s14], [sflag:$0x1] =	stream.indirect.gather [hbm4b:s2+s11], $0x80, s18, s11, $0xb8;
	[tilespmem:$0x14C00] =	vst v63  }
0x9d: {  	s17 =	simm.s32 $0xAC00  }
0x9e: {  	[tilespmem:s17], [sflag:$0x6] =	stream.indirect.gather [hbm4b:s3+s11], $0x80, s18, s11, $0xb8;
	[tilespmem:$0x14C00] =	vst v63  }
0x9f: {  	s18 =	simm.s32 $0x4  }
0xa0: {  	_ =	swait.ge [sflag:s18], $0x2000  }
0xa1: {  	[sflag:s18] =	ssyncset.done $0x0  }
0xa2: {  	s15 =	simm.s32 $0x9;
	[sflag:s18] =	ssyncadd.s32 $0xFFFFE000  }
0xa3: {  	_ =	swait.ge [sflag:s15], $0x2000  }
0xa4: {  	[sflag:s15] =	ssyncset.done $0x0  }
0xa5: {  	s10 =	simm.s32 $0x6C00;
	s21 =	rddreg [dreg:$0xa];
	[sflag:s15] =	ssyncadd.s32 $0xFFFFE000  }
0xa6: {  	[hbm4b:s21+s23] =	stream.strided.scatter [tilespmem:s10], [sflag:$0xE], $0x2000, s12, s23, $0x38;
	[tilespmem:$0x14C00] =	vst v63  }
0xa7: {  	s4 =	simm.s32 $0x10C00;
	s1 =	rddreg [dreg:$0xb]  }
0xa8: {  	[hbm4b:s1+s23] =	stream.strided.scatter [tilespmem:s4], [sflag:$0x13], $0x2000, s12, s23, $0x38;
	[tilespmem:$0x14C00] =	vst v63  }
0xa9: {  	_ =	swait.ge [sflag:s9], $0x2000  }
0xaa: {  	[sflag:s9] =	ssyncset.done $0x0  }
0xab: {  	[sflag:s9] =	ssyncadd.s32 $0xFFFFE000  }
0xac: {  	_ =	swait.ge [sflag:s24], $0x2000  }
0xad: {  	[sflag:s24] =	ssyncset.done $0x0  }
0xae: {  	s13 =	simm.s32 $0x2C00;
	s10 =	simm.s32 $0x700;
	[sflag:s24] =	ssyncadd.s32 $0xFFFFE000  }
0xaf: {  	[tilespmem:s13], [sflag:$0x2] =	stream.indirect.gather [hbm4b:s2+s11], $0x80, s10, s11, $0xb8;
	[tilespmem:$0x14C00] =	vst v63  }
0xb0: {  	s19 =	simm.s32 $0xCC00  }
0xb1: {  	[tilespmem:s19], [sflag:$0x7] =	stream.indirect.gather [hbm4b:s3+s11], $0x80, s10, s11, $0xb8;
	[tilespmem:$0x14C00] =	vst v63  }
0xb2: {  	_ =	swait.ge [sflag:s30], $0x2000  }
0xb3: {  	[sflag:s30] =	ssyncset.done $0x0  }
0xb4: {  	s10 =	simm.s32 $0xA;
	[sflag:s30] =	ssyncadd.s32 $0xFFFFE000  }
0xb5: {  	_ =	swait.ge [sflag:s10], $0x2000  }
0xb6: {  	[sflag:s10] =	ssyncset.done $0x0  }
0xb7: {  	s4 =	simm.s32 $0x8C00;
	s13 =	rddreg [dreg:$0xc];
	[sflag:s10] =	ssyncadd.s32 $0xFFFFE000  }
0xb8: {  	[hbm4b:s13+s23] =	stream.strided.scatter [tilespmem:s4], [sflag:$0xF], $0x2000, s12, s23, $0x38;
	[tilespmem:$0x14C00] =	vst v63  }
0xb9: {  	s31 =	simm.s32 $0x12C00;
	s19 =	rddreg [dreg:$0xd]  }
0xba: {  	[hbm4b:s19+s23] =	stream.strided.scatter [tilespmem:s31], [sflag:$0x14], $0x2000, s12, s23, $0x38;
	[tilespmem:$0x14C00] =	vst v63  }
0xbb: {  	s31 =	simm.s32 $0xD  }
0xbc: {  	_ =	swait.ge [sflag:s31], $0x2000  }
0xbd: {  	[sflag:s31] =	ssyncset.done $0x0  }
0xbe: {  	s19 =	simm.s32 $0x12;
	[sflag:s31] =	ssyncadd.s32 $0xFFFFE000  }
0xbf: {  	_ =	swait.ge [sflag:s19], $0x2000  }
0xc0: {  	[sflag:s19] =	ssyncset.done $0x0  }
0xc1: {  	s0 =	simm.s32 $0x740;
	s20 =	simm.s32 $0x4C00;
	[sflag:s19] =	ssyncadd.s32 $0xFFFFE000  }
0xc2: {  	[tilespmem:s20], [sflag:$0x3] =	stream.indirect.gather [hbm4b:s2+s11], $0x80, s0, s11, $0xb8;
	[tilespmem:$0x14C00] =	vst v63  }
0xc3: {  	s16 =	simm.s32 $0xEC00  }
0xc4: {  	[tilespmem:s16], [sflag:$0x8] =	stream.indirect.gather [hbm4b:s3+s11], $0x80, s0, s11, $0xb8;
	[tilespmem:$0x14C00] =	vst v63  }
0xc5: {  	_ =	swait.ge [sflag:s26], $0x2000  }
0xc6: {  	[sflag:s26] =	ssyncset.done $0x0  }
0xc7: {  	[sflag:s26] =	ssyncadd.s32 $0xFFFFE000  }
0xc8: {  	_ =	swait.ge [sflag:s22], $0x2000  }
0xc9: {  	[sflag:s22] =	ssyncset.done $0x0  }
0xca: {  	s25 =	simm.s32 $0xC00;
	s20 =	rddreg [dreg:$0xe];
	[sflag:s22] =	ssyncadd.s32 $0xFFFFE000  }
0xcb: {  	[hbm4b:s20+s23] =	stream.strided.scatter [tilespmem:s25], [sflag:$0xB], $0x2000, s12, s23, $0x38;
	[tilespmem:$0x14C00] =	vst v63  }
0xcc: {  	s20 =	rddreg [dreg:$0xf];
	s25 =	simm.s32 $0xAC00  }
0xcd: {  	[hbm4b:s20+s23] =	stream.strided.scatter [tilespmem:s25], [sflag:$0x10], $0x2000, s12, s23, $0x38;
	[tilespmem:$0x14C00] =	vst v63  }
0xce: {  	s20 =	simm.s32 $0xE  }
0xcf: {  	_ =	swait.ge [sflag:s20], $0x2000  }
0xd0: {  	[sflag:s20] =	ssyncset.done $0x0  }
0xd1: {  	s25 =	simm.s32 $0x13;
	[sflag:s20] =	ssyncadd.s32 $0xFFFFE000  }
0xd2: {  	_ =	swait.ge [sflag:s25], $0x2000  }
0xd3: {  	[sflag:s25] =	ssyncset.done $0x0  }
0xd4: {  	s14 =	simm.s32 $0x6C00;
	s0 =	simm.s32 $0x800;
	[sflag:s25] =	ssyncadd.s32 $0xFFFFE000  }
0xd5: {  	[tilespmem:s14], [sflag:$0x4] =	stream.indirect.gather [hbm4b:s2+s11], $0x80, s0, s11, $0xb8;
	[tilespmem:$0x14C00] =	vst v63  }
0xd6: {  	s1 =	simm.s32 $0x10C00  }
0xd7: {  	[tilespmem:s1], [sflag:$0x9] =	stream.indirect.gather [hbm4b:s3+s11], $0x80, s0, s11, $0xb8;
	[tilespmem:$0x14C00] =	vst v63  }
0xd8: {  	_ =	swait.ge [sflag:s28], $0x2000  }
0xd9: {  	[sflag:s28] =	ssyncset.done $0x0  }
0xda: {  	[sflag:s28] =	ssyncadd.s32 $0xFFFFE000  }
0xdb: {  	_ =	swait.ge [sflag:s29], $0x2000  }
0xdc: {  	[sflag:s29] =	ssyncset.done $0x0  }
0xdd: {  	s21 =	simm.s32 $0x2C00;
	s1 =	rddreg [dreg:$0x10];
	[sflag:s29] =	ssyncadd.s32 $0xFFFFE000  }
0xde: {  	[hbm4b:s1+s23] =	stream.strided.scatter [tilespmem:s21], [sflag:$0xC], $0x2000, s12, s23, $0x38;
	[tilespmem:$0x14C00] =	vst v63  }
0xdf: {  	s17 =	simm.s32 $0xCC00;
	s1 =	rddreg [dreg:$0x11]  }
0xe0: {  	[hbm4b:s1+s23] =	stream.strided.scatter [tilespmem:s17], [sflag:$0x11], $0x2000, s12, s23, $0x38;
	[tilespmem:$0x14C00] =	vst v63  }
0xe1: {  	s1 =	simm.s32 $0xF  }
0xe2: {  	_ =	swait.ge [sflag:s1], $0x2000  }
0xe3: {  	[sflag:s1] =	ssyncset.done $0x0  }
0xe4: {  	s21 =	simm.s32 $0x14;
	[sflag:s1] =	ssyncadd.s32 $0xFFFFE000  }
0xe5: {  	_ =	swait.ge [sflag:s21], $0x2000  }
0xe6: {  	[sflag:s21] =	ssyncset.done $0x0  }
0xe7: {  	s17 =	simm.s32 $0x840;
	[sflag:s21] =	ssyncadd.s32 $0xFFFFE000  }
0xe8: {  	[tilespmem:s4], [sflag:$0x5] =	stream.indirect.gather [hbm4b:s2+s11], $0x80, s17, s11, $0xb8;
	[tilespmem:$0x14C00] =	vst v63  }
0xe9: {  	s13 =	simm.s32 $0x12C00  }
0xea: {  	[tilespmem:s13], [sflag:$0xA] =	stream.indirect.gather [hbm4b:s3+s11], $0x80, s17, s11, $0xb8;
	[tilespmem:$0x14C00] =	vst v63  }
0xeb: {  	_ =	swait.ge [sflag:s5], $0x2000  }
0xec: {  	[sflag:s5] =	ssyncset.done $0x0  }
0xed: {  	[sflag:s5] =	ssyncadd.s32 $0xFFFFE000  }
0xee: {  	_ =	swait.ge [sflag:s8], $0x2000  }
0xef: {  	[sflag:s8] =	ssyncset.done $0x0  }
0xf0: {  	s13 =	simm.s32 $0x4C00;
	s4 =	rddreg [dreg:$0x12];
	[sflag:s8] =	ssyncadd.s32 $0xFFFFE000  }
0xf1: {  	[hbm4b:s4+s23] =	stream.strided.scatter [tilespmem:s13], [sflag:$0xD], $0x2000, s12, s23, $0x38;
	[tilespmem:$0x14C00] =	vst v63  }
0xf2: {  	s16 =	simm.s32 $0xEC00;
	s17 =	rddreg [dreg:$0x13]  }
0xf3: {  	[hbm4b:s17+s23] =	stream.strided.scatter [tilespmem:s16], [sflag:$0x12], $0x2000, s12, s23, $0x38;
	[tilespmem:$0x14C00] =	vst v63  }
0xf4: {  	_ =	swait.ge [sflag:s6], $0x2000  }
0xf5: {  	[sflag:s6] =	ssyncset.done $0x0  }
0xf6: {  	[sflag:s6] =	ssyncadd.s32 $0xFFFFE000  }
0xf7: {  	_ =	swait.ge [sflag:s7], $0x2000  }
0xf8: {  	[sflag:s7] =	ssyncset.done $0x0  }
0xf9: {  	s0 =	simm.s32 $0x900;
	s4 =	simm.s32 $0xC00;
	[sflag:s7] =	ssyncadd.s32 $0xFFFFE000  }
0xfa: {  	[tilespmem:s4], [sflag:$0x1] =	stream.indirect.gather [hbm4b:s2+s11], $0x80, s0, s11, $0xb8;
	[tilespmem:$0x14C00] =	vst v63  }
0xfb: {  	s16 =	simm.s32 $0xAC00  }
0xfc: {  	[tilespmem:s16], [sflag:$0x6] =	stream.indirect.gather [hbm4b:s3+s11], $0x80, s0, s11, $0xb8;
	[tilespmem:$0x14C00] =	vst v63  }
0xfd: {  	_ =	swait.ge [sflag:s18], $0x2000  }
0xfe: {  	[sflag:s18] =	ssyncset.done $0x0  }
0xff: {  	[sflag:s18] =	ssyncadd.s32 $0xFFFFE000  }
0x100: {  	_ =	swait.ge [sflag:s15], $0x2000  }
0x101: {  	[sflag:s15] =	ssyncset.done $0x0  }
0x102: {  	s16 =	simm.s32 $0x6C00;
	s4 =	rddreg [dreg:$0x14];
	[sflag:s15] =	ssyncadd.s32 $0xFFFFE000  }
0x103: {  	[hbm4b:s4+s23] =	stream.strided.scatter [tilespmem:s16], [sflag:$0xE], $0x2000, s12, s23, $0x38;
	[tilespmem:$0x14C00] =	vst v63  }
0x104: {  	s14 =	simm.s32 $0x10C00;
	s16 =	rddreg [dreg:$0x15]  }
0x105: {  	[hbm4b:s16+s23] =	stream.strided.scatter [tilespmem:s14], [sflag:$0x13], $0x2000, s12, s23, $0x38;
	[tilespmem:$0x14C00] =	vst v63  }
0x106: {  	_ =	swait.ge [sflag:s9], $0x2000  }
0x107: {  	[sflag:s9] =	ssyncset.done $0x0  }
0x108: {  	[sflag:s9] =	ssyncadd.s32 $0xFFFFE000  }
0x109: {  	_ =	swait.ge [sflag:s24], $0x2000  }
0x10a: {  	[sflag:s24] =	ssyncset.done $0x0  }
0x10b: {  	s0 =	simm.s32 $0x940;
	s4 =	simm.s32 $0x2C00;
	[sflag:s24] =	ssyncadd.s32 $0xFFFFE000  }
0x10c: {  	[tilespmem:s4], [sflag:$0x2] =	stream.indirect.gather [hbm4b:s2+s11], $0x80, s0, s11, $0xb8;
	[tilespmem:$0x14C00] =	vst v63  }
0x10d: {  	s4 =	simm.s32 $0xCC00  }
0x10e: {  	[tilespmem:s4], [sflag:$0x7] =	stream.indirect.gather [hbm4b:s3+s11], $0x80, s0, s11, $0xb8;
	[tilespmem:$0x14C00] =	vst v63  }
0x10f: {  	_ =	swait.ge [sflag:s30], $0x2000  }
0x110: {  	[sflag:s30] =	ssyncset.done $0x0  }
0x111: {  	[sflag:s30] =	ssyncadd.s32 $0xFFFFE000  }
0x112: {  	_ =	swait.ge [sflag:s10], $0x2000  }
0x113: {  	[sflag:s10] =	ssyncset.done $0x0  }
0x114: {  	s4 =	simm.s32 $0x8C00;
	s0 =	rddreg [dreg:$0x16];
	[sflag:s10] =	ssyncadd.s32 $0xFFFFE000  }
0x115: {  	[hbm4b:s0+s23] =	stream.strided.scatter [tilespmem:s4], [sflag:$0xF], $0x2000, s12, s23, $0x38;
	[tilespmem:$0x14C00] =	vst v63  }
0x116: {  	s0 =	rddreg [dreg:$0x17];
	s4 =	simm.s32 $0x12C00  }
0x117: {  	[hbm4b:s0+s23] =	stream.strided.scatter [tilespmem:s4], [sflag:$0x14], $0x2000, s12, s23, $0x38;
	[tilespmem:$0x14C00] =	vst v63  }
0x118: {  	_ =	swait.ge [sflag:s31], $0x2000  }
0x119: {  	[sflag:s31] =	ssyncset.done $0x0  }
0x11a: {  	[sflag:s31] =	ssyncadd.s32 $0xFFFFE000  }
0x11b: {  	_ =	swait.ge [sflag:s19], $0x2000  }
0x11c: {  	[sflag:s19] =	ssyncset.done $0x0  }
0x11d: {  	s0 =	simm.s32 $0xA00;
	s4 =	simm.s32 $0x4C00;
	[sflag:s19] =	ssyncadd.s32 $0xFFFFE000  }
0x11e: {  	[tilespmem:s4], [sflag:$0x3] =	stream.indirect.gather [hbm4b:s2+s11], $0x80, s0, s11, $0xb8;
	[tilespmem:$0x14C00] =	vst v63  }
0x11f: {  	s17 =	simm.s32 $0xEC00  }
0x120: {  	[tilespmem:s17], [sflag:$0x8] =	stream.indirect.gather [hbm4b:s3+s11], $0x80, s0, s11, $0xb8;
	[tilespmem:$0x14C00] =	vst v63  }
0x121: {  	_ =	swait.ge [sflag:s26], $0x2000  }
0x122: {  	[sflag:s26] =	ssyncset.done $0x0  }
0x123: {  	[sflag:s26] =	ssyncadd.s32 $0xFFFFE000  }
0x124: {  	_ =	swait.ge [sflag:s22], $0x2000  }
0x125: {  	[sflag:s22] =	ssyncset.done $0x0  }
0x126: {  	s4 =	simm.s32 $0xC00;
	s0 =	rddreg [dreg:$0x18];
	[sflag:s22] =	ssyncadd.s32 $0xFFFFE000  }
0x127: {  	[hbm4b:s0+s23] =	stream.strided.scatter [tilespmem:s4], [sflag:$0xB], $0x2000, s12, s23, $0x38;
	[tilespmem:$0x14C00] =	vst v63  }
0x128: {  	s13 =	simm.s32 $0xAC00;
	s4 =	rddreg [dreg:$0x19]  }
0x129: {  	[hbm4b:s4+s23] =	stream.strided.scatter [tilespmem:s13], [sflag:$0x10], $0x2000, s12, s23, $0x38;
	[tilespmem:$0x14C00] =	vst v63  }
0x12a: {  	_ =	swait.ge [sflag:s20], $0x2000  }
0x12b: {  	[sflag:s20] =	ssyncset.done $0x0  }
0x12c: {  	[sflag:s20] =	ssyncadd.s32 $0xFFFFE000  }
0x12d: {  	_ =	swait.ge [sflag:s25], $0x2000  }
0x12e: {  	[sflag:s25] =	ssyncset.done $0x0  }
0x12f: {  	s0 =	simm.s32 $0xA40;
	s4 =	simm.s32 $0x6C00;
	[sflag:s25] =	ssyncadd.s32 $0xFFFFE000  }
0x130: {  	[tilespmem:s4], [sflag:$0x4] =	stream.indirect.gather [hbm4b:s2+s11], $0x80, s0, s11, $0xb8;
	[tilespmem:$0x14C00] =	vst v63  }
0x131: {  	s16 =	simm.s32 $0x10C00  }
0x132: {  	[tilespmem:s16], [sflag:$0x9] =	stream.indirect.gather [hbm4b:s3+s11], $0x80, s0, s11, $0xb8;
	[tilespmem:$0x14C00] =	vst v63  }
0x133: {  	_ =	swait.ge [sflag:s28], $0x2000  }
0x134: {  	[sflag:s28] =	ssyncset.done $0x0  }
0x135: {  	[sflag:s28] =	ssyncadd.s32 $0xFFFFE000  }
0x136: {  	_ =	swait.ge [sflag:s29], $0x2000  }
0x137: {  	[sflag:s29] =	ssyncset.done $0x0  }
0x138: {  	s4 =	simm.s32 $0x2C00;
	s0 =	rddreg [dreg:$0x1c];
	[sflag:s29] =	ssyncadd.s32 $0xFFFFE000  }
0x139: {  	[hbm4b:s0+s23] =	stream.strided.scatter [tilespmem:s4], [sflag:$0xC], $0x2000, s12, s23, $0x38;
	[tilespmem:$0x14C00] =	vst v63  }
0x13a: {  	s14 =	simm.s32 $0xCC00;
	s4 =	rddreg [dreg:$0x1d]  }
0x13b: {  	[hbm4b:s4+s23] =	stream.strided.scatter [tilespmem:s14], [sflag:$0x11], $0x2000, s12, s23, $0x38;
	[tilespmem:$0x14C00] =	vst v63  }
0x13c: {  	_ =	swait.ge [sflag:s1], $0x2000  }
0x13d: {  	[sflag:s1] =	ssyncset.done $0x0  }
0x13e: {  	[sflag:s1] =	ssyncadd.s32 $0xFFFFE000  }
0x13f: {  	_ =	swait.ge [sflag:s21], $0x2000  }
0x140: {  	[sflag:s21] =	ssyncset.done $0x0  }
0x141: {  	s0 =	simm.s32 $0xB00;
	s4 =	simm.s32 $0x8C00;
	[sflag:s21] =	ssyncadd.s32 $0xFFFFE000  }
0x142: {  	[tilespmem:s4], [sflag:$0x5] =	stream.indirect.gather [hbm4b:s2+s11], $0x80, s0, s11, $0xb8;
	[tilespmem:$0x14C00] =	vst v63  }
0x143: {  	s4 =	simm.s32 $0x12C00  }
0x144: {  	[tilespmem:s4], [sflag:$0xA] =	stream.indirect.gather [hbm4b:s3+s11], $0x80, s0, s11, $0xb8;
	[tilespmem:$0x14C00] =	vst v63  }
0x145: {  	_ =	swait.ge [sflag:s5], $0x2000  }
0x146: {  	[sflag:s5] =	ssyncset.done $0x0  }
0x147: {  	[sflag:s5] =	ssyncadd.s32 $0xFFFFE000  }
0x148: {  	_ =	swait.ge [sflag:s8], $0x2000  }
0x149: {  	[sflag:s8] =	ssyncset.done $0x0  }
0x14a: {  	s4 =	simm.s32 $0x4C00;
	s0 =	rddreg [dreg:$0x1e];
	[sflag:s8] =	ssyncadd.s32 $0xFFFFE000  }
0x14b: {  	[hbm4b:s0+s23] =	stream.strided.scatter [tilespmem:s4], [sflag:$0xD], $0x2000, s12, s23, $0x38;
	[tilespmem:$0x14C00] =	vst v63  }
0x14c: {  	s17 =	simm.s32 $0xEC00;
	s4 =	rddreg [dreg:$0x1f]  }
0x14d: {  	[hbm4b:s4+s23] =	stream.strided.scatter [tilespmem:s17], [sflag:$0x12], $0x2000, s12, s23, $0x38;
	[tilespmem:$0x14C00] =	vst v63  }
0x14e: {  	_ =	swait.ge [sflag:s6], $0x2000  }
0x14f: {  	[sflag:s6] =	ssyncset.done $0x0  }
0x150: {  	[sflag:s6] =	ssyncadd.s32 $0xFFFFE000  }
0x151: {  	_ =	swait.ge [sflag:s7], $0x2000  }
0x152: {  	[sflag:s7] =	ssyncset.done $0x0  }
0x153: {  	s0 =	simm.s32 $0xB40;
	s4 =	simm.s32 $0xC00;
	[sflag:s7] =	ssyncadd.s32 $0xFFFFE000  }
0x154: {  	[tilespmem:s4], [sflag:$0x1] =	stream.indirect.gather [hbm4b:s2+s11], $0x80, s0, s11, $0xb8;
	[tilespmem:$0x14C00] =	vst v63  }
0x155: {  	s13 =	simm.s32 $0xAC00  }
0x156: {  	[tilespmem:s13], [sflag:$0x6] =	stream.indirect.gather [hbm4b:s3+s11], $0x80, s0, s11, $0xb8;
	[tilespmem:$0x14C00] =	vst v63  }
0x157: {  	_ =	swait.ge [sflag:s18], $0x2000  }
0x158: {  	[sflag:s18] =	ssyncset.done $0x0  }
0x159: {  	[sflag:s18] =	ssyncadd.s32 $0xFFFFE000  }
0x15a: {  	_ =	swait.ge [sflag:s15], $0x2000  }
0x15b: {  	s0 =	sld [smem:$0x7D6]  }
0x15c: {  	[sflag:s15] =	ssyncset.done $0x0  }
0x15d: {  	s4 =	simm.s32 $0x6C00;
	[sflag:s15] =	ssyncadd.s32 $0xFFFFE000  }
0x15e: {  	[hbm4b:s0+s23] =	stream.strided.scatter [tilespmem:s4], [sflag:$0xE], $0x2000, s12, s23, $0x38;
	[tilespmem:$0x14C00] =	vst v63  }
0x15f: {  	s4 =	sld [smem:$0x7D7];
	_ =	sdelay $0x1  }
0x160: {  	s16 =	simm.s32 $0x10C00  }
0x161: {  	[hbm4b:s4+s23] =	stream.strided.scatter [tilespmem:s16], [sflag:$0x13], $0x2000, s12, s23, $0x38;
	[tilespmem:$0x14C00] =	vst v63  }
0x162: {  	_ =	swait.ge [sflag:s9], $0x2000  }
0x163: {  	[sflag:s9] =	ssyncset.done $0x0  }
0x164: {  	[sflag:s9] =	ssyncadd.s32 $0xFFFFE000  }
0x165: {  	_ =	swait.ge [sflag:s24], $0x2000  }
0x166: {  	[sflag:s24] =	ssyncset.done $0x0  }
0x167: {  	s0 =	simm.s32 $0x480;
	s4 =	simm.s32 $0x2C00;
	[sflag:s24] =	ssyncadd.s32 $0xFFFFE000  }
0x168: {  	[tilespmem:s4], [sflag:$0x2] =	stream.indirect.gather [hbm4b:s2+s11], $0x80, s0, s11, $0xb8;
	[tilespmem:$0x14C00] =	vst v63  }
0x169: {  	s14 =	simm.s32 $0xCC00  }
0x16a: {  	[tilespmem:s14], [sflag:$0x7] =	stream.indirect.gather [hbm4b:s3+s11], $0x80, s0, s11, $0xb8;
	[tilespmem:$0x14C00] =	vst v63  }
0x16b: {  	_ =	swait.ge [sflag:s30], $0x2000  }
0x16c: {  	[sflag:s30] =	ssyncset.done $0x0  }
0x16d: {  	[sflag:s30] =	ssyncadd.s32 $0xFFFFE000  }
0x16e: {  	_ =	swait.ge [sflag:s10], $0x2000  }
0x16f: {  	s0 =	sld [smem:$0x7D8]  }
0x170: {  	[sflag:s10] =	ssyncset.done $0x0  }
0x171: {  	s4 =	simm.s32 $0x8C00;
	[sflag:s10] =	ssyncadd.s32 $0xFFFFE000  }
0x172: {  	[hbm4b:s0+s23] =	stream.strided.scatter [tilespmem:s4], [sflag:$0xF], $0x2000, s12, s23, $0x38;
	[tilespmem:$0x14C00] =	vst v63  }
0x173: {  	s0 =	sld [smem:$0x7D9];
	_ =	sdelay $0x1  }
0x174: {  	s4 =	simm.s32 $0x12C00  }
0x175: {  	[hbm4b:s0+s23] =	stream.strided.scatter [tilespmem:s4], [sflag:$0x14], $0x2000, s12, s23, $0x38;
	[tilespmem:$0x14C00] =	vst v63  }
0x176: {  	_ =	swait.ge [sflag:s31], $0x2000  }
0x177: {  	[sflag:s31] =	ssyncset.done $0x0  }
0x178: {  	[sflag:s31] =	ssyncadd.s32 $0xFFFFE000  }
0x179: {  	_ =	swait.ge [sflag:s19], $0x2000  }
0x17a: {  	[sflag:s19] =	ssyncset.done $0x0  }
0x17b: {  	s0 =	simm.s32 $0x4C0;
	s4 =	simm.s32 $0x4C00;
	[sflag:s19] =	ssyncadd.s32 $0xFFFFE000  }
0x17c: {  	[tilespmem:s4], [sflag:$0x3] =	stream.indirect.gather [hbm4b:s2+s11], $0x80, s0, s11, $0xb8;
	[tilespmem:$0x14C00] =	vst v63  }
0x17d: {  	s17 =	simm.s32 $0xEC00  }
0x17e: {  	[tilespmem:s17], [sflag:$0x8] =	stream.indirect.gather [hbm4b:s3+s11], $0x80, s0, s11, $0xb8;
	[tilespmem:$0x14C00] =	vst v63  }
0x17f: {  	_ =	swait.ge [sflag:s26], $0x2000  }
0x180: {  	[sflag:s26] =	ssyncset.done $0x0  }
0x181: {  	[sflag:s26] =	ssyncadd.s32 $0xFFFFE000  }
0x182: {  	_ =	swait.ge [sflag:s22], $0x2000  }
0x183: {  	s0 =	sld [smem:$0x7DA]  }
0x184: {  	[sflag:s22] =	ssyncset.done $0x0  }
0x185: {  	s4 =	simm.s32 $0xC00;
	[sflag:s22] =	ssyncadd.s32 $0xFFFFE000  }
0x186: {  	[hbm4b:s0+s23] =	stream.strided.scatter [tilespmem:s4], [sflag:$0xB], $0x2000, s12, s23, $0x38;
	[tilespmem:$0x14C00] =	vst v63  }
0x187: {  	s4 =	sld [smem:$0x7DB];
	_ =	sdelay $0x1  }
0x188: {  	s13 =	simm.s32 $0xAC00  }
0x189: {  	[hbm4b:s4+s23] =	stream.strided.scatter [tilespmem:s13], [sflag:$0x10], $0x2000, s12, s23, $0x38;
	[tilespmem:$0x14C00] =	vst v63  }
0x18a: {  	_ =	swait.ge [sflag:s20], $0x2000  }
0x18b: {  	[sflag:s20] =	ssyncset.done $0x0  }
0x18c: {  	[sflag:s20] =	ssyncadd.s32 $0xFFFFE000  }
0x18d: {  	_ =	swait.ge [sflag:s25], $0x2000  }
0x18e: {  	[sflag:s25] =	ssyncset.done $0x0  }
0x18f: {  	s0 =	simm.s32 $0x580;
	s4 =	simm.s32 $0x6C00;
	[sflag:s25] =	ssyncadd.s32 $0xFFFFE000  }
0x190: {  	[tilespmem:s4], [sflag:$0x4] =	stream.indirect.gather [hbm4b:s2+s11], $0x80, s0, s11, $0xb8;
	[tilespmem:$0x14C00] =	vst v63  }
0x191: {  	s16 =	simm.s32 $0x10C00  }
0x192: {  	[tilespmem:s16], [sflag:$0x9] =	stream.indirect.gather [hbm4b:s3+s11], $0x80, s0, s11, $0xb8;
	[tilespmem:$0x14C00] =	vst v63  }
0x193: {  	_ =	swait.ge [sflag:s28], $0x2000  }
0x194: {  	[sflag:s28] =	ssyncset.done $0x0  }
0x195: {  	[sflag:s28] =	ssyncadd.s32 $0xFFFFE000  }
0x196: {  	_ =	swait.ge [sflag:s29], $0x2000  }
0x197: {  	s0 =	sld [smem:$0x7EE]  }
0x198: {  	[sflag:s29] =	ssyncset.done $0x0  }
0x199: {  	s4 =	simm.s32 $0x2C00;
	[sflag:s29] =	ssyncadd.s32 $0xFFFFE000  }
0x19a: {  	[hbm4b:s0+s23] =	stream.strided.scatter [tilespmem:s4], [sflag:$0xC], $0x2000, s12, s23, $0x38;
	[tilespmem:$0x14C00] =	vst v63  }
0x19b: {  	s4 =	sld [smem:$0x7EF];
	_ =	sdelay $0x1  }
0x19c: {  	s14 =	simm.s32 $0xCC00  }
0x19d: {  	[hbm4b:s4+s23] =	stream.strided.scatter [tilespmem:s14], [sflag:$0x11], $0x2000, s12, s23, $0x38;
	[tilespmem:$0x14C00] =	vst v63  }
0x19e: {  	_ =	swait.ge [sflag:s1], $0x2000  }
0x19f: {  	[sflag:s1] =	ssyncset.done $0x0  }
0x1a0: {  	[sflag:s1] =	ssyncadd.s32 $0xFFFFE000  }
0x1a1: {  	_ =	swait.ge [sflag:s21], $0x2000  }
0x1a2: {  	[sflag:s21] =	ssyncset.done $0x0  }
0x1a3: {  	s0 =	simm.s32 $0x5C0;
	s4 =	simm.s32 $0x8C00;
	[sflag:s21] =	ssyncadd.s32 $0xFFFFE000  }
0x1a4: {  	[tilespmem:s4], [sflag:$0x5] =	stream.indirect.gather [hbm4b:s2+s11], $0x80, s0, s11, $0xb8;
	[tilespmem:$0x14C00] =	vst v63  }
0x1a5: {  	s4 =	simm.s32 $0x12C00  }
0x1a6: {  	[tilespmem:s4], [sflag:$0xA] =	stream.indirect.gather [hbm4b:s3+s11], $0x80, s0, s11, $0xb8;
	[tilespmem:$0x14C00] =	vst v63  }
0x1a7: {  	_ =	swait.ge [sflag:s5], $0x2000  }
0x1a8: {  	[sflag:s5] =	ssyncset.done $0x0  }
0x1a9: {  	[sflag:s5] =	ssyncadd.s32 $0xFFFFE000  }
0x1aa: {  	_ =	swait.ge [sflag:s8], $0x2000  }
0x1ab: {  	s0 =	sld [smem:$0x7DC]  }
0x1ac: {  	[sflag:s8] =	ssyncset.done $0x0  }
0x1ad: {  	s4 =	simm.s32 $0x4C00;
	[sflag:s8] =	ssyncadd.s32 $0xFFFFE000  }
0x1ae: {  	[hbm4b:s0+s23] =	stream.strided.scatter [tilespmem:s4], [sflag:$0xD], $0x2000, s12, s23, $0x38;
	[tilespmem:$0x14C00] =	vst v63  }
0x1af: {  	s4 =	sld [smem:$0x7DD];
	_ =	sdelay $0x1  }
0x1b0: {  	s17 =	simm.s32 $0xEC00  }
0x1b1: {  	[hbm4b:s4+s23] =	stream.strided.scatter [tilespmem:s17], [sflag:$0x12], $0x2000, s12, s23, $0x38;
	[tilespmem:$0x14C00] =	vst v63  }
0x1b2: {  	_ =	swait.ge [sflag:s6], $0x2000  }
0x1b3: {  	[sflag:s6] =	ssyncset.done $0x0  }
0x1b4: {  	[sflag:s6] =	ssyncadd.s32 $0xFFFFE000  }
0x1b5: {  	_ =	swait.ge [sflag:s7], $0x2000  }
0x1b6: {  	[sflag:s7] =	ssyncset.done $0x0  }
0x1b7: {  	s0 =	simm.s32 $0x680;
	s4 =	simm.s32 $0xC00;
	[sflag:s7] =	ssyncadd.s32 $0xFFFFE000  }
0x1b8: {  	[tilespmem:s4], [sflag:$0x1] =	stream.indirect.gather [hbm4b:s2+s11], $0x80, s0, s11, $0xb8;
	[tilespmem:$0x14C00] =	vst v63  }
0x1b9: {  	s13 =	simm.s32 $0xAC00  }
0x1ba: {  	[tilespmem:s13], [sflag:$0x6] =	stream.indirect.gather [hbm4b:s3+s11], $0x80, s0, s11, $0xb8;
	[tilespmem:$0x14C00] =	vst v63  }
0x1bb: {  	_ =	swait.ge [sflag:s18], $0x2000  }
0x1bc: {  	[sflag:s18] =	ssyncset.done $0x0  }
0x1bd: {  	[sflag:s18] =	ssyncadd.s32 $0xFFFFE000  }
0x1be: {  	_ =	swait.ge [sflag:s15], $0x2000  }
0x1bf: {  	s0 =	sld [smem:$0x7DE]  }
0x1c0: {  	[sflag:s15] =	ssyncset.done $0x0  }
0x1c1: {  	s4 =	simm.s32 $0x6C00;
	[sflag:s15] =	ssyncadd.s32 $0xFFFFE000  }
0x1c2: {  	[hbm4b:s0+s23] =	stream.strided.scatter [tilespmem:s4], [sflag:$0xE], $0x2000, s12, s23, $0x38;
	[tilespmem:$0x14C00] =	vst v63  }
0x1c3: {  	s4 =	sld [smem:$0x7DF];
	_ =	sdelay $0x1  }
0x1c4: {  	s16 =	simm.s32 $0x10C00  }
0x1c5: {  	[hbm4b:s4+s23] =	stream.strided.scatter [tilespmem:s16], [sflag:$0x13], $0x2000, s12, s23, $0x38;
	[tilespmem:$0x14C00] =	vst v63  }
0x1c6: {  	_ =	swait.ge [sflag:s9], $0x2000  }
0x1c7: {  	[sflag:s9] =	ssyncset.done $0x0  }
0x1c8: {  	[sflag:s9] =	ssyncadd.s32 $0xFFFFE000  }
0x1c9: {  	_ =	swait.ge [sflag:s24], $0x2000  }
0x1ca: {  	[sflag:s24] =	ssyncset.done $0x0  }
0x1cb: {  	s0 =	simm.s32 $0x6C0;
	s4 =	simm.s32 $0x2C00;
	[sflag:s24] =	ssyncadd.s32 $0xFFFFE000  }
0x1cc: {  	[tilespmem:s4], [sflag:$0x2] =	stream.indirect.gather [hbm4b:s2+s11], $0x80, s0, s11, $0xb8;
	[tilespmem:$0x14C00] =	vst v63  }
0x1cd: {  	s14 =	simm.s32 $0xCC00  }
0x1ce: {  	[tilespmem:s14], [sflag:$0x7] =	stream.indirect.gather [hbm4b:s3+s11], $0x80, s0, s11, $0xb8;
	[tilespmem:$0x14C00] =	vst v63  }
0x1cf: {  	_ =	swait.ge [sflag:s30], $0x2000  }
0x1d0: {  	[sflag:s30] =	ssyncset.done $0x0  }
0x1d1: {  	[sflag:s30] =	ssyncadd.s32 $0xFFFFE000  }
0x1d2: {  	_ =	swait.ge [sflag:s10], $0x2000  }
0x1d3: {  	s0 =	sld [smem:$0x7E0]  }
0x1d4: {  	[sflag:s10] =	ssyncset.done $0x0  }
0x1d5: {  	s4 =	simm.s32 $0x8C00;
	[sflag:s10] =	ssyncadd.s32 $0xFFFFE000  }
0x1d6: {  	[hbm4b:s0+s23] =	stream.strided.scatter [tilespmem:s4], [sflag:$0xF], $0x2000, s12, s23, $0x38;
	[tilespmem:$0x14C00] =	vst v63  }
0x1d7: {  	s0 =	sld [smem:$0x7E1];
	_ =	sdelay $0x1  }
0x1d8: {  	s4 =	simm.s32 $0x12C00  }
0x1d9: {  	[hbm4b:s0+s23] =	stream.strided.scatter [tilespmem:s4], [sflag:$0x14], $0x2000, s12, s23, $0x38;
	[tilespmem:$0x14C00] =	vst v63  }
0x1da: {  	_ =	swait.ge [sflag:s31], $0x2000  }
0x1db: {  	[sflag:s31] =	ssyncset.done $0x0  }
0x1dc: {  	[sflag:s31] =	ssyncadd.s32 $0xFFFFE000  }
0x1dd: {  	_ =	swait.ge [sflag:s19], $0x2000  }
0x1de: {  	[sflag:s19] =	ssyncset.done $0x0  }
0x1df: {  	s0 =	simm.s32 $0x780;
	s4 =	simm.s32 $0x4C00;
	[sflag:s19] =	ssyncadd.s32 $0xFFFFE000  }
0x1e0: {  	[tilespmem:s4], [sflag:$0x3] =	stream.indirect.gather [hbm4b:s2+s11], $0x80, s0, s11, $0xb8;
	[tilespmem:$0x14C00] =	vst v63  }
0x1e1: {  	s17 =	simm.s32 $0xEC00  }
0x1e2: {  	[tilespmem:s17], [sflag:$0x8] =	stream.indirect.gather [hbm4b:s3+s11], $0x80, s0, s11, $0xb8;
	[tilespmem:$0x14C00] =	vst v63  }
0x1e3: {  	_ =	swait.ge [sflag:s26], $0x2000  }
0x1e4: {  	[sflag:s26] =	ssyncset.done $0x0  }
0x1e5: {  	[sflag:s26] =	ssyncadd.s32 $0xFFFFE000  }
0x1e6: {  	_ =	swait.ge [sflag:s22], $0x2000  }
0x1e7: {  	s0 =	sld [smem:$0x7E2]  }
0x1e8: {  	[sflag:s22] =	ssyncset.done $0x0  }
0x1e9: {  	s4 =	simm.s32 $0xC00;
	[sflag:s22] =	ssyncadd.s32 $0xFFFFE000  }
0x1ea: {  	[hbm4b:s0+s23] =	stream.strided.scatter [tilespmem:s4], [sflag:$0xB], $0x2000, s12, s23, $0x38;
	[tilespmem:$0x14C00] =	vst v63  }
0x1eb: {  	s4 =	sld [smem:$0x7E3];
	_ =	sdelay $0x1  }
0x1ec: {  	s13 =	simm.s32 $0xAC00  }
0x1ed: {  	[hbm4b:s4+s23] =	stream.strided.scatter [tilespmem:s13], [sflag:$0x10], $0x2000, s12, s23, $0x38;
	[tilespmem:$0x14C00] =	vst v63  }
0x1ee: {  	_ =	swait.ge [sflag:s20], $0x2000  }
0x1ef: {  	[sflag:s20] =	ssyncset.done $0x0  }
0x1f0: {  	[sflag:s20] =	ssyncadd.s32 $0xFFFFE000  }
0x1f1: {  	_ =	swait.ge [sflag:s25], $0x2000  }
0x1f2: {  	[sflag:s25] =	ssyncset.done $0x0  }
0x1f3: {  	s0 =	simm.s32 $0x7C0;
	s4 =	simm.s32 $0x6C00;
	[sflag:s25] =	ssyncadd.s32 $0xFFFFE000  }
0x1f4: {  	[tilespmem:s4], [sflag:$0x4] =	stream.indirect.gather [hbm4b:s2+s11], $0x80, s0, s11, $0xb8;
	[tilespmem:$0x14C00] =	vst v63  }
0x1f5: {  	s16 =	simm.s32 $0x10C00  }
0x1f6: {  	[tilespmem:s16], [sflag:$0x9] =	stream.indirect.gather [hbm4b:s3+s11], $0x80, s0, s11, $0xb8;
	[tilespmem:$0x14C00] =	vst v63  }
0x1f7: {  	_ =	swait.ge [sflag:s28], $0x2000  }
0x1f8: {  	[sflag:s28] =	ssyncset.done $0x0  }
0x1f9: {  	[sflag:s28] =	ssyncadd.s32 $0xFFFFE000  }
0x1fa: {  	_ =	swait.ge [sflag:s29], $0x2000  }
0x1fb: {  	s0 =	sld [smem:$0x7E4]  }
0x1fc: {  	[sflag:s29] =	ssyncset.done $0x0  }
0x1fd: {  	s4 =	simm.s32 $0x2C00;
	[sflag:s29] =	ssyncadd.s32 $0xFFFFE000  }
0x1fe: {  	[hbm4b:s0+s23] =	stream.strided.scatter [tilespmem:s4], [sflag:$0xC], $0x2000, s12, s23, $0x38;
	[tilespmem:$0x14C00] =	vst v63  }
0x1ff: {  	s4 =	sld [smem:$0x7E5];
	_ =	sdelay $0x1  }
0x200: {  	s14 =	simm.s32 $0xCC00  }
0x201: {  	[hbm4b:s4+s23] =	stream.strided.scatter [tilespmem:s14], [sflag:$0x11], $0x2000, s12, s23, $0x38;
	[tilespmem:$0x14C00] =	vst v63  }
0x202: {  	_ =	swait.ge [sflag:s1], $0x2000  }
0x203: {  	[sflag:s1] =	ssyncset.done $0x0  }
0x204: {  	[sflag:s1] =	ssyncadd.s32 $0xFFFFE000  }
0x205: {  	_ =	swait.ge [sflag:s21], $0x2000  }
0x206: {  	[sflag:s21] =	ssyncset.done $0x0  }
0x207: {  	s0 =	simm.s32 $0x880;
	s4 =	simm.s32 $0x8C00;
	[sflag:s21] =	ssyncadd.s32 $0xFFFFE000  }
0x208: {  	[tilespmem:s4], [sflag:$0x5] =	stream.indirect.gather [hbm4b:s2+s11], $0x80, s0, s11, $0xb8;
	[tilespmem:$0x14C00] =	vst v63  }
0x209: {  	s4 =	simm.s32 $0x12C00  }
0x20a: {  	[tilespmem:s4], [sflag:$0xA] =	stream.indirect.gather [hbm4b:s3+s11], $0x80, s0, s11, $0xb8;
	[tilespmem:$0x14C00] =	vst v63  }
0x20b: {  	_ =	swait.ge [sflag:s5], $0x2000  }
0x20c: {  	[sflag:s5] =	ssyncset.done $0x0  }
0x20d: {  	[sflag:s5] =	ssyncadd.s32 $0xFFFFE000  }
0x20e: {  	_ =	swait.ge [sflag:s8], $0x2000  }
0x20f: {  	s0 =	sld [smem:$0x7E6]  }
0x210: {  	[sflag:s8] =	ssyncset.done $0x0  }
0x211: {  	s4 =	simm.s32 $0x4C00;
	[sflag:s8] =	ssyncadd.s32 $0xFFFFE000  }
0x212: {  	[hbm4b:s0+s23] =	stream.strided.scatter [tilespmem:s4], [sflag:$0xD], $0x2000, s12, s23, $0x38;
	[tilespmem:$0x14C00] =	vst v63  }
0x213: {  	s4 =	sld [smem:$0x7E7];
	_ =	sdelay $0x1  }
0x214: {  	s17 =	simm.s32 $0xEC00  }
0x215: {  	[hbm4b:s4+s23] =	stream.strided.scatter [tilespmem:s17], [sflag:$0x12], $0x2000, s12, s23, $0x38;
	[tilespmem:$0x14C00] =	vst v63  }
0x216: {  	_ =	swait.ge [sflag:s6], $0x2000  }
0x217: {  	[sflag:s6] =	ssyncset.done $0x0  }
0x218: {  	[sflag:s6] =	ssyncadd.s32 $0xFFFFE000  }
0x219: {  	_ =	swait.ge [sflag:s7], $0x2000  }
0x21a: {  	[sflag:s7] =	ssyncset.done $0x0  }
0x21b: {  	s0 =	simm.s32 $0x8C0;
	s4 =	simm.s32 $0xC00;
	[sflag:s7] =	ssyncadd.s32 $0xFFFFE000  }
0x21c: {  	[tilespmem:s4], [sflag:$0x1] =	stream.indirect.gather [hbm4b:s2+s11], $0x80, s0, s11, $0xb8;
	[tilespmem:$0x14C00] =	vst v63  }
0x21d: {  	s13 =	simm.s32 $0xAC00  }
0x21e: {  	[tilespmem:s13], [sflag:$0x6] =	stream.indirect.gather [hbm4b:s3+s11], $0x80, s0, s11, $0xb8;
	[tilespmem:$0x14C00] =	vst v63  }
0x21f: {  	_ =	swait.ge [sflag:s18], $0x2000  }
0x220: {  	[sflag:s18] =	ssyncset.done $0x0  }
0x221: {  	[sflag:s18] =	ssyncadd.s32 $0xFFFFE000  }
0x222: {  	_ =	swait.ge [sflag:s15], $0x2000  }
0x223: {  	s13 =	sld [smem:$0x7E8]  }
0x224: {  	[sflag:s15] =	ssyncset.done $0x0  }
0x225: {  	s4 =	simm.s32 $0x6C00;
	[sflag:s15] =	ssyncadd.s32 $0xFFFFE000  }
0x226: {  	[hbm4b:s13+s23] =	stream.strided.scatter [tilespmem:s4], [sflag:$0xE], $0x2000, s12, s23, $0x38;
	[tilespmem:$0x14C00] =	vst v63  }
0x227: {  	s13 =	sld [smem:$0x7E9];
	_ =	sdelay $0x1  }
0x228: {  	s16 =	simm.s32 $0x10C00  }
0x229: {  	[hbm4b:s13+s23] =	stream.strided.scatter [tilespmem:s16], [sflag:$0x13], $0x2000, s12, s23, $0x38;
	[tilespmem:$0x14C00] =	vst v63  }
0x22a: {  	_ =	swait.ge [sflag:s9], $0x2000  }
0x22b: {  	[sflag:s9] =	ssyncset.done $0x0  }
0x22c: {  	[sflag:s9] =	ssyncadd.s32 $0xFFFFE000  }
0x22d: {  	_ =	swait.ge [sflag:s24], $0x2000  }
0x22e: {  	[sflag:s24] =	ssyncset.done $0x0  }
0x22f: {  	s4 =	simm.s32 $0x2C00;
	s16 =	simm.s32 $0x980;
	[sflag:s24] =	ssyncadd.s32 $0xFFFFE000  }
0x230: {  	[tilespmem:s4], [sflag:$0x2] =	stream.indirect.gather [hbm4b:s2+s11], $0x80, s16, s11, $0xb8;
	[tilespmem:$0x14C00] =	vst v63  }
0x231: {  	s14 =	simm.s32 $0xCC00  }
0x232: {  	[tilespmem:s14], [sflag:$0x7] =	stream.indirect.gather [hbm4b:s3+s11], $0x80, s16, s11, $0xb8;
	[tilespmem:$0x14C00] =	vst v63  }
0x233: {  	_ =	swait.ge [sflag:s30], $0x2000  }
0x234: {  	[sflag:s30] =	ssyncset.done $0x0  }
0x235: {  	[sflag:s30] =	ssyncadd.s32 $0xFFFFE000  }
0x236: {  	_ =	swait.ge [sflag:s10], $0x2000  }
0x237: {  	s14 =	sld [smem:$0x7EA]  }
0x238: {  	[sflag:s10] =	ssyncset.done $0x0  }
0x239: {  	s4 =	simm.s32 $0x8C00;
	[sflag:s10] =	ssyncadd.s32 $0xFFFFE000  }
0x23a: {  	[hbm4b:s14+s23] =	stream.strided.scatter [tilespmem:s4], [sflag:$0xF], $0x2000, s12, s23, $0x38;
	[tilespmem:$0x14C00] =	vst v63  }
0x23b: {  	s4 =	sld [smem:$0x7EB];
	_ =	sdelay $0x1  }
0x23c: {  	s14 =	simm.s32 $0x12C00  }
0x23d: {  	[hbm4b:s4+s23] =	stream.strided.scatter [tilespmem:s14], [sflag:$0x14], $0x2000, s12, s23, $0x38;
	[tilespmem:$0x14C00] =	vst v63  }
0x23e: {  	_ =	swait.ge [sflag:s31], $0x2000  }
0x23f: {  	[sflag:s31] =	ssyncset.done $0x0  }
0x240: {  	[sflag:s31] =	ssyncadd.s32 $0xFFFFE000  }
0x241: {  	_ =	swait.ge [sflag:s19], $0x2000  }
0x242: {  	[sflag:s19] =	ssyncset.done $0x0  }
0x243: {  	s0 =	simm.s32 $0x9C0;
	s14 =	simm.s32 $0x4C00;
	[sflag:s19] =	ssyncadd.s32 $0xFFFFE000  }
0x244: {  	[tilespmem:s14], [sflag:$0x3] =	stream.indirect.gather [hbm4b:s2+s11], $0x80, s0, s11, $0xb8;
	[tilespmem:$0x14C00] =	vst v63  }
0x245: {  	s14 =	simm.s32 $0xEC00  }
0x246: {  	[tilespmem:s14], [sflag:$0x8] =	stream.indirect.gather [hbm4b:s3+s11], $0x80, s0, s11, $0xb8;
	[tilespmem:$0x14C00] =	vst v63  }
0x247: {  	_ =	swait.ge [sflag:s26], $0x2000  }
0x248: {  	[sflag:s26] =	ssyncset.done $0x0  }
0x249: {  	[sflag:s26] =	ssyncadd.s32 $0xFFFFE000  }
0x24a: {  	_ =	swait.ge [sflag:s22], $0x2000  }
0x24b: {  	s4 =	sld [smem:$0x7EC]  }
0x24c: {  	[sflag:s22] =	ssyncset.done $0x0  }
0x24d: {  	s14 =	simm.s32 $0xC00;
	[sflag:s22] =	ssyncadd.s32 $0xFFFFE000  }
0x24e: {  	[hbm4b:s4+s23] =	stream.strided.scatter [tilespmem:s14], [sflag:$0xB], $0x2000, s12, s23, $0x38;
	[tilespmem:$0x14C00] =	vst v63  }
0x24f: {  	s14 =	sld [smem:$0x7ED];
	_ =	sdelay $0x1  }
0x250: {  	s17 =	simm.s32 $0xAC00  }
0x251: {  	[hbm4b:s14+s23] =	stream.strided.scatter [tilespmem:s17], [sflag:$0x10], $0x2000, s12, s23, $0x38;
	[tilespmem:$0x14C00] =	vst v63  }
0x252: {  	_ =	swait.ge [sflag:s20], $0x2000  }
0x253: {  	[sflag:s20] =	ssyncset.done $0x0  }
0x254: {  	[sflag:s20] =	ssyncadd.s32 $0xFFFFE000  }
0x255: {  	_ =	swait.ge [sflag:s25], $0x2000  }
0x256: {  	[sflag:s25] =	ssyncset.done $0x0  }
0x257: {  	s0 =	simm.s32 $0xA80;
	s14 =	simm.s32 $0x6C00;
	[sflag:s25] =	ssyncadd.s32 $0xFFFFE000  }
0x258: {  	[tilespmem:s14], [sflag:$0x4] =	stream.indirect.gather [hbm4b:s2+s11], $0x80, s0, s11, $0xb8;
	[tilespmem:$0x14C00] =	vst v63  }
0x259: {  	s14 =	simm.s32 $0x10C00  }
0x25a: {  	[tilespmem:s14], [sflag:$0x9] =	stream.indirect.gather [hbm4b:s3+s11], $0x80, s0, s11, $0xb8;
	[tilespmem:$0x14C00] =	vst v63  }
0x25b: {  	_ =	swait.ge [sflag:s28], $0x2000  }
0x25c: {  	[sflag:s28] =	ssyncset.done $0x0  }
0x25d: {  	[sflag:s28] =	ssyncadd.s32 $0xFFFFE000  }
0x25e: {  	_ =	swait.ge [sflag:s29], $0x2000  }
0x25f: {  	s14 =	sld [smem:$0x7F0]  }
0x260: {  	[sflag:s29] =	ssyncset.done $0x0  }
0x261: {  	s13 =	simm.s32 $0x2C00;
	[sflag:s29] =	ssyncadd.s32 $0xFFFFE000  }
0x262: {  	[hbm4b:s14+s23] =	stream.strided.scatter [tilespmem:s13], [sflag:$0xC], $0x2000, s12, s23, $0x38;
	[tilespmem:$0x14C00] =	vst v63  }
0x263: {  	s14 =	sld [smem:$0x7F1];
	_ =	sdelay $0x1  }
0x264: {  	s16 =	simm.s32 $0xCC00  }
0x265: {  	[hbm4b:s14+s23] =	stream.strided.scatter [tilespmem:s16], [sflag:$0x11], $0x2000, s12, s23, $0x38;
	[tilespmem:$0x14C00] =	vst v63  }
0x266: {  	_ =	swait.ge [sflag:s1], $0x2000  }
0x267: {  	[sflag:s1] =	ssyncset.done $0x0  }
0x268: {  	[sflag:s1] =	ssyncadd.s32 $0xFFFFE000  }
0x269: {  	_ =	swait.ge [sflag:s21], $0x2000  }
0x26a: {  	[sflag:s21] =	ssyncset.done $0x0  }
0x26b: {  	s0 =	simm.s32 $0xAC0;
	s14 =	simm.s32 $0x8C00;
	[sflag:s21] =	ssyncadd.s32 $0xFFFFE000  }
0x26c: {  	[tilespmem:s14], [sflag:$0x5] =	stream.indirect.gather [hbm4b:s2+s11], $0x80, s0, s11, $0xb8;
	[tilespmem:$0x14C00] =	vst v63  }
0x26d: {  	s14 =	simm.s32 $0x12C00  }
0x26e: {  	[tilespmem:s14], [sflag:$0xA] =	stream.indirect.gather [hbm4b:s3+s11], $0x80, s0, s11, $0xb8;
	[tilespmem:$0x14C00] =	vst v63  }
0x26f: {  	_ =	swait.ge [sflag:s5], $0x2000  }
0x270: {  	[sflag:s5] =	ssyncset.done $0x0  }
0x271: {  	[sflag:s5] =	ssyncadd.s32 $0xFFFFE000  }
0x272: {  	_ =	swait.ge [sflag:s8], $0x2000  }
0x273: {  	s5 =	sld [smem:$0x7F2]  }
0x274: {  	[sflag:s8] =	ssyncset.done $0x0  }
0x275: {  	[sflag:s8] =	ssyncadd.s32 $0xFFFFE000;
	s8 =	simm.s32 $0x4C00  }
0x276: {  	[hbm4b:s5+s23] =	stream.strided.scatter [tilespmem:s8], [sflag:$0xD], $0x2000, s12, s23, $0x38;
	[tilespmem:$0x14C00] =	vst v63  }
0x277: {  	s5 =	sld [smem:$0x7F3];
	_ =	sdelay $0x1  }
0x278: {  	s8 =	simm.s32 $0xEC00  }
0x279: {  	[hbm4b:s5+s23] =	stream.strided.scatter [tilespmem:s8], [sflag:$0x12], $0x2000, s12, s23, $0x38;
	[tilespmem:$0x14C00] =	vst v63  }
0x27a: {  	_ =	swait.ge [sflag:s6], $0x2000  }
0x27b: {  	[sflag:s6] =	ssyncset.done $0x0  }
0x27c: {  	[sflag:s6] =	ssyncadd.s32 $0xFFFFE000  }
0x27d: {  	_ =	swait.ge [sflag:s7], $0x2000  }
0x27e: {  	[sflag:s7] =	ssyncset.done $0x0  }
0x27f: {  	s4 =	simm.s32 $0xC00;
	s8 =	simm.s32 $0xB80;
	[sflag:s7] =	ssyncadd.s32 $0xFFFFE000  }
0x280: {  	[tilespmem:s4], [sflag:$0x1] =	stream.indirect.gather [hbm4b:s2+s11], $0x80, s8, s11, $0xb8;
	[tilespmem:$0x14C00] =	vst v63  }
0x281: {  	s17 =	simm.s32 $0xAC00  }
0x282: {  	[tilespmem:s17], [sflag:$0x6] =	stream.indirect.gather [hbm4b:s3+s11], $0x80, s8, s11, $0xb8;
	[tilespmem:$0x14C00] =	vst v63  }
0x283: {  	_ =	swait.ge [sflag:s18], $0x2000  }
0x284: {  	[sflag:s18] =	ssyncset.done $0x0  }
0x285: {  	[sflag:s18] =	ssyncadd.s32 $0xFFFFE000  }
0x286: {  	_ =	swait.ge [sflag:s15], $0x2000  }
0x287: {  	[sflag:s15] =	ssyncset.done $0x0  }
0x288: {  	[sflag:s15] =	ssyncadd.s32 $0xFFFFE000;
	s15 =	sld [smem:$0x7F4];
	_ =	sdelay $0x1  }
0x289: {  	s18 =	simm.s32 $0x6C00;
	s8 =	sld [smem:$0x7F5]  }
0x28a: {  	[hbm4b:s15+s23] =	stream.strided.scatter [tilespmem:s18], [sflag:$0xE], $0x2000, s12, s23, $0x38;
	[tilespmem:$0x14C00] =	vst v63  }
0x28b: {  	s15 =	simm.s32 $0x10C00  }
0x28c: {  	[hbm4b:s8+s23] =	stream.strided.scatter [tilespmem:s15], [sflag:$0x13], $0x2000, s12, s23, $0x38;
	[tilespmem:$0x14C00] =	vst v63  }
0x28d: {  	_ =	swait.ge [sflag:s9], $0x2000  }
0x28e: {  	[sflag:s9] =	ssyncset.done $0x0  }
0x28f: {  	[sflag:s9] =	ssyncadd.s32 $0xFFFFE000  }
0x290: {  	_ =	swait.ge [sflag:s24], $0x2000  }
0x291: {  	[sflag:s24] =	ssyncset.done $0x0  }
0x292: {  	s18 =	simm.s32 $0xBC0;
	[sflag:s24] =	ssyncadd.s32 $0xFFFFE000  }
0x293: {  	[tilespmem:s13], [sflag:$0x2] =	stream.indirect.gather [hbm4b:s2+s11], $0x80, s18, s11, $0xb8;
	[tilespmem:$0x14C00] =	vst v63  }
0x294: {  	_ = 	snop  }
0x295: {  	[tilespmem:s16], [sflag:$0x7] =	stream.indirect.gather [hbm4b:s3+s11], $0x80, s18, s11, $0xb8;
	[tilespmem:$0x14C00] =	vst v63  }
0x296: {  	_ =	swait.ge [sflag:s30], $0x2000  }
0x297: {  	[sflag:s30] =	ssyncset.done $0x0  }
0x298: {  	[sflag:s30] =	ssyncadd.s32 $0xFFFFE000  }
0x299: {  	_ =	swait.ge [sflag:s10], $0x2000  }
0x29a: {  	s5 =	sld [smem:$0x7F6]  }
0x29b: {  	[sflag:s10] =	ssyncset.done $0x0  }
0x29c: {  	s8 =	simm.s32 $0x8C00;
	[sflag:s10] =	ssyncadd.s32 $0xFFFFE000;
	s10 =	sld [smem:$0x7F7]  }
0x29d: {  	[hbm4b:s5+s23] =	stream.strided.scatter [tilespmem:s8], [sflag:$0xF], $0x2000, s12, s23, $0x38;
	[tilespmem:$0x14C00] =	vst v63  }
0x29e: {  	s14 =	simm.s32 $0x12C00  }
0x29f: {  	[hbm4b:s10+s23] =	stream.strided.scatter [tilespmem:s14], [sflag:$0x14], $0x2000, s12, s23, $0x38;
	[tilespmem:$0x14C00] =	vst v63  }
0x2a0: {  	_ =	swait.ge [sflag:s26], $0x2000  }
0x2a1: {  	[sflag:s26] =	ssyncset.done $0x0  }
0x2a2: {  	[sflag:s26] =	ssyncadd.s32 $0xFFFFE000  }
0x2a3: {  	_ =	swait.ge [sflag:s22], $0x2000  }
0x2a4: {  	s14 =	sld [smem:$0x7F8]  }
0x2a5: {  	[sflag:s22] =	ssyncset.done $0x0  }
0x2a6: {  	s15 =	sld [smem:$0x7F9];
	[sflag:s22] =	ssyncadd.s32 $0xFFFFE000  }
0x2a7: {  	[hbm4b:s14+s23] =	stream.strided.scatter [tilespmem:s4], [sflag:$0xB], $0x2000, s12, s23, $0x38;
	[tilespmem:$0x14C00] =	vst v63  }
0x2a8: {  	_ = 	snop  }
0x2a9: {  	[hbm4b:s15+s23] =	stream.strided.scatter [tilespmem:s17], [sflag:$0x10], $0x2000, s12, s23, $0x38;
	[tilespmem:$0x14C00] =	vst v63  }
0x2aa: {  	_ =	swait.ge [sflag:s28], $0x2000  }
0x2ab: {  	[sflag:s28] =	ssyncset.done $0x0  }
0x2ac: {  	[sflag:s28] =	ssyncadd.s32 $0xFFFFE000  }
0x2ad: {  	_ =	swait.ge [sflag:s29], $0x2000  }
0x2ae: {  	s17 =	sld [smem:$0x7FA]  }
0x2af: {  	[sflag:s29] =	ssyncset.done $0x0  }
0x2b0: {  	s18 =	sld [smem:$0x7FB];
	[sflag:s29] =	ssyncadd.s32 $0xFFFFE000  }
0x2b1: {  	[hbm4b:s17+s23] =	stream.strided.scatter [tilespmem:s13], [sflag:$0xC], $0x2000, s12, s23, $0x38;
	[tilespmem:$0x14C00] =	vst v63  }
0x2b2: {  	_ = 	snop  }
0x2b3: {  	[hbm4b:s18+s23] =	stream.strided.scatter [tilespmem:s16], [sflag:$0x11], $0x2000, s12, s23, $0x38;
	[tilespmem:$0x14C00] =	vst v63  }
0x2b4: {  	_ =	swait.ge [sflag:s31], $0x2000  }
0x2b5: {  	[sflag:s31] =	ssyncset.done $0x0  }
0x2b6: {  	[sflag:s31] =	ssyncadd.s32 $0xFFFFE000  }
0x2b7: {  	_ =	swait.ge [sflag:s19], $0x2000  }
0x2b8: {  	[sflag:s19] =	ssyncset.done $0x0  }
0x2b9: {  	[sflag:s19] =	ssyncadd.s32 $0xFFFFE000  }
0x2ba: {  	_ =	swait.ge [sflag:s20], $0x2000  }
0x2bb: {  	[sflag:s20] =	ssyncset.done $0x0  }
0x2bc: {  	[sflag:s20] =	ssyncadd.s32 $0xFFFFE000  }
0x2bd: {  	_ =	swait.ge [sflag:s25], $0x2000  }
0x2be: {  	[sflag:s25] =	ssyncset.done $0x0  }
0x2bf: {  	[sflag:s25] =	ssyncadd.s32 $0xFFFFE000  }
0x2c0: {  	_ =	swait.ge [sflag:s1], $0x2000  }
0x2c1: {  	[sflag:s1] =	ssyncset.done $0x0  }
0x2c2: {  	[sflag:s1] =	ssyncadd.s32 $0xFFFFE000  }
0x2c3: {  	_ =	swait.ge [sflag:s21], $0x2000  }
0x2c4: {  	[sflag:s21] =	ssyncset.done $0x0  }
0x2c5: {  	[sflag:s21] =	ssyncadd.s32 $0xFFFFE000  }
0x2c6: {  	_ =	swait.ge [sflag:s6], $0x2000  }
0x2c7: {  	[sflag:s6] =	ssyncset.done $0x0  }
0x2c8: {  	[sflag:s6] =	ssyncadd.s32 $0xFFFFE000  }
0x2c9: {  	_ =	swait.ge [sflag:s7], $0x2000  }
0x2ca: {  	[sflag:s7] =	ssyncset.done $0x0  }
0x2cb: {  	[sflag:s7] =	ssyncadd.s32 $0xFFFFE000  }
0x2cc: {  	_ =	swait.ge [sflag:s9], $0x2000  }
0x2cd: {  	[sflag:s9] =	ssyncset.done $0x0  }
0x2ce: {  	[sflag:s9] =	ssyncadd.s32 $0xFFFFE000  }
0x2cf: {  	_ =	swait.ge [sflag:s24], $0x2000  }
0x2d0: {  	s25 =	sld [smem:$0x7D5]  }
0x2d1: {  	s31 =	sld [smem:$0x7FD];
	_ =	sdelay $0x1  }
0x2d2: {  	s5 =	sadd.s32 $0x1, s25  }
0x2d3: {  	p0 =	sne.s32 s5, s31  }
.Ltmp1:
0x2d4: {  	_ = 	snop;
	(pc) =	sbr.rel @p0 .LBB2_1-.Ltmp1, $3  }
0x2d5: {  	_ =	sdelay $0x1  }
0x2d6: {  	[sflag:s24] =	ssyncset.done $0x0  }
0x2d7: {  	[sflag:s24] =	ssyncadd.s32 $0xFFFFE000  }
0x2d8: {  	_ =	sfence.sel $0x180000  }
0x2d9: {  	[bflag:$0x0] =	sbarrier.arrive $0xFFFF  }
0x2da: {  	_ =	strace $0x90000047  }
0x2db: {  	s0 =	stileid.u32;
	[bflag:$0x2] =	sbarrier.arrive $0xFFFF  }
0x2dc: {  	p0 =	sne.s32 s0, $0x0;
	s0 =	rddreg [dreg:$0x5]  }
0x2dd: {  	s0 =	sadd.s32 @!p0 $0x100000, s0  }
0x2de: {  	[sflag:s0] =	ssyncadd.tile.s32 @!p0 $0x1;
	_ =	shalt  }
.Lfunc_end2:
_tile_overlayer_lowered:
.L_overlay_start_2:
0x2df: {  	(tag) =	ssettag $0x2  }
0x2e0: {  	s0 =	rddreg [dreg:$0x0];
	s2 =	stileid.u32  }
0x2e1: {  	s1 =	rddreg [dreg:$0x1];
	p0 =	sne.s32 s2, $0x0  }
0x2e2: {  	s3 =	rddreg [dreg:$0x2];
	[bflag:$0x3] =	sbarrier.arrive $0xFFFF;
	s2 =	simm.s32 @!p0 $0x1C15  }
0x2e3: {  	[timem:s3], [sflag:s2] =	dma.local @!p0 [hbm:s0], s1  }
0x2e4: {  	s0 =	simm.s32 @!p0 $0x15  }
0x2e5: {  	_ =	swait.ge @!p0 [sflag:s0], s1  }
0x2e6: {  	s1 =	ssub.s32 @!p0 $0x0, s1;
	[sflag:s0] =	ssyncset.done @!p0 $0x0  }
0x2e7: {  	[sflag:s0] =	ssyncadd.s32 @!p0 s1  }
0x2e8: {  	[bflag:$0x3] =	sbarrier.arrive $0xFFFF  }
0x2e9: {  	_ =	shalt  }

</sc_bundles>
